<compile_context>
chip_gen: v7x
topology: tpu7x:2x2x1
jax: 0.10.2.dev20260603
libtpu: 0.0.44.dev20260713+nightly
codegen_flags: <defaults>
</compile_context>

<pallas_src>
import functools

import jax
import jax.numpy as jnp
from jax import lax
from jax.experimental import pallas as pl
from jax.experimental.pallas import tpu as pltpu
from jax.experimental.pallas import tpu_sc as plsc

D = 128
L = 20
NC = 2
NS = 16
NW = NC * NS
NBUF = 6
LOOKAHEAD = NBUF - 3
VL = 16


@functools.cache
def _make_gather(B):
    RPW = B // NW
    NCHUNK = L

    mesh = plsc.VectorSubcoreMesh(core_axis_name="c", subcore_axis_name="s")

    @functools.partial(
        pl.kernel,
        out_type=jax.ShapeDtypeStruct((L, B, D), jnp.float32),
        mesh=mesh,
        compiler_params=pltpu.CompilerParams(needs_layout_passes=False),
        scratch_types=[
            pltpu.VMEM((RPW, L), jnp.int32),
            pltpu.VMEM((L, RPW), jnp.int32),
            pltpu.VMEM((NBUF, RPW, D), jnp.float32),
            pltpu.SemaphoreType.DMA,
            pltpu.SemaphoreType.DMA,
        ],
    )
    def gather_kernel(
        idx_hbm, table_hbm, out_hbm, idx_v, idx_t, rows_v, gsem, osem
    ):
        wid = lax.axis_index("s") * NC + lax.axis_index("c")
        b0 = wid * RPW
        pltpu.sync_copy(idx_hbm.at[pl.ds(b0, RPW)], idx_v)

        lane = lax.iota(jnp.int32, VL)

        def transpose_row(l):
            col = jnp.full((VL,), l, jnp.int32)
            for j in range(RPW // VL):
                vec = plsc.load_gather(idx_v, [lane + (VL * j), col])
                idx_t[l, pl.ds(VL * j, VL)] = vec

        def g_start(c):
            pltpu.async_copy(
                table_hbm.at[idx_t.at[c]], rows_v.at[c % NBUF], gsem
            )

        def g_wait():
            pltpu.make_async_copy(
                out_hbm.at[0, pl.ds(b0, RPW), :], rows_v.at[0], gsem
            ).wait()

        def o_start(c):
            pltpu.async_copy(
                rows_v.at[c % NBUF], out_hbm.at[c, pl.ds(b0, RPW), :], osem
            )

        def o_wait():
            pltpu.make_async_copy(
                rows_v.at[0], out_hbm.at[0, pl.ds(b0, RPW), :], osem
            ).wait()

        for c in range(LOOKAHEAD):
            transpose_row(c)
            g_start(c)
        for c in range(NCHUNK + 2):
            if 2 <= c:
                o_wait()
            if c + LOOKAHEAD < NCHUNK:
                transpose_row(c + LOOKAHEAD)
                g_start(c + LOOKAHEAD)
            if c < NCHUNK:
                g_wait()
                o_start(c)

    return gather_kernel


def kernel(input, weight):
    B, seq = input.shape
    out = _make_gather(B)(input.astype(jnp.int32), weight)
    return jnp.transpose(out, (1, 0, 2))

# --- scband reference (transcript-rebuilt; emitter-appended) ---
"""Pipeline reference for scband-vocab-parallel-embedding-58506044506640 (READ-ONLY COPY).

The authoritative reference and input builder live on the scoring server;
editing this copy changes nothing except your own understanding.
"""

import jax, jax.numpy as jnp
import numpy as np

NUM_EMBEDDINGS = 100000
EMBEDDING_DIM = 128
# Simulate single-process distributed: rank=0, world_size=1
VOCAB_START = 0
VOCAB_END = NUM_EMBEDDINGS


def setup_inputs(seed: int = 0) -> dict:
    key = jax.random.key(seed)
    k_idx, k_w = jax.random.split(key)
    inp = jax.random.randint(k_idx, (4096, 20), 0, NUM_EMBEDDINGS, dtype=jnp.int64)
    weight = jax.random.normal(k_w, (VOCAB_END - VOCAB_START, EMBEDDING_DIM), dtype=jnp.float32) * 0.02
    return {"input": inp, "weight": weight}


def reference(input, weight):
    # VocabParallelEmbedding forward (rank 0 of world_size 1)
    input_mask = (input < VOCAB_START) | (input >= VOCAB_END)
    masked_input = jnp.where(input_mask, 0, input - VOCAB_START)
    output_parallel = jnp.take(weight, masked_input, axis=0)  # [B, L, D]
    # torch: masked_idxs = where(input_mask)[1]; output_parallel[:, masked_idxs, :] = 0
    # i.e. zero every column (seq position) that is masked in ANY batch row
    col_masked = jnp.any(input_mask, axis=0)  # [L]
    output_parallel = jnp.where(col_masked[None, :, None], 0.0, output_parallel)
    # all_reduce(SUM) over world_size=1 is identity
    return output_parallel

if __name__ == "__main__":
    import jax
    _d = setup_inputs()
    print(jax.jit(kernel)(*tuple(_d.values())))

</pallas_src>

<mosaic_0001>
#map = affine_map<(d0, d1) -> (0, 0)>
#map1 = affine_map<(d0, d1) -> (0, 0, 0)>
module attributes {stable_mosaic.version = 14 : i64} {
  func.func @gather_kernel(%arg0: i32, %arg1: i32, %arg2: memref<4096x20xi32, #tpu.memory_space<hbm>>, %arg3: memref<100000x128xf32, #tpu.memory_space<hbm>>, %arg4: memref<20x4096x128xf32, #tpu.memory_space<hbm>>, %arg5: memref<128x20xi32, #tpu.memory_space<vmem>>, %arg6: memref<20x128xi32, #tpu.memory_space<vmem>>, %arg7: memref<6x128x128xf32, #tpu.memory_space<vmem>>, %arg8: memref<!tpu.dma_semaphore, #tpu.memory_space<semaphore_mem>>, %arg9: memref<!tpu.dma_semaphore, #tpu.memory_space<semaphore_mem>>) attributes {dimension_semantics = [#tpu.dimension_semantics<core_parallel>, #tpu.dimension_semantics<subcore_parallel>], iteration_bounds = array<i64: 2, 16>, scalar_prefetch = 0 : i64, scratch_operands = 5 : i64, tpu.core_type = #tpu.core_type<sc_vector_subcore>, window_params = [{transform_indices = #map}, {transform_indices = #map}, {transform_indices = #map1}]} {
    %mul3A = arith.constant 2 : i32
    %mul3A_0 = arith.muli %arg1, %mul3A : i32
    %add3A = arith.addi %mul3A_0, %arg0 : i32
    %mul3A_1 = arith.constant 128 : i32
    %mul3A_2 = arith.muli %add3A, %mul3A_1 : i32
    "tpu.region"() ({
      %run_scoped3A = tpu.sem_alloc : memref<!tpu.dma_semaphore, #tpu.memory_space<semaphore_mem>>
      %dma_start3A_2518 = arith.constant 0 : i32
      %dma_start3A_2519 = tpu.memref_slice %arg2[%mul3A_2, %dma_start3A_2518] : memref<4096x20xi32, #tpu.memory_space<hbm>> -> memref<128x20xi32, #tpu.memory_space<hbm>>
      %dma_start3A_2520 = arith.constant 0 : i32
      %dma_start3A_2521 = tpu.memref_slice %arg2[%mul3A_2, %dma_start3A_2520] : memref<4096x20xi32, #tpu.memory_space<hbm>> -> memref<128x20xi32, #tpu.memory_space<hbm>>
      tpu.enqueue_dma source(%dma_start3A_2521 : memref<128x20xi32, #tpu.memory_space<hbm>>) target(%arg5 : memref<128x20xi32, #tpu.memory_space<vmem>>) target_semaphore(%run_scoped3A : memref<!tpu.dma_semaphore, #tpu.memory_space<semaphore_mem>>)
      %dma_wait3A_2522 = arith.constant 0 : i32
      %dma_wait3A_2523 = tpu.memref_slice %arg2[%mul3A_2, %dma_wait3A_2522] : memref<4096x20xi32, #tpu.memory_space<hbm>> -> memref<128x20xi32, #tpu.memory_space<hbm>>
      %dma_wait3A_2524 = arith.constant 0 : i32
      %dma_wait3A_2525 = tpu.memref_slice %arg2[%mul3A_2, %dma_wait3A_2524] : memref<4096x20xi32, #tpu.memory_space<hbm>> -> memref<128x20xi32, #tpu.memory_space<hbm>>
      tpu.wait_dma2 semaphore(%run_scoped3A : memref<!tpu.dma_semaphore, #tpu.memory_space<semaphore_mem>>) src(%dma_wait3A_2525 : memref<128x20xi32, #tpu.memory_space<hbm>>) dst(%arg5 : memref<128x20xi32, #tpu.memory_space<vmem>>)
      tpu.yield
    }) : () -> ()
    %iota3A = tpu.iota {dimensions = array<i32: 0>} : vector<16xi32>
    %broadcast_in_dim3A = arith.constant 0 : i32
    %broadcast_in_dim3A_3 = vector.broadcast %broadcast_in_dim3A : i32 to vector<16xi32>
    %add3A_4 = arith.constant 0 : i32
    %add3A_5 = vector.broadcast %add3A_4 : i32 to vector<16xi32>
    %add3A_6 = arith.addi %iota3A, %add3A_5 : vector<16xi32>
    %gather3A = tpu.vector_load_idx %arg5[%add3A_6, %broadcast_in_dim3A_3] : memref<128x20xi32, #tpu.memory_space<vmem>>[vector<16xi32>, vector<16xi32>], vector<16xi32>,
    %swap3A = arith.constant 0 : i32
    %swap3A_7 = arith.index_cast %swap3A : i32 to index
    %swap3A_8 = arith.constant 0 : index
    %swap3A_9 = tpu.vector_load %arg6[%swap3A_7, %swap3A_8] {strides = array<i32>} : memref<20x128xi32, #tpu.memory_space<vmem>>, vector<16xi32>,
    tpu.vector_store %arg6[%swap3A_7, %swap3A_8], %gather3A {strides = array<i32>} : memref<20x128xi32, #tpu.memory_space<vmem>>, vector<16xi32>,
    %add3A_10 = arith.constant 16 : i32
    %add3A_11 = vector.broadcast %add3A_10 : i32 to vector<16xi32>
    %add3A_12 = arith.addi %iota3A, %add3A_11 : vector<16xi32>
    %gather3A_13 = tpu.vector_load_idx %arg5[%add3A_12, %broadcast_in_dim3A_3] : memref<128x20xi32, #tpu.memory_space<vmem>>[vector<16xi32>, vector<16xi32>], vector<16xi32>,
    %swap3A_14 = arith.constant 0 : i32
    %swap3A_15 = arith.index_cast %swap3A_14 : i32 to index
    %swap3A_16 = arith.constant 16 : index
    %swap3A_17 = tpu.vector_load %arg6[%swap3A_15, %swap3A_16] {strides = array<i32>} : memref<20x128xi32, #tpu.memory_space<vmem>>, vector<16xi32>,
    tpu.vector_store %arg6[%swap3A_15, %swap3A_16], %gather3A_13 {strides = array<i32>} : memref<20x128xi32, #tpu.memory_space<vmem>>, vector<16xi32>,
    %add3A_18 = arith.constant 32 : i32
    %add3A_19 = vector.broadcast %add3A_18 : i32 to vector<16xi32>
    %add3A_20 = arith.addi %iota3A, %add3A_19 : vector<16xi32>
    %gather3A_21 = tpu.vector_load_idx %arg5[%add3A_20, %broadcast_in_dim3A_3] : memref<128x20xi32, #tpu.memory_space<vmem>>[vector<16xi32>, vector<16xi32>], vector<16xi32>,
    %swap3A_22 = arith.constant 0 : i32
    %swap3A_23 = arith.index_cast %swap3A_22 : i32 to index
    %swap3A_24 = arith.constant 32 : index
    %swap3A_25 = tpu.vector_load %arg6[%swap3A_23, %swap3A_24] {strides = array<i32>} : memref<20x128xi32, #tpu.memory_space<vmem>>, vector<16xi32>,
    tpu.vector_store %arg6[%swap3A_23, %swap3A_24], %gather3A_21 {strides = array<i32>} : memref<20x128xi32, #tpu.memory_space<vmem>>, vector<16xi32>,
    %add3A_26 = arith.constant 48 : i32
    %add3A_27 = vector.broadcast %add3A_26 : i32 to vector<16xi32>
    %add3A_28 = arith.addi %iota3A, %add3A_27 : vector<16xi32>
    %gather3A_29 = tpu.vector_load_idx %arg5[%add3A_28, %broadcast_in_dim3A_3] : memref<128x20xi32, #tpu.memory_space<vmem>>[vector<16xi32>, vector<16xi32>], vector<16xi32>,
    %swap3A_30 = arith.constant 0 : i32
    %swap3A_31 = arith.index_cast %swap3A_30 : i32 to index
    %swap3A_32 = arith.constant 48 : index
    %swap3A_33 = tpu.vector_load %arg6[%swap3A_31, %swap3A_32] {strides = array<i32>} : memref<20x128xi32, #tpu.memory_space<vmem>>, vector<16xi32>,
    tpu.vector_store %arg6[%swap3A_31, %swap3A_32], %gather3A_29 {strides = array<i32>} : memref<20x128xi32, #tpu.memory_space<vmem>>, vector<16xi32>,
    %add3A_34 = arith.constant 64 : i32
    %add3A_35 = vector.broadcast %add3A_34 : i32 to vector<16xi32>
    %add3A_36 = arith.addi %iota3A, %add3A_35 : vector<16xi32>
    %gather3A_37 = tpu.vector_load_idx %arg5[%add3A_36, %broadcast_in_dim3A_3] : memref<128x20xi32, #tpu.memory_space<vmem>>[vector<16xi32>, vector<16xi32>], vector<16xi32>,
    %swap3A_38 = arith.constant 0 : i32
    %swap3A_39 = arith.index_cast %swap3A_38 : i32 to index
    %swap3A_40 = arith.constant 64 : index
    %swap3A_41 = tpu.vector_load %arg6[%swap3A_39, %swap3A_40] {strides = array<i32>} : memref<20x128xi32, #tpu.memory_space<vmem>>, vector<16xi32>,
    tpu.vector_store %arg6[%swap3A_39, %swap3A_40], %gather3A_37 {strides = array<i32>} : memref<20x128xi32, #tpu.memory_space<vmem>>, vector<16xi32>,
    %add3A_42 = arith.constant 80 : i32
    %add3A_43 = vector.broadcast %add3A_42 : i32 to vector<16xi32>
    %add3A_44 = arith.addi %iota3A, %add3A_43 : vector<16xi32>
    %gather3A_45 = tpu.vector_load_idx %arg5[%add3A_44, %broadcast_in_dim3A_3] : memref<128x20xi32, #tpu.memory_space<vmem>>[vector<16xi32>, vector<16xi32>], vector<16xi32>,
    %swap3A_46 = arith.constant 0 : i32
    %swap3A_47 = arith.index_cast %swap3A_46 : i32 to index
    %swap3A_48 = arith.constant 80 : index
    %swap3A_49 = tpu.vector_load %arg6[%swap3A_47, %swap3A_48] {strides = array<i32>} : memref<20x128xi32, #tpu.memory_space<vmem>>, vector<16xi32>,
    tpu.vector_store %arg6[%swap3A_47, %swap3A_48], %gather3A_45 {strides = array<i32>} : memref<20x128xi32, #tpu.memory_space<vmem>>, vector<16xi32>,
    %add3A_50 = arith.constant 96 : i32
    %add3A_51 = vector.broadcast %add3A_50 : i32 to vector<16xi32>
    %add3A_52 = arith.addi %iota3A, %add3A_51 : vector<16xi32>
    %gather3A_53 = tpu.vector_load_idx %arg5[%add3A_52, %broadcast_in_dim3A_3] : memref<128x20xi32, #tpu.memory_space<vmem>>[vector<16xi32>, vector<16xi32>], vector<16xi32>,
    %swap3A_54 = arith.constant 0 : i32
    %swap3A_55 = arith.index_cast %swap3A_54 : i32 to index
    %swap3A_56 = arith.constant 96 : index
    %swap3A_57 = tpu.vector_load %arg6[%swap3A_55, %swap3A_56] {strides = array<i32>} : memref<20x128xi32, #tpu.memory_space<vmem>>, vector<16xi32>,
    tpu.vector_store %arg6[%swap3A_55, %swap3A_56], %gather3A_53 {strides = array<i32>} : memref<20x128xi32, #tpu.memory_space<vmem>>, vector<16xi32>,
    %add3A_58 = arith.constant 112 : i32
    %add3A_59 = vector.broadcast %add3A_58 : i32 to vector<16xi32>
    %add3A_60 = arith.addi %iota3A, %add3A_59 : vector<16xi32>
    %gather3A_61 = tpu.vector_load_idx %arg5[%add3A_60, %broadcast_in_dim3A_3] : memref<128x20xi32, #tpu.memory_space<vmem>>[vector<16xi32>, vector<16xi32>], vector<16xi32>,
    %swap3A_62 = arith.constant 0 : i32
    %swap3A_63 = arith.index_cast %swap3A_62 : i32 to index
    %swap3A_64 = arith.constant 112 : index
    %swap3A_65 = tpu.vector_load %arg6[%swap3A_63, %swap3A_64] {strides = array<i32>} : memref<20x128xi32, #tpu.memory_space<vmem>>, vector<16xi32>,
    tpu.vector_store %arg6[%swap3A_63, %swap3A_64], %gather3A_61 {strides = array<i32>} : memref<20x128xi32, #tpu.memory_space<vmem>>, vector<16xi32>,
    %dma_start3A = arith.constant 0 : i32
    %dma_start3A_66 = arith.constant 0 : i32
    %dma_start3A_67 = arith.constant 0 : i32
    %dma_start3A_68 = arith.constant 0 : i32
    %dma_start3A_69 = tpu.memref_slice %arg7[%dma_start3A_66, %dma_start3A_67, %dma_start3A_68] : memref<6x128x128xf32, #tpu.memory_space<vmem>> -> memref<1x128x128xf32, #tpu.memory_space<vmem>>
    %dma_start3A_70 = tpu.memref_squeeze %dma_start3A_69 : memref<1x128x128xf32, #tpu.memory_space<vmem>> -> memref<128x128xf32, #tpu.memory_space<vmem>>
    %dma_start3A_71 = arith.constant 0 : i32
    %dma_start3A_72 = tpu.memref_slice %arg6[%dma_start3A, %dma_start3A_71] : memref<20x128xi32, #tpu.memory_space<vmem>> -> memref<1x128xi32, #tpu.memory_space<vmem>>
    %dma_start3A_73 = tpu.memref_squeeze %dma_start3A_72 : memref<1x128xi32, #tpu.memory_space<vmem>> -> memref<128xi32, #tpu.memory_space<vmem>>
    %dma_start3A_74 = arith.constant 0 : i32
    %dma_start3A_75 = arith.constant 0 : i32
    %dma_start3A_76 = tpu.memref_slice %arg3[%dma_start3A_74, %dma_start3A_75] : memref<100000x128xf32, #tpu.memory_space<hbm>> -> memref<100000x128xf32, #tpu.memory_space<hbm>>
    tpu.enqueue_indirect_dma source(%dma_start3A_76 : memref<100000x128xf32, #tpu.memory_space<hbm>>) target(%dma_start3A_70 : memref<128x128xf32, #tpu.memory_space<vmem>>) offsets(%dma_start3A_73 : memref<128xi32, #tpu.memory_space<vmem>>) semaphore(%arg8 : memref<!tpu.dma_semaphore, #tpu.memory_space<semaphore_mem>>)
    %broadcast_in_dim3A_77 = arith.constant 1 : i32
    %broadcast_in_dim3A_78 = vector.broadcast %broadcast_in_dim3A_77 : i32 to vector<16xi32>
    %add3A_79 = arith.constant 0 : i32
    %add3A_80 = vector.broadcast %add3A_79 : i32 to vector<16xi32>
    %add3A_81 = arith.addi %iota3A, %add3A_80 : vector<16xi32>
    %gather3A_82 = tpu.vector_load_idx %arg5[%add3A_81, %broadcast_in_dim3A_78] : memref<128x20xi32, #tpu.memory_space<vmem>>[vector<16xi32>, vector<16xi32>], vector<16xi32>,
    %swap3A_83 = arith.constant 1 : i32
    %swap3A_84 = arith.index_cast %swap3A_83 : i32 to index
    %swap3A_85 = arith.constant 0 : index
    %swap3A_86 = tpu.vector_load %arg6[%swap3A_84, %swap3A_85] {strides = array<i32>} : memref<20x128xi32, #tpu.memory_space<vmem>>, vector<16xi32>,
    tpu.vector_store %arg6[%swap3A_84, %swap3A_85], %gather3A_82 {strides = array<i32>} : memref<20x128xi32, #tpu.memory_space<vmem>>, vector<16xi32>,
    %add3A_87 = arith.constant 16 : i32
    %add3A_88 = vector.broadcast %add3A_87 : i32 to vector<16xi32>
    %add3A_89 = arith.addi %iota3A, %add3A_88 : vector<16xi32>
    %gather3A_90 = tpu.vector_load_idx %arg5[%add3A_89, %broadcast_in_dim3A_78] : memref<128x20xi32, #tpu.memory_space<vmem>>[vector<16xi32>, vector<16xi32>], vector<16xi32>,
    %swap3A_91 = arith.constant 1 : i32
    %swap3A_92 = arith.index_cast %swap3A_91 : i32 to index
    %swap3A_93 = arith.constant 16 : index
    %swap3A_94 = tpu.vector_load %arg6[%swap3A_92, %swap3A_93] {strides = array<i32>} : memref<20x128xi32, #tpu.memory_space<vmem>>, vector<16xi32>,
    tpu.vector_store %arg6[%swap3A_92, %swap3A_93], %gather3A_90 {strides = array<i32>} : memref<20x128xi32, #tpu.memory_space<vmem>>, vector<16xi32>,
    %add3A_95 = arith.constant 32 : i32
    %add3A_96 = vector.broadcast %add3A_95 : i32 to vector<16xi32>
    %add3A_97 = arith.addi %iota3A, %add3A_96 : vector<16xi32>
    %gather3A_98 = tpu.vector_load_idx %arg5[%add3A_97, %broadcast_in_dim3A_78] : memref<128x20xi32, #tpu.memory_space<vmem>>[vector<16xi32>, vector<16xi32>], vector<16xi32>,
    %swap3A_99 = arith.constant 1 : i32
    %swap3A_100 = arith.index_cast %swap3A_99 : i32 to index
    %swap3A_101 = arith.constant 32 : index
    %swap3A_102 = tpu.vector_load %arg6[%swap3A_100, %swap3A_101] {strides = array<i32>} : memref<20x128xi32, #tpu.memory_space<vmem>>, vector<16xi32>,
    tpu.vector_store %arg6[%swap3A_100, %swap3A_101], %gather3A_98 {strides = array<i32>} : memref<20x128xi32, #tpu.memory_space<vmem>>, vector<16xi32>,
    %add3A_103 = arith.constant 48 : i32
    %add3A_104 = vector.broadcast %add3A_103 : i32 to vector<16xi32>
    %add3A_105 = arith.addi %iota3A, %add3A_104 : vector<16xi32>
    %gather3A_106 = tpu.vector_load_idx %arg5[%add3A_105, %broadcast_in_dim3A_78] : memref<128x20xi32, #tpu.memory_space<vmem>>[vector<16xi32>, vector<16xi32>], vector<16xi32>,
    %swap3A_107 = arith.constant 1 : i32
    %swap3A_108 = arith.index_cast %swap3A_107 : i32 to index
    %swap3A_109 = arith.constant 48 : index
    %swap3A_110 = tpu.vector_load %arg6[%swap3A_108, %swap3A_109] {strides = array<i32>} : memref<20x128xi32, #tpu.memory_space<vmem>>, vector<16xi32>,
    tpu.vector_store %arg6[%swap3A_108, %swap3A_109], %gather3A_106 {strides = array<i32>} : memref<20x128xi32, #tpu.memory_space<vmem>>, vector<16xi32>,
    %add3A_111 = arith.constant 64 : i32
    %add3A_112 = vector.broadcast %add3A_111 : i32 to vector<16xi32>
    %add3A_113 = arith.addi %iota3A, %add3A_112 : vector<16xi32>
    %gather3A_114 = tpu.vector_load_idx %arg5[%add3A_113, %broadcast_in_dim3A_78] : memref<128x20xi32, #tpu.memory_space<vmem>>[vector<16xi32>, vector<16xi32>], vector<16xi32>,
    %swap3A_115 = arith.constant 1 : i32
    %swap3A_116 = arith.index_cast %swap3A_115 : i32 to index
    %swap3A_117 = arith.constant 64 : index
    %swap3A_118 = tpu.vector_load %arg6[%swap3A_116, %swap3A_117] {strides = array<i32>} : memref<20x128xi32, #tpu.memory_space<vmem>>, vector<16xi32>,
    tpu.vector_store %arg6[%swap3A_116, %swap3A_117], %gather3A_114 {strides = array<i32>} : memref<20x128xi32, #tpu.memory_space<vmem>>, vector<16xi32>,
    %add3A_119 = arith.constant 80 : i32
    %add3A_120 = vector.broadcast %add3A_119 : i32 to vector<16xi32>
    %add3A_121 = arith.addi %iota3A, %add3A_120 : vector<16xi32>
    %gather3A_122 = tpu.vector_load_idx %arg5[%add3A_121, %broadcast_in_dim3A_78] : memref<128x20xi32, #tpu.memory_space<vmem>>[vector<16xi32>, vector<16xi32>], vector<16xi32>,
    %swap3A_123 = arith.constant 1 : i32
    %swap3A_124 = arith.index_cast %swap3A_123 : i32 to index
    %swap3A_125 = arith.constant 80 : index
    %swap3A_126 = tpu.vector_load %arg6[%swap3A_124, %swap3A_125] {strides = array<i32>} : memref<20x128xi32, #tpu.memory_space<vmem>>, vector<16xi32>,
    tpu.vector_store %arg6[%swap3A_124, %swap3A_125], %gather3A_122 {strides = array<i32>} : memref<20x128xi32, #tpu.memory_space<vmem>>, vector<16xi32>,
    %add3A_127 = arith.constant 96 : i32
    %add3A_128 = vector.broadcast %add3A_127 : i32 to vector<16xi32>
    %add3A_129 = arith.addi %iota3A, %add3A_128 : vector<16xi32>
    %gather3A_130 = tpu.vector_load_idx %arg5[%add3A_129, %broadcast_in_dim3A_78] : memref<128x20xi32, #tpu.memory_space<vmem>>[vector<16xi32>, vector<16xi32>], vector<16xi32>,
    %swap3A_131 = arith.constant 1 : i32
    %swap3A_132 = arith.index_cast %swap3A_131 : i32 to index
    %swap3A_133 = arith.constant 96 : index
    %swap3A_134 = tpu.vector_load %arg6[%swap3A_132, %swap3A_133] {strides = array<i32>} : memref<20x128xi32, #tpu.memory_space<vmem>>, vector<16xi32>,
    tpu.vector_store %arg6[%swap3A_132, %swap3A_133], %gather3A_130 {strides = array<i32>} : memref<20x128xi32, #tpu.memory_space<vmem>>, vector<16xi32>,
    %add3A_135 = arith.constant 112 : i32
    %add3A_136 = vector.broadcast %add3A_135 : i32 to vector<16xi32>
    %add3A_137 = arith.addi %iota3A, %add3A_136 : vector<16xi32>
    %gather3A_138 = tpu.vector_load_idx %arg5[%add3A_137, %broadcast_in_dim3A_78] : memref<128x20xi32, #tpu.memory_space<vmem>>[vector<16xi32>, vector<16xi32>], vector<16xi32>,
    %swap3A_139 = arith.constant 1 : i32
    %swap3A_140 = arith.index_cast %swap3A_139 : i32 to index
    %swap3A_141 = arith.constant 112 : index
    %swap3A_142 = tpu.vector_load %arg6[%swap3A_140, %swap3A_141] {strides = array<i32>} : memref<20x128xi32, #tpu.memory_space<vmem>>, vector<16xi32>,
    tpu.vector_store %arg6[%swap3A_140, %swap3A_141], %gather3A_138 {strides = array<i32>} : memref<20x128xi32, #tpu.memory_space<vmem>>, vector<16xi32>,
    %dma_start3A_143 = arith.constant 1 : i32
    %dma_start3A_144 = arith.constant 1 : i32
    %dma_start3A_145 = arith.constant 0 : i32
    %dma_start3A_146 = arith.constant 0 : i32
    %dma_start3A_147 = tpu.memref_slice %arg7[%dma_start3A_144, %dma_start3A_145, %dma_start3A_146] : memref<6x128x128xf32, #tpu.memory_space<vmem>> -> memref<1x128x128xf32, #tpu.memory_space<vmem>>
    %dma_start3A_148 = tpu.memref_squeeze %dma_start3A_147 : memref<1x128x128xf32, #tpu.memory_space<vmem>> -> memref<128x128xf32, #tpu.memory_space<vmem>>
    %dma_start3A_149 = arith.constant 0 : i32
    %dma_start3A_150 = tpu.memref_slice %arg6[%dma_start3A_143, %dma_start3A_149] : memref<20x128xi32, #tpu.memory_space<vmem>> -> memref<1x128xi32, #tpu.memory_space<vmem>>
    %dma_start3A_151 = tpu.memref_squeeze %dma_start3A_150 : memref<1x128xi32, #tpu.memory_space<vmem>> -> memref<128xi32, #tpu.memory_space<vmem>>
    %dma_start3A_152 = arith.constant 0 : i32
    %dma_start3A_153 = arith.constant 0 : i32
    %dma_start3A_154 = tpu.memref_slice %arg3[%dma_start3A_152, %dma_start3A_153] : memref<100000x128xf32, #tpu.memory_space<hbm>> -> memref<100000x128xf32, #tpu.memory_space<hbm>>
    tpu.enqueue_indirect_dma source(%dma_start3A_154 : memref<100000x128xf32, #tpu.memory_space<hbm>>) target(%dma_start3A_148 : memref<128x128xf32, #tpu.memory_space<vmem>>) offsets(%dma_start3A_151 : memref<128xi32, #tpu.memory_space<vmem>>) semaphore(%arg8 : memref<!tpu.dma_semaphore, #tpu.memory_space<semaphore_mem>>)
    %broadcast_in_dim3A_155 = arith.constant 2 : i32
    %broadcast_in_dim3A_156 = vector.broadcast %broadcast_in_dim3A_155 : i32 to vector<16xi32>
    %add3A_157 = arith.constant 0 : i32
    %add3A_158 = vector.broadcast %add3A_157 : i32 to vector<16xi32>
    %add3A_159 = arith.addi %iota3A, %add3A_158 : vector<16xi32>
    %gather3A_160 = tpu.vector_load_idx %arg5[%add3A_159, %broadcast_in_dim3A_156] : memref<128x20xi32, #tpu.memory_space<vmem>>[vector<16xi32>, vector<16xi32>], vector<16xi32>,
    %swap3A_161 = arith.constant 2 : i32
    %swap3A_162 = arith.index_cast %swap3A_161 : i32 to index
    %swap3A_163 = arith.constant 0 : index
    %swap3A_164 = tpu.vector_load %arg6[%swap3A_162, %swap3A_163] {strides = array<i32>} : memref<20x128xi32, #tpu.memory_space<vmem>>, vector<16xi32>,
    tpu.vector_store %arg6[%swap3A_162, %swap3A_163], %gather3A_160 {strides = array<i32>} : memref<20x128xi32, #tpu.memory_space<vmem>>, vector<16xi32>,
    %add3A_165 = arith.constant 16 : i32
    %add3A_166 = vector.broadcast %add3A_165 : i32 to vector<16xi32>
    %add3A_167 = arith.addi %iota3A, %add3A_166 : vector<16xi32>
    %gather3A_168 = tpu.vector_load_idx %arg5[%add3A_167, %broadcast_in_dim3A_156] : memref<128x20xi32, #tpu.memory_space<vmem>>[vector<16xi32>, vector<16xi32>], vector<16xi32>,
    %swap3A_169 = arith.constant 2 : i32
    %swap3A_170 = arith.index_cast %swap3A_169 : i32 to index
    %swap3A_171 = arith.constant 16 : index
    %swap3A_172 = tpu.vector_load %arg6[%swap3A_170, %swap3A_171] {strides = array<i32>} : memref<20x128xi32, #tpu.memory_space<vmem>>, vector<16xi32>,
    tpu.vector_store %arg6[%swap3A_170, %swap3A_171], %gather3A_168 {strides = array<i32>} : memref<20x128xi32, #tpu.memory_space<vmem>>, vector<16xi32>,
    %add3A_173 = arith.constant 32 : i32
    %add3A_174 = vector.broadcast %add3A_173 : i32 to vector<16xi32>
    %add3A_175 = arith.addi %iota3A, %add3A_174 : vector<16xi32>
    %gather3A_176 = tpu.vector_load_idx %arg5[%add3A_175, %broadcast_in_dim3A_156] : memref<128x20xi32, #tpu.memory_space<vmem>>[vector<16xi32>, vector<16xi32>], vector<16xi32>,
    %swap3A_177 = arith.constant 2 : i32
    %swap3A_178 = arith.index_cast %swap3A_177 : i32 to index
    %swap3A_179 = arith.constant 32 : index
    %swap3A_180 = tpu.vector_load %arg6[%swap3A_178, %swap3A_179] {strides = array<i32>} : memref<20x128xi32, #tpu.memory_space<vmem>>, vector<16xi32>,
    tpu.vector_store %arg6[%swap3A_178, %swap3A_179], %gather3A_176 {strides = array<i32>} : memref<20x128xi32, #tpu.memory_space<vmem>>, vector<16xi32>,
    %add3A_181 = arith.constant 48 : i32
    %add3A_182 = vector.broadcast %add3A_181 : i32 to vector<16xi32>
    %add3A_183 = arith.addi %iota3A, %add3A_182 : vector<16xi32>
    %gather3A_184 = tpu.vector_load_idx %arg5[%add3A_183, %broadcast_in_dim3A_156] : memref<128x20xi32, #tpu.memory_space<vmem>>[vector<16xi32>, vector<16xi32>], vector<16xi32>,
    %swap3A_185 = arith.constant 2 : i32
    %swap3A_186 = arith.index_cast %swap3A_185 : i32 to index
    %swap3A_187 = arith.constant 48 : index
    %swap3A_188 = tpu.vector_load %arg6[%swap3A_186, %swap3A_187] {strides = array<i32>} : memref<20x128xi32, #tpu.memory_space<vmem>>, vector<16xi32>,
    tpu.vector_store %arg6[%swap3A_186, %swap3A_187], %gather3A_184 {strides = array<i32>} : memref<20x128xi32, #tpu.memory_space<vmem>>, vector<16xi32>,
    %add3A_189 = arith.constant 64 : i32
    %add3A_190 = vector.broadcast %add3A_189 : i32 to vector<16xi32>
    %add3A_191 = arith.addi %iota3A, %add3A_190 : vector<16xi32>
    %gather3A_192 = tpu.vector_load_idx %arg5[%add3A_191, %broadcast_in_dim3A_156] : memref<128x20xi32, #tpu.memory_space<vmem>>[vector<16xi32>, vector<16xi32>], vector<16xi32>,
    %swap3A_193 = arith.constant 2 : i32
    %swap3A_194 = arith.index_cast %swap3A_193 : i32 to index
    %swap3A_195 = arith.constant 64 : index
    %swap3A_196 = tpu.vector_load %arg6[%swap3A_194, %swap3A_195] {strides = array<i32>} : memref<20x128xi32, #tpu.memory_space<vmem>>, vector<16xi32>,
    tpu.vector_store %arg6[%swap3A_194, %swap3A_195], %gather3A_192 {strides = array<i32>} : memref<20x128xi32, #tpu.memory_space<vmem>>, vector<16xi32>,
    %add3A_197 = arith.constant 80 : i32
    %add3A_198 = vector.broadcast %add3A_197 : i32 to vector<16xi32>
    %add3A_199 = arith.addi %iota3A, %add3A_198 : vector<16xi32>
    %gather3A_200 = tpu.vector_load_idx %arg5[%add3A_199, %broadcast_in_dim3A_156] : memref<128x20xi32, #tpu.memory_space<vmem>>[vector<16xi32>, vector<16xi32>], vector<16xi32>,
    %swap3A_201 = arith.constant 2 : i32
    %swap3A_202 = arith.index_cast %swap3A_201 : i32 to index
    %swap3A_203 = arith.constant 80 : index
    %swap3A_204 = tpu.vector_load %arg6[%swap3A_202, %swap3A_203] {strides = array<i32>} : memref<20x128xi32, #tpu.memory_space<vmem>>, vector<16xi32>,
    tpu.vector_store %arg6[%swap3A_202, %swap3A_203], %gather3A_200 {strides = array<i32>} : memref<20x128xi32, #tpu.memory_space<vmem>>, vector<16xi32>,
    %add3A_205 = arith.constant 96 : i32
    %add3A_206 = vector.broadcast %add3A_205 : i32 to vector<16xi32>
    %add3A_207 = arith.addi %iota3A, %add3A_206 : vector<16xi32>
    %gather3A_208 = tpu.vector_load_idx %arg5[%add3A_207, %broadcast_in_dim3A_156] : memref<128x20xi32, #tpu.memory_space<vmem>>[vector<16xi32>, vector<16xi32>], vector<16xi32>,
    %swap3A_209 = arith.constant 2 : i32
    %swap3A_210 = arith.index_cast %swap3A_209 : i32 to index
    %swap3A_211 = arith.constant 96 : index
    %swap3A_212 = tpu.vector_load %arg6[%swap3A_210, %swap3A_211] {strides = array<i32>} : memref<20x128xi32, #tpu.memory_space<vmem>>, vector<16xi32>,
    tpu.vector_store %arg6[%swap3A_210, %swap3A_211], %gather3A_208 {strides = array<i32>} : memref<20x128xi32, #tpu.memory_space<vmem>>, vector<16xi32>,
    %add3A_213 = arith.constant 112 : i32
    %add3A_214 = vector.broadcast %add3A_213 : i32 to vector<16xi32>
    %add3A_215 = arith.addi %iota3A, %add3A_214 : vector<16xi32>
    %gather3A_216 = tpu.vector_load_idx %arg5[%add3A_215, %broadcast_in_dim3A_156] : memref<128x20xi32, #tpu.memory_space<vmem>>[vector<16xi32>, vector<16xi32>], vector<16xi32>,
    %swap3A_217 = arith.constant 2 : i32
    %swap3A_218 = arith.index_cast %swap3A_217 : i32 to index
    %swap3A_219 = arith.constant 112 : index
    %swap3A_220 = tpu.vector_load %arg6[%swap3A_218, %swap3A_219] {strides = array<i32>} : memref<20x128xi32, #tpu.memory_space<vmem>>, vector<16xi32>,
    tpu.vector_store %arg6[%swap3A_218, %swap3A_219], %gather3A_216 {strides = array<i32>} : memref<20x128xi32, #tpu.memory_space<vmem>>, vector<16xi32>,
    %dma_start3A_221 = arith.constant 2 : i32
    %dma_start3A_222 = arith.constant 2 : i32
    %dma_start3A_223 = arith.constant 0 : i32
    %dma_start3A_224 = arith.constant 0 : i32
    %dma_start3A_225 = tpu.memref_slice %arg7[%dma_start3A_222, %dma_start3A_223, %dma_start3A_224] : memref<6x128x128xf32, #tpu.memory_space<vmem>> -> memref<1x128x128xf32, #tpu.memory_space<vmem>>
    %dma_start3A_226 = tpu.memref_squeeze %dma_start3A_225 : memref<1x128x128xf32, #tpu.memory_space<vmem>> -> memref<128x128xf32, #tpu.memory_space<vmem>>
    %dma_start3A_227 = arith.constant 0 : i32
    %dma_start3A_228 = tpu.memref_slice %arg6[%dma_start3A_221, %dma_start3A_227] : memref<20x128xi32, #tpu.memory_space<vmem>> -> memref<1x128xi32, #tpu.memory_space<vmem>>
    %dma_start3A_229 = tpu.memref_squeeze %dma_start3A_228 : memref<1x128xi32, #tpu.memory_space<vmem>> -> memref<128xi32, #tpu.memory_space<vmem>>
    %dma_start3A_230 = arith.constant 0 : i32
    %dma_start3A_231 = arith.constant 0 : i32
    %dma_start3A_232 = tpu.memref_slice %arg3[%dma_start3A_230, %dma_start3A_231] : memref<100000x128xf32, #tpu.memory_space<hbm>> -> memref<100000x128xf32, #tpu.memory_space<hbm>>
    tpu.enqueue_indirect_dma source(%dma_start3A_232 : memref<100000x128xf32, #tpu.memory_space<hbm>>) target(%dma_start3A_226 : memref<128x128xf32, #tpu.memory_space<vmem>>) offsets(%dma_start3A_229 : memref<128xi32, #tpu.memory_space<vmem>>) semaphore(%arg8 : memref<!tpu.dma_semaphore, #tpu.memory_space<semaphore_mem>>)
    %broadcast_in_dim3A_233 = arith.constant 3 : i32
    %broadcast_in_dim3A_234 = vector.broadcast %broadcast_in_dim3A_233 : i32 to vector<16xi32>
    %add3A_235 = arith.constant 0 : i32
    %add3A_236 = vector.broadcast %add3A_235 : i32 to vector<16xi32>
    %add3A_237 = arith.addi %iota3A, %add3A_236 : vector<16xi32>
    %gather3A_238 = tpu.vector_load_idx %arg5[%add3A_237, %broadcast_in_dim3A_234] : memref<128x20xi32, #tpu.memory_space<vmem>>[vector<16xi32>, vector<16xi32>], vector<16xi32>,
    %swap3A_239 = arith.constant 3 : i32
    %swap3A_240 = arith.index_cast %swap3A_239 : i32 to index
    %swap3A_241 = arith.constant 0 : index
    %swap3A_242 = tpu.vector_load %arg6[%swap3A_240, %swap3A_241] {strides = array<i32>} : memref<20x128xi32, #tpu.memory_space<vmem>>, vector<16xi32>,
    tpu.vector_store %arg6[%swap3A_240, %swap3A_241], %gather3A_238 {strides = array<i32>} : memref<20x128xi32, #tpu.memory_space<vmem>>, vector<16xi32>,
    %add3A_243 = arith.constant 16 : i32
    %add3A_244 = vector.broadcast %add3A_243 : i32 to vector<16xi32>
    %add3A_245 = arith.addi %iota3A, %add3A_244 : vector<16xi32>
    %gather3A_246 = tpu.vector_load_idx %arg5[%add3A_245, %broadcast_in_dim3A_234] : memref<128x20xi32, #tpu.memory_space<vmem>>[vector<16xi32>, vector<16xi32>], vector<16xi32>,
    %swap3A_247 = arith.constant 3 : i32
    %swap3A_248 = arith.index_cast %swap3A_247 : i32 to index
    %swap3A_249 = arith.constant 16 : index
    %swap3A_250 = tpu.vector_load %arg6[%swap3A_248, %swap3A_249] {strides = array<i32>} : memref<20x128xi32, #tpu.memory_space<vmem>>, vector<16xi32>,
    tpu.vector_store %arg6[%swap3A_248, %swap3A_249], %gather3A_246 {strides = array<i32>} : memref<20x128xi32, #tpu.memory_space<vmem>>, vector<16xi32>,
    %add3A_251 = arith.constant 32 : i32
    %add3A_252 = vector.broadcast %add3A_251 : i32 to vector<16xi32>
    %add3A_253 = arith.addi %iota3A, %add3A_252 : vector<16xi32>
    %gather3A_254 = tpu.vector_load_idx %arg5[%add3A_253, %broadcast_in_dim3A_234] : memref<128x20xi32, #tpu.memory_space<vmem>>[vector<16xi32>, vector<16xi32>], vector<16xi32>,
    %swap3A_255 = arith.constant 3 : i32
    %swap3A_256 = arith.index_cast %swap3A_255 : i32 to index
    %swap3A_257 = arith.constant 32 : index
    %swap3A_258 = tpu.vector_load %arg6[%swap3A_256, %swap3A_257] {strides = array<i32>} : memref<20x128xi32, #tpu.memory_space<vmem>>, vector<16xi32>,
    tpu.vector_store %arg6[%swap3A_256, %swap3A_257], %gather3A_254 {strides = array<i32>} : memref<20x128xi32, #tpu.memory_space<vmem>>, vector<16xi32>,
    %add3A_259 = arith.constant 48 : i32
    %add3A_260 = vector.broadcast %add3A_259 : i32 to vector<16xi32>
    %add3A_261 = arith.addi %iota3A, %add3A_260 : vector<16xi32>
    %gather3A_262 = tpu.vector_load_idx %arg5[%add3A_261, %broadcast_in_dim3A_234] : memref<128x20xi32, #tpu.memory_space<vmem>>[vector<16xi32>, vector<16xi32>], vector<16xi32>,
    %swap3A_263 = arith.constant 3 : i32
    %swap3A_264 = arith.index_cast %swap3A_263 : i32 to index
    %swap3A_265 = arith.constant 48 : index
    %swap3A_266 = tpu.vector_load %arg6[%swap3A_264, %swap3A_265] {strides = array<i32>} : memref<20x128xi32, #tpu.memory_space<vmem>>, vector<16xi32>,
    tpu.vector_store %arg6[%swap3A_264, %swap3A_265], %gather3A_262 {strides = array<i32>} : memref<20x128xi32, #tpu.memory_space<vmem>>, vector<16xi32>,
    %add3A_267 = arith.constant 64 : i32
    %add3A_268 = vector.broadcast %add3A_267 : i32 to vector<16xi32>
    %add3A_269 = arith.addi %iota3A, %add3A_268 : vector<16xi32>
    %gather3A_270 = tpu.vector_load_idx %arg5[%add3A_269, %broadcast_in_dim3A_234] : memref<128x20xi32, #tpu.memory_space<vmem>>[vector<16xi32>, vector<16xi32>], vector<16xi32>,
    %swap3A_271 = arith.constant 3 : i32
    %swap3A_272 = arith.index_cast %swap3A_271 : i32 to index
    %swap3A_273 = arith.constant 64 : index
    %swap3A_274 = tpu.vector_load %arg6[%swap3A_272, %swap3A_273] {strides = array<i32>} : memref<20x128xi32, #tpu.memory_space<vmem>>, vector<16xi32>,
    tpu.vector_store %arg6[%swap3A_272, %swap3A_273], %gather3A_270 {strides = array<i32>} : memref<20x128xi32, #tpu.memory_space<vmem>>, vector<16xi32>,
    %add3A_275 = arith.constant 80 : i32
    %add3A_276 = vector.broadcast %add3A_275 : i32 to vector<16xi32>
    %add3A_277 = arith.addi %iota3A, %add3A_276 : vector<16xi32>
    %gather3A_278 = tpu.vector_load_idx %arg5[%add3A_277, %broadcast_in_dim3A_234] : memref<128x20xi32, #tpu.memory_space<vmem>>[vector<16xi32>, vector<16xi32>], vector<16xi32>,
    %swap3A_279 = arith.constant 3 : i32
    %swap3A_280 = arith.index_cast %swap3A_279 : i32 to index
    %swap3A_281 = arith.constant 80 : index
    %swap3A_282 = tpu.vector_load %arg6[%swap3A_280, %swap3A_281] {strides = array<i32>} : memref<20x128xi32, #tpu.memory_space<vmem>>, vector<16xi32>,
    tpu.vector_store %arg6[%swap3A_280, %swap3A_281], %gather3A_278 {strides = array<i32>} : memref<20x128xi32, #tpu.memory_space<vmem>>, vector<16xi32>,
    %add3A_283 = arith.constant 96 : i32
    %add3A_284 = vector.broadcast %add3A_283 : i32 to vector<16xi32>
    %add3A_285 = arith.addi %iota3A, %add3A_284 : vector<16xi32>
    %gather3A_286 = tpu.vector_load_idx %arg5[%add3A_285, %broadcast_in_dim3A_234] : memref<128x20xi32, #tpu.memory_space<vmem>>[vector<16xi32>, vector<16xi32>], vector<16xi32>,
    %swap3A_287 = arith.constant 3 : i32
    %swap3A_288 = arith.index_cast %swap3A_287 : i32 to index
    %swap3A_289 = arith.constant 96 : index
    %swap3A_290 = tpu.vector_load %arg6[%swap3A_288, %swap3A_289] {strides = array<i32>} : memref<20x128xi32, #tpu.memory_space<vmem>>, vector<16xi32>,
    tpu.vector_store %arg6[%swap3A_288, %swap3A_289], %gather3A_286 {strides = array<i32>} : memref<20x128xi32, #tpu.memory_space<vmem>>, vector<16xi32>,
    %add3A_291 = arith.constant 112 : i32
    %add3A_292 = vector.broadcast %add3A_291 : i32 to vector<16xi32>
    %add3A_293 = arith.addi %iota3A, %add3A_292 : vector<16xi32>
    %gather3A_294 = tpu.vector_load_idx %arg5[%add3A_293, %broadcast_in_dim3A_234] : memref<128x20xi32, #tpu.memory_space<vmem>>[vector<16xi32>, vector<16xi32>], vector<16xi32>,
    %swap3A_295 = arith.constant 3 : i32
    %swap3A_296 = arith.index_cast %swap3A_295 : i32 to index
    %swap3A_297 = arith.constant 112 : index
    %swap3A_298 = tpu.vector_load %arg6[%swap3A_296, %swap3A_297] {strides = array<i32>} : memref<20x128xi32, #tpu.memory_space<vmem>>, vector<16xi32>,
    tpu.vector_store %arg6[%swap3A_296, %swap3A_297], %gather3A_294 {strides = array<i32>} : memref<20x128xi32, #tpu.memory_space<vmem>>, vector<16xi32>,
    %dma_start3A_299 = arith.constant 3 : i32
    %dma_start3A_300 = arith.constant 3 : i32
    %dma_start3A_301 = arith.constant 0 : i32
    %dma_start3A_302 = arith.constant 0 : i32
    %dma_start3A_303 = tpu.memref_slice %arg7[%dma_start3A_300, %dma_start3A_301, %dma_start3A_302] : memref<6x128x128xf32, #tpu.memory_space<vmem>> -> memref<1x128x128xf32, #tpu.memory_space<vmem>>
    %dma_start3A_304 = tpu.memref_squeeze %dma_start3A_303 : memref<1x128x128xf32, #tpu.memory_space<vmem>> -> memref<128x128xf32, #tpu.memory_space<vmem>>
    %dma_start3A_305 = arith.constant 0 : i32
    %dma_start3A_306 = tpu.memref_slice %arg6[%dma_start3A_299, %dma_start3A_305] : memref<20x128xi32, #tpu.memory_space<vmem>> -> memref<1x128xi32, #tpu.memory_space<vmem>>
    %dma_start3A_307 = tpu.memref_squeeze %dma_start3A_306 : memref<1x128xi32, #tpu.memory_space<vmem>> -> memref<128xi32, #tpu.memory_space<vmem>>
    %dma_start3A_308 = arith.constant 0 : i32
    %dma_start3A_309 = arith.constant 0 : i32
    %dma_start3A_310 = tpu.memref_slice %arg3[%dma_start3A_308, %dma_start3A_309] : memref<100000x128xf32, #tpu.memory_space<hbm>> -> memref<100000x128xf32, #tpu.memory_space<hbm>>
    tpu.enqueue_indirect_dma source(%dma_start3A_310 : memref<100000x128xf32, #tpu.memory_space<hbm>>) target(%dma_start3A_304 : memref<128x128xf32, #tpu.memory_space<vmem>>) offsets(%dma_start3A_307 : memref<128xi32, #tpu.memory_space<vmem>>) semaphore(%arg8 : memref<!tpu.dma_semaphore, #tpu.memory_space<semaphore_mem>>)
    %dma_wait3A = arith.constant 0 : i32
    %dma_wait3A_311 = arith.constant 0 : i32
    %dma_wait3A_312 = arith.constant 0 : i32
    %dma_wait3A_313 = arith.constant 0 : i32
    %dma_wait3A_314 = tpu.memref_slice %arg7[%dma_wait3A_311, %dma_wait3A_312, %dma_wait3A_313] : memref<6x128x128xf32, #tpu.memory_space<vmem>> -> memref<1x128x128xf32, #tpu.memory_space<vmem>>
    %dma_wait3A_315 = tpu.memref_squeeze %dma_wait3A_314 : memref<1x128x128xf32, #tpu.memory_space<vmem>> -> memref<128x128xf32, #tpu.memory_space<vmem>>
    %dma_wait3A_316 = arith.constant 0 : i32
    %dma_wait3A_317 = tpu.memref_slice %arg4[%dma_wait3A, %mul3A_2, %dma_wait3A_316] : memref<20x4096x128xf32, #tpu.memory_space<hbm>> -> memref<1x128x128xf32, #tpu.memory_space<hbm>>
    %dma_wait3A_318 = tpu.memref_squeeze %dma_wait3A_317 : memref<1x128x128xf32, #tpu.memory_space<hbm>> -> memref<128x128xf32, #tpu.memory_space<hbm>>
    %dma_wait3A_319 = arith.constant 0 : i32
    %dma_wait3A_320 = arith.constant 0 : i32
    %dma_wait3A_321 = tpu.memref_slice %arg7[%dma_wait3A_311, %dma_wait3A_319, %dma_wait3A_320] : memref<6x128x128xf32, #tpu.memory_space<vmem>> -> memref<1x128x128xf32, #tpu.memory_space<vmem>>
    %dma_wait3A_322 = tpu.memref_squeeze %dma_wait3A_321 : memref<1x128x128xf32, #tpu.memory_space<vmem>> -> memref<128x128xf32, #tpu.memory_space<vmem>>
    %dma_wait3A_323 = arith.constant 0 : i32
    %dma_wait3A_324 = tpu.memref_slice %arg4[%dma_wait3A, %mul3A_2, %dma_wait3A_323] : memref<20x4096x128xf32, #tpu.memory_space<hbm>> -> memref<1x128x128xf32, #tpu.memory_space<hbm>>
    %dma_wait3A_325 = tpu.memref_squeeze %dma_wait3A_324 : memref<1x128x128xf32, #tpu.memory_space<hbm>> -> memref<128x128xf32, #tpu.memory_space<hbm>>
    tpu.wait_dma2 semaphore(%arg8 : memref<!tpu.dma_semaphore, #tpu.memory_space<semaphore_mem>>) src(%dma_wait3A_325 : memref<128x128xf32, #tpu.memory_space<hbm>>) dst(%dma_wait3A_322 : memref<128x128xf32, #tpu.memory_space<vmem>>)
    %dma_start3A_326 = arith.constant 0 : i32
    %dma_start3A_327 = arith.constant 0 : i32
    %dma_start3A_328 = arith.constant 0 : i32
    %dma_start3A_329 = arith.constant 0 : i32
    %dma_start3A_330 = tpu.memref_slice %arg7[%dma_start3A_326, %dma_start3A_328, %dma_start3A_329] : memref<6x128x128xf32, #tpu.memory_space<vmem>> -> memref<1x128x128xf32, #tpu.memory_space<vmem>>
    %dma_start3A_331 = tpu.memref_squeeze %dma_start3A_330 : memref<1x128x128xf32, #tpu.memory_space<vmem>> -> memref<128x128xf32, #tpu.memory_space<vmem>>
    %dma_start3A_332 = arith.constant 0 : i32
    %dma_start3A_333 = tpu.memref_slice %arg4[%dma_start3A_327, %mul3A_2, %dma_start3A_332] : memref<20x4096x128xf32, #tpu.memory_space<hbm>> -> memref<1x128x128xf32, #tpu.memory_space<hbm>>
    %dma_start3A_334 = tpu.memref_squeeze %dma_start3A_333 : memref<1x128x128xf32, #tpu.memory_space<hbm>> -> memref<128x128xf32, #tpu.memory_space<hbm>>
    %dma_start3A_335 = arith.constant 0 : i32
    %dma_start3A_336 = tpu.memref_slice %arg4[%dma_start3A_327, %mul3A_2, %dma_start3A_335] : memref<20x4096x128xf32, #tpu.memory_space<hbm>> -> memref<1x128x128xf32, #tpu.memory_space<hbm>>
    %dma_start3A_337 = tpu.memref_squeeze %dma_start3A_336 : memref<1x128x128xf32, #tpu.memory_space<hbm>> -> memref<128x128xf32, #tpu.memory_space<hbm>>
    %dma_start3A_338 = arith.constant 0 : i32
    %dma_start3A_339 = arith.constant 0 : i32
    %dma_start3A_340 = tpu.memref_slice %arg7[%dma_start3A_326, %dma_start3A_338, %dma_start3A_339] : memref<6x128x128xf32, #tpu.memory_space<vmem>> -> memref<1x128x128xf32, #tpu.memory_space<vmem>>
    %dma_start3A_341 = tpu.memref_squeeze %dma_start3A_340 : memref<1x128x128xf32, #tpu.memory_space<vmem>> -> memref<128x128xf32, #tpu.memory_space<vmem>>
    tpu.enqueue_dma source(%dma_start3A_341 : memref<128x128xf32, #tpu.memory_space<vmem>>) target(%dma_start3A_337 : memref<128x128xf32, #tpu.memory_space<hbm>>) target_semaphore(%arg9 : memref<!tpu.dma_semaphore, #tpu.memory_space<semaphore_mem>>)
    %broadcast_in_dim3A_342 = arith.constant 4 : i32
    %broadcast_in_dim3A_343 = vector.broadcast %broadcast_in_dim3A_342 : i32 to vector<16xi32>
    %add3A_344 = arith.constant 0 : i32
    %add3A_345 = vector.broadcast %add3A_344 : i32 to vector<16xi32>
    %add3A_346 = arith.addi %iota3A, %add3A_345 : vector<16xi32>
    %gather3A_347 = tpu.vector_load_idx %arg5[%add3A_346, %broadcast_in_dim3A_343] : memref<128x20xi32, #tpu.memory_space<vmem>>[vector<16xi32>, vector<16xi32>], vector<16xi32>,
    %swap3A_348 = arith.constant 4 : i32
    %swap3A_349 = arith.index_cast %swap3A_348 : i32 to index
    %swap3A_350 = arith.constant 0 : index
    %swap3A_351 = tpu.vector_load %arg6[%swap3A_349, %swap3A_350] {strides = array<i32>} : memref<20x128xi32, #tpu.memory_space<vmem>>, vector<16xi32>,
    tpu.vector_store %arg6[%swap3A_349, %swap3A_350], %gather3A_347 {strides = array<i32>} : memref<20x128xi32, #tpu.memory_space<vmem>>, vector<16xi32>,
    %add3A_352 = arith.constant 16 : i32
    %add3A_353 = vector.broadcast %add3A_352 : i32 to vector<16xi32>
    %add3A_354 = arith.addi %iota3A, %add3A_353 : vector<16xi32>
    %gather3A_355 = tpu.vector_load_idx %arg5[%add3A_354, %broadcast_in_dim3A_343] : memref<128x20xi32, #tpu.memory_space<vmem>>[vector<16xi32>, vector<16xi32>], vector<16xi32>,
    %swap3A_356 = arith.constant 4 : i32
    %swap3A_357 = arith.index_cast %swap3A_356 : i32 to index
    %swap3A_358 = arith.constant 16 : index
    %swap3A_359 = tpu.vector_load %arg6[%swap3A_357, %swap3A_358] {strides = array<i32>} : memref<20x128xi32, #tpu.memory_space<vmem>>, vector<16xi32>,
    tpu.vector_store %arg6[%swap3A_357, %swap3A_358], %gather3A_355 {strides = array<i32>} : memref<20x128xi32, #tpu.memory_space<vmem>>, vector<16xi32>,
    %add3A_360 = arith.constant 32 : i32
    %add3A_361 = vector.broadcast %add3A_360 : i32 to vector<16xi32>
    %add3A_362 = arith.addi %iota3A, %add3A_361 : vector<16xi32>
    %gather3A_363 = tpu.vector_load_idx %arg5[%add3A_362, %broadcast_in_dim3A_343] : memref<128x20xi32, #tpu.memory_space<vmem>>[vector<16xi32>, vector<16xi32>], vector<16xi32>,
    %swap3A_364 = arith.constant 4 : i32
    %swap3A_365 = arith.index_cast %swap3A_364 : i32 to index
    %swap3A_366 = arith.constant 32 : index
    %swap3A_367 = tpu.vector_load %arg6[%swap3A_365, %swap3A_366] {strides = array<i32>} : memref<20x128xi32, #tpu.memory_space<vmem>>, vector<16xi32>,
    tpu.vector_store %arg6[%swap3A_365, %swap3A_366], %gather3A_363 {strides = array<i32>} : memref<20x128xi32, #tpu.memory_space<vmem>>, vector<16xi32>,
    %add3A_368 = arith.constant 48 : i32
    %add3A_369 = vector.broadcast %add3A_368 : i32 to vector<16xi32>
    %add3A_370 = arith.addi %iota3A, %add3A_369 : vector<16xi32>
    %gather3A_371 = tpu.vector_load_idx %arg5[%add3A_370, %broadcast_in_dim3A_343] : memref<128x20xi32, #tpu.memory_space<vmem>>[vector<16xi32>, vector<16xi32>], vector<16xi32>,
    %swap3A_372 = arith.constant 4 : i32
    %swap3A_373 = arith.index_cast %swap3A_372 : i32 to index
    %swap3A_374 = arith.constant 48 : index
    %swap3A_375 = tpu.vector_load %arg6[%swap3A_373, %swap3A_374] {strides = array<i32>} : memref<20x128xi32, #tpu.memory_space<vmem>>, vector<16xi32>,
    tpu.vector_store %arg6[%swap3A_373, %swap3A_374], %gather3A_371 {strides = array<i32>} : memref<20x128xi32, #tpu.memory_space<vmem>>, vector<16xi32>,
    %add3A_376 = arith.constant 64 : i32
    %add3A_377 = vector.broadcast %add3A_376 : i32 to vector<16xi32>
    %add3A_378 = arith.addi %iota3A, %add3A_377 : vector<16xi32>
    %gather3A_379 = tpu.vector_load_idx %arg5[%add3A_378, %broadcast_in_dim3A_343] : memref<128x20xi32, #tpu.memory_space<vmem>>[vector<16xi32>, vector<16xi32>], vector<16xi32>,
    %swap3A_380 = arith.constant 4 : i32
    %swap3A_381 = arith.index_cast %swap3A_380 : i32 to index
    %swap3A_382 = arith.constant 64 : index
    %swap3A_383 = tpu.vector_load %arg6[%swap3A_381, %swap3A_382] {strides = array<i32>} : memref<20x128xi32, #tpu.memory_space<vmem>>, vector<16xi32>,
    tpu.vector_store %arg6[%swap3A_381, %swap3A_382], %gather3A_379 {strides = array<i32>} : memref<20x128xi32, #tpu.memory_space<vmem>>, vector<16xi32>,
    %add3A_384 = arith.constant 80 : i32
    %add3A_385 = vector.broadcast %add3A_384 : i32 to vector<16xi32>
    %add3A_386 = arith.addi %iota3A, %add3A_385 : vector<16xi32>
    %gather3A_387 = tpu.vector_load_idx %arg5[%add3A_386, %broadcast_in_dim3A_343] : memref<128x20xi32, #tpu.memory_space<vmem>>[vector<16xi32>, vector<16xi32>], vector<16xi32>,
    %swap3A_388 = arith.constant 4 : i32
    %swap3A_389 = arith.index_cast %swap3A_388 : i32 to index
    %swap3A_390 = arith.constant 80 : index
    %swap3A_391 = tpu.vector_load %arg6[%swap3A_389, %swap3A_390] {strides = array<i32>} : memref<20x128xi32, #tpu.memory_space<vmem>>, vector<16xi32>,
    tpu.vector_store %arg6[%swap3A_389, %swap3A_390], %gather3A_387 {strides = array<i32>} : memref<20x128xi32, #tpu.memory_space<vmem>>, vector<16xi32>,
    %add3A_392 = arith.constant 96 : i32
    %add3A_393 = vector.broadcast %add3A_392 : i32 to vector<16xi32>
    %add3A_394 = arith.addi %iota3A, %add3A_393 : vector<16xi32>
    %gather3A_395 = tpu.vector_load_idx %arg5[%add3A_394, %broadcast_in_dim3A_343] : memref<128x20xi32, #tpu.memory_space<vmem>>[vector<16xi32>, vector<16xi32>], vector<16xi32>,
    %swap3A_396 = arith.constant 4 : i32
    %swap3A_397 = arith.index_cast %swap3A_396 : i32 to index
    %swap3A_398 = arith.constant 96 : index
    %swap3A_399 = tpu.vector_load %arg6[%swap3A_397, %swap3A_398] {strides = array<i32>} : memref<20x128xi32, #tpu.memory_space<vmem>>, vector<16xi32>,
    tpu.vector_store %arg6[%swap3A_397, %swap3A_398], %gather3A_395 {strides = array<i32>} : memref<20x128xi32, #tpu.memory_space<vmem>>, vector<16xi32>,
    %add3A_400 = arith.constant 112 : i32
    %add3A_401 = vector.broadcast %add3A_400 : i32 to vector<16xi32>
    %add3A_402 = arith.addi %iota3A, %add3A_401 : vector<16xi32>
    %gather3A_403 = tpu.vector_load_idx %arg5[%add3A_402, %broadcast_in_dim3A_343] : memref<128x20xi32, #tpu.memory_space<vmem>>[vector<16xi32>, vector<16xi32>], vector<16xi32>,
    %swap3A_404 = arith.constant 4 : i32
    %swap3A_405 = arith.index_cast %swap3A_404 : i32 to index
    %swap3A_406 = arith.constant 112 : index
    %swap3A_407 = tpu.vector_load %arg6[%swap3A_405, %swap3A_406] {strides = array<i32>} : memref<20x128xi32, #tpu.memory_space<vmem>>, vector<16xi32>,
    tpu.vector_store %arg6[%swap3A_405, %swap3A_406], %gather3A_403 {strides = array<i32>} : memref<20x128xi32, #tpu.memory_space<vmem>>, vector<16xi32>,
    %dma_start3A_408 = arith.constant 4 : i32
    %dma_start3A_409 = arith.constant 4 : i32
    %dma_start3A_410 = arith.constant 0 : i32
    %dma_start3A_411 = arith.constant 0 : i32
    %dma_start3A_412 = tpu.memref_slice %arg7[%dma_start3A_409, %dma_start3A_410, %dma_start3A_411] : memref<6x128x128xf32, #tpu.memory_space<vmem>> -> memref<1x128x128xf32, #tpu.memory_space<vmem>>
    %dma_start3A_413 = tpu.memref_squeeze %dma_start3A_412 : memref<1x128x128xf32, #tpu.memory_space<vmem>> -> memref<128x128xf32, #tpu.memory_space<vmem>>
    %dma_start3A_414 = arith.constant 0 : i32
    %dma_start3A_415 = tpu.memref_slice %arg6[%dma_start3A_408, %dma_start3A_414] : memref<20x128xi32, #tpu.memory_space<vmem>> -> memref<1x128xi32, #tpu.memory_space<vmem>>
    %dma_start3A_416 = tpu.memref_squeeze %dma_start3A_415 : memref<1x128xi32, #tpu.memory_space<vmem>> -> memref<128xi32, #tpu.memory_space<vmem>>
    %dma_start3A_417 = arith.constant 0 : i32
    %dma_start3A_418 = arith.constant 0 : i32
    %dma_start3A_419 = tpu.memref_slice %arg3[%dma_start3A_417, %dma_start3A_418] : memref<100000x128xf32, #tpu.memory_space<hbm>> -> memref<100000x128xf32, #tpu.memory_space<hbm>>
    tpu.enqueue_indirect_dma source(%dma_start3A_419 : memref<100000x128xf32, #tpu.memory_space<hbm>>) target(%dma_start3A_413 : memref<128x128xf32, #tpu.memory_space<vmem>>) offsets(%dma_start3A_416 : memref<128xi32, #tpu.memory_space<vmem>>) semaphore(%arg8 : memref<!tpu.dma_semaphore, #tpu.memory_space<semaphore_mem>>)
    %dma_wait3A_420 = arith.constant 0 : i32
    %dma_wait3A_421 = arith.constant 0 : i32
    %dma_wait3A_422 = arith.constant 0 : i32
    %dma_wait3A_423 = arith.constant 0 : i32
    %dma_wait3A_424 = tpu.memref_slice %arg7[%dma_wait3A_421, %dma_wait3A_422, %dma_wait3A_423] : memref<6x128x128xf32, #tpu.memory_space<vmem>> -> memref<1x128x128xf32, #tpu.memory_space<vmem>>
    %dma_wait3A_425 = tpu.memref_squeeze %dma_wait3A_424 : memref<1x128x128xf32, #tpu.memory_space<vmem>> -> memref<128x128xf32, #tpu.memory_space<vmem>>
    %dma_wait3A_426 = arith.constant 0 : i32
    %dma_wait3A_427 = tpu.memref_slice %arg4[%dma_wait3A_420, %mul3A_2, %dma_wait3A_426] : memref<20x4096x128xf32, #tpu.memory_space<hbm>> -> memref<1x128x128xf32, #tpu.memory_space<hbm>>
    %dma_wait3A_428 = tpu.memref_squeeze %dma_wait3A_427 : memref<1x128x128xf32, #tpu.memory_space<hbm>> -> memref<128x128xf32, #tpu.memory_space<hbm>>
    %dma_wait3A_429 = arith.constant 0 : i32
    %dma_wait3A_430 = arith.constant 0 : i32
    %dma_wait3A_431 = tpu.memref_slice %arg7[%dma_wait3A_421, %dma_wait3A_429, %dma_wait3A_430] : memref<6x128x128xf32, #tpu.memory_space<vmem>> -> memref<1x128x128xf32, #tpu.memory_space<vmem>>
    %dma_wait3A_432 = tpu.memref_squeeze %dma_wait3A_431 : memref<1x128x128xf32, #tpu.memory_space<vmem>> -> memref<128x128xf32, #tpu.memory_space<vmem>>
    %dma_wait3A_433 = arith.constant 0 : i32
    %dma_wait3A_434 = tpu.memref_slice %arg4[%dma_wait3A_420, %mul3A_2, %dma_wait3A_433] : memref<20x4096x128xf32, #tpu.memory_space<hbm>> -> memref<1x128x128xf32, #tpu.memory_space<hbm>>
    %dma_wait3A_435 = tpu.memref_squeeze %dma_wait3A_434 : memref<1x128x128xf32, #tpu.memory_space<hbm>> -> memref<128x128xf32, #tpu.memory_space<hbm>>
    tpu.wait_dma2 semaphore(%arg8 : memref<!tpu.dma_semaphore, #tpu.memory_space<semaphore_mem>>) src(%dma_wait3A_435 : memref<128x128xf32, #tpu.memory_space<hbm>>) dst(%dma_wait3A_432 : memref<128x128xf32, #tpu.memory_space<vmem>>)
    %dma_start3A_436 = arith.constant 1 : i32
    %dma_start3A_437 = arith.constant 1 : i32
    %dma_start3A_438 = arith.constant 0 : i32
    %dma_start3A_439 = arith.constant 0 : i32
    %dma_start3A_440 = tpu.memref_slice %arg7[%dma_start3A_436, %dma_start3A_438, %dma_start3A_439] : memref<6x128x128xf32, #tpu.memory_space<vmem>> -> memref<1x128x128xf32, #tpu.memory_space<vmem>>
    %dma_start3A_441 = tpu.memref_squeeze %dma_start3A_440 : memref<1x128x128xf32, #tpu.memory_space<vmem>> -> memref<128x128xf32, #tpu.memory_space<vmem>>
    %dma_start3A_442 = arith.constant 0 : i32
    %dma_start3A_443 = tpu.memref_slice %arg4[%dma_start3A_437, %mul3A_2, %dma_start3A_442] : memref<20x4096x128xf32, #tpu.memory_space<hbm>> -> memref<1x128x128xf32, #tpu.memory_space<hbm>>
    %dma_start3A_444 = tpu.memref_squeeze %dma_start3A_443 : memref<1x128x128xf32, #tpu.memory_space<hbm>> -> memref<128x128xf32, #tpu.memory_space<hbm>>
    %dma_start3A_445 = arith.constant 0 : i32
    %dma_start3A_446 = tpu.memref_slice %arg4[%dma_start3A_437, %mul3A_2, %dma_start3A_445] : memref<20x4096x128xf32, #tpu.memory_space<hbm>> -> memref<1x128x128xf32, #tpu.memory_space<hbm>>
    %dma_start3A_447 = tpu.memref_squeeze %dma_start3A_446 : memref<1x128x128xf32, #tpu.memory_space<hbm>> -> memref<128x128xf32, #tpu.memory_space<hbm>>
    %dma_start3A_448 = arith.constant 0 : i32
    %dma_start3A_449 = arith.constant 0 : i32
    %dma_start3A_450 = tpu.memref_slice %arg7[%dma_start3A_436, %dma_start3A_448, %dma_start3A_449] : memref<6x128x128xf32, #tpu.memory_space<vmem>> -> memref<1x128x128xf32, #tpu.memory_space<vmem>>
    %dma_start3A_451 = tpu.memref_squeeze %dma_start3A_450 : memref<1x128x128xf32, #tpu.memory_space<vmem>> -> memref<128x128xf32, #tpu.memory_space<vmem>>
    tpu.enqueue_dma source(%dma_start3A_451 : memref<128x128xf32, #tpu.memory_space<vmem>>) target(%dma_start3A_447 : memref<128x128xf32, #tpu.memory_space<hbm>>) target_semaphore(%arg9 : memref<!tpu.dma_semaphore, #tpu.memory_space<semaphore_mem>>)
    %dma_wait3A_452 = arith.constant 0 : i32
    %dma_wait3A_453 = arith.constant 0 : i32
    %dma_wait3A_454 = arith.constant 0 : i32
    %dma_wait3A_455 = arith.constant 0 : i32
    %dma_wait3A_456 = tpu.memref_slice %arg7[%dma_wait3A_452, %dma_wait3A_454, %dma_wait3A_455] : memref<6x128x128xf32, #tpu.memory_space<vmem>> -> memref<1x128x128xf32, #tpu.memory_space<vmem>>
    %dma_wait3A_457 = tpu.memref_squeeze %dma_wait3A_456 : memref<1x128x128xf32, #tpu.memory_space<vmem>> -> memref<128x128xf32, #tpu.memory_space<vmem>>
    %dma_wait3A_458 = arith.constant 0 : i32
    %dma_wait3A_459 = tpu.memref_slice %arg4[%dma_wait3A_453, %mul3A_2, %dma_wait3A_458] : memref<20x4096x128xf32, #tpu.memory_space<hbm>> -> memref<1x128x128xf32, #tpu.memory_space<hbm>>
    %dma_wait3A_460 = tpu.memref_squeeze %dma_wait3A_459 : memref<1x128x128xf32, #tpu.memory_space<hbm>> -> memref<128x128xf32, #tpu.memory_space<hbm>>
    %dma_wait3A_461 = arith.constant 0 : i32
    %dma_wait3A_462 = tpu.memref_slice %arg4[%dma_wait3A_453, %mul3A_2, %dma_wait3A_461] : memref<20x4096x128xf32, #tpu.memory_space<hbm>> -> memref<1x128x128xf32, #tpu.memory_space<hbm>>
    %dma_wait3A_463 = tpu.memref_squeeze %dma_wait3A_462 : memref<1x128x128xf32, #tpu.memory_space<hbm>> -> memref<128x128xf32, #tpu.memory_space<hbm>>
    %dma_wait3A_464 = arith.constant 0 : i32
    %dma_wait3A_465 = arith.constant 0 : i32
    %dma_wait3A_466 = tpu.memref_slice %arg7[%dma_wait3A_452, %dma_wait3A_464, %dma_wait3A_465] : memref<6x128x128xf32, #tpu.memory_space<vmem>> -> memref<1x128x128xf32, #tpu.memory_space<vmem>>
    %dma_wait3A_467 = tpu.memref_squeeze %dma_wait3A_466 : memref<1x128x128xf32, #tpu.memory_space<vmem>> -> memref<128x128xf32, #tpu.memory_space<vmem>>
    tpu.wait_dma2 semaphore(%arg9 : memref<!tpu.dma_semaphore, #tpu.memory_space<semaphore_mem>>) src(%dma_wait3A_467 : memref<128x128xf32, #tpu.memory_space<vmem>>) dst(%dma_wait3A_463 : memref<128x128xf32, #tpu.memory_space<hbm>>)
    %broadcast_in_dim3A_468 = arith.constant 5 : i32
    %broadcast_in_dim3A_469 = vector.broadcast %broadcast_in_dim3A_468 : i32 to vector<16xi32>
    %add3A_470 = arith.constant 0 : i32
    %add3A_471 = vector.broadcast %add3A_470 : i32 to vector<16xi32>
    %add3A_472 = arith.addi %iota3A, %add3A_471 : vector<16xi32>
    %gather3A_473 = tpu.vector_load_idx %arg5[%add3A_472, %broadcast_in_dim3A_469] : memref<128x20xi32, #tpu.memory_space<vmem>>[vector<16xi32>, vector<16xi32>], vector<16xi32>,
    %swap3A_474 = arith.constant 5 : i32
    %swap3A_475 = arith.index_cast %swap3A_474 : i32 to index
    %swap3A_476 = arith.constant 0 : index
    %swap3A_477 = tpu.vector_load %arg6[%swap3A_475, %swap3A_476] {strides = array<i32>} : memref<20x128xi32, #tpu.memory_space<vmem>>, vector<16xi32>,
    tpu.vector_store %arg6[%swap3A_475, %swap3A_476], %gather3A_473 {strides = array<i32>} : memref<20x128xi32, #tpu.memory_space<vmem>>, vector<16xi32>,
    %add3A_478 = arith.constant 16 : i32
    %add3A_479 = vector.broadcast %add3A_478 : i32 to vector<16xi32>
    %add3A_480 = arith.addi %iota3A, %add3A_479 : vector<16xi32>
    %gather3A_481 = tpu.vector_load_idx %arg5[%add3A_480, %broadcast_in_dim3A_469] : memref<128x20xi32, #tpu.memory_space<vmem>>[vector<16xi32>, vector<16xi32>], vector<16xi32>,
    %swap3A_482 = arith.constant 5 : i32
    %swap3A_483 = arith.index_cast %swap3A_482 : i32 to index
    %swap3A_484 = arith.constant 16 : index
    %swap3A_485 = tpu.vector_load %arg6[%swap3A_483, %swap3A_484] {strides = array<i32>} : memref<20x128xi32, #tpu.memory_space<vmem>>, vector<16xi32>,
    tpu.vector_store %arg6[%swap3A_483, %swap3A_484], %gather3A_481 {strides = array<i32>} : memref<20x128xi32, #tpu.memory_space<vmem>>, vector<16xi32>,
    %add3A_486 = arith.constant 32 : i32
    %add3A_487 = vector.broadcast %add3A_486 : i32 to vector<16xi32>
    %add3A_488 = arith.addi %iota3A, %add3A_487 : vector<16xi32>
    %gather3A_489 = tpu.vector_load_idx %arg5[%add3A_488, %broadcast_in_dim3A_469] : memref<128x20xi32, #tpu.memory_space<vmem>>[vector<16xi32>, vector<16xi32>], vector<16xi32>,
    %swap3A_490 = arith.constant 5 : i32
    %swap3A_491 = arith.index_cast %swap3A_490 : i32 to index
    %swap3A_492 = arith.constant 32 : index
    %swap3A_493 = tpu.vector_load %arg6[%swap3A_491, %swap3A_492] {strides = array<i32>} : memref<20x128xi32, #tpu.memory_space<vmem>>, vector<16xi32>,
    tpu.vector_store %arg6[%swap3A_491, %swap3A_492], %gather3A_489 {strides = array<i32>} : memref<20x128xi32, #tpu.memory_space<vmem>>, vector<16xi32>,
    %add3A_494 = arith.constant 48 : i32
    %add3A_495 = vector.broadcast %add3A_494 : i32 to vector<16xi32>
    %add3A_496 = arith.addi %iota3A, %add3A_495 : vector<16xi32>
    %gather3A_497 = tpu.vector_load_idx %arg5[%add3A_496, %broadcast_in_dim3A_469] : memref<128x20xi32, #tpu.memory_space<vmem>>[vector<16xi32>, vector<16xi32>], vector<16xi32>,
    %swap3A_498 = arith.constant 5 : i32
    %swap3A_499 = arith.index_cast %swap3A_498 : i32 to index
    %swap3A_500 = arith.constant 48 : index
    %swap3A_501 = tpu.vector_load %arg6[%swap3A_499, %swap3A_500] {strides = array<i32>} : memref<20x128xi32, #tpu.memory_space<vmem>>, vector<16xi32>,
    tpu.vector_store %arg6[%swap3A_499, %swap3A_500], %gather3A_497 {strides = array<i32>} : memref<20x128xi32, #tpu.memory_space<vmem>>, vector<16xi32>,
    %add3A_502 = arith.constant 64 : i32
    %add3A_503 = vector.broadcast %add3A_502 : i32 to vector<16xi32>
    %add3A_504 = arith.addi %iota3A, %add3A_503 : vector<16xi32>
    %gather3A_505 = tpu.vector_load_idx %arg5[%add3A_504, %broadcast_in_dim3A_469] : memref<128x20xi32, #tpu.memory_space<vmem>>[vector<16xi32>, vector<16xi32>], vector<16xi32>,
    %swap3A_506 = arith.constant 5 : i32
    %swap3A_507 = arith.index_cast %swap3A_506 : i32 to index
    %swap3A_508 = arith.constant 64 : index
    %swap3A_509 = tpu.vector_load %arg6[%swap3A_507, %swap3A_508] {strides = array<i32>} : memref<20x128xi32, #tpu.memory_space<vmem>>, vector<16xi32>,
    tpu.vector_store %arg6[%swap3A_507, %swap3A_508], %gather3A_505 {strides = array<i32>} : memref<20x128xi32, #tpu.memory_space<vmem>>, vector<16xi32>,
    %add3A_510 = arith.constant 80 : i32
    %add3A_511 = vector.broadcast %add3A_510 : i32 to vector<16xi32>
    %add3A_512 = arith.addi %iota3A, %add3A_511 : vector<16xi32>
    %gather3A_513 = tpu.vector_load_idx %arg5[%add3A_512, %broadcast_in_dim3A_469] : memref<128x20xi32, #tpu.memory_space<vmem>>[vector<16xi32>, vector<16xi32>], vector<16xi32>,
    %swap3A_514 = arith.constant 5 : i32
    %swap3A_515 = arith.index_cast %swap3A_514 : i32 to index
    %swap3A_516 = arith.constant 80 : index
    %swap3A_517 = tpu.vector_load %arg6[%swap3A_515, %swap3A_516] {strides = array<i32>} : memref<20x128xi32, #tpu.memory_space<vmem>>, vector<16xi32>,
    tpu.vector_store %arg6[%swap3A_515, %swap3A_516], %gather3A_513 {strides = array<i32>} : memref<20x128xi32, #tpu.memory_space<vmem>>, vector<16xi32>,
    %add3A_518 = arith.constant 96 : i32
    %add3A_519 = vector.broadcast %add3A_518 : i32 to vector<16xi32>
    %add3A_520 = arith.addi %iota3A, %add3A_519 : vector<16xi32>
    %gather3A_521 = tpu.vector_load_idx %arg5[%add3A_520, %broadcast_in_dim3A_469] : memref<128x20xi32, #tpu.memory_space<vmem>>[vector<16xi32>, vector<16xi32>], vector<16xi32>,
    %swap3A_522 = arith.constant 5 : i32
    %swap3A_523 = arith.index_cast %swap3A_522 : i32 to index
    %swap3A_524 = arith.constant 96 : index
    %swap3A_525 = tpu.vector_load %arg6[%swap3A_523, %swap3A_524] {strides = array<i32>} : memref<20x128xi32, #tpu.memory_space<vmem>>, vector<16xi32>,
    tpu.vector_store %arg6[%swap3A_523, %swap3A_524], %gather3A_521 {strides = array<i32>} : memref<20x128xi32, #tpu.memory_space<vmem>>, vector<16xi32>,
    %add3A_526 = arith.constant 112 : i32
    %add3A_527 = vector.broadcast %add3A_526 : i32 to vector<16xi32>
    %add3A_528 = arith.addi %iota3A, %add3A_527 : vector<16xi32>
    %gather3A_529 = tpu.vector_load_idx %arg5[%add3A_528, %broadcast_in_dim3A_469] : memref<128x20xi32, #tpu.memory_space<vmem>>[vector<16xi32>, vector<16xi32>], vector<16xi32>,
    %swap3A_530 = arith.constant 5 : i32
    %swap3A_531 = arith.index_cast %swap3A_530 : i32 to index
    %swap3A_532 = arith.constant 112 : index
    %swap3A_533 = tpu.vector_load %arg6[%swap3A_531, %swap3A_532] {strides = array<i32>} : memref<20x128xi32, #tpu.memory_space<vmem>>, vector<16xi32>,
    tpu.vector_store %arg6[%swap3A_531, %swap3A_532], %gather3A_529 {strides = array<i32>} : memref<20x128xi32, #tpu.memory_space<vmem>>, vector<16xi32>,
    %dma_start3A_534 = arith.constant 5 : i32
    %dma_start3A_535 = arith.constant 5 : i32
    %dma_start3A_536 = arith.constant 0 : i32
    %dma_start3A_537 = arith.constant 0 : i32
    %dma_start3A_538 = tpu.memref_slice %arg7[%dma_start3A_535, %dma_start3A_536, %dma_start3A_537] : memref<6x128x128xf32, #tpu.memory_space<vmem>> -> memref<1x128x128xf32, #tpu.memory_space<vmem>>
    %dma_start3A_539 = tpu.memref_squeeze %dma_start3A_538 : memref<1x128x128xf32, #tpu.memory_space<vmem>> -> memref<128x128xf32, #tpu.memory_space<vmem>>
    %dma_start3A_540 = arith.constant 0 : i32
    %dma_start3A_541 = tpu.memref_slice %arg6[%dma_start3A_534, %dma_start3A_540] : memref<20x128xi32, #tpu.memory_space<vmem>> -> memref<1x128xi32, #tpu.memory_space<vmem>>
    %dma_start3A_542 = tpu.memref_squeeze %dma_start3A_541 : memref<1x128xi32, #tpu.memory_space<vmem>> -> memref<128xi32, #tpu.memory_space<vmem>>
    %dma_start3A_543 = arith.constant 0 : i32
    %dma_start3A_544 = arith.constant 0 : i32
    %dma_start3A_545 = tpu.memref_slice %arg3[%dma_start3A_543, %dma_start3A_544] : memref<100000x128xf32, #tpu.memory_space<hbm>> -> memref<100000x128xf32, #tpu.memory_space<hbm>>
    tpu.enqueue_indirect_dma source(%dma_start3A_545 : memref<100000x128xf32, #tpu.memory_space<hbm>>) target(%dma_start3A_539 : memref<128x128xf32, #tpu.memory_space<vmem>>) offsets(%dma_start3A_542 : memref<128xi32, #tpu.memory_space<vmem>>) semaphore(%arg8 : memref<!tpu.dma_semaphore, #tpu.memory_space<semaphore_mem>>)
    %dma_wait3A_546 = arith.constant 0 : i32
    %dma_wait3A_547 = arith.constant 0 : i32
    %dma_wait3A_548 = arith.constant 0 : i32
    %dma_wait3A_549 = arith.constant 0 : i32
    %dma_wait3A_550 = tpu.memref_slice %arg7[%dma_wait3A_547, %dma_wait3A_548, %dma_wait3A_549] : memref<6x128x128xf32, #tpu.memory_space<vmem>> -> memref<1x128x128xf32, #tpu.memory_space<vmem>>
    %dma_wait3A_551 = tpu.memref_squeeze %dma_wait3A_550 : memref<1x128x128xf32, #tpu.memory_space<vmem>> -> memref<128x128xf32, #tpu.memory_space<vmem>>
    %dma_wait3A_552 = arith.constant 0 : i32
    %dma_wait3A_553 = tpu.memref_slice %arg4[%dma_wait3A_546, %mul3A_2, %dma_wait3A_552] : memref<20x4096x128xf32, #tpu.memory_space<hbm>> -> memref<1x128x128xf32, #tpu.memory_space<hbm>>
    %dma_wait3A_554 = tpu.memref_squeeze %dma_wait3A_553 : memref<1x128x128xf32, #tpu.memory_space<hbm>> -> memref<128x128xf32, #tpu.memory_space<hbm>>
    %dma_wait3A_555 = arith.constant 0 : i32
    %dma_wait3A_556 = arith.constant 0 : i32
    %dma_wait3A_557 = tpu.memref_slice %arg7[%dma_wait3A_547, %dma_wait3A_555, %dma_wait3A_556] : memref<6x128x128xf32, #tpu.memory_space<vmem>> -> memref<1x128x128xf32, #tpu.memory_space<vmem>>
    %dma_wait3A_558 = tpu.memref_squeeze %dma_wait3A_557 : memref<1x128x128xf32, #tpu.memory_space<vmem>> -> memref<128x128xf32, #tpu.memory_space<vmem>>
    %dma_wait3A_559 = arith.constant 0 : i32
    %dma_wait3A_560 = tpu.memref_slice %arg4[%dma_wait3A_546, %mul3A_2, %dma_wait3A_559] : memref<20x4096x128xf32, #tpu.memory_space<hbm>> -> memref<1x128x128xf32, #tpu.memory_space<hbm>>
    %dma_wait3A_561 = tpu.memref_squeeze %dma_wait3A_560 : memref<1x128x128xf32, #tpu.memory_space<hbm>> -> memref<128x128xf32, #tpu.memory_space<hbm>>
    tpu.wait_dma2 semaphore(%arg8 : memref<!tpu.dma_semaphore, #tpu.memory_space<semaphore_mem>>) src(%dma_wait3A_561 : memref<128x128xf32, #tpu.memory_space<hbm>>) dst(%dma_wait3A_558 : memref<128x128xf32, #tpu.memory_space<vmem>>)
    %dma_start3A_562 = arith.constant 2 : i32
    %dma_start3A_563 = arith.constant 2 : i32
    %dma_start3A_564 = arith.constant 0 : i32
    %dma_start3A_565 = arith.constant 0 : i32
    %dma_start3A_566 = tpu.memref_slice %arg7[%dma_start3A_562, %dma_start3A_564, %dma_start3A_565] : memref<6x128x128xf32, #tpu.memory_space<vmem>> -> memref<1x128x128xf32, #tpu.memory_space<vmem>>
    %dma_start3A_567 = tpu.memref_squeeze %dma_start3A_566 : memref<1x128x128xf32, #tpu.memory_space<vmem>> -> memref<128x128xf32, #tpu.memory_space<vmem>>
    %dma_start3A_568 = arith.constant 0 : i32
    %dma_start3A_569 = tpu.memref_slice %arg4[%dma_start3A_563, %mul3A_2, %dma_start3A_568] : memref<20x4096x128xf32, #tpu.memory_space<hbm>> -> memref<1x128x128xf32, #tpu.memory_space<hbm>>
    %dma_start3A_570 = tpu.memref_squeeze %dma_start3A_569 : memref<1x128x128xf32, #tpu.memory_space<hbm>> -> memref<128x128xf32, #tpu.memory_space<hbm>>
    %dma_start3A_571 = arith.constant 0 : i32
    %dma_start3A_572 = tpu.memref_slice %arg4[%dma_start3A_563, %mul3A_2, %dma_start3A_571] : memref<20x4096x128xf32, #tpu.memory_space<hbm>> -> memref<1x128x128xf32, #tpu.memory_space<hbm>>
    %dma_start3A_573 = tpu.memref_squeeze %dma_start3A_572 : memref<1x128x128xf32, #tpu.memory_space<hbm>> -> memref<128x128xf32, #tpu.memory_space<hbm>>
    %dma_start3A_574 = arith.constant 0 : i32
    %dma_start3A_575 = arith.constant 0 : i32
    %dma_start3A_576 = tpu.memref_slice %arg7[%dma_start3A_562, %dma_start3A_574, %dma_start3A_575] : memref<6x128x128xf32, #tpu.memory_space<vmem>> -> memref<1x128x128xf32, #tpu.memory_space<vmem>>
    %dma_start3A_577 = tpu.memref_squeeze %dma_start3A_576 : memref<1x128x128xf32, #tpu.memory_space<vmem>> -> memref<128x128xf32, #tpu.memory_space<vmem>>
    tpu.enqueue_dma source(%dma_start3A_577 : memref<128x128xf32, #tpu.memory_space<vmem>>) target(%dma_start3A_573 : memref<128x128xf32, #tpu.memory_space<hbm>>) target_semaphore(%arg9 : memref<!tpu.dma_semaphore, #tpu.memory_space<semaphore_mem>>)
    %dma_wait3A_578 = arith.constant 0 : i32
    %dma_wait3A_579 = arith.constant 0 : i32
    %dma_wait3A_580 = arith.constant 0 : i32
    %dma_wait3A_581 = arith.constant 0 : i32
    %dma_wait3A_582 = tpu.memref_slice %arg7[%dma_wait3A_578, %dma_wait3A_580, %dma_wait3A_581] : memref<6x128x128xf32, #tpu.memory_space<vmem>> -> memref<1x128x128xf32, #tpu.memory_space<vmem>>
    %dma_wait3A_583 = tpu.memref_squeeze %dma_wait3A_582 : memref<1x128x128xf32, #tpu.memory_space<vmem>> -> memref<128x128xf32, #tpu.memory_space<vmem>>
    %dma_wait3A_584 = arith.constant 0 : i32
    %dma_wait3A_585 = tpu.memref_slice %arg4[%dma_wait3A_579, %mul3A_2, %dma_wait3A_584] : memref<20x4096x128xf32, #tpu.memory_space<hbm>> -> memref<1x128x128xf32, #tpu.memory_space<hbm>>
    %dma_wait3A_586 = tpu.memref_squeeze %dma_wait3A_585 : memref<1x128x128xf32, #tpu.memory_space<hbm>> -> memref<128x128xf32, #tpu.memory_space<hbm>>
    %dma_wait3A_587 = arith.constant 0 : i32
    %dma_wait3A_588 = tpu.memref_slice %arg4[%dma_wait3A_579, %mul3A_2, %dma_wait3A_587] : memref<20x4096x128xf32, #tpu.memory_space<hbm>> -> memref<1x128x128xf32, #tpu.memory_space<hbm>>
    %dma_wait3A_589 = tpu.memref_squeeze %dma_wait3A_588 : memref<1x128x128xf32, #tpu.memory_space<hbm>> -> memref<128x128xf32, #tpu.memory_space<hbm>>
    %dma_wait3A_590 = arith.constant 0 : i32
    %dma_wait3A_591 = arith.constant 0 : i32
    %dma_wait3A_592 = tpu.memref_slice %arg7[%dma_wait3A_578, %dma_wait3A_590, %dma_wait3A_591] : memref<6x128x128xf32, #tpu.memory_space<vmem>> -> memref<1x128x128xf32, #tpu.memory_space<vmem>>
    %dma_wait3A_593 = tpu.memref_squeeze %dma_wait3A_592 : memref<1x128x128xf32, #tpu.memory_space<vmem>> -> memref<128x128xf32, #tpu.memory_space<vmem>>
    tpu.wait_dma2 semaphore(%arg9 : memref<!tpu.dma_semaphore, #tpu.memory_space<semaphore_mem>>) src(%dma_wait3A_593 : memref<128x128xf32, #tpu.memory_space<vmem>>) dst(%dma_wait3A_589 : memref<128x128xf32, #tpu.memory_space<hbm>>)
    %broadcast_in_dim3A_594 = arith.constant 6 : i32
    %broadcast_in_dim3A_595 = vector.broadcast %broadcast_in_dim3A_594 : i32 to vector<16xi32>
    %add3A_596 = arith.constant 0 : i32
    %add3A_597 = vector.broadcast %add3A_596 : i32 to vector<16xi32>
    %add3A_598 = arith.addi %iota3A, %add3A_597 : vector<16xi32>
    %gather3A_599 = tpu.vector_load_idx %arg5[%add3A_598, %broadcast_in_dim3A_595] : memref<128x20xi32, #tpu.memory_space<vmem>>[vector<16xi32>, vector<16xi32>], vector<16xi32>,
    %swap3A_600 = arith.constant 6 : i32
    %swap3A_601 = arith.index_cast %swap3A_600 : i32 to index
    %swap3A_602 = arith.constant 0 : index
    %swap3A_603 = tpu.vector_load %arg6[%swap3A_601, %swap3A_602] {strides = array<i32>} : memref<20x128xi32, #tpu.memory_space<vmem>>, vector<16xi32>,
    tpu.vector_store %arg6[%swap3A_601, %swap3A_602], %gather3A_599 {strides = array<i32>} : memref<20x128xi32, #tpu.memory_space<vmem>>, vector<16xi32>,
    %add3A_604 = arith.constant 16 : i32
    %add3A_605 = vector.broadcast %add3A_604 : i32 to vector<16xi32>
    %add3A_606 = arith.addi %iota3A, %add3A_605 : vector<16xi32>
    %gather3A_607 = tpu.vector_load_idx %arg5[%add3A_606, %broadcast_in_dim3A_595] : memref<128x20xi32, #tpu.memory_space<vmem>>[vector<16xi32>, vector<16xi32>], vector<16xi32>,
    %swap3A_608 = arith.constant 6 : i32
    %swap3A_609 = arith.index_cast %swap3A_608 : i32 to index
    %swap3A_610 = arith.constant 16 : index
    %swap3A_611 = tpu.vector_load %arg6[%swap3A_609, %swap3A_610] {strides = array<i32>} : memref<20x128xi32, #tpu.memory_space<vmem>>, vector<16xi32>,
    tpu.vector_store %arg6[%swap3A_609, %swap3A_610], %gather3A_607 {strides = array<i32>} : memref<20x128xi32, #tpu.memory_space<vmem>>, vector<16xi32>,
    %add3A_612 = arith.constant 32 : i32
    %add3A_613 = vector.broadcast %add3A_612 : i32 to vector<16xi32>
    %add3A_614 = arith.addi %iota3A, %add3A_613 : vector<16xi32>
    %gather3A_615 = tpu.vector_load_idx %arg5[%add3A_614, %broadcast_in_dim3A_595] : memref<128x20xi32, #tpu.memory_space<vmem>>[vector<16xi32>, vector<16xi32>], vector<16xi32>,
    %swap3A_616 = arith.constant 6 : i32
    %swap3A_617 = arith.index_cast %swap3A_616 : i32 to index
    %swap3A_618 = arith.constant 32 : index
    %swap3A_619 = tpu.vector_load %arg6[%swap3A_617, %swap3A_618] {strides = array<i32>} : memref<20x128xi32, #tpu.memory_space<vmem>>, vector<16xi32>,
    tpu.vector_store %arg6[%swap3A_617, %swap3A_618], %gather3A_615 {strides = array<i32>} : memref<20x128xi32, #tpu.memory_space<vmem>>, vector<16xi32>,
    %add3A_620 = arith.constant 48 : i32
    %add3A_621 = vector.broadcast %add3A_620 : i32 to vector<16xi32>
    %add3A_622 = arith.addi %iota3A, %add3A_621 : vector<16xi32>
    %gather3A_623 = tpu.vector_load_idx %arg5[%add3A_622, %broadcast_in_dim3A_595] : memref<128x20xi32, #tpu.memory_space<vmem>>[vector<16xi32>, vector<16xi32>], vector<16xi32>,
    %swap3A_624 = arith.constant 6 : i32
    %swap3A_625 = arith.index_cast %swap3A_624 : i32 to index
    %swap3A_626 = arith.constant 48 : index
    %swap3A_627 = tpu.vector_load %arg6[%swap3A_625, %swap3A_626] {strides = array<i32>} : memref<20x128xi32, #tpu.memory_space<vmem>>, vector<16xi32>,
    tpu.vector_store %arg6[%swap3A_625, %swap3A_626], %gather3A_623 {strides = array<i32>} : memref<20x128xi32, #tpu.memory_space<vmem>>, vector<16xi32>,
    %add3A_628 = arith.constant 64 : i32
    %add3A_629 = vector.broadcast %add3A_628 : i32 to vector<16xi32>
    %add3A_630 = arith.addi %iota3A, %add3A_629 : vector<16xi32>
    %gather3A_631 = tpu.vector_load_idx %arg5[%add3A_630, %broadcast_in_dim3A_595] : memref<128x20xi32, #tpu.memory_space<vmem>>[vector<16xi32>, vector<16xi32>], vector<16xi32>,
    %swap3A_632 = arith.constant 6 : i32
    %swap3A_633 = arith.index_cast %swap3A_632 : i32 to index
    %swap3A_634 = arith.constant 64 : index
    %swap3A_635 = tpu.vector_load %arg6[%swap3A_633, %swap3A_634] {strides = array<i32>} : memref<20x128xi32, #tpu.memory_space<vmem>>, vector<16xi32>,
    tpu.vector_store %arg6[%swap3A_633, %swap3A_634], %gather3A_631 {strides = array<i32>} : memref<20x128xi32, #tpu.memory_space<vmem>>, vector<16xi32>,
    %add3A_636 = arith.constant 80 : i32
    %add3A_637 = vector.broadcast %add3A_636 : i32 to vector<16xi32>
    %add3A_638 = arith.addi %iota3A, %add3A_637 : vector<16xi32>
    %gather3A_639 = tpu.vector_load_idx %arg5[%add3A_638, %broadcast_in_dim3A_595] : memref<128x20xi32, #tpu.memory_space<vmem>>[vector<16xi32>, vector<16xi32>], vector<16xi32>,
    %swap3A_640 = arith.constant 6 : i32
    %swap3A_641 = arith.index_cast %swap3A_640 : i32 to index
    %swap3A_642 = arith.constant 80 : index
    %swap3A_643 = tpu.vector_load %arg6[%swap3A_641, %swap3A_642] {strides = array<i32>} : memref<20x128xi32, #tpu.memory_space<vmem>>, vector<16xi32>,
    tpu.vector_store %arg6[%swap3A_641, %swap3A_642], %gather3A_639 {strides = array<i32>} : memref<20x128xi32, #tpu.memory_space<vmem>>, vector<16xi32>,
    %add3A_644 = arith.constant 96 : i32
    %add3A_645 = vector.broadcast %add3A_644 : i32 to vector<16xi32>
    %add3A_646 = arith.addi %iota3A, %add3A_645 : vector<16xi32>
    %gather3A_647 = tpu.vector_load_idx %arg5[%add3A_646, %broadcast_in_dim3A_595] : memref<128x20xi32, #tpu.memory_space<vmem>>[vector<16xi32>, vector<16xi32>], vector<16xi32>,
    %swap3A_648 = arith.constant 6 : i32
    %swap3A_649 = arith.index_cast %swap3A_648 : i32 to index
    %swap3A_650 = arith.constant 96 : index
    %swap3A_651 = tpu.vector_load %arg6[%swap3A_649, %swap3A_650] {strides = array<i32>} : memref<20x128xi32, #tpu.memory_space<vmem>>, vector<16xi32>,
    tpu.vector_store %arg6[%swap3A_649, %swap3A_650], %gather3A_647 {strides = array<i32>} : memref<20x128xi32, #tpu.memory_space<vmem>>, vector<16xi32>,
    %add3A_652 = arith.constant 112 : i32
    %add3A_653 = vector.broadcast %add3A_652 : i32 to vector<16xi32>
    %add3A_654 = arith.addi %iota3A, %add3A_653 : vector<16xi32>
    %gather3A_655 = tpu.vector_load_idx %arg5[%add3A_654, %broadcast_in_dim3A_595] : memref<128x20xi32, #tpu.memory_space<vmem>>[vector<16xi32>, vector<16xi32>], vector<16xi32>,
    %swap3A_656 = arith.constant 6 : i32
    %swap3A_657 = arith.index_cast %swap3A_656 : i32 to index
    %swap3A_658 = arith.constant 112 : index
    %swap3A_659 = tpu.vector_load %arg6[%swap3A_657, %swap3A_658] {strides = array<i32>} : memref<20x128xi32, #tpu.memory_space<vmem>>, vector<16xi32>,
    tpu.vector_store %arg6[%swap3A_657, %swap3A_658], %gather3A_655 {strides = array<i32>} : memref<20x128xi32, #tpu.memory_space<vmem>>, vector<16xi32>,
    %dma_start3A_660 = arith.constant 6 : i32
    %dma_start3A_661 = arith.constant 0 : i32
    %dma_start3A_662 = arith.constant 0 : i32
    %dma_start3A_663 = arith.constant 0 : i32
    %dma_start3A_664 = tpu.memref_slice %arg7[%dma_start3A_661, %dma_start3A_662, %dma_start3A_663] : memref<6x128x128xf32, #tpu.memory_space<vmem>> -> memref<1x128x128xf32, #tpu.memory_space<vmem>>
    %dma_start3A_665 = tpu.memref_squeeze %dma_start3A_664 : memref<1x128x128xf32, #tpu.memory_space<vmem>> -> memref<128x128xf32, #tpu.memory_space<vmem>>
    %dma_start3A_666 = arith.constant 0 : i32
    %dma_start3A_667 = tpu.memref_slice %arg6[%dma_start3A_660, %dma_start3A_666] : memref<20x128xi32, #tpu.memory_space<vmem>> -> memref<1x128xi32, #tpu.memory_space<vmem>>
    %dma_start3A_668 = tpu.memref_squeeze %dma_start3A_667 : memref<1x128xi32, #tpu.memory_space<vmem>> -> memref<128xi32, #tpu.memory_space<vmem>>
    %dma_start3A_669 = arith.constant 0 : i32
    %dma_start3A_670 = arith.constant 0 : i32
    %dma_start3A_671 = tpu.memref_slice %arg3[%dma_start3A_669, %dma_start3A_670] : memref<100000x128xf32, #tpu.memory_space<hbm>> -> memref<100000x128xf32, #tpu.memory_space<hbm>>
    tpu.enqueue_indirect_dma source(%dma_start3A_671 : memref<100000x128xf32, #tpu.memory_space<hbm>>) target(%dma_start3A_665 : memref<128x128xf32, #tpu.memory_space<vmem>>) offsets(%dma_start3A_668 : memref<128xi32, #tpu.memory_space<vmem>>) semaphore(%arg8 : memref<!tpu.dma_semaphore, #tpu.memory_space<semaphore_mem>>)
    %dma_wait3A_672 = arith.constant 0 : i32
    %dma_wait3A_673 = arith.constant 0 : i32
    %dma_wait3A_674 = arith.constant 0 : i32
    %dma_wait3A_675 = arith.constant 0 : i32
    %dma_wait3A_676 = tpu.memref_slice %arg7[%dma_wait3A_673, %dma_wait3A_674, %dma_wait3A_675] : memref<6x128x128xf32, #tpu.memory_space<vmem>> -> memref<1x128x128xf32, #tpu.memory_space<vmem>>
    %dma_wait3A_677 = tpu.memref_squeeze %dma_wait3A_676 : memref<1x128x128xf32, #tpu.memory_space<vmem>> -> memref<128x128xf32, #tpu.memory_space<vmem>>
    %dma_wait3A_678 = arith.constant 0 : i32
    %dma_wait3A_679 = tpu.memref_slice %arg4[%dma_wait3A_672, %mul3A_2, %dma_wait3A_678] : memref<20x4096x128xf32, #tpu.memory_space<hbm>> -> memref<1x128x128xf32, #tpu.memory_space<hbm>>
    %dma_wait3A_680 = tpu.memref_squeeze %dma_wait3A_679 : memref<1x128x128xf32, #tpu.memory_space<hbm>> -> memref<128x128xf32, #tpu.memory_space<hbm>>
    %dma_wait3A_681 = arith.constant 0 : i32
    %dma_wait3A_682 = arith.constant 0 : i32
    %dma_wait3A_683 = tpu.memref_slice %arg7[%dma_wait3A_673, %dma_wait3A_681, %dma_wait3A_682] : memref<6x128x128xf32, #tpu.memory_space<vmem>> -> memref<1x128x128xf32, #tpu.memory_space<vmem>>
    %dma_wait3A_684 = tpu.memref_squeeze %dma_wait3A_683 : memref<1x128x128xf32, #tpu.memory_space<vmem>> -> memref<128x128xf32, #tpu.memory_space<vmem>>
    %dma_wait3A_685 = arith.constant 0 : i32
    %dma_wait3A_686 = tpu.memref_slice %arg4[%dma_wait3A_672, %mul3A_2, %dma_wait3A_685] : memref<20x4096x128xf32, #tpu.memory_space<hbm>> -> memref<1x128x128xf32, #tpu.memory_space<hbm>>
    %dma_wait3A_687 = tpu.memref_squeeze %dma_wait3A_686 : memref<1x128x128xf32, #tpu.memory_space<hbm>> -> memref<128x128xf32, #tpu.memory_space<hbm>>
    tpu.wait_dma2 semaphore(%arg8 : memref<!tpu.dma_semaphore, #tpu.memory_space<semaphore_mem>>) src(%dma_wait3A_687 : memref<128x128xf32, #tpu.memory_space<hbm>>) dst(%dma_wait3A_684 : memref<128x128xf32, #tpu.memory_space<vmem>>)
    %dma_start3A_688 = arith.constant 3 : i32
    %dma_start3A_689 = arith.constant 3 : i32
    %dma_start3A_690 = arith.constant 0 : i32
    %dma_start3A_691 = arith.constant 0 : i32
    %dma_start3A_692 = tpu.memref_slice %arg7[%dma_start3A_688, %dma_start3A_690, %dma_start3A_691] : memref<6x128x128xf32, #tpu.memory_space<vmem>> -> memref<1x128x128xf32, #tpu.memory_space<vmem>>
    %dma_start3A_693 = tpu.memref_squeeze %dma_start3A_692 : memref<1x128x128xf32, #tpu.memory_space<vmem>> -> memref<128x128xf32, #tpu.memory_space<vmem>>
    %dma_start3A_694 = arith.constant 0 : i32
    %dma_start3A_695 = tpu.memref_slice %arg4[%dma_start3A_689, %mul3A_2, %dma_start3A_694] : memref<20x4096x128xf32, #tpu.memory_space<hbm>> -> memref<1x128x128xf32, #tpu.memory_space<hbm>>
    %dma_start3A_696 = tpu.memref_squeeze %dma_start3A_695 : memref<1x128x128xf32, #tpu.memory_space<hbm>> -> memref<128x128xf32, #tpu.memory_space<hbm>>
    %dma_start3A_697 = arith.constant 0 : i32
    %dma_start3A_698 = tpu.memref_slice %arg4[%dma_start3A_689, %mul3A_2, %dma_start3A_697] : memref<20x4096x128xf32, #tpu.memory_space<hbm>> -> memref<1x128x128xf32, #tpu.memory_space<hbm>>
    %dma_start3A_699 = tpu.memref_squeeze %dma_start3A_698 : memref<1x128x128xf32, #tpu.memory_space<hbm>> -> memref<128x128xf32, #tpu.memory_space<hbm>>
    %dma_start3A_700 = arith.constant 0 : i32
    %dma_start3A_701 = arith.constant 0 : i32
    %dma_start3A_702 = tpu.memref_slice %arg7[%dma_start3A_688, %dma_start3A_700, %dma_start3A_701] : memref<6x128x128xf32, #tpu.memory_space<vmem>> -> memref<1x128x128xf32, #tpu.memory_space<vmem>>
    %dma_start3A_703 = tpu.memref_squeeze %dma_start3A_702 : memref<1x128x128xf32, #tpu.memory_space<vmem>> -> memref<128x128xf32, #tpu.memory_space<vmem>>
    tpu.enqueue_dma source(%dma_start3A_703 : memref<128x128xf32, #tpu.memory_space<vmem>>) target(%dma_start3A_699 : memref<128x128xf32, #tpu.memory_space<hbm>>) target_semaphore(%arg9 : memref<!tpu.dma_semaphore, #tpu.memory_space<semaphore_mem>>)
    %dma_wait3A_704 = arith.constant 0 : i32
    %dma_wait3A_705 = arith.constant 0 : i32
    %dma_wait3A_706 = arith.constant 0 : i32
    %dma_wait3A_707 = arith.constant 0 : i32
    %dma_wait3A_708 = tpu.memref_slice %arg7[%dma_wait3A_704, %dma_wait3A_706, %dma_wait3A_707] : memref<6x128x128xf32, #tpu.memory_space<vmem>> -> memref<1x128x128xf32, #tpu.memory_space<vmem>>
    %dma_wait3A_709 = tpu.memref_squeeze %dma_wait3A_708 : memref<1x128x128xf32, #tpu.memory_space<vmem>> -> memref<128x128xf32, #tpu.memory_space<vmem>>
    %dma_wait3A_710 = arith.constant 0 : i32
    %dma_wait3A_711 = tpu.memref_slice %arg4[%dma_wait3A_705, %mul3A_2, %dma_wait3A_710] : memref<20x4096x128xf32, #tpu.memory_space<hbm>> -> memref<1x128x128xf32, #tpu.memory_space<hbm>>
    %dma_wait3A_712 = tpu.memref_squeeze %dma_wait3A_711 : memref<1x128x128xf32, #tpu.memory_space<hbm>> -> memref<128x128xf32, #tpu.memory_space<hbm>>
    %dma_wait3A_713 = arith.constant 0 : i32
    %dma_wait3A_714 = tpu.memref_slice %arg4[%dma_wait3A_705, %mul3A_2, %dma_wait3A_713] : memref<20x4096x128xf32, #tpu.memory_space<hbm>> -> memref<1x128x128xf32, #tpu.memory_space<hbm>>
    %dma_wait3A_715 = tpu.memref_squeeze %dma_wait3A_714 : memref<1x128x128xf32, #tpu.memory_space<hbm>> -> memref<128x128xf32, #tpu.memory_space<hbm>>
    %dma_wait3A_716 = arith.constant 0 : i32
    %dma_wait3A_717 = arith.constant 0 : i32
    %dma_wait3A_718 = tpu.memref_slice %arg7[%dma_wait3A_704, %dma_wait3A_716, %dma_wait3A_717] : memref<6x128x128xf32, #tpu.memory_space<vmem>> -> memref<1x128x128xf32, #tpu.memory_space<vmem>>
    %dma_wait3A_719 = tpu.memref_squeeze %dma_wait3A_718 : memref<1x128x128xf32, #tpu.memory_space<vmem>> -> memref<128x128xf32, #tpu.memory_space<vmem>>
    tpu.wait_dma2 semaphore(%arg9 : memref<!tpu.dma_semaphore, #tpu.memory_space<semaphore_mem>>) src(%dma_wait3A_719 : memref<128x128xf32, #tpu.memory_space<vmem>>) dst(%dma_wait3A_715 : memref<128x128xf32, #tpu.memory_space<hbm>>)
    %broadcast_in_dim3A_720 = arith.constant 7 : i32
    %broadcast_in_dim3A_721 = vector.broadcast %broadcast_in_dim3A_720 : i32 to vector<16xi32>
    %add3A_722 = arith.constant 0 : i32
    %add3A_723 = vector.broadcast %add3A_722 : i32 to vector<16xi32>
    %add3A_724 = arith.addi %iota3A, %add3A_723 : vector<16xi32>
    %gather3A_725 = tpu.vector_load_idx %arg5[%add3A_724, %broadcast_in_dim3A_721] : memref<128x20xi32, #tpu.memory_space<vmem>>[vector<16xi32>, vector<16xi32>], vector<16xi32>,
    %swap3A_726 = arith.constant 7 : i32
    %swap3A_727 = arith.index_cast %swap3A_726 : i32 to index
    %swap3A_728 = arith.constant 0 : index
    %swap3A_729 = tpu.vector_load %arg6[%swap3A_727, %swap3A_728] {strides = array<i32>} : memref<20x128xi32, #tpu.memory_space<vmem>>, vector<16xi32>,
    tpu.vector_store %arg6[%swap3A_727, %swap3A_728], %gather3A_725 {strides = array<i32>} : memref<20x128xi32, #tpu.memory_space<vmem>>, vector<16xi32>,
    %add3A_730 = arith.constant 16 : i32
    %add3A_731 = vector.broadcast %add3A_730 : i32 to vector<16xi32>
    %add3A_732 = arith.addi %iota3A, %add3A_731 : vector<16xi32>
    %gather3A_733 = tpu.vector_load_idx %arg5[%add3A_732, %broadcast_in_dim3A_721] : memref<128x20xi32, #tpu.memory_space<vmem>>[vector<16xi32>, vector<16xi32>], vector<16xi32>,
    %swap3A_734 = arith.constant 7 : i32
    %swap3A_735 = arith.index_cast %swap3A_734 : i32 to index
    %swap3A_736 = arith.constant 16 : index
    %swap3A_737 = tpu.vector_load %arg6[%swap3A_735, %swap3A_736] {strides = array<i32>} : memref<20x128xi32, #tpu.memory_space<vmem>>, vector<16xi32>,
    tpu.vector_store %arg6[%swap3A_735, %swap3A_736], %gather3A_733 {strides = array<i32>} : memref<20x128xi32, #tpu.memory_space<vmem>>, vector<16xi32>,
    %add3A_738 = arith.constant 32 : i32
    %add3A_739 = vector.broadcast %add3A_738 : i32 to vector<16xi32>
    %add3A_740 = arith.addi %iota3A, %add3A_739 : vector<16xi32>
    %gather3A_741 = tpu.vector_load_idx %arg5[%add3A_740, %broadcast_in_dim3A_721] : memref<128x20xi32, #tpu.memory_space<vmem>>[vector<16xi32>, vector<16xi32>], vector<16xi32>,
    %swap3A_742 = arith.constant 7 : i32
    %swap3A_743 = arith.index_cast %swap3A_742 : i32 to index
    %swap3A_744 = arith.constant 32 : index
    %swap3A_745 = tpu.vector_load %arg6[%swap3A_743, %swap3A_744] {strides = array<i32>} : memref<20x128xi32, #tpu.memory_space<vmem>>, vector<16xi32>,
    tpu.vector_store %arg6[%swap3A_743, %swap3A_744], %gather3A_741 {strides = array<i32>} : memref<20x128xi32, #tpu.memory_space<vmem>>, vector<16xi32>,
    %add3A_746 = arith.constant 48 : i32
    %add3A_747 = vector.broadcast %add3A_746 : i32 to vector<16xi32>
    %add3A_748 = arith.addi %iota3A, %add3A_747 : vector<16xi32>
    %gather3A_749 = tpu.vector_load_idx %arg5[%add3A_748, %broadcast_in_dim3A_721] : memref<128x20xi32, #tpu.memory_space<vmem>>[vector<16xi32>, vector<16xi32>], vector<16xi32>,
    %swap3A_750 = arith.constant 7 : i32
    %swap3A_751 = arith.index_cast %swap3A_750 : i32 to index
    %swap3A_752 = arith.constant 48 : index
    %swap3A_753 = tpu.vector_load %arg6[%swap3A_751, %swap3A_752] {strides = array<i32>} : memref<20x128xi32, #tpu.memory_space<vmem>>, vector<16xi32>,
    tpu.vector_store %arg6[%swap3A_751, %swap3A_752], %gather3A_749 {strides = array<i32>} : memref<20x128xi32, #tpu.memory_space<vmem>>, vector<16xi32>,
    %add3A_754 = arith.constant 64 : i32
    %add3A_755 = vector.broadcast %add3A_754 : i32 to vector<16xi32>
    %add3A_756 = arith.addi %iota3A, %add3A_755 : vector<16xi32>
    %gather3A_757 = tpu.vector_load_idx %arg5[%add3A_756, %broadcast_in_dim3A_721] : memref<128x20xi32, #tpu.memory_space<vmem>>[vector<16xi32>, vector<16xi32>], vector<16xi32>,
    %swap3A_758 = arith.constant 7 : i32
    %swap3A_759 = arith.index_cast %swap3A_758 : i32 to index
    %swap3A_760 = arith.constant 64 : index
    %swap3A_761 = tpu.vector_load %arg6[%swap3A_759, %swap3A_760] {strides = array<i32>} : memref<20x128xi32, #tpu.memory_space<vmem>>, vector<16xi32>,
    tpu.vector_store %arg6[%swap3A_759, %swap3A_760], %gather3A_757 {strides = array<i32>} : memref<20x128xi32, #tpu.memory_space<vmem>>, vector<16xi32>,
    %add3A_762 = arith.constant 80 : i32
    %add3A_763 = vector.broadcast %add3A_762 : i32 to vector<16xi32>
    %add3A_764 = arith.addi %iota3A, %add3A_763 : vector<16xi32>
    %gather3A_765 = tpu.vector_load_idx %arg5[%add3A_764, %broadcast_in_dim3A_721] : memref<128x20xi32, #tpu.memory_space<vmem>>[vector<16xi32>, vector<16xi32>], vector<16xi32>,
    %swap3A_766 = arith.constant 7 : i32
    %swap3A_767 = arith.index_cast %swap3A_766 : i32 to index
    %swap3A_768 = arith.constant 80 : index
    %swap3A_769 = tpu.vector_load %arg6[%swap3A_767, %swap3A_768] {strides = array<i32>} : memref<20x128xi32, #tpu.memory_space<vmem>>, vector<16xi32>,
    tpu.vector_store %arg6[%swap3A_767, %swap3A_768], %gather3A_765 {strides = array<i32>} : memref<20x128xi32, #tpu.memory_space<vmem>>, vector<16xi32>,
    %add3A_770 = arith.constant 96 : i32
    %add3A_771 = vector.broadcast %add3A_770 : i32 to vector<16xi32>
    %add3A_772 = arith.addi %iota3A, %add3A_771 : vector<16xi32>
    %gather3A_773 = tpu.vector_load_idx %arg5[%add3A_772, %broadcast_in_dim3A_721] : memref<128x20xi32, #tpu.memory_space<vmem>>[vector<16xi32>, vector<16xi32>], vector<16xi32>,
    %swap3A_774 = arith.constant 7 : i32
    %swap3A_775 = arith.index_cast %swap3A_774 : i32 to index
    %swap3A_776 = arith.constant 96 : index
    %swap3A_777 = tpu.vector_load %arg6[%swap3A_775, %swap3A_776] {strides = array<i32>} : memref<20x128xi32, #tpu.memory_space<vmem>>, vector<16xi32>,
    tpu.vector_store %arg6[%swap3A_775, %swap3A_776], %gather3A_773 {strides = array<i32>} : memref<20x128xi32, #tpu.memory_space<vmem>>, vector<16xi32>,
    %add3A_778 = arith.constant 112 : i32
    %add3A_779 = vector.broadcast %add3A_778 : i32 to vector<16xi32>
    %add3A_780 = arith.addi %iota3A, %add3A_779 : vector<16xi32>
    %gather3A_781 = tpu.vector_load_idx %arg5[%add3A_780, %broadcast_in_dim3A_721] : memref<128x20xi32, #tpu.memory_space<vmem>>[vector<16xi32>, vector<16xi32>], vector<16xi32>,
    %swap3A_782 = arith.constant 7 : i32
    %swap3A_783 = arith.index_cast %swap3A_782 : i32 to index
    %swap3A_784 = arith.constant 112 : index
    %swap3A_785 = tpu.vector_load %arg6[%swap3A_783, %swap3A_784] {strides = array<i32>} : memref<20x128xi32, #tpu.memory_space<vmem>>, vector<16xi32>,
    tpu.vector_store %arg6[%swap3A_783, %swap3A_784], %gather3A_781 {strides = array<i32>} : memref<20x128xi32, #tpu.memory_space<vmem>>, vector<16xi32>,
    %dma_start3A_786 = arith.constant 7 : i32
    %dma_start3A_787 = arith.constant 1 : i32
    %dma_start3A_788 = arith.constant 0 : i32
    %dma_start3A_789 = arith.constant 0 : i32
    %dma_start3A_790 = tpu.memref_slice %arg7[%dma_start3A_787, %dma_start3A_788, %dma_start3A_789] : memref<6x128x128xf32, #tpu.memory_space<vmem>> -> memref<1x128x128xf32, #tpu.memory_space<vmem>>
    %dma_start3A_791 = tpu.memref_squeeze %dma_start3A_790 : memref<1x128x128xf32, #tpu.memory_space<vmem>> -> memref<128x128xf32, #tpu.memory_space<vmem>>
    %dma_start3A_792 = arith.constant 0 : i32
    %dma_start3A_793 = tpu.memref_slice %arg6[%dma_start3A_786, %dma_start3A_792] : memref<20x128xi32, #tpu.memory_space<vmem>> -> memref<1x128xi32, #tpu.memory_space<vmem>>
    %dma_start3A_794 = tpu.memref_squeeze %dma_start3A_793 : memref<1x128xi32, #tpu.memory_space<vmem>> -> memref<128xi32, #tpu.memory_space<vmem>>
    %dma_start3A_795 = arith.constant 0 : i32
    %dma_start3A_796 = arith.constant 0 : i32
    %dma_start3A_797 = tpu.memref_slice %arg3[%dma_start3A_795, %dma_start3A_796] : memref<100000x128xf32, #tpu.memory_space<hbm>> -> memref<100000x128xf32, #tpu.memory_space<hbm>>
    tpu.enqueue_indirect_dma source(%dma_start3A_797 : memref<100000x128xf32, #tpu.memory_space<hbm>>) target(%dma_start3A_791 : memref<128x128xf32, #tpu.memory_space<vmem>>) offsets(%dma_start3A_794 : memref<128xi32, #tpu.memory_space<vmem>>) semaphore(%arg8 : memref<!tpu.dma_semaphore, #tpu.memory_space<semaphore_mem>>)
    %dma_wait3A_798 = arith.constant 0 : i32
    %dma_wait3A_799 = arith.constant 0 : i32
    %dma_wait3A_800 = arith.constant 0 : i32
    %dma_wait3A_801 = arith.constant 0 : i32
    %dma_wait3A_802 = tpu.memref_slice %arg7[%dma_wait3A_799, %dma_wait3A_800, %dma_wait3A_801] : memref<6x128x128xf32, #tpu.memory_space<vmem>> -> memref<1x128x128xf32, #tpu.memory_space<vmem>>
    %dma_wait3A_803 = tpu.memref_squeeze %dma_wait3A_802 : memref<1x128x128xf32, #tpu.memory_space<vmem>> -> memref<128x128xf32, #tpu.memory_space<vmem>>
    %dma_wait3A_804 = arith.constant 0 : i32
    %dma_wait3A_805 = tpu.memref_slice %arg4[%dma_wait3A_798, %mul3A_2, %dma_wait3A_804] : memref<20x4096x128xf32, #tpu.memory_space<hbm>> -> memref<1x128x128xf32, #tpu.memory_space<hbm>>
    %dma_wait3A_806 = tpu.memref_squeeze %dma_wait3A_805 : memref<1x128x128xf32, #tpu.memory_space<hbm>> -> memref<128x128xf32, #tpu.memory_space<hbm>>
    %dma_wait3A_807 = arith.constant 0 : i32
    %dma_wait3A_808 = arith.constant 0 : i32
    %dma_wait3A_809 = tpu.memref_slice %arg7[%dma_wait3A_799, %dma_wait3A_807, %dma_wait3A_808] : memref<6x128x128xf32, #tpu.memory_space<vmem>> -> memref<1x128x128xf32, #tpu.memory_space<vmem>>
    %dma_wait3A_810 = tpu.memref_squeeze %dma_wait3A_809 : memref<1x128x128xf32, #tpu.memory_space<vmem>> -> memref<128x128xf32, #tpu.memory_space<vmem>>
    %dma_wait3A_811 = arith.constant 0 : i32
    %dma_wait3A_812 = tpu.memref_slice %arg4[%dma_wait3A_798, %mul3A_2, %dma_wait3A_811] : memref<20x4096x128xf32, #tpu.memory_space<hbm>> -> memref<1x128x128xf32, #tpu.memory_space<hbm>>
    %dma_wait3A_813 = tpu.memref_squeeze %dma_wait3A_812 : memref<1x128x128xf32, #tpu.memory_space<hbm>> -> memref<128x128xf32, #tpu.memory_space<hbm>>
    tpu.wait_dma2 semaphore(%arg8 : memref<!tpu.dma_semaphore, #tpu.memory_space<semaphore_mem>>) src(%dma_wait3A_813 : memref<128x128xf32, #tpu.memory_space<hbm>>) dst(%dma_wait3A_810 : memref<128x128xf32, #tpu.memory_space<vmem>>)
    %dma_start3A_814 = arith.constant 4 : i32
    %dma_start3A_815 = arith.constant 4 : i32
    %dma_start3A_816 = arith.constant 0 : i32
    %dma_start3A_817 = arith.constant 0 : i32
    %dma_start3A_818 = tpu.memref_slice %arg7[%dma_start3A_814, %dma_start3A_816, %dma_start3A_817] : memref<6x128x128xf32, #tpu.memory_space<vmem>> -> memref<1x128x128xf32, #tpu.memory_space<vmem>>
    %dma_start3A_819 = tpu.memref_squeeze %dma_start3A_818 : memref<1x128x128xf32, #tpu.memory_space<vmem>> -> memref<128x128xf32, #tpu.memory_space<vmem>>
    %dma_start3A_820 = arith.constant 0 : i32
    %dma_start3A_821 = tpu.memref_slice %arg4[%dma_start3A_815, %mul3A_2, %dma_start3A_820] : memref<20x4096x128xf32, #tpu.memory_space<hbm>> -> memref<1x128x128xf32, #tpu.memory_space<hbm>>
    %dma_start3A_822 = tpu.memref_squeeze %dma_start3A_821 : memref<1x128x128xf32, #tpu.memory_space<hbm>> -> memref<128x128xf32, #tpu.memory_space<hbm>>
    %dma_start3A_823 = arith.constant 0 : i32
    %dma_start3A_824 = tpu.memref_slice %arg4[%dma_start3A_815, %mul3A_2, %dma_start3A_823] : memref<20x4096x128xf32, #tpu.memory_space<hbm>> -> memref<1x128x128xf32, #tpu.memory_space<hbm>>
    %dma_start3A_825 = tpu.memref_squeeze %dma_start3A_824 : memref<1x128x128xf32, #tpu.memory_space<hbm>> -> memref<128x128xf32, #tpu.memory_space<hbm>>
    %dma_start3A_826 = arith.constant 0 : i32
    %dma_start3A_827 = arith.constant 0 : i32
    %dma_start3A_828 = tpu.memref_slice %arg7[%dma_start3A_814, %dma_start3A_826, %dma_start3A_827] : memref<6x128x128xf32, #tpu.memory_space<vmem>> -> memref<1x128x128xf32, #tpu.memory_space<vmem>>
    %dma_start3A_829 = tpu.memref_squeeze %dma_start3A_828 : memref<1x128x128xf32, #tpu.memory_space<vmem>> -> memref<128x128xf32, #tpu.memory_space<vmem>>
    tpu.enqueue_dma source(%dma_start3A_829 : memref<128x128xf32, #tpu.memory_space<vmem>>) target(%dma_start3A_825 : memref<128x128xf32, #tpu.memory_space<hbm>>) target_semaphore(%arg9 : memref<!tpu.dma_semaphore, #tpu.memory_space<semaphore_mem>>)
    %dma_wait3A_830 = arith.constant 0 : i32
    %dma_wait3A_831 = arith.constant 0 : i32
    %dma_wait3A_832 = arith.constant 0 : i32
    %dma_wait3A_833 = arith.constant 0 : i32
    %dma_wait3A_834 = tpu.memref_slice %arg7[%dma_wait3A_830, %dma_wait3A_832, %dma_wait3A_833] : memref<6x128x128xf32, #tpu.memory_space<vmem>> -> memref<1x128x128xf32, #tpu.memory_space<vmem>>
    %dma_wait3A_835 = tpu.memref_squeeze %dma_wait3A_834 : memref<1x128x128xf32, #tpu.memory_space<vmem>> -> memref<128x128xf32, #tpu.memory_space<vmem>>
    %dma_wait3A_836 = arith.constant 0 : i32
    %dma_wait3A_837 = tpu.memref_slice %arg4[%dma_wait3A_831, %mul3A_2, %dma_wait3A_836] : memref<20x4096x128xf32, #tpu.memory_space<hbm>> -> memref<1x128x128xf32, #tpu.memory_space<hbm>>
    %dma_wait3A_838 = tpu.memref_squeeze %dma_wait3A_837 : memref<1x128x128xf32, #tpu.memory_space<hbm>> -> memref<128x128xf32, #tpu.memory_space<hbm>>
    %dma_wait3A_839 = arith.constant 0 : i32
    %dma_wait3A_840 = tpu.memref_slice %arg4[%dma_wait3A_831, %mul3A_2, %dma_wait3A_839] : memref<20x4096x128xf32, #tpu.memory_space<hbm>> -> memref<1x128x128xf32, #tpu.memory_space<hbm>>
    %dma_wait3A_841 = tpu.memref_squeeze %dma_wait3A_840 : memref<1x128x128xf32, #tpu.memory_space<hbm>> -> memref<128x128xf32, #tpu.memory_space<hbm>>
    %dma_wait3A_842 = arith.constant 0 : i32
    %dma_wait3A_843 = arith.constant 0 : i32
    %dma_wait3A_844 = tpu.memref_slice %arg7[%dma_wait3A_830, %dma_wait3A_842, %dma_wait3A_843] : memref<6x128x128xf32, #tpu.memory_space<vmem>> -> memref<1x128x128xf32, #tpu.memory_space<vmem>>
    %dma_wait3A_845 = tpu.memref_squeeze %dma_wait3A_844 : memref<1x128x128xf32, #tpu.memory_space<vmem>> -> memref<128x128xf32, #tpu.memory_space<vmem>>
    tpu.wait_dma2 semaphore(%arg9 : memref<!tpu.dma_semaphore, #tpu.memory_space<semaphore_mem>>) src(%dma_wait3A_845 : memref<128x128xf32, #tpu.memory_space<vmem>>) dst(%dma_wait3A_841 : memref<128x128xf32, #tpu.memory_space<hbm>>)
    %broadcast_in_dim3A_846 = arith.constant 8 : i32
    %broadcast_in_dim3A_847 = vector.broadcast %broadcast_in_dim3A_846 : i32 to vector<16xi32>
    %add3A_848 = arith.constant 0 : i32
    %add3A_849 = vector.broadcast %add3A_848 : i32 to vector<16xi32>
    %add3A_850 = arith.addi %iota3A, %add3A_849 : vector<16xi32>
    %gather3A_851 = tpu.vector_load_idx %arg5[%add3A_850, %broadcast_in_dim3A_847] : memref<128x20xi32, #tpu.memory_space<vmem>>[vector<16xi32>, vector<16xi32>], vector<16xi32>,
    %swap3A_852 = arith.constant 8 : i32
    %swap3A_853 = arith.index_cast %swap3A_852 : i32 to index
    %swap3A_854 = arith.constant 0 : index
    %swap3A_855 = tpu.vector_load %arg6[%swap3A_853, %swap3A_854] {strides = array<i32>} : memref<20x128xi32, #tpu.memory_space<vmem>>, vector<16xi32>,
    tpu.vector_store %arg6[%swap3A_853, %swap3A_854], %gather3A_851 {strides = array<i32>} : memref<20x128xi32, #tpu.memory_space<vmem>>, vector<16xi32>,
    %add3A_856 = arith.constant 16 : i32
    %add3A_857 = vector.broadcast %add3A_856 : i32 to vector<16xi32>
    %add3A_858 = arith.addi %iota3A, %add3A_857 : vector<16xi32>
    %gather3A_859 = tpu.vector_load_idx %arg5[%add3A_858, %broadcast_in_dim3A_847] : memref<128x20xi32, #tpu.memory_space<vmem>>[vector<16xi32>, vector<16xi32>], vector<16xi32>,
    %swap3A_860 = arith.constant 8 : i32
    %swap3A_861 = arith.index_cast %swap3A_860 : i32 to index
    %swap3A_862 = arith.constant 16 : index
    %swap3A_863 = tpu.vector_load %arg6[%swap3A_861, %swap3A_862] {strides = array<i32>} : memref<20x128xi32, #tpu.memory_space<vmem>>, vector<16xi32>,
    tpu.vector_store %arg6[%swap3A_861, %swap3A_862], %gather3A_859 {strides = array<i32>} : memref<20x128xi32, #tpu.memory_space<vmem>>, vector<16xi32>,
    %add3A_864 = arith.constant 32 : i32
    %add3A_865 = vector.broadcast %add3A_864 : i32 to vector<16xi32>
    %add3A_866 = arith.addi %iota3A, %add3A_865 : vector<16xi32>
    %gather3A_867 = tpu.vector_load_idx %arg5[%add3A_866, %broadcast_in_dim3A_847] : memref<128x20xi32, #tpu.memory_space<vmem>>[vector<16xi32>, vector<16xi32>], vector<16xi32>,
    %swap3A_868 = arith.constant 8 : i32
    %swap3A_869 = arith.index_cast %swap3A_868 : i32 to index
    %swap3A_870 = arith.constant 32 : index
    %swap3A_871 = tpu.vector_load %arg6[%swap3A_869, %swap3A_870] {strides = array<i32>} : memref<20x128xi32, #tpu.memory_space<vmem>>, vector<16xi32>,
    tpu.vector_store %arg6[%swap3A_869, %swap3A_870], %gather3A_867 {strides = array<i32>} : memref<20x128xi32, #tpu.memory_space<vmem>>, vector<16xi32>,
    %add3A_872 = arith.constant 48 : i32
    %add3A_873 = vector.broadcast %add3A_872 : i32 to vector<16xi32>
    %add3A_874 = arith.addi %iota3A, %add3A_873 : vector<16xi32>
    %gather3A_875 = tpu.vector_load_idx %arg5[%add3A_874, %broadcast_in_dim3A_847] : memref<128x20xi32, #tpu.memory_space<vmem>>[vector<16xi32>, vector<16xi32>], vector<16xi32>,
    %swap3A_876 = arith.constant 8 : i32
    %swap3A_877 = arith.index_cast %swap3A_876 : i32 to index
    %swap3A_878 = arith.constant 48 : index
    %swap3A_879 = tpu.vector_load %arg6[%swap3A_877, %swap3A_878] {strides = array<i32>} : memref<20x128xi32, #tpu.memory_space<vmem>>, vector<16xi32>,
    tpu.vector_store %arg6[%swap3A_877, %swap3A_878], %gather3A_875 {strides = array<i32>} : memref<20x128xi32, #tpu.memory_space<vmem>>, vector<16xi32>,
    %add3A_880 = arith.constant 64 : i32
    %add3A_881 = vector.broadcast %add3A_880 : i32 to vector<16xi32>
    %add3A_882 = arith.addi %iota3A, %add3A_881 : vector<16xi32>
    %gather3A_883 = tpu.vector_load_idx %arg5[%add3A_882, %broadcast_in_dim3A_847] : memref<128x20xi32, #tpu.memory_space<vmem>>[vector<16xi32>, vector<16xi32>], vector<16xi32>,
    %swap3A_884 = arith.constant 8 : i32
    %swap3A_885 = arith.index_cast %swap3A_884 : i32 to index
    %swap3A_886 = arith.constant 64 : index
    %swap3A_887 = tpu.vector_load %arg6[%swap3A_885, %swap3A_886] {strides = array<i32>} : memref<20x128xi32, #tpu.memory_space<vmem>>, vector<16xi32>,
    tpu.vector_store %arg6[%swap3A_885, %swap3A_886], %gather3A_883 {strides = array<i32>} : memref<20x128xi32, #tpu.memory_space<vmem>>, vector<16xi32>,
    %add3A_888 = arith.constant 80 : i32
    %add3A_889 = vector.broadcast %add3A_888 : i32 to vector<16xi32>
    %add3A_890 = arith.addi %iota3A, %add3A_889 : vector<16xi32>
    %gather3A_891 = tpu.vector_load_idx %arg5[%add3A_890, %broadcast_in_dim3A_847] : memref<128x20xi32, #tpu.memory_space<vmem>>[vector<16xi32>, vector<16xi32>], vector<16xi32>,
    %swap3A_892 = arith.constant 8 : i32
    %swap3A_893 = arith.index_cast %swap3A_892 : i32 to index
    %swap3A_894 = arith.constant 80 : index
    %swap3A_895 = tpu.vector_load %arg6[%swap3A_893, %swap3A_894] {strides = array<i32>} : memref<20x128xi32, #tpu.memory_space<vmem>>, vector<16xi32>,
    tpu.vector_store %arg6[%swap3A_893, %swap3A_894], %gather3A_891 {strides = array<i32>} : memref<20x128xi32, #tpu.memory_space<vmem>>, vector<16xi32>,
    %add3A_896 = arith.constant 96 : i32
    %add3A_897 = vector.broadcast %add3A_896 : i32 to vector<16xi32>
    %add3A_898 = arith.addi %iota3A, %add3A_897 : vector<16xi32>
    %gather3A_899 = tpu.vector_load_idx %arg5[%add3A_898, %broadcast_in_dim3A_847] : memref<128x20xi32, #tpu.memory_space<vmem>>[vector<16xi32>, vector<16xi32>], vector<16xi32>,
    %swap3A_900 = arith.constant 8 : i32
    %swap3A_901 = arith.index_cast %swap3A_900 : i32 to index
    %swap3A_902 = arith.constant 96 : index
    %swap3A_903 = tpu.vector_load %arg6[%swap3A_901, %swap3A_902] {strides = array<i32>} : memref<20x128xi32, #tpu.memory_space<vmem>>, vector<16xi32>,
    tpu.vector_store %arg6[%swap3A_901, %swap3A_902], %gather3A_899 {strides = array<i32>} : memref<20x128xi32, #tpu.memory_space<vmem>>, vector<16xi32>,
    %add3A_904 = arith.constant 112 : i32
    %add3A_905 = vector.broadcast %add3A_904 : i32 to vector<16xi32>
    %add3A_906 = arith.addi %iota3A, %add3A_905 : vector<16xi32>
    %gather3A_907 = tpu.vector_load_idx %arg5[%add3A_906, %broadcast_in_dim3A_847] : memref<128x20xi32, #tpu.memory_space<vmem>>[vector<16xi32>, vector<16xi32>], vector<16xi32>,
    %swap3A_908 = arith.constant 8 : i32
    %swap3A_909 = arith.index_cast %swap3A_908 : i32 to index
    %swap3A_910 = arith.constant 112 : index
    %swap3A_911 = tpu.vector_load %arg6[%swap3A_909, %swap3A_910] {strides = array<i32>} : memref<20x128xi32, #tpu.memory_space<vmem>>, vector<16xi32>,
    tpu.vector_store %arg6[%swap3A_909, %swap3A_910], %gather3A_907 {strides = array<i32>} : memref<20x128xi32, #tpu.memory_space<vmem>>, vector<16xi32>,
    %dma_start3A_912 = arith.constant 8 : i32
    %dma_start3A_913 = arith.constant 2 : i32
    %dma_start3A_914 = arith.constant 0 : i32
    %dma_start3A_915 = arith.constant 0 : i32
    %dma_start3A_916 = tpu.memref_slice %arg7[%dma_start3A_913, %dma_start3A_914, %dma_start3A_915] : memref<6x128x128xf32, #tpu.memory_space<vmem>> -> memref<1x128x128xf32, #tpu.memory_space<vmem>>
    %dma_start3A_917 = tpu.memref_squeeze %dma_start3A_916 : memref<1x128x128xf32, #tpu.memory_space<vmem>> -> memref<128x128xf32, #tpu.memory_space<vmem>>
    %dma_start3A_918 = arith.constant 0 : i32
    %dma_start3A_919 = tpu.memref_slice %arg6[%dma_start3A_912, %dma_start3A_918] : memref<20x128xi32, #tpu.memory_space<vmem>> -> memref<1x128xi32, #tpu.memory_space<vmem>>
    %dma_start3A_920 = tpu.memref_squeeze %dma_start3A_919 : memref<1x128xi32, #tpu.memory_space<vmem>> -> memref<128xi32, #tpu.memory_space<vmem>>
    %dma_start3A_921 = arith.constant 0 : i32
    %dma_start3A_922 = arith.constant 0 : i32
    %dma_start3A_923 = tpu.memref_slice %arg3[%dma_start3A_921, %dma_start3A_922] : memref<100000x128xf32, #tpu.memory_space<hbm>> -> memref<100000x128xf32, #tpu.memory_space<hbm>>
    tpu.enqueue_indirect_dma source(%dma_start3A_923 : memref<100000x128xf32, #tpu.memory_space<hbm>>) target(%dma_start3A_917 : memref<128x128xf32, #tpu.memory_space<vmem>>) offsets(%dma_start3A_920 : memref<128xi32, #tpu.memory_space<vmem>>) semaphore(%arg8 : memref<!tpu.dma_semaphore, #tpu.memory_space<semaphore_mem>>)
    %dma_wait3A_924 = arith.constant 0 : i32
    %dma_wait3A_925 = arith.constant 0 : i32
    %dma_wait3A_926 = arith.constant 0 : i32
    %dma_wait3A_927 = arith.constant 0 : i32
    %dma_wait3A_928 = tpu.memref_slice %arg7[%dma_wait3A_925, %dma_wait3A_926, %dma_wait3A_927] : memref<6x128x128xf32, #tpu.memory_space<vmem>> -> memref<1x128x128xf32, #tpu.memory_space<vmem>>
    %dma_wait3A_929 = tpu.memref_squeeze %dma_wait3A_928 : memref<1x128x128xf32, #tpu.memory_space<vmem>> -> memref<128x128xf32, #tpu.memory_space<vmem>>
    %dma_wait3A_930 = arith.constant 0 : i32
    %dma_wait3A_931 = tpu.memref_slice %arg4[%dma_wait3A_924, %mul3A_2, %dma_wait3A_930] : memref<20x4096x128xf32, #tpu.memory_space<hbm>> -> memref<1x128x128xf32, #tpu.memory_space<hbm>>
    %dma_wait3A_932 = tpu.memref_squeeze %dma_wait3A_931 : memref<1x128x128xf32, #tpu.memory_space<hbm>> -> memref<128x128xf32, #tpu.memory_space<hbm>>
    %dma_wait3A_933 = arith.constant 0 : i32
    %dma_wait3A_934 = arith.constant 0 : i32
    %dma_wait3A_935 = tpu.memref_slice %arg7[%dma_wait3A_925, %dma_wait3A_933, %dma_wait3A_934] : memref<6x128x128xf32, #tpu.memory_space<vmem>> -> memref<1x128x128xf32, #tpu.memory_space<vmem>>
    %dma_wait3A_936 = tpu.memref_squeeze %dma_wait3A_935 : memref<1x128x128xf32, #tpu.memory_space<vmem>> -> memref<128x128xf32, #tpu.memory_space<vmem>>
    %dma_wait3A_937 = arith.constant 0 : i32
    %dma_wait3A_938 = tpu.memref_slice %arg4[%dma_wait3A_924, %mul3A_2, %dma_wait3A_937] : memref<20x4096x128xf32, #tpu.memory_space<hbm>> -> memref<1x128x128xf32, #tpu.memory_space<hbm>>
    %dma_wait3A_939 = tpu.memref_squeeze %dma_wait3A_938 : memref<1x128x128xf32, #tpu.memory_space<hbm>> -> memref<128x128xf32, #tpu.memory_space<hbm>>
    tpu.wait_dma2 semaphore(%arg8 : memref<!tpu.dma_semaphore, #tpu.memory_space<semaphore_mem>>) src(%dma_wait3A_939 : memref<128x128xf32, #tpu.memory_space<hbm>>) dst(%dma_wait3A_936 : memref<128x128xf32, #tpu.memory_space<vmem>>)
    %dma_start3A_940 = arith.constant 5 : i32
    %dma_start3A_941 = arith.constant 5 : i32
    %dma_start3A_942 = arith.constant 0 : i32
    %dma_start3A_943 = arith.constant 0 : i32
    %dma_start3A_944 = tpu.memref_slice %arg7[%dma_start3A_940, %dma_start3A_942, %dma_start3A_943] : memref<6x128x128xf32, #tpu.memory_space<vmem>> -> memref<1x128x128xf32, #tpu.memory_space<vmem>>
    %dma_start3A_945 = tpu.memref_squeeze %dma_start3A_944 : memref<1x128x128xf32, #tpu.memory_space<vmem>> -> memref<128x128xf32, #tpu.memory_space<vmem>>
    %dma_start3A_946 = arith.constant 0 : i32
    %dma_start3A_947 = tpu.memref_slice %arg4[%dma_start3A_941, %mul3A_2, %dma_start3A_946] : memref<20x4096x128xf32, #tpu.memory_space<hbm>> -> memref<1x128x128xf32, #tpu.memory_space<hbm>>
    %dma_start3A_948 = tpu.memref_squeeze %dma_start3A_947 : memref<1x128x128xf32, #tpu.memory_space<hbm>> -> memref<128x128xf32, #tpu.memory_space<hbm>>
    %dma_start3A_949 = arith.constant 0 : i32
    %dma_start3A_950 = tpu.memref_slice %arg4[%dma_start3A_941, %mul3A_2, %dma_start3A_949] : memref<20x4096x128xf32, #tpu.memory_space<hbm>> -> memref<1x128x128xf32, #tpu.memory_space<hbm>>
    %dma_start3A_951 = tpu.memref_squeeze %dma_start3A_950 : memref<1x128x128xf32, #tpu.memory_space<hbm>> -> memref<128x128xf32, #tpu.memory_space<hbm>>
    %dma_start3A_952 = arith.constant 0 : i32
    %dma_start3A_953 = arith.constant 0 : i32
    %dma_start3A_954 = tpu.memref_slice %arg7[%dma_start3A_940, %dma_start3A_952, %dma_start3A_953] : memref<6x128x128xf32, #tpu.memory_space<vmem>> -> memref<1x128x128xf32, #tpu.memory_space<vmem>>
    %dma_start3A_955 = tpu.memref_squeeze %dma_start3A_954 : memref<1x128x128xf32, #tpu.memory_space<vmem>> -> memref<128x128xf32, #tpu.memory_space<vmem>>
    tpu.enqueue_dma source(%dma_start3A_955 : memref<128x128xf32, #tpu.memory_space<vmem>>) target(%dma_start3A_951 : memref<128x128xf32, #tpu.memory_space<hbm>>) target_semaphore(%arg9 : memref<!tpu.dma_semaphore, #tpu.memory_space<semaphore_mem>>)
    %dma_wait3A_956 = arith.constant 0 : i32
    %dma_wait3A_957 = arith.constant 0 : i32
    %dma_wait3A_958 = arith.constant 0 : i32
    %dma_wait3A_959 = arith.constant 0 : i32
    %dma_wait3A_960 = tpu.memref_slice %arg7[%dma_wait3A_956, %dma_wait3A_958, %dma_wait3A_959] : memref<6x128x128xf32, #tpu.memory_space<vmem>> -> memref<1x128x128xf32, #tpu.memory_space<vmem>>
    %dma_wait3A_961 = tpu.memref_squeeze %dma_wait3A_960 : memref<1x128x128xf32, #tpu.memory_space<vmem>> -> memref<128x128xf32, #tpu.memory_space<vmem>>
    %dma_wait3A_962 = arith.constant 0 : i32
    %dma_wait3A_963 = tpu.memref_slice %arg4[%dma_wait3A_957, %mul3A_2, %dma_wait3A_962] : memref<20x4096x128xf32, #tpu.memory_space<hbm>> -> memref<1x128x128xf32, #tpu.memory_space<hbm>>
    %dma_wait3A_964 = tpu.memref_squeeze %dma_wait3A_963 : memref<1x128x128xf32, #tpu.memory_space<hbm>> -> memref<128x128xf32, #tpu.memory_space<hbm>>
    %dma_wait3A_965 = arith.constant 0 : i32
    %dma_wait3A_966 = tpu.memref_slice %arg4[%dma_wait3A_957, %mul3A_2, %dma_wait3A_965] : memref<20x4096x128xf32, #tpu.memory_space<hbm>> -> memref<1x128x128xf32, #tpu.memory_space<hbm>>
    %dma_wait3A_967 = tpu.memref_squeeze %dma_wait3A_966 : memref<1x128x128xf32, #tpu.memory_space<hbm>> -> memref<128x128xf32, #tpu.memory_space<hbm>>
    %dma_wait3A_968 = arith.constant 0 : i32
    %dma_wait3A_969 = arith.constant 0 : i32
    %dma_wait3A_970 = tpu.memref_slice %arg7[%dma_wait3A_956, %dma_wait3A_968, %dma_wait3A_969] : memref<6x128x128xf32, #tpu.memory_space<vmem>> -> memref<1x128x128xf32, #tpu.memory_space<vmem>>
    %dma_wait3A_971 = tpu.memref_squeeze %dma_wait3A_970 : memref<1x128x128xf32, #tpu.memory_space<vmem>> -> memref<128x128xf32, #tpu.memory_space<vmem>>
    tpu.wait_dma2 semaphore(%arg9 : memref<!tpu.dma_semaphore, #tpu.memory_space<semaphore_mem>>) src(%dma_wait3A_971 : memref<128x128xf32, #tpu.memory_space<vmem>>) dst(%dma_wait3A_967 : memref<128x128xf32, #tpu.memory_space<hbm>>)
    %broadcast_in_dim3A_972 = arith.constant 9 : i32
    %broadcast_in_dim3A_973 = vector.broadcast %broadcast_in_dim3A_972 : i32 to vector<16xi32>
    %add3A_974 = arith.constant 0 : i32
    %add3A_975 = vector.broadcast %add3A_974 : i32 to vector<16xi32>
    %add3A_976 = arith.addi %iota3A, %add3A_975 : vector<16xi32>
    %gather3A_977 = tpu.vector_load_idx %arg5[%add3A_976, %broadcast_in_dim3A_973] : memref<128x20xi32, #tpu.memory_space<vmem>>[vector<16xi32>, vector<16xi32>], vector<16xi32>,
    %swap3A_978 = arith.constant 9 : i32
    %swap3A_979 = arith.index_cast %swap3A_978 : i32 to index
    %swap3A_980 = arith.constant 0 : index
    %swap3A_981 = tpu.vector_load %arg6[%swap3A_979, %swap3A_980] {strides = array<i32>} : memref<20x128xi32, #tpu.memory_space<vmem>>, vector<16xi32>,
    tpu.vector_store %arg6[%swap3A_979, %swap3A_980], %gather3A_977 {strides = array<i32>} : memref<20x128xi32, #tpu.memory_space<vmem>>, vector<16xi32>,
    %add3A_982 = arith.constant 16 : i32
    %add3A_983 = vector.broadcast %add3A_982 : i32 to vector<16xi32>
    %add3A_984 = arith.addi %iota3A, %add3A_983 : vector<16xi32>
    %gather3A_985 = tpu.vector_load_idx %arg5[%add3A_984, %broadcast_in_dim3A_973] : memref<128x20xi32, #tpu.memory_space<vmem>>[vector<16xi32>, vector<16xi32>], vector<16xi32>,
    %swap3A_986 = arith.constant 9 : i32
    %swap3A_987 = arith.index_cast %swap3A_986 : i32 to index
    %swap3A_988 = arith.constant 16 : index
    %swap3A_989 = tpu.vector_load %arg6[%swap3A_987, %swap3A_988] {strides = array<i32>} : memref<20x128xi32, #tpu.memory_space<vmem>>, vector<16xi32>,
    tpu.vector_store %arg6[%swap3A_987, %swap3A_988], %gather3A_985 {strides = array<i32>} : memref<20x128xi32, #tpu.memory_space<vmem>>, vector<16xi32>,
    %add3A_990 = arith.constant 32 : i32
    %add3A_991 = vector.broadcast %add3A_990 : i32 to vector<16xi32>
    %add3A_992 = arith.addi %iota3A, %add3A_991 : vector<16xi32>
    %gather3A_993 = tpu.vector_load_idx %arg5[%add3A_992, %broadcast_in_dim3A_973] : memref<128x20xi32, #tpu.memory_space<vmem>>[vector<16xi32>, vector<16xi32>], vector<16xi32>,
    %swap3A_994 = arith.constant 9 : i32
    %swap3A_995 = arith.index_cast %swap3A_994 : i32 to index
    %swap3A_996 = arith.constant 32 : index
    %swap3A_997 = tpu.vector_load %arg6[%swap3A_995, %swap3A_996] {strides = array<i32>} : memref<20x128xi32, #tpu.memory_space<vmem>>, vector<16xi32>,
    tpu.vector_store %arg6[%swap3A_995, %swap3A_996], %gather3A_993 {strides = array<i32>} : memref<20x128xi32, #tpu.memory_space<vmem>>, vector<16xi32>,
    %add3A_998 = arith.constant 48 : i32
    %add3A_999 = vector.broadcast %add3A_998 : i32 to vector<16xi32>
    %add3A_1000 = arith.addi %iota3A, %add3A_999 : vector<16xi32>
    %gather3A_1001 = tpu.vector_load_idx %arg5[%add3A_1000, %broadcast_in_dim3A_973] : memref<128x20xi32, #tpu.memory_space<vmem>>[vector<16xi32>, vector<16xi32>], vector<16xi32>,
    %swap3A_1002 = arith.constant 9 : i32
    %swap3A_1003 = arith.index_cast %swap3A_1002 : i32 to index
    %swap3A_1004 = arith.constant 48 : index
    %swap3A_1005 = tpu.vector_load %arg6[%swap3A_1003, %swap3A_1004] {strides = array<i32>} : memref<20x128xi32, #tpu.memory_space<vmem>>, vector<16xi32>,
    tpu.vector_store %arg6[%swap3A_1003, %swap3A_1004], %gather3A_1001 {strides = array<i32>} : memref<20x128xi32, #tpu.memory_space<vmem>>, vector<16xi32>,
    %add3A_1006 = arith.constant 64 : i32
    %add3A_1007 = vector.broadcast %add3A_1006 : i32 to vector<16xi32>
    %add3A_1008 = arith.addi %iota3A, %add3A_1007 : vector<16xi32>
    %gather3A_1009 = tpu.vector_load_idx %arg5[%add3A_1008, %broadcast_in_dim3A_973] : memref<128x20xi32, #tpu.memory_space<vmem>>[vector<16xi32>, vector<16xi32>], vector<16xi32>,
    %swap3A_1010 = arith.constant 9 : i32
    %swap3A_1011 = arith.index_cast %swap3A_1010 : i32 to index
    %swap3A_1012 = arith.constant 64 : index
    %swap3A_1013 = tpu.vector_load %arg6[%swap3A_1011, %swap3A_1012] {strides = array<i32>} : memref<20x128xi32, #tpu.memory_space<vmem>>, vector<16xi32>,
    tpu.vector_store %arg6[%swap3A_1011, %swap3A_1012], %gather3A_1009 {strides = array<i32>} : memref<20x128xi32, #tpu.memory_space<vmem>>, vector<16xi32>,
    %add3A_1014 = arith.constant 80 : i32
    %add3A_1015 = vector.broadcast %add3A_1014 : i32 to vector<16xi32>
    %add3A_1016 = arith.addi %iota3A, %add3A_1015 : vector<16xi32>
    %gather3A_1017 = tpu.vector_load_idx %arg5[%add3A_1016, %broadcast_in_dim3A_973] : memref<128x20xi32, #tpu.memory_space<vmem>>[vector<16xi32>, vector<16xi32>], vector<16xi32>,
    %swap3A_1018 = arith.constant 9 : i32
    %swap3A_1019 = arith.index_cast %swap3A_1018 : i32 to index
    %swap3A_1020 = arith.constant 80 : index
    %swap3A_1021 = tpu.vector_load %arg6[%swap3A_1019, %swap3A_1020] {strides = array<i32>} : memref<20x128xi32, #tpu.memory_space<vmem>>, vector<16xi32>,
    tpu.vector_store %arg6[%swap3A_1019, %swap3A_1020], %gather3A_1017 {strides = array<i32>} : memref<20x128xi32, #tpu.memory_space<vmem>>, vector<16xi32>,
    %add3A_1022 = arith.constant 96 : i32
    %add3A_1023 = vector.broadcast %add3A_1022 : i32 to vector<16xi32>
    %add3A_1024 = arith.addi %iota3A, %add3A_1023 : vector<16xi32>
    %gather3A_1025 = tpu.vector_load_idx %arg5[%add3A_1024, %broadcast_in_dim3A_973] : memref<128x20xi32, #tpu.memory_space<vmem>>[vector<16xi32>, vector<16xi32>], vector<16xi32>,
    %swap3A_1026 = arith.constant 9 : i32
    %swap3A_1027 = arith.index_cast %swap3A_1026 : i32 to index
    %swap3A_1028 = arith.constant 96 : index
    %swap3A_1029 = tpu.vector_load %arg6[%swap3A_1027, %swap3A_1028] {strides = array<i32>} : memref<20x128xi32, #tpu.memory_space<vmem>>, vector<16xi32>,
    tpu.vector_store %arg6[%swap3A_1027, %swap3A_1028], %gather3A_1025 {strides = array<i32>} : memref<20x128xi32, #tpu.memory_space<vmem>>, vector<16xi32>,
    %add3A_1030 = arith.constant 112 : i32
    %add3A_1031 = vector.broadcast %add3A_1030 : i32 to vector<16xi32>
    %add3A_1032 = arith.addi %iota3A, %add3A_1031 : vector<16xi32>
    %gather3A_1033 = tpu.vector_load_idx %arg5[%add3A_1032, %broadcast_in_dim3A_973] : memref<128x20xi32, #tpu.memory_space<vmem>>[vector<16xi32>, vector<16xi32>], vector<16xi32>,
    %swap3A_1034 = arith.constant 9 : i32
    %swap3A_1035 = arith.index_cast %swap3A_1034 : i32 to index
    %swap3A_1036 = arith.constant 112 : index
    %swap3A_1037 = tpu.vector_load %arg6[%swap3A_1035, %swap3A_1036] {strides = array<i32>} : memref<20x128xi32, #tpu.memory_space<vmem>>, vector<16xi32>,
    tpu.vector_store %arg6[%swap3A_1035, %swap3A_1036], %gather3A_1033 {strides = array<i32>} : memref<20x128xi32, #tpu.memory_space<vmem>>, vector<16xi32>,
    %dma_start3A_1038 = arith.constant 9 : i32
    %dma_start3A_1039 = arith.constant 3 : i32
    %dma_start3A_1040 = arith.constant 0 : i32
    %dma_start3A_1041 = arith.constant 0 : i32
    %dma_start3A_1042 = tpu.memref_slice %arg7[%dma_start3A_1039, %dma_start3A_1040, %dma_start3A_1041] : memref<6x128x128xf32, #tpu.memory_space<vmem>> -> memref<1x128x128xf32, #tpu.memory_space<vmem>>
    %dma_start3A_1043 = tpu.memref_squeeze %dma_start3A_1042 : memref<1x128x128xf32, #tpu.memory_space<vmem>> -> memref<128x128xf32, #tpu.memory_space<vmem>>
    %dma_start3A_1044 = arith.constant 0 : i32
    %dma_start3A_1045 = tpu.memref_slice %arg6[%dma_start3A_1038, %dma_start3A_1044] : memref<20x128xi32, #tpu.memory_space<vmem>> -> memref<1x128xi32, #tpu.memory_space<vmem>>
    %dma_start3A_1046 = tpu.memref_squeeze %dma_start3A_1045 : memref<1x128xi32, #tpu.memory_space<vmem>> -> memref<128xi32, #tpu.memory_space<vmem>>
    %dma_start3A_1047 = arith.constant 0 : i32
    %dma_start3A_1048 = arith.constant 0 : i32
    %dma_start3A_1049 = tpu.memref_slice %arg3[%dma_start3A_1047, %dma_start3A_1048] : memref<100000x128xf32, #tpu.memory_space<hbm>> -> memref<100000x128xf32, #tpu.memory_space<hbm>>
    tpu.enqueue_indirect_dma source(%dma_start3A_1049 : memref<100000x128xf32, #tpu.memory_space<hbm>>) target(%dma_start3A_1043 : memref<128x128xf32, #tpu.memory_space<vmem>>) offsets(%dma_start3A_1046 : memref<128xi32, #tpu.memory_space<vmem>>) semaphore(%arg8 : memref<!tpu.dma_semaphore, #tpu.memory_space<semaphore_mem>>)
    %dma_wait3A_1050 = arith.constant 0 : i32
    %dma_wait3A_1051 = arith.constant 0 : i32
    %dma_wait3A_1052 = arith.constant 0 : i32
    %dma_wait3A_1053 = arith.constant 0 : i32
    %dma_wait3A_1054 = tpu.memref_slice %arg7[%dma_wait3A_1051, %dma_wait3A_1052, %dma_wait3A_1053] : memref<6x128x128xf32, #tpu.memory_space<vmem>> -> memref<1x128x128xf32, #tpu.memory_space<vmem>>
    %dma_wait3A_1055 = tpu.memref_squeeze %dma_wait3A_1054 : memref<1x128x128xf32, #tpu.memory_space<vmem>> -> memref<128x128xf32, #tpu.memory_space<vmem>>
    %dma_wait3A_1056 = arith.constant 0 : i32
    %dma_wait3A_1057 = tpu.memref_slice %arg4[%dma_wait3A_1050, %mul3A_2, %dma_wait3A_1056] : memref<20x4096x128xf32, #tpu.memory_space<hbm>> -> memref<1x128x128xf32, #tpu.memory_space<hbm>>
    %dma_wait3A_1058 = tpu.memref_squeeze %dma_wait3A_1057 : memref<1x128x128xf32, #tpu.memory_space<hbm>> -> memref<128x128xf32, #tpu.memory_space<hbm>>
    %dma_wait3A_1059 = arith.constant 0 : i32
    %dma_wait3A_1060 = arith.constant 0 : i32
    %dma_wait3A_1061 = tpu.memref_slice %arg7[%dma_wait3A_1051, %dma_wait3A_1059, %dma_wait3A_1060] : memref<6x128x128xf32, #tpu.memory_space<vmem>> -> memref<1x128x128xf32, #tpu.memory_space<vmem>>
    %dma_wait3A_1062 = tpu.memref_squeeze %dma_wait3A_1061 : memref<1x128x128xf32, #tpu.memory_space<vmem>> -> memref<128x128xf32, #tpu.memory_space<vmem>>
    %dma_wait3A_1063 = arith.constant 0 : i32
    %dma_wait3A_1064 = tpu.memref_slice %arg4[%dma_wait3A_1050, %mul3A_2, %dma_wait3A_1063] : memref<20x4096x128xf32, #tpu.memory_space<hbm>> -> memref<1x128x128xf32, #tpu.memory_space<hbm>>
    %dma_wait3A_1065 = tpu.memref_squeeze %dma_wait3A_1064 : memref<1x128x128xf32, #tpu.memory_space<hbm>> -> memref<128x128xf32, #tpu.memory_space<hbm>>
    tpu.wait_dma2 semaphore(%arg8 : memref<!tpu.dma_semaphore, #tpu.memory_space<semaphore_mem>>) src(%dma_wait3A_1065 : memref<128x128xf32, #tpu.memory_space<hbm>>) dst(%dma_wait3A_1062 : memref<128x128xf32, #tpu.memory_space<vmem>>)
    %dma_start3A_1066 = arith.constant 0 : i32
    %dma_start3A_1067 = arith.constant 6 : i32
    %dma_start3A_1068 = arith.constant 0 : i32
    %dma_start3A_1069 = arith.constant 0 : i32
    %dma_start3A_1070 = tpu.memref_slice %arg7[%dma_start3A_1066, %dma_start3A_1068, %dma_start3A_1069] : memref<6x128x128xf32, #tpu.memory_space<vmem>> -> memref<1x128x128xf32, #tpu.memory_space<vmem>>
    %dma_start3A_1071 = tpu.memref_squeeze %dma_start3A_1070 : memref<1x128x128xf32, #tpu.memory_space<vmem>> -> memref<128x128xf32, #tpu.memory_space<vmem>>
    %dma_start3A_1072 = arith.constant 0 : i32
    %dma_start3A_1073 = tpu.memref_slice %arg4[%dma_start3A_1067, %mul3A_2, %dma_start3A_1072] : memref<20x4096x128xf32, #tpu.memory_space<hbm>> -> memref<1x128x128xf32, #tpu.memory_space<hbm>>
    %dma_start3A_1074 = tpu.memref_squeeze %dma_start3A_1073 : memref<1x128x128xf32, #tpu.memory_space<hbm>> -> memref<128x128xf32, #tpu.memory_space<hbm>>
    %dma_start3A_1075 = arith.constant 0 : i32
    %dma_start3A_1076 = tpu.memref_slice %arg4[%dma_start3A_1067, %mul3A_2, %dma_start3A_1075] : memref<20x4096x128xf32, #tpu.memory_space<hbm>> -> memref<1x128x128xf32, #tpu.memory_space<hbm>>
    %dma_start3A_1077 = tpu.memref_squeeze %dma_start3A_1076 : memref<1x128x128xf32, #tpu.memory_space<hbm>> -> memref<128x128xf32, #tpu.memory_space<hbm>>
    %dma_start3A_1078 = arith.constant 0 : i32
    %dma_start3A_1079 = arith.constant 0 : i32
    %dma_start3A_1080 = tpu.memref_slice %arg7[%dma_start3A_1066, %dma_start3A_1078, %dma_start3A_1079] : memref<6x128x128xf32, #tpu.memory_space<vmem>> -> memref<1x128x128xf32, #tpu.memory_space<vmem>>
    %dma_start3A_1081 = tpu.memref_squeeze %dma_start3A_1080 : memref<1x128x128xf32, #tpu.memory_space<vmem>> -> memref<128x128xf32, #tpu.memory_space<vmem>>
    tpu.enqueue_dma source(%dma_start3A_1081 : memref<128x128xf32, #tpu.memory_space<vmem>>) target(%dma_start3A_1077 : memref<128x128xf32, #tpu.memory_space<hbm>>) target_semaphore(%arg9 : memref<!tpu.dma_semaphore, #tpu.memory_space<semaphore_mem>>)
    %dma_wait3A_1082 = arith.constant 0 : i32
    %dma_wait3A_1083 = arith.constant 0 : i32
    %dma_wait3A_1084 = arith.constant 0 : i32
    %dma_wait3A_1085 = arith.constant 0 : i32
    %dma_wait3A_1086 = tpu.memref_slice %arg7[%dma_wait3A_1082, %dma_wait3A_1084, %dma_wait3A_1085] : memref<6x128x128xf32, #tpu.memory_space<vmem>> -> memref<1x128x128xf32, #tpu.memory_space<vmem>>
    %dma_wait3A_1087 = tpu.memref_squeeze %dma_wait3A_1086 : memref<1x128x128xf32, #tpu.memory_space<vmem>> -> memref<128x128xf32, #tpu.memory_space<vmem>>
    %dma_wait3A_1088 = arith.constant 0 : i32
    %dma_wait3A_1089 = tpu.memref_slice %arg4[%dma_wait3A_1083, %mul3A_2, %dma_wait3A_1088] : memref<20x4096x128xf32, #tpu.memory_space<hbm>> -> memref<1x128x128xf32, #tpu.memory_space<hbm>>
    %dma_wait3A_1090 = tpu.memref_squeeze %dma_wait3A_1089 : memref<1x128x128xf32, #tpu.memory_space<hbm>> -> memref<128x128xf32, #tpu.memory_space<hbm>>
    %dma_wait3A_1091 = arith.constant 0 : i32
    %dma_wait3A_1092 = tpu.memref_slice %arg4[%dma_wait3A_1083, %mul3A_2, %dma_wait3A_1091] : memref<20x4096x128xf32, #tpu.memory_space<hbm>> -> memref<1x128x128xf32, #tpu.memory_space<hbm>>
    %dma_wait3A_1093 = tpu.memref_squeeze %dma_wait3A_1092 : memref<1x128x128xf32, #tpu.memory_space<hbm>> -> memref<128x128xf32, #tpu.memory_space<hbm>>
    %dma_wait3A_1094 = arith.constant 0 : i32
    %dma_wait3A_1095 = arith.constant 0 : i32
    %dma_wait3A_1096 = tpu.memref_slice %arg7[%dma_wait3A_1082, %dma_wait3A_1094, %dma_wait3A_1095] : memref<6x128x128xf32, #tpu.memory_space<vmem>> -> memref<1x128x128xf32, #tpu.memory_space<vmem>>
    %dma_wait3A_1097 = tpu.memref_squeeze %dma_wait3A_1096 : memref<1x128x128xf32, #tpu.memory_space<vmem>> -> memref<128x128xf32, #tpu.memory_space<vmem>>
    tpu.wait_dma2 semaphore(%arg9 : memref<!tpu.dma_semaphore, #tpu.memory_space<semaphore_mem>>) src(%dma_wait3A_1097 : memref<128x128xf32, #tpu.memory_space<vmem>>) dst(%dma_wait3A_1093 : memref<128x128xf32, #tpu.memory_space<hbm>>)
    %broadcast_in_dim3A_1098 = arith.constant 10 : i32
    %broadcast_in_dim3A_1099 = vector.broadcast %broadcast_in_dim3A_1098 : i32 to vector<16xi32>
    %add3A_1100 = arith.constant 0 : i32
    %add3A_1101 = vector.broadcast %add3A_1100 : i32 to vector<16xi32>
    %add3A_1102 = arith.addi %iota3A, %add3A_1101 : vector<16xi32>
    %gather3A_1103 = tpu.vector_load_idx %arg5[%add3A_1102, %broadcast_in_dim3A_1099] : memref<128x20xi32, #tpu.memory_space<vmem>>[vector<16xi32>, vector<16xi32>], vector<16xi32>,
    %swap3A_1104 = arith.constant 10 : i32
    %swap3A_1105 = arith.index_cast %swap3A_1104 : i32 to index
    %swap3A_1106 = arith.constant 0 : index
    %swap3A_1107 = tpu.vector_load %arg6[%swap3A_1105, %swap3A_1106] {strides = array<i32>} : memref<20x128xi32, #tpu.memory_space<vmem>>, vector<16xi32>,
    tpu.vector_store %arg6[%swap3A_1105, %swap3A_1106], %gather3A_1103 {strides = array<i32>} : memref<20x128xi32, #tpu.memory_space<vmem>>, vector<16xi32>,
    %add3A_1108 = arith.constant 16 : i32
    %add3A_1109 = vector.broadcast %add3A_1108 : i32 to vector<16xi32>
    %add3A_1110 = arith.addi %iota3A, %add3A_1109 : vector<16xi32>
    %gather3A_1111 = tpu.vector_load_idx %arg5[%add3A_1110, %broadcast_in_dim3A_1099] : memref<128x20xi32, #tpu.memory_space<vmem>>[vector<16xi32>, vector<16xi32>], vector<16xi32>,
    %swap3A_1112 = arith.constant 10 : i32
    %swap3A_1113 = arith.index_cast %swap3A_1112 : i32 to index
    %swap3A_1114 = arith.constant 16 : index
    %swap3A_1115 = tpu.vector_load %arg6[%swap3A_1113, %swap3A_1114] {strides = array<i32>} : memref<20x128xi32, #tpu.memory_space<vmem>>, vector<16xi32>,
    tpu.vector_store %arg6[%swap3A_1113, %swap3A_1114], %gather3A_1111 {strides = array<i32>} : memref<20x128xi32, #tpu.memory_space<vmem>>, vector<16xi32>,
    %add3A_1116 = arith.constant 32 : i32
    %add3A_1117 = vector.broadcast %add3A_1116 : i32 to vector<16xi32>
    %add3A_1118 = arith.addi %iota3A, %add3A_1117 : vector<16xi32>
    %gather3A_1119 = tpu.vector_load_idx %arg5[%add3A_1118, %broadcast_in_dim3A_1099] : memref<128x20xi32, #tpu.memory_space<vmem>>[vector<16xi32>, vector<16xi32>], vector<16xi32>,
    %swap3A_1120 = arith.constant 10 : i32
    %swap3A_1121 = arith.index_cast %swap3A_1120 : i32 to index
    %swap3A_1122 = arith.constant 32 : index
    %swap3A_1123 = tpu.vector_load %arg6[%swap3A_1121, %swap3A_1122] {strides = array<i32>} : memref<20x128xi32, #tpu.memory_space<vmem>>, vector<16xi32>,
    tpu.vector_store %arg6[%swap3A_1121, %swap3A_1122], %gather3A_1119 {strides = array<i32>} : memref<20x128xi32, #tpu.memory_space<vmem>>, vector<16xi32>,
    %add3A_1124 = arith.constant 48 : i32
    %add3A_1125 = vector.broadcast %add3A_1124 : i32 to vector<16xi32>
    %add3A_1126 = arith.addi %iota3A, %add3A_1125 : vector<16xi32>
    %gather3A_1127 = tpu.vector_load_idx %arg5[%add3A_1126, %broadcast_in_dim3A_1099] : memref<128x20xi32, #tpu.memory_space<vmem>>[vector<16xi32>, vector<16xi32>], vector<16xi32>,
    %swap3A_1128 = arith.constant 10 : i32
    %swap3A_1129 = arith.index_cast %swap3A_1128 : i32 to index
    %swap3A_1130 = arith.constant 48 : index
    %swap3A_1131 = tpu.vector_load %arg6[%swap3A_1129, %swap3A_1130] {strides = array<i32>} : memref<20x128xi32, #tpu.memory_space<vmem>>, vector<16xi32>,
    tpu.vector_store %arg6[%swap3A_1129, %swap3A_1130], %gather3A_1127 {strides = array<i32>} : memref<20x128xi32, #tpu.memory_space<vmem>>, vector<16xi32>,
    %add3A_1132 = arith.constant 64 : i32
    %add3A_1133 = vector.broadcast %add3A_1132 : i32 to vector<16xi32>
    %add3A_1134 = arith.addi %iota3A, %add3A_1133 : vector<16xi32>
    %gather3A_1135 = tpu.vector_load_idx %arg5[%add3A_1134, %broadcast_in_dim3A_1099] : memref<128x20xi32, #tpu.memory_space<vmem>>[vector<16xi32>, vector<16xi32>], vector<16xi32>,
    %swap3A_1136 = arith.constant 10 : i32
    %swap3A_1137 = arith.index_cast %swap3A_1136 : i32 to index
    %swap3A_1138 = arith.constant 64 : index
    %swap3A_1139 = tpu.vector_load %arg6[%swap3A_1137, %swap3A_1138] {strides = array<i32>} : memref<20x128xi32, #tpu.memory_space<vmem>>, vector<16xi32>,
    tpu.vector_store %arg6[%swap3A_1137, %swap3A_1138], %gather3A_1135 {strides = array<i32>} : memref<20x128xi32, #tpu.memory_space<vmem>>, vector<16xi32>,
    %add3A_1140 = arith.constant 80 : i32
    %add3A_1141 = vector.broadcast %add3A_1140 : i32 to vector<16xi32>
    %add3A_1142 = arith.addi %iota3A, %add3A_1141 : vector<16xi32>
    %gather3A_1143 = tpu.vector_load_idx %arg5[%add3A_1142, %broadcast_in_dim3A_1099] : memref<128x20xi32, #tpu.memory_space<vmem>>[vector<16xi32>, vector<16xi32>], vector<16xi32>,
    %swap3A_1144 = arith.constant 10 : i32
    %swap3A_1145 = arith.index_cast %swap3A_1144 : i32 to index
    %swap3A_1146 = arith.constant 80 : index
    %swap3A_1147 = tpu.vector_load %arg6[%swap3A_1145, %swap3A_1146] {strides = array<i32>} : memref<20x128xi32, #tpu.memory_space<vmem>>, vector<16xi32>,
    tpu.vector_store %arg6[%swap3A_1145, %swap3A_1146], %gather3A_1143 {strides = array<i32>} : memref<20x128xi32, #tpu.memory_space<vmem>>, vector<16xi32>,
    %add3A_1148 = arith.constant 96 : i32
    %add3A_1149 = vector.broadcast %add3A_1148 : i32 to vector<16xi32>
    %add3A_1150 = arith.addi %iota3A, %add3A_1149 : vector<16xi32>
    %gather3A_1151 = tpu.vector_load_idx %arg5[%add3A_1150, %broadcast_in_dim3A_1099] : memref<128x20xi32, #tpu.memory_space<vmem>>[vector<16xi32>, vector<16xi32>], vector<16xi32>,
    %swap3A_1152 = arith.constant 10 : i32
    %swap3A_1153 = arith.index_cast %swap3A_1152 : i32 to index
    %swap3A_1154 = arith.constant 96 : index
    %swap3A_1155 = tpu.vector_load %arg6[%swap3A_1153, %swap3A_1154] {strides = array<i32>} : memref<20x128xi32, #tpu.memory_space<vmem>>, vector<16xi32>,
    tpu.vector_store %arg6[%swap3A_1153, %swap3A_1154], %gather3A_1151 {strides = array<i32>} : memref<20x128xi32, #tpu.memory_space<vmem>>, vector<16xi32>,
    %add3A_1156 = arith.constant 112 : i32
    %add3A_1157 = vector.broadcast %add3A_1156 : i32 to vector<16xi32>
    %add3A_1158 = arith.addi %iota3A, %add3A_1157 : vector<16xi32>
    %gather3A_1159 = tpu.vector_load_idx %arg5[%add3A_1158, %broadcast_in_dim3A_1099] : memref<128x20xi32, #tpu.memory_space<vmem>>[vector<16xi32>, vector<16xi32>], vector<16xi32>,
    %swap3A_1160 = arith.constant 10 : i32
    %swap3A_1161 = arith.index_cast %swap3A_1160 : i32 to index
    %swap3A_1162 = arith.constant 112 : index
    %swap3A_1163 = tpu.vector_load %arg6[%swap3A_1161, %swap3A_1162] {strides = array<i32>} : memref<20x128xi32, #tpu.memory_space<vmem>>, vector<16xi32>,
    tpu.vector_store %arg6[%swap3A_1161, %swap3A_1162], %gather3A_1159 {strides = array<i32>} : memref<20x128xi32, #tpu.memory_space<vmem>>, vector<16xi32>,
    %dma_start3A_1164 = arith.constant 10 : i32
    %dma_start3A_1165 = arith.constant 4 : i32
    %dma_start3A_1166 = arith.constant 0 : i32
    %dma_start3A_1167 = arith.constant 0 : i32
    %dma_start3A_1168 = tpu.memref_slice %arg7[%dma_start3A_1165, %dma_start3A_1166, %dma_start3A_1167] : memref<6x128x128xf32, #tpu.memory_space<vmem>> -> memref<1x128x128xf32, #tpu.memory_space<vmem>>
    %dma_start3A_1169 = tpu.memref_squeeze %dma_start3A_1168 : memref<1x128x128xf32, #tpu.memory_space<vmem>> -> memref<128x128xf32, #tpu.memory_space<vmem>>
    %dma_start3A_1170 = arith.constant 0 : i32
    %dma_start3A_1171 = tpu.memref_slice %arg6[%dma_start3A_1164, %dma_start3A_1170] : memref<20x128xi32, #tpu.memory_space<vmem>> -> memref<1x128xi32, #tpu.memory_space<vmem>>
    %dma_start3A_1172 = tpu.memref_squeeze %dma_start3A_1171 : memref<1x128xi32, #tpu.memory_space<vmem>> -> memref<128xi32, #tpu.memory_space<vmem>>
    %dma_start3A_1173 = arith.constant 0 : i32
    %dma_start3A_1174 = arith.constant 0 : i32
    %dma_start3A_1175 = tpu.memref_slice %arg3[%dma_start3A_1173, %dma_start3A_1174] : memref<100000x128xf32, #tpu.memory_space<hbm>> -> memref<100000x128xf32, #tpu.memory_space<hbm>>
    tpu.enqueue_indirect_dma source(%dma_start3A_1175 : memref<100000x128xf32, #tpu.memory_space<hbm>>) target(%dma_start3A_1169 : memref<128x128xf32, #tpu.memory_space<vmem>>) offsets(%dma_start3A_1172 : memref<128xi32, #tpu.memory_space<vmem>>) semaphore(%arg8 : memref<!tpu.dma_semaphore, #tpu.memory_space<semaphore_mem>>)
    %dma_wait3A_1176 = arith.constant 0 : i32
    %dma_wait3A_1177 = arith.constant 0 : i32
    %dma_wait3A_1178 = arith.constant 0 : i32
    %dma_wait3A_1179 = arith.constant 0 : i32
    %dma_wait3A_1180 = tpu.memref_slice %arg7[%dma_wait3A_1177, %dma_wait3A_1178, %dma_wait3A_1179] : memref<6x128x128xf32, #tpu.memory_space<vmem>> -> memref<1x128x128xf32, #tpu.memory_space<vmem>>
    %dma_wait3A_1181 = tpu.memref_squeeze %dma_wait3A_1180 : memref<1x128x128xf32, #tpu.memory_space<vmem>> -> memref<128x128xf32, #tpu.memory_space<vmem>>
    %dma_wait3A_1182 = arith.constant 0 : i32
    %dma_wait3A_1183 = tpu.memref_slice %arg4[%dma_wait3A_1176, %mul3A_2, %dma_wait3A_1182] : memref<20x4096x128xf32, #tpu.memory_space<hbm>> -> memref<1x128x128xf32, #tpu.memory_space<hbm>>
    %dma_wait3A_1184 = tpu.memref_squeeze %dma_wait3A_1183 : memref<1x128x128xf32, #tpu.memory_space<hbm>> -> memref<128x128xf32, #tpu.memory_space<hbm>>
    %dma_wait3A_1185 = arith.constant 0 : i32
    %dma_wait3A_1186 = arith.constant 0 : i32
    %dma_wait3A_1187 = tpu.memref_slice %arg7[%dma_wait3A_1177, %dma_wait3A_1185, %dma_wait3A_1186] : memref<6x128x128xf32, #tpu.memory_space<vmem>> -> memref<1x128x128xf32, #tpu.memory_space<vmem>>
    %dma_wait3A_1188 = tpu.memref_squeeze %dma_wait3A_1187 : memref<1x128x128xf32, #tpu.memory_space<vmem>> -> memref<128x128xf32, #tpu.memory_space<vmem>>
    %dma_wait3A_1189 = arith.constant 0 : i32
    %dma_wait3A_1190 = tpu.memref_slice %arg4[%dma_wait3A_1176, %mul3A_2, %dma_wait3A_1189] : memref<20x4096x128xf32, #tpu.memory_space<hbm>> -> memref<1x128x128xf32, #tpu.memory_space<hbm>>
    %dma_wait3A_1191 = tpu.memref_squeeze %dma_wait3A_1190 : memref<1x128x128xf32, #tpu.memory_space<hbm>> -> memref<128x128xf32, #tpu.memory_space<hbm>>
    tpu.wait_dma2 semaphore(%arg8 : memref<!tpu.dma_semaphore, #tpu.memory_space<semaphore_mem>>) src(%dma_wait3A_1191 : memref<128x128xf32, #tpu.memory_space<hbm>>) dst(%dma_wait3A_1188 : memref<128x128xf32, #tpu.memory_space<vmem>>)
    %dma_start3A_1192 = arith.constant 1 : i32
    %dma_start3A_1193 = arith.constant 7 : i32
    %dma_start3A_1194 = arith.constant 0 : i32
    %dma_start3A_1195 = arith.constant 0 : i32
    %dma_start3A_1196 = tpu.memref_slice %arg7[%dma_start3A_1192, %dma_start3A_1194, %dma_start3A_1195] : memref<6x128x128xf32, #tpu.memory_space<vmem>> -> memref<1x128x128xf32, #tpu.memory_space<vmem>>
    %dma_start3A_1197 = tpu.memref_squeeze %dma_start3A_1196 : memref<1x128x128xf32, #tpu.memory_space<vmem>> -> memref<128x128xf32, #tpu.memory_space<vmem>>
    %dma_start3A_1198 = arith.constant 0 : i32
    %dma_start3A_1199 = tpu.memref_slice %arg4[%dma_start3A_1193, %mul3A_2, %dma_start3A_1198] : memref<20x4096x128xf32, #tpu.memory_space<hbm>> -> memref<1x128x128xf32, #tpu.memory_space<hbm>>
    %dma_start3A_1200 = tpu.memref_squeeze %dma_start3A_1199 : memref<1x128x128xf32, #tpu.memory_space<hbm>> -> memref<128x128xf32, #tpu.memory_space<hbm>>
    %dma_start3A_1201 = arith.constant 0 : i32
    %dma_start3A_1202 = tpu.memref_slice %arg4[%dma_start3A_1193, %mul3A_2, %dma_start3A_1201] : memref<20x4096x128xf32, #tpu.memory_space<hbm>> -> memref<1x128x128xf32, #tpu.memory_space<hbm>>
    %dma_start3A_1203 = tpu.memref_squeeze %dma_start3A_1202 : memref<1x128x128xf32, #tpu.memory_space<hbm>> -> memref<128x128xf32, #tpu.memory_space<hbm>>
    %dma_start3A_1204 = arith.constant 0 : i32
    %dma_start3A_1205 = arith.constant 0 : i32
    %dma_start3A_1206 = tpu.memref_slice %arg7[%dma_start3A_1192, %dma_start3A_1204, %dma_start3A_1205] : memref<6x128x128xf32, #tpu.memory_space<vmem>> -> memref<1x128x128xf32, #tpu.memory_space<vmem>>
    %dma_start3A_1207 = tpu.memref_squeeze %dma_start3A_1206 : memref<1x128x128xf32, #tpu.memory_space<vmem>> -> memref<128x128xf32, #tpu.memory_space<vmem>>
    tpu.enqueue_dma source(%dma_start3A_1207 : memref<128x128xf32, #tpu.memory_space<vmem>>) target(%dma_start3A_1203 : memref<128x128xf32, #tpu.memory_space<hbm>>) target_semaphore(%arg9 : memref<!tpu.dma_semaphore, #tpu.memory_space<semaphore_mem>>)
    %dma_wait3A_1208 = arith.constant 0 : i32
    %dma_wait3A_1209 = arith.constant 0 : i32
    %dma_wait3A_1210 = arith.constant 0 : i32
    %dma_wait3A_1211 = arith.constant 0 : i32
    %dma_wait3A_1212 = tpu.memref_slice %arg7[%dma_wait3A_1208, %dma_wait3A_1210, %dma_wait3A_1211] : memref<6x128x128xf32, #tpu.memory_space<vmem>> -> memref<1x128x128xf32, #tpu.memory_space<vmem>>
    %dma_wait3A_1213 = tpu.memref_squeeze %dma_wait3A_1212 : memref<1x128x128xf32, #tpu.memory_space<vmem>> -> memref<128x128xf32, #tpu.memory_space<vmem>>
    %dma_wait3A_1214 = arith.constant 0 : i32
    %dma_wait3A_1215 = tpu.memref_slice %arg4[%dma_wait3A_1209, %mul3A_2, %dma_wait3A_1214] : memref<20x4096x128xf32, #tpu.memory_space<hbm>> -> memref<1x128x128xf32, #tpu.memory_space<hbm>>
    %dma_wait3A_1216 = tpu.memref_squeeze %dma_wait3A_1215 : memref<1x128x128xf32, #tpu.memory_space<hbm>> -> memref<128x128xf32, #tpu.memory_space<hbm>>
    %dma_wait3A_1217 = arith.constant 0 : i32
    %dma_wait3A_1218 = tpu.memref_slice %arg4[%dma_wait3A_1209, %mul3A_2, %dma_wait3A_1217] : memref<20x4096x128xf32, #tpu.memory_space<hbm>> -> memref<1x128x128xf32, #tpu.memory_space<hbm>>
    %dma_wait3A_1219 = tpu.memref_squeeze %dma_wait3A_1218 : memref<1x128x128xf32, #tpu.memory_space<hbm>> -> memref<128x128xf32, #tpu.memory_space<hbm>>
    %dma_wait3A_1220 = arith.constant 0 : i32
    %dma_wait3A_1221 = arith.constant 0 : i32
    %dma_wait3A_1222 = tpu.memref_slice %arg7[%dma_wait3A_1208, %dma_wait3A_1220, %dma_wait3A_1221] : memref<6x128x128xf32, #tpu.memory_space<vmem>> -> memref<1x128x128xf32, #tpu.memory_space<vmem>>
    %dma_wait3A_1223 = tpu.memref_squeeze %dma_wait3A_1222 : memref<1x128x128xf32, #tpu.memory_space<vmem>> -> memref<128x128xf32, #tpu.memory_space<vmem>>
    tpu.wait_dma2 semaphore(%arg9 : memref<!tpu.dma_semaphore, #tpu.memory_space<semaphore_mem>>) src(%dma_wait3A_1223 : memref<128x128xf32, #tpu.memory_space<vmem>>) dst(%dma_wait3A_1219 : memref<128x128xf32, #tpu.memory_space<hbm>>)
    %broadcast_in_dim3A_1224 = arith.constant 11 : i32
    %broadcast_in_dim3A_1225 = vector.broadcast %broadcast_in_dim3A_1224 : i32 to vector<16xi32>
    %add3A_1226 = arith.constant 0 : i32
    %add3A_1227 = vector.broadcast %add3A_1226 : i32 to vector<16xi32>
    %add3A_1228 = arith.addi %iota3A, %add3A_1227 : vector<16xi32>
    %gather3A_1229 = tpu.vector_load_idx %arg5[%add3A_1228, %broadcast_in_dim3A_1225] : memref<128x20xi32, #tpu.memory_space<vmem>>[vector<16xi32>, vector<16xi32>], vector<16xi32>,
    %swap3A_1230 = arith.constant 11 : i32
    %swap3A_1231 = arith.index_cast %swap3A_1230 : i32 to index
    %swap3A_1232 = arith.constant 0 : index
    %swap3A_1233 = tpu.vector_load %arg6[%swap3A_1231, %swap3A_1232] {strides = array<i32>} : memref<20x128xi32, #tpu.memory_space<vmem>>, vector<16xi32>,
    tpu.vector_store %arg6[%swap3A_1231, %swap3A_1232], %gather3A_1229 {strides = array<i32>} : memref<20x128xi32, #tpu.memory_space<vmem>>, vector<16xi32>,
    %add3A_1234 = arith.constant 16 : i32
    %add3A_1235 = vector.broadcast %add3A_1234 : i32 to vector<16xi32>
    %add3A_1236 = arith.addi %iota3A, %add3A_1235 : vector<16xi32>
    %gather3A_1237 = tpu.vector_load_idx %arg5[%add3A_1236, %broadcast_in_dim3A_1225] : memref<128x20xi32, #tpu.memory_space<vmem>>[vector<16xi32>, vector<16xi32>], vector<16xi32>,
    %swap3A_1238 = arith.constant 11 : i32
    %swap3A_1239 = arith.index_cast %swap3A_1238 : i32 to index
    %swap3A_1240 = arith.constant 16 : index
    %swap3A_1241 = tpu.vector_load %arg6[%swap3A_1239, %swap3A_1240] {strides = array<i32>} : memref<20x128xi32, #tpu.memory_space<vmem>>, vector<16xi32>,
    tpu.vector_store %arg6[%swap3A_1239, %swap3A_1240], %gather3A_1237 {strides = array<i32>} : memref<20x128xi32, #tpu.memory_space<vmem>>, vector<16xi32>,
    %add3A_1242 = arith.constant 32 : i32
    %add3A_1243 = vector.broadcast %add3A_1242 : i32 to vector<16xi32>
    %add3A_1244 = arith.addi %iota3A, %add3A_1243 : vector<16xi32>
    %gather3A_1245 = tpu.vector_load_idx %arg5[%add3A_1244, %broadcast_in_dim3A_1225] : memref<128x20xi32, #tpu.memory_space<vmem>>[vector<16xi32>, vector<16xi32>], vector<16xi32>,
    %swap3A_1246 = arith.constant 11 : i32
    %swap3A_1247 = arith.index_cast %swap3A_1246 : i32 to index
    %swap3A_1248 = arith.constant 32 : index
    %swap3A_1249 = tpu.vector_load %arg6[%swap3A_1247, %swap3A_1248] {strides = array<i32>} : memref<20x128xi32, #tpu.memory_space<vmem>>, vector<16xi32>,
    tpu.vector_store %arg6[%swap3A_1247, %swap3A_1248], %gather3A_1245 {strides = array<i32>} : memref<20x128xi32, #tpu.memory_space<vmem>>, vector<16xi32>,
    %add3A_1250 = arith.constant 48 : i32
    %add3A_1251 = vector.broadcast %add3A_1250 : i32 to vector<16xi32>
    %add3A_1252 = arith.addi %iota3A, %add3A_1251 : vector<16xi32>
    %gather3A_1253 = tpu.vector_load_idx %arg5[%add3A_1252, %broadcast_in_dim3A_1225] : memref<128x20xi32, #tpu.memory_space<vmem>>[vector<16xi32>, vector<16xi32>], vector<16xi32>,
    %swap3A_1254 = arith.constant 11 : i32
    %swap3A_1255 = arith.index_cast %swap3A_1254 : i32 to index
    %swap3A_1256 = arith.constant 48 : index
    %swap3A_1257 = tpu.vector_load %arg6[%swap3A_1255, %swap3A_1256] {strides = array<i32>} : memref<20x128xi32, #tpu.memory_space<vmem>>, vector<16xi32>,
    tpu.vector_store %arg6[%swap3A_1255, %swap3A_1256], %gather3A_1253 {strides = array<i32>} : memref<20x128xi32, #tpu.memory_space<vmem>>, vector<16xi32>,
    %add3A_1258 = arith.constant 64 : i32
    %add3A_1259 = vector.broadcast %add3A_1258 : i32 to vector<16xi32>
    %add3A_1260 = arith.addi %iota3A, %add3A_1259 : vector<16xi32>
    %gather3A_1261 = tpu.vector_load_idx %arg5[%add3A_1260, %broadcast_in_dim3A_1225] : memref<128x20xi32, #tpu.memory_space<vmem>>[vector<16xi32>, vector<16xi32>], vector<16xi32>,
    %swap3A_1262 = arith.constant 11 : i32
    %swap3A_1263 = arith.index_cast %swap3A_1262 : i32 to index
    %swap3A_1264 = arith.constant 64 : index
    %swap3A_1265 = tpu.vector_load %arg6[%swap3A_1263, %swap3A_1264] {strides = array<i32>} : memref<20x128xi32, #tpu.memory_space<vmem>>, vector<16xi32>,
    tpu.vector_store %arg6[%swap3A_1263, %swap3A_1264], %gather3A_1261 {strides = array<i32>} : memref<20x128xi32, #tpu.memory_space<vmem>>, vector<16xi32>,
    %add3A_1266 = arith.constant 80 : i32
    %add3A_1267 = vector.broadcast %add3A_1266 : i32 to vector<16xi32>
    %add3A_1268 = arith.addi %iota3A, %add3A_1267 : vector<16xi32>
    %gather3A_1269 = tpu.vector_load_idx %arg5[%add3A_1268, %broadcast_in_dim3A_1225] : memref<128x20xi32, #tpu.memory_space<vmem>>[vector<16xi32>, vector<16xi32>], vector<16xi32>,
    %swap3A_1270 = arith.constant 11 : i32
    %swap3A_1271 = arith.index_cast %swap3A_1270 : i32 to index
    %swap3A_1272 = arith.constant 80 : index
    %swap3A_1273 = tpu.vector_load %arg6[%swap3A_1271, %swap3A_1272] {strides = array<i32>} : memref<20x128xi32, #tpu.memory_space<vmem>>, vector<16xi32>,
    tpu.vector_store %arg6[%swap3A_1271, %swap3A_1272], %gather3A_1269 {strides = array<i32>} : memref<20x128xi32, #tpu.memory_space<vmem>>, vector<16xi32>,
    %add3A_1274 = arith.constant 96 : i32
    %add3A_1275 = vector.broadcast %add3A_1274 : i32 to vector<16xi32>
    %add3A_1276 = arith.addi %iota3A, %add3A_1275 : vector<16xi32>
    %gather3A_1277 = tpu.vector_load_idx %arg5[%add3A_1276, %broadcast_in_dim3A_1225] : memref<128x20xi32, #tpu.memory_space<vmem>>[vector<16xi32>, vector<16xi32>], vector<16xi32>,
    %swap3A_1278 = arith.constant 11 : i32
    %swap3A_1279 = arith.index_cast %swap3A_1278 : i32 to index
    %swap3A_1280 = arith.constant 96 : index
    %swap3A_1281 = tpu.vector_load %arg6[%swap3A_1279, %swap3A_1280] {strides = array<i32>} : memref<20x128xi32, #tpu.memory_space<vmem>>, vector<16xi32>,
    tpu.vector_store %arg6[%swap3A_1279, %swap3A_1280], %gather3A_1277 {strides = array<i32>} : memref<20x128xi32, #tpu.memory_space<vmem>>, vector<16xi32>,
    %add3A_1282 = arith.constant 112 : i32
    %add3A_1283 = vector.broadcast %add3A_1282 : i32 to vector<16xi32>
    %add3A_1284 = arith.addi %iota3A, %add3A_1283 : vector<16xi32>
    %gather3A_1285 = tpu.vector_load_idx %arg5[%add3A_1284, %broadcast_in_dim3A_1225] : memref<128x20xi32, #tpu.memory_space<vmem>>[vector<16xi32>, vector<16xi32>], vector<16xi32>,
    %swap3A_1286 = arith.constant 11 : i32
    %swap3A_1287 = arith.index_cast %swap3A_1286 : i32 to index
    %swap3A_1288 = arith.constant 112 : index
    %swap3A_1289 = tpu.vector_load %arg6[%swap3A_1287, %swap3A_1288] {strides = array<i32>} : memref<20x128xi32, #tpu.memory_space<vmem>>, vector<16xi32>,
    tpu.vector_store %arg6[%swap3A_1287, %swap3A_1288], %gather3A_1285 {strides = array<i32>} : memref<20x128xi32, #tpu.memory_space<vmem>>, vector<16xi32>,
    %dma_start3A_1290 = arith.constant 11 : i32
    %dma_start3A_1291 = arith.constant 5 : i32
    %dma_start3A_1292 = arith.constant 0 : i32
    %dma_start3A_1293 = arith.constant 0 : i32
    %dma_start3A_1294 = tpu.memref_slice %arg7[%dma_start3A_1291, %dma_start3A_1292, %dma_start3A_1293] : memref<6x128x128xf32, #tpu.memory_space<vmem>> -> memref<1x128x128xf32, #tpu.memory_space<vmem>>
    %dma_start3A_1295 = tpu.memref_squeeze %dma_start3A_1294 : memref<1x128x128xf32, #tpu.memory_space<vmem>> -> memref<128x128xf32, #tpu.memory_space<vmem>>
    %dma_start3A_1296 = arith.constant 0 : i32
    %dma_start3A_1297 = tpu.memref_slice %arg6[%dma_start3A_1290, %dma_start3A_1296] : memref<20x128xi32, #tpu.memory_space<vmem>> -> memref<1x128xi32, #tpu.memory_space<vmem>>
    %dma_start3A_1298 = tpu.memref_squeeze %dma_start3A_1297 : memref<1x128xi32, #tpu.memory_space<vmem>> -> memref<128xi32, #tpu.memory_space<vmem>>
    %dma_start3A_1299 = arith.constant 0 : i32
    %dma_start3A_1300 = arith.constant 0 : i32
    %dma_start3A_1301 = tpu.memref_slice %arg3[%dma_start3A_1299, %dma_start3A_1300] : memref<100000x128xf32, #tpu.memory_space<hbm>> -> memref<100000x128xf32, #tpu.memory_space<hbm>>
    tpu.enqueue_indirect_dma source(%dma_start3A_1301 : memref<100000x128xf32, #tpu.memory_space<hbm>>) target(%dma_start3A_1295 : memref<128x128xf32, #tpu.memory_space<vmem>>) offsets(%dma_start3A_1298 : memref<128xi32, #tpu.memory_space<vmem>>) semaphore(%arg8 : memref<!tpu.dma_semaphore, #tpu.memory_space<semaphore_mem>>)
    %dma_wait3A_1302 = arith.constant 0 : i32
    %dma_wait3A_1303 = arith.constant 0 : i32
    %dma_wait3A_1304 = arith.constant 0 : i32
    %dma_wait3A_1305 = arith.constant 0 : i32
    %dma_wait3A_1306 = tpu.memref_slice %arg7[%dma_wait3A_1303, %dma_wait3A_1304, %dma_wait3A_1305] : memref<6x128x128xf32, #tpu.memory_space<vmem>> -> memref<1x128x128xf32, #tpu.memory_space<vmem>>
    %dma_wait3A_1307 = tpu.memref_squeeze %dma_wait3A_1306 : memref<1x128x128xf32, #tpu.memory_space<vmem>> -> memref<128x128xf32, #tpu.memory_space<vmem>>
    %dma_wait3A_1308 = arith.constant 0 : i32
    %dma_wait3A_1309 = tpu.memref_slice %arg4[%dma_wait3A_1302, %mul3A_2, %dma_wait3A_1308] : memref<20x4096x128xf32, #tpu.memory_space<hbm>> -> memref<1x128x128xf32, #tpu.memory_space<hbm>>
    %dma_wait3A_1310 = tpu.memref_squeeze %dma_wait3A_1309 : memref<1x128x128xf32, #tpu.memory_space<hbm>> -> memref<128x128xf32, #tpu.memory_space<hbm>>
    %dma_wait3A_1311 = arith.constant 0 : i32
    %dma_wait3A_1312 = arith.constant 0 : i32
    %dma_wait3A_1313 = tpu.memref_slice %arg7[%dma_wait3A_1303, %dma_wait3A_1311, %dma_wait3A_1312] : memref<6x128x128xf32, #tpu.memory_space<vmem>> -> memref<1x128x128xf32, #tpu.memory_space<vmem>>
    %dma_wait3A_1314 = tpu.memref_squeeze %dma_wait3A_1313 : memref<1x128x128xf32, #tpu.memory_space<vmem>> -> memref<128x128xf32, #tpu.memory_space<vmem>>
    %dma_wait3A_1315 = arith.constant 0 : i32
    %dma_wait3A_1316 = tpu.memref_slice %arg4[%dma_wait3A_1302, %mul3A_2, %dma_wait3A_1315] : memref<20x4096x128xf32, #tpu.memory_space<hbm>> -> memref<1x128x128xf32, #tpu.memory_space<hbm>>
    %dma_wait3A_1317 = tpu.memref_squeeze %dma_wait3A_1316 : memref<1x128x128xf32, #tpu.memory_space<hbm>> -> memref<128x128xf32, #tpu.memory_space<hbm>>
    tpu.wait_dma2 semaphore(%arg8 : memref<!tpu.dma_semaphore, #tpu.memory_space<semaphore_mem>>) src(%dma_wait3A_1317 : memref<128x128xf32, #tpu.memory_space<hbm>>) dst(%dma_wait3A_1314 : memref<128x128xf32, #tpu.memory_space<vmem>>)
    %dma_start3A_1318 = arith.constant 2 : i32
    %dma_start3A_1319 = arith.constant 8 : i32
    %dma_start3A_1320 = arith.constant 0 : i32
    %dma_start3A_1321 = arith.constant 0 : i32
    %dma_start3A_1322 = tpu.memref_slice %arg7[%dma_start3A_1318, %dma_start3A_1320, %dma_start3A_1321] : memref<6x128x128xf32, #tpu.memory_space<vmem>> -> memref<1x128x128xf32, #tpu.memory_space<vmem>>
    %dma_start3A_1323 = tpu.memref_squeeze %dma_start3A_1322 : memref<1x128x128xf32, #tpu.memory_space<vmem>> -> memref<128x128xf32, #tpu.memory_space<vmem>>
    %dma_start3A_1324 = arith.constant 0 : i32
    %dma_start3A_1325 = tpu.memref_slice %arg4[%dma_start3A_1319, %mul3A_2, %dma_start3A_1324] : memref<20x4096x128xf32, #tpu.memory_space<hbm>> -> memref<1x128x128xf32, #tpu.memory_space<hbm>>
    %dma_start3A_1326 = tpu.memref_squeeze %dma_start3A_1325 : memref<1x128x128xf32, #tpu.memory_space<hbm>> -> memref<128x128xf32, #tpu.memory_space<hbm>>
    %dma_start3A_1327 = arith.constant 0 : i32
    %dma_start3A_1328 = tpu.memref_slice %arg4[%dma_start3A_1319, %mul3A_2, %dma_start3A_1327] : memref<20x4096x128xf32, #tpu.memory_space<hbm>> -> memref<1x128x128xf32, #tpu.memory_space<hbm>>
    %dma_start3A_1329 = tpu.memref_squeeze %dma_start3A_1328 : memref<1x128x128xf32, #tpu.memory_space<hbm>> -> memref<128x128xf32, #tpu.memory_space<hbm>>
    %dma_start3A_1330 = arith.constant 0 : i32
    %dma_start3A_1331 = arith.constant 0 : i32
    %dma_start3A_1332 = tpu.memref_slice %arg7[%dma_start3A_1318, %dma_start3A_1330, %dma_start3A_1331] : memref<6x128x128xf32, #tpu.memory_space<vmem>> -> memref<1x128x128xf32, #tpu.memory_space<vmem>>
    %dma_start3A_1333 = tpu.memref_squeeze %dma_start3A_1332 : memref<1x128x128xf32, #tpu.memory_space<vmem>> -> memref<128x128xf32, #tpu.memory_space<vmem>>
    tpu.enqueue_dma source(%dma_start3A_1333 : memref<128x128xf32, #tpu.memory_space<vmem>>) target(%dma_start3A_1329 : memref<128x128xf32, #tpu.memory_space<hbm>>) target_semaphore(%arg9 : memref<!tpu.dma_semaphore, #tpu.memory_space<semaphore_mem>>)
    %dma_wait3A_1334 = arith.constant 0 : i32
    %dma_wait3A_1335 = arith.constant 0 : i32
    %dma_wait3A_1336 = arith.constant 0 : i32
    %dma_wait3A_1337 = arith.constant 0 : i32
    %dma_wait3A_1338 = tpu.memref_slice %arg7[%dma_wait3A_1334, %dma_wait3A_1336, %dma_wait3A_1337] : memref<6x128x128xf32, #tpu.memory_space<vmem>> -> memref<1x128x128xf32, #tpu.memory_space<vmem>>
    %dma_wait3A_1339 = tpu.memref_squeeze %dma_wait3A_1338 : memref<1x128x128xf32, #tpu.memory_space<vmem>> -> memref<128x128xf32, #tpu.memory_space<vmem>>
    %dma_wait3A_1340 = arith.constant 0 : i32
    %dma_wait3A_1341 = tpu.memref_slice %arg4[%dma_wait3A_1335, %mul3A_2, %dma_wait3A_1340] : memref<20x4096x128xf32, #tpu.memory_space<hbm>> -> memref<1x128x128xf32, #tpu.memory_space<hbm>>
    %dma_wait3A_1342 = tpu.memref_squeeze %dma_wait3A_1341 : memref<1x128x128xf32, #tpu.memory_space<hbm>> -> memref<128x128xf32, #tpu.memory_space<hbm>>
    %dma_wait3A_1343 = arith.constant 0 : i32
    %dma_wait3A_1344 = tpu.memref_slice %arg4[%dma_wait3A_1335, %mul3A_2, %dma_wait3A_1343] : memref<20x4096x128xf32, #tpu.memory_space<hbm>> -> memref<1x128x128xf32, #tpu.memory_space<hbm>>
    %dma_wait3A_1345 = tpu.memref_squeeze %dma_wait3A_1344 : memref<1x128x128xf32, #tpu.memory_space<hbm>> -> memref<128x128xf32, #tpu.memory_space<hbm>>
    %dma_wait3A_1346 = arith.constant 0 : i32
    %dma_wait3A_1347 = arith.constant 0 : i32
    %dma_wait3A_1348 = tpu.memref_slice %arg7[%dma_wait3A_1334, %dma_wait3A_1346, %dma_wait3A_1347] : memref<6x128x128xf32, #tpu.memory_space<vmem>> -> memref<1x128x128xf32, #tpu.memory_space<vmem>>
    %dma_wait3A_1349 = tpu.memref_squeeze %dma_wait3A_1348 : memref<1x128x128xf32, #tpu.memory_space<vmem>> -> memref<128x128xf32, #tpu.memory_space<vmem>>
    tpu.wait_dma2 semaphore(%arg9 : memref<!tpu.dma_semaphore, #tpu.memory_space<semaphore_mem>>) src(%dma_wait3A_1349 : memref<128x128xf32, #tpu.memory_space<vmem>>) dst(%dma_wait3A_1345 : memref<128x128xf32, #tpu.memory_space<hbm>>)
    %broadcast_in_dim3A_1350 = arith.constant 12 : i32
    %broadcast_in_dim3A_1351 = vector.broadcast %broadcast_in_dim3A_1350 : i32 to vector<16xi32>
    %add3A_1352 = arith.constant 0 : i32
    %add3A_1353 = vector.broadcast %add3A_1352 : i32 to vector<16xi32>
    %add3A_1354 = arith.addi %iota3A, %add3A_1353 : vector<16xi32>
    %gather3A_1355 = tpu.vector_load_idx %arg5[%add3A_1354, %broadcast_in_dim3A_1351] : memref<128x20xi32, #tpu.memory_space<vmem>>[vector<16xi32>, vector<16xi32>], vector<16xi32>,
    %swap3A_1356 = arith.constant 12 : i32
    %swap3A_1357 = arith.index_cast %swap3A_1356 : i32 to index
    %swap3A_1358 = arith.constant 0 : index
    %swap3A_1359 = tpu.vector_load %arg6[%swap3A_1357, %swap3A_1358] {strides = array<i32>} : memref<20x128xi32, #tpu.memory_space<vmem>>, vector<16xi32>,
    tpu.vector_store %arg6[%swap3A_1357, %swap3A_1358], %gather3A_1355 {strides = array<i32>} : memref<20x128xi32, #tpu.memory_space<vmem>>, vector<16xi32>,
    %add3A_1360 = arith.constant 16 : i32
    %add3A_1361 = vector.broadcast %add3A_1360 : i32 to vector<16xi32>
    %add3A_1362 = arith.addi %iota3A, %add3A_1361 : vector<16xi32>
    %gather3A_1363 = tpu.vector_load_idx %arg5[%add3A_1362, %broadcast_in_dim3A_1351] : memref<128x20xi32, #tpu.memory_space<vmem>>[vector<16xi32>, vector<16xi32>], vector<16xi32>,
    %swap3A_1364 = arith.constant 12 : i32
    %swap3A_1365 = arith.index_cast %swap3A_1364 : i32 to index
    %swap3A_1366 = arith.constant 16 : index
    %swap3A_1367 = tpu.vector_load %arg6[%swap3A_1365, %swap3A_1366] {strides = array<i32>} : memref<20x128xi32, #tpu.memory_space<vmem>>, vector<16xi32>,
    tpu.vector_store %arg6[%swap3A_1365, %swap3A_1366], %gather3A_1363 {strides = array<i32>} : memref<20x128xi32, #tpu.memory_space<vmem>>, vector<16xi32>,
    %add3A_1368 = arith.constant 32 : i32
    %add3A_1369 = vector.broadcast %add3A_1368 : i32 to vector<16xi32>
    %add3A_1370 = arith.addi %iota3A, %add3A_1369 : vector<16xi32>
    %gather3A_1371 = tpu.vector_load_idx %arg5[%add3A_1370, %broadcast_in_dim3A_1351] : memref<128x20xi32, #tpu.memory_space<vmem>>[vector<16xi32>, vector<16xi32>], vector<16xi32>,
    %swap3A_1372 = arith.constant 12 : i32
    %swap3A_1373 = arith.index_cast %swap3A_1372 : i32 to index
    %swap3A_1374 = arith.constant 32 : index
    %swap3A_1375 = tpu.vector_load %arg6[%swap3A_1373, %swap3A_1374] {strides = array<i32>} : memref<20x128xi32, #tpu.memory_space<vmem>>, vector<16xi32>,
    tpu.vector_store %arg6[%swap3A_1373, %swap3A_1374], %gather3A_1371 {strides = array<i32>} : memref<20x128xi32, #tpu.memory_space<vmem>>, vector<16xi32>,
    %add3A_1376 = arith.constant 48 : i32
    %add3A_1377 = vector.broadcast %add3A_1376 : i32 to vector<16xi32>
    %add3A_1378 = arith.addi %iota3A, %add3A_1377 : vector<16xi32>
    %gather3A_1379 = tpu.vector_load_idx %arg5[%add3A_1378, %broadcast_in_dim3A_1351] : memref<128x20xi32, #tpu.memory_space<vmem>>[vector<16xi32>, vector<16xi32>], vector<16xi32>,
    %swap3A_1380 = arith.constant 12 : i32
    %swap3A_1381 = arith.index_cast %swap3A_1380 : i32 to index
    %swap3A_1382 = arith.constant 48 : index
    %swap3A_1383 = tpu.vector_load %arg6[%swap3A_1381, %swap3A_1382] {strides = array<i32>} : memref<20x128xi32, #tpu.memory_space<vmem>>, vector<16xi32>,
    tpu.vector_store %arg6[%swap3A_1381, %swap3A_1382], %gather3A_1379 {strides = array<i32>} : memref<20x128xi32, #tpu.memory_space<vmem>>, vector<16xi32>,
    %add3A_1384 = arith.constant 64 : i32
    %add3A_1385 = vector.broadcast %add3A_1384 : i32 to vector<16xi32>
    %add3A_1386 = arith.addi %iota3A, %add3A_1385 : vector<16xi32>
    %gather3A_1387 = tpu.vector_load_idx %arg5[%add3A_1386, %broadcast_in_dim3A_1351] : memref<128x20xi32, #tpu.memory_space<vmem>>[vector<16xi32>, vector<16xi32>], vector<16xi32>,
    %swap3A_1388 = arith.constant 12 : i32
    %swap3A_1389 = arith.index_cast %swap3A_1388 : i32 to index
    %swap3A_1390 = arith.constant 64 : index
    %swap3A_1391 = tpu.vector_load %arg6[%swap3A_1389, %swap3A_1390] {strides = array<i32>} : memref<20x128xi32, #tpu.memory_space<vmem>>, vector<16xi32>,
    tpu.vector_store %arg6[%swap3A_1389, %swap3A_1390], %gather3A_1387 {strides = array<i32>} : memref<20x128xi32, #tpu.memory_space<vmem>>, vector<16xi32>,
    %add3A_1392 = arith.constant 80 : i32
    %add3A_1393 = vector.broadcast %add3A_1392 : i32 to vector<16xi32>
    %add3A_1394 = arith.addi %iota3A, %add3A_1393 : vector<16xi32>
    %gather3A_1395 = tpu.vector_load_idx %arg5[%add3A_1394, %broadcast_in_dim3A_1351] : memref<128x20xi32, #tpu.memory_space<vmem>>[vector<16xi32>, vector<16xi32>], vector<16xi32>,
    %swap3A_1396 = arith.constant 12 : i32
    %swap3A_1397 = arith.index_cast %swap3A_1396 : i32 to index
    %swap3A_1398 = arith.constant 80 : index
    %swap3A_1399 = tpu.vector_load %arg6[%swap3A_1397, %swap3A_1398] {strides = array<i32>} : memref<20x128xi32, #tpu.memory_space<vmem>>, vector<16xi32>,
    tpu.vector_store %arg6[%swap3A_1397, %swap3A_1398], %gather3A_1395 {strides = array<i32>} : memref<20x128xi32, #tpu.memory_space<vmem>>, vector<16xi32>,
    %add3A_1400 = arith.constant 96 : i32
    %add3A_1401 = vector.broadcast %add3A_1400 : i32 to vector<16xi32>
    %add3A_1402 = arith.addi %iota3A, %add3A_1401 : vector<16xi32>
    %gather3A_1403 = tpu.vector_load_idx %arg5[%add3A_1402, %broadcast_in_dim3A_1351] : memref<128x20xi32, #tpu.memory_space<vmem>>[vector<16xi32>, vector<16xi32>], vector<16xi32>,
    %swap3A_1404 = arith.constant 12 : i32
    %swap3A_1405 = arith.index_cast %swap3A_1404 : i32 to index
    %swap3A_1406 = arith.constant 96 : index
    %swap3A_1407 = tpu.vector_load %arg6[%swap3A_1405, %swap3A_1406] {strides = array<i32>} : memref<20x128xi32, #tpu.memory_space<vmem>>, vector<16xi32>,
    tpu.vector_store %arg6[%swap3A_1405, %swap3A_1406], %gather3A_1403 {strides = array<i32>} : memref<20x128xi32, #tpu.memory_space<vmem>>, vector<16xi32>,
    %add3A_1408 = arith.constant 112 : i32
    %add3A_1409 = vector.broadcast %add3A_1408 : i32 to vector<16xi32>
    %add3A_1410 = arith.addi %iota3A, %add3A_1409 : vector<16xi32>
    %gather3A_1411 = tpu.vector_load_idx %arg5[%add3A_1410, %broadcast_in_dim3A_1351] : memref<128x20xi32, #tpu.memory_space<vmem>>[vector<16xi32>, vector<16xi32>], vector<16xi32>,
    %swap3A_1412 = arith.constant 12 : i32
    %swap3A_1413 = arith.index_cast %swap3A_1412 : i32 to index
    %swap3A_1414 = arith.constant 112 : index
    %swap3A_1415 = tpu.vector_load %arg6[%swap3A_1413, %swap3A_1414] {strides = array<i32>} : memref<20x128xi32, #tpu.memory_space<vmem>>, vector<16xi32>,
    tpu.vector_store %arg6[%swap3A_1413, %swap3A_1414], %gather3A_1411 {strides = array<i32>} : memref<20x128xi32, #tpu.memory_space<vmem>>, vector<16xi32>,
    %dma_start3A_1416 = arith.constant 12 : i32
    %dma_start3A_1417 = arith.constant 0 : i32
    %dma_start3A_1418 = arith.constant 0 : i32
    %dma_start3A_1419 = arith.constant 0 : i32
    %dma_start3A_1420 = tpu.memref_slice %arg7[%dma_start3A_1417, %dma_start3A_1418, %dma_start3A_1419] : memref<6x128x128xf32, #tpu.memory_space<vmem>> -> memref<1x128x128xf32, #tpu.memory_space<vmem>>
    %dma_start3A_1421 = tpu.memref_squeeze %dma_start3A_1420 : memref<1x128x128xf32, #tpu.memory_space<vmem>> -> memref<128x128xf32, #tpu.memory_space<vmem>>
    %dma_start3A_1422 = arith.constant 0 : i32
    %dma_start3A_1423 = tpu.memref_slice %arg6[%dma_start3A_1416, %dma_start3A_1422] : memref<20x128xi32, #tpu.memory_space<vmem>> -> memref<1x128xi32, #tpu.memory_space<vmem>>
    %dma_start3A_1424 = tpu.memref_squeeze %dma_start3A_1423 : memref<1x128xi32, #tpu.memory_space<vmem>> -> memref<128xi32, #tpu.memory_space<vmem>>
    %dma_start3A_1425 = arith.constant 0 : i32
    %dma_start3A_1426 = arith.constant 0 : i32
    %dma_start3A_1427 = tpu.memref_slice %arg3[%dma_start3A_1425, %dma_start3A_1426] : memref<100000x128xf32, #tpu.memory_space<hbm>> -> memref<100000x128xf32, #tpu.memory_space<hbm>>
    tpu.enqueue_indirect_dma source(%dma_start3A_1427 : memref<100000x128xf32, #tpu.memory_space<hbm>>) target(%dma_start3A_1421 : memref<128x128xf32, #tpu.memory_space<vmem>>) offsets(%dma_start3A_1424 : memref<128xi32, #tpu.memory_space<vmem>>) semaphore(%arg8 : memref<!tpu.dma_semaphore, #tpu.memory_space<semaphore_mem>>)
    %dma_wait3A_1428 = arith.constant 0 : i32
    %dma_wait3A_1429 = arith.constant 0 : i32
    %dma_wait3A_1430 = arith.constant 0 : i32
    %dma_wait3A_1431 = arith.constant 0 : i32
    %dma_wait3A_1432 = tpu.memref_slice %arg7[%dma_wait3A_1429, %dma_wait3A_1430, %dma_wait3A_1431] : memref<6x128x128xf32, #tpu.memory_space<vmem>> -> memref<1x128x128xf32, #tpu.memory_space<vmem>>
    %dma_wait3A_1433 = tpu.memref_squeeze %dma_wait3A_1432 : memref<1x128x128xf32, #tpu.memory_space<vmem>> -> memref<128x128xf32, #tpu.memory_space<vmem>>
    %dma_wait3A_1434 = arith.constant 0 : i32
    %dma_wait3A_1435 = tpu.memref_slice %arg4[%dma_wait3A_1428, %mul3A_2, %dma_wait3A_1434] : memref<20x4096x128xf32, #tpu.memory_space<hbm>> -> memref<1x128x128xf32, #tpu.memory_space<hbm>>
    %dma_wait3A_1436 = tpu.memref_squeeze %dma_wait3A_1435 : memref<1x128x128xf32, #tpu.memory_space<hbm>> -> memref<128x128xf32, #tpu.memory_space<hbm>>
    %dma_wait3A_1437 = arith.constant 0 : i32
    %dma_wait3A_1438 = arith.constant 0 : i32
    %dma_wait3A_1439 = tpu.memref_slice %arg7[%dma_wait3A_1429, %dma_wait3A_1437, %dma_wait3A_1438] : memref<6x128x128xf32, #tpu.memory_space<vmem>> -> memref<1x128x128xf32, #tpu.memory_space<vmem>>
    %dma_wait3A_1440 = tpu.memref_squeeze %dma_wait3A_1439 : memref<1x128x128xf32, #tpu.memory_space<vmem>> -> memref<128x128xf32, #tpu.memory_space<vmem>>
    %dma_wait3A_1441 = arith.constant 0 : i32
    %dma_wait3A_1442 = tpu.memref_slice %arg4[%dma_wait3A_1428, %mul3A_2, %dma_wait3A_1441] : memref<20x4096x128xf32, #tpu.memory_space<hbm>> -> memref<1x128x128xf32, #tpu.memory_space<hbm>>
    %dma_wait3A_1443 = tpu.memref_squeeze %dma_wait3A_1442 : memref<1x128x128xf32, #tpu.memory_space<hbm>> -> memref<128x128xf32, #tpu.memory_space<hbm>>
    tpu.wait_dma2 semaphore(%arg8 : memref<!tpu.dma_semaphore, #tpu.memory_space<semaphore_mem>>) src(%dma_wait3A_1443 : memref<128x128xf32, #tpu.memory_space<hbm>>) dst(%dma_wait3A_1440 : memref<128x128xf32, #tpu.memory_space<vmem>>)
    %dma_start3A_1444 = arith.constant 3 : i32
    %dma_start3A_1445 = arith.constant 9 : i32
    %dma_start3A_1446 = arith.constant 0 : i32
    %dma_start3A_1447 = arith.constant 0 : i32
    %dma_start3A_1448 = tpu.memref_slice %arg7[%dma_start3A_1444, %dma_start3A_1446, %dma_start3A_1447] : memref<6x128x128xf32, #tpu.memory_space<vmem>> -> memref<1x128x128xf32, #tpu.memory_space<vmem>>
    %dma_start3A_1449 = tpu.memref_squeeze %dma_start3A_1448 : memref<1x128x128xf32, #tpu.memory_space<vmem>> -> memref<128x128xf32, #tpu.memory_space<vmem>>
    %dma_start3A_1450 = arith.constant 0 : i32
    %dma_start3A_1451 = tpu.memref_slice %arg4[%dma_start3A_1445, %mul3A_2, %dma_start3A_1450] : memref<20x4096x128xf32, #tpu.memory_space<hbm>> -> memref<1x128x128xf32, #tpu.memory_space<hbm>>
    %dma_start3A_1452 = tpu.memref_squeeze %dma_start3A_1451 : memref<1x128x128xf32, #tpu.memory_space<hbm>> -> memref<128x128xf32, #tpu.memory_space<hbm>>
    %dma_start3A_1453 = arith.constant 0 : i32
    %dma_start3A_1454 = tpu.memref_slice %arg4[%dma_start3A_1445, %mul3A_2, %dma_start3A_1453] : memref<20x4096x128xf32, #tpu.memory_space<hbm>> -> memref<1x128x128xf32, #tpu.memory_space<hbm>>
    %dma_start3A_1455 = tpu.memref_squeeze %dma_start3A_1454 : memref<1x128x128xf32, #tpu.memory_space<hbm>> -> memref<128x128xf32, #tpu.memory_space<hbm>>
    %dma_start3A_1456 = arith.constant 0 : i32
    %dma_start3A_1457 = arith.constant 0 : i32
    %dma_start3A_1458 = tpu.memref_slice %arg7[%dma_start3A_1444, %dma_start3A_1456, %dma_start3A_1457] : memref<6x128x128xf32, #tpu.memory_space<vmem>> -> memref<1x128x128xf32, #tpu.memory_space<vmem>>
    %dma_start3A_1459 = tpu.memref_squeeze %dma_start3A_1458 : memref<1x128x128xf32, #tpu.memory_space<vmem>> -> memref<128x128xf32, #tpu.memory_space<vmem>>
    tpu.enqueue_dma source(%dma_start3A_1459 : memref<128x128xf32, #tpu.memory_space<vmem>>) target(%dma_start3A_1455 : memref<128x128xf32, #tpu.memory_space<hbm>>) target_semaphore(%arg9 : memref<!tpu.dma_semaphore, #tpu.memory_space<semaphore_mem>>)
    %dma_wait3A_1460 = arith.constant 0 : i32
    %dma_wait3A_1461 = arith.constant 0 : i32
    %dma_wait3A_1462 = arith.constant 0 : i32
    %dma_wait3A_1463 = arith.constant 0 : i32
    %dma_wait3A_1464 = tpu.memref_slice %arg7[%dma_wait3A_1460, %dma_wait3A_1462, %dma_wait3A_1463] : memref<6x128x128xf32, #tpu.memory_space<vmem>> -> memref<1x128x128xf32, #tpu.memory_space<vmem>>
    %dma_wait3A_1465 = tpu.memref_squeeze %dma_wait3A_1464 : memref<1x128x128xf32, #tpu.memory_space<vmem>> -> memref<128x128xf32, #tpu.memory_space<vmem>>
    %dma_wait3A_1466 = arith.constant 0 : i32
    %dma_wait3A_1467 = tpu.memref_slice %arg4[%dma_wait3A_1461, %mul3A_2, %dma_wait3A_1466] : memref<20x4096x128xf32, #tpu.memory_space<hbm>> -> memref<1x128x128xf32, #tpu.memory_space<hbm>>
    %dma_wait3A_1468 = tpu.memref_squeeze %dma_wait3A_1467 : memref<1x128x128xf32, #tpu.memory_space<hbm>> -> memref<128x128xf32, #tpu.memory_space<hbm>>
    %dma_wait3A_1469 = arith.constant 0 : i32
    %dma_wait3A_1470 = tpu.memref_slice %arg4[%dma_wait3A_1461, %mul3A_2, %dma_wait3A_1469] : memref<20x4096x128xf32, #tpu.memory_space<hbm>> -> memref<1x128x128xf32, #tpu.memory_space<hbm>>
    %dma_wait3A_1471 = tpu.memref_squeeze %dma_wait3A_1470 : memref<1x128x128xf32, #tpu.memory_space<hbm>> -> memref<128x128xf32, #tpu.memory_space<hbm>>
    %dma_wait3A_1472 = arith.constant 0 : i32
    %dma_wait3A_1473 = arith.constant 0 : i32
    %dma_wait3A_1474 = tpu.memref_slice %arg7[%dma_wait3A_1460, %dma_wait3A_1472, %dma_wait3A_1473] : memref<6x128x128xf32, #tpu.memory_space<vmem>> -> memref<1x128x128xf32, #tpu.memory_space<vmem>>
    %dma_wait3A_1475 = tpu.memref_squeeze %dma_wait3A_1474 : memref<1x128x128xf32, #tpu.memory_space<vmem>> -> memref<128x128xf32, #tpu.memory_space<vmem>>
    tpu.wait_dma2 semaphore(%arg9 : memref<!tpu.dma_semaphore, #tpu.memory_space<semaphore_mem>>) src(%dma_wait3A_1475 : memref<128x128xf32, #tpu.memory_space<vmem>>) dst(%dma_wait3A_1471 : memref<128x128xf32, #tpu.memory_space<hbm>>)
    %broadcast_in_dim3A_1476 = arith.constant 13 : i32
    %broadcast_in_dim3A_1477 = vector.broadcast %broadcast_in_dim3A_1476 : i32 to vector<16xi32>
    %add3A_1478 = arith.constant 0 : i32
    %add3A_1479 = vector.broadcast %add3A_1478 : i32 to vector<16xi32>
    %add3A_1480 = arith.addi %iota3A, %add3A_1479 : vector<16xi32>
    %gather3A_1481 = tpu.vector_load_idx %arg5[%add3A_1480, %broadcast_in_dim3A_1477] : memref<128x20xi32, #tpu.memory_space<vmem>>[vector<16xi32>, vector<16xi32>], vector<16xi32>,
    %swap3A_1482 = arith.constant 13 : i32
    %swap3A_1483 = arith.index_cast %swap3A_1482 : i32 to index
    %swap3A_1484 = arith.constant 0 : index
    %swap3A_1485 = tpu.vector_load %arg6[%swap3A_1483, %swap3A_1484] {strides = array<i32>} : memref<20x128xi32, #tpu.memory_space<vmem>>, vector<16xi32>,
    tpu.vector_store %arg6[%swap3A_1483, %swap3A_1484], %gather3A_1481 {strides = array<i32>} : memref<20x128xi32, #tpu.memory_space<vmem>>, vector<16xi32>,
    %add3A_1486 = arith.constant 16 : i32
    %add3A_1487 = vector.broadcast %add3A_1486 : i32 to vector<16xi32>
    %add3A_1488 = arith.addi %iota3A, %add3A_1487 : vector<16xi32>
    %gather3A_1489 = tpu.vector_load_idx %arg5[%add3A_1488, %broadcast_in_dim3A_1477] : memref<128x20xi32, #tpu.memory_space<vmem>>[vector<16xi32>, vector<16xi32>], vector<16xi32>,
    %swap3A_1490 = arith.constant 13 : i32
    %swap3A_1491 = arith.index_cast %swap3A_1490 : i32 to index
    %swap3A_1492 = arith.constant 16 : index
    %swap3A_1493 = tpu.vector_load %arg6[%swap3A_1491, %swap3A_1492] {strides = array<i32>} : memref<20x128xi32, #tpu.memory_space<vmem>>, vector<16xi32>,
    tpu.vector_store %arg6[%swap3A_1491, %swap3A_1492], %gather3A_1489 {strides = array<i32>} : memref<20x128xi32, #tpu.memory_space<vmem>>, vector<16xi32>,
    %add3A_1494 = arith.constant 32 : i32
    %add3A_1495 = vector.broadcast %add3A_1494 : i32 to vector<16xi32>
    %add3A_1496 = arith.addi %iota3A, %add3A_1495 : vector<16xi32>
    %gather3A_1497 = tpu.vector_load_idx %arg5[%add3A_1496, %broadcast_in_dim3A_1477] : memref<128x20xi32, #tpu.memory_space<vmem>>[vector<16xi32>, vector<16xi32>], vector<16xi32>,
    %swap3A_1498 = arith.constant 13 : i32
    %swap3A_1499 = arith.index_cast %swap3A_1498 : i32 to index
    %swap3A_1500 = arith.constant 32 : index
    %swap3A_1501 = tpu.vector_load %arg6[%swap3A_1499, %swap3A_1500] {strides = array<i32>} : memref<20x128xi32, #tpu.memory_space<vmem>>, vector<16xi32>,
    tpu.vector_store %arg6[%swap3A_1499, %swap3A_1500], %gather3A_1497 {strides = array<i32>} : memref<20x128xi32, #tpu.memory_space<vmem>>, vector<16xi32>,
    %add3A_1502 = arith.constant 48 : i32
    %add3A_1503 = vector.broadcast %add3A_1502 : i32 to vector<16xi32>
    %add3A_1504 = arith.addi %iota3A, %add3A_1503 : vector<16xi32>
    %gather3A_1505 = tpu.vector_load_idx %arg5[%add3A_1504, %broadcast_in_dim3A_1477] : memref<128x20xi32, #tpu.memory_space<vmem>>[vector<16xi32>, vector<16xi32>], vector<16xi32>,
    %swap3A_1506 = arith.constant 13 : i32
    %swap3A_1507 = arith.index_cast %swap3A_1506 : i32 to index
    %swap3A_1508 = arith.constant 48 : index
    %swap3A_1509 = tpu.vector_load %arg6[%swap3A_1507, %swap3A_1508] {strides = array<i32>} : memref<20x128xi32, #tpu.memory_space<vmem>>, vector<16xi32>,
    tpu.vector_store %arg6[%swap3A_1507, %swap3A_1508], %gather3A_1505 {strides = array<i32>} : memref<20x128xi32, #tpu.memory_space<vmem>>, vector<16xi32>,
    %add3A_1510 = arith.constant 64 : i32
    %add3A_1511 = vector.broadcast %add3A_1510 : i32 to vector<16xi32>
    %add3A_1512 = arith.addi %iota3A, %add3A_1511 : vector<16xi32>
    %gather3A_1513 = tpu.vector_load_idx %arg5[%add3A_1512, %broadcast_in_dim3A_1477] : memref<128x20xi32, #tpu.memory_space<vmem>>[vector<16xi32>, vector<16xi32>], vector<16xi32>,
    %swap3A_1514 = arith.constant 13 : i32
    %swap3A_1515 = arith.index_cast %swap3A_1514 : i32 to index
    %swap3A_1516 = arith.constant 64 : index
    %swap3A_1517 = tpu.vector_load %arg6[%swap3A_1515, %swap3A_1516] {strides = array<i32>} : memref<20x128xi32, #tpu.memory_space<vmem>>, vector<16xi32>,
    tpu.vector_store %arg6[%swap3A_1515, %swap3A_1516], %gather3A_1513 {strides = array<i32>} : memref<20x128xi32, #tpu.memory_space<vmem>>, vector<16xi32>,
    %add3A_1518 = arith.constant 80 : i32
    %add3A_1519 = vector.broadcast %add3A_1518 : i32 to vector<16xi32>
    %add3A_1520 = arith.addi %iota3A, %add3A_1519 : vector<16xi32>
    %gather3A_1521 = tpu.vector_load_idx %arg5[%add3A_1520, %broadcast_in_dim3A_1477] : memref<128x20xi32, #tpu.memory_space<vmem>>[vector<16xi32>, vector<16xi32>], vector<16xi32>,
    %swap3A_1522 = arith.constant 13 : i32
    %swap3A_1523 = arith.index_cast %swap3A_1522 : i32 to index
    %swap3A_1524 = arith.constant 80 : index
    %swap3A_1525 = tpu.vector_load %arg6[%swap3A_1523, %swap3A_1524] {strides = array<i32>} : memref<20x128xi32, #tpu.memory_space<vmem>>, vector<16xi32>,
    tpu.vector_store %arg6[%swap3A_1523, %swap3A_1524], %gather3A_1521 {strides = array<i32>} : memref<20x128xi32, #tpu.memory_space<vmem>>, vector<16xi32>,
    %add3A_1526 = arith.constant 96 : i32
    %add3A_1527 = vector.broadcast %add3A_1526 : i32 to vector<16xi32>
    %add3A_1528 = arith.addi %iota3A, %add3A_1527 : vector<16xi32>
    %gather3A_1529 = tpu.vector_load_idx %arg5[%add3A_1528, %broadcast_in_dim3A_1477] : memref<128x20xi32, #tpu.memory_space<vmem>>[vector<16xi32>, vector<16xi32>], vector<16xi32>,
    %swap3A_1530 = arith.constant 13 : i32
    %swap3A_1531 = arith.index_cast %swap3A_1530 : i32 to index
    %swap3A_1532 = arith.constant 96 : index
    %swap3A_1533 = tpu.vector_load %arg6[%swap3A_1531, %swap3A_1532] {strides = array<i32>} : memref<20x128xi32, #tpu.memory_space<vmem>>, vector<16xi32>,
    tpu.vector_store %arg6[%swap3A_1531, %swap3A_1532], %gather3A_1529 {strides = array<i32>} : memref<20x128xi32, #tpu.memory_space<vmem>>, vector<16xi32>,
    %add3A_1534 = arith.constant 112 : i32
    %add3A_1535 = vector.broadcast %add3A_1534 : i32 to vector<16xi32>
    %add3A_1536 = arith.addi %iota3A, %add3A_1535 : vector<16xi32>
    %gather3A_1537 = tpu.vector_load_idx %arg5[%add3A_1536, %broadcast_in_dim3A_1477] : memref<128x20xi32, #tpu.memory_space<vmem>>[vector<16xi32>, vector<16xi32>], vector<16xi32>,
    %swap3A_1538 = arith.constant 13 : i32
    %swap3A_1539 = arith.index_cast %swap3A_1538 : i32 to index
    %swap3A_1540 = arith.constant 112 : index
    %swap3A_1541 = tpu.vector_load %arg6[%swap3A_1539, %swap3A_1540] {strides = array<i32>} : memref<20x128xi32, #tpu.memory_space<vmem>>, vector<16xi32>,
    tpu.vector_store %arg6[%swap3A_1539, %swap3A_1540], %gather3A_1537 {strides = array<i32>} : memref<20x128xi32, #tpu.memory_space<vmem>>, vector<16xi32>,
    %dma_start3A_1542 = arith.constant 13 : i32
    %dma_start3A_1543 = arith.constant 1 : i32
    %dma_start3A_1544 = arith.constant 0 : i32
    %dma_start3A_1545 = arith.constant 0 : i32
    %dma_start3A_1546 = tpu.memref_slice %arg7[%dma_start3A_1543, %dma_start3A_1544, %dma_start3A_1545] : memref<6x128x128xf32, #tpu.memory_space<vmem>> -> memref<1x128x128xf32, #tpu.memory_space<vmem>>
    %dma_start3A_1547 = tpu.memref_squeeze %dma_start3A_1546 : memref<1x128x128xf32, #tpu.memory_space<vmem>> -> memref<128x128xf32, #tpu.memory_space<vmem>>
    %dma_start3A_1548 = arith.constant 0 : i32
    %dma_start3A_1549 = tpu.memref_slice %arg6[%dma_start3A_1542, %dma_start3A_1548] : memref<20x128xi32, #tpu.memory_space<vmem>> -> memref<1x128xi32, #tpu.memory_space<vmem>>
    %dma_start3A_1550 = tpu.memref_squeeze %dma_start3A_1549 : memref<1x128xi32, #tpu.memory_space<vmem>> -> memref<128xi32, #tpu.memory_space<vmem>>
    %dma_start3A_1551 = arith.constant 0 : i32
    %dma_start3A_1552 = arith.constant 0 : i32
    %dma_start3A_1553 = tpu.memref_slice %arg3[%dma_start3A_1551, %dma_start3A_1552] : memref<100000x128xf32, #tpu.memory_space<hbm>> -> memref<100000x128xf32, #tpu.memory_space<hbm>>
    tpu.enqueue_indirect_dma source(%dma_start3A_1553 : memref<100000x128xf32, #tpu.memory_space<hbm>>) target(%dma_start3A_1547 : memref<128x128xf32, #tpu.memory_space<vmem>>) offsets(%dma_start3A_1550 : memref<128xi32, #tpu.memory_space<vmem>>) semaphore(%arg8 : memref<!tpu.dma_semaphore, #tpu.memory_space<semaphore_mem>>)
    %dma_wait3A_1554 = arith.constant 0 : i32
    %dma_wait3A_1555 = arith.constant 0 : i32
    %dma_wait3A_1556 = arith.constant 0 : i32
    %dma_wait3A_1557 = arith.constant 0 : i32
    %dma_wait3A_1558 = tpu.memref_slice %arg7[%dma_wait3A_1555, %dma_wait3A_1556, %dma_wait3A_1557] : memref<6x128x128xf32, #tpu.memory_space<vmem>> -> memref<1x128x128xf32, #tpu.memory_space<vmem>>
    %dma_wait3A_1559 = tpu.memref_squeeze %dma_wait3A_1558 : memref<1x128x128xf32, #tpu.memory_space<vmem>> -> memref<128x128xf32, #tpu.memory_space<vmem>>
    %dma_wait3A_1560 = arith.constant 0 : i32
    %dma_wait3A_1561 = tpu.memref_slice %arg4[%dma_wait3A_1554, %mul3A_2, %dma_wait3A_1560] : memref<20x4096x128xf32, #tpu.memory_space<hbm>> -> memref<1x128x128xf32, #tpu.memory_space<hbm>>
    %dma_wait3A_1562 = tpu.memref_squeeze %dma_wait3A_1561 : memref<1x128x128xf32, #tpu.memory_space<hbm>> -> memref<128x128xf32, #tpu.memory_space<hbm>>
    %dma_wait3A_1563 = arith.constant 0 : i32
    %dma_wait3A_1564 = arith.constant 0 : i32
    %dma_wait3A_1565 = tpu.memref_slice %arg7[%dma_wait3A_1555, %dma_wait3A_1563, %dma_wait3A_1564] : memref<6x128x128xf32, #tpu.memory_space<vmem>> -> memref<1x128x128xf32, #tpu.memory_space<vmem>>
    %dma_wait3A_1566 = tpu.memref_squeeze %dma_wait3A_1565 : memref<1x128x128xf32, #tpu.memory_space<vmem>> -> memref<128x128xf32, #tpu.memory_space<vmem>>
    %dma_wait3A_1567 = arith.constant 0 : i32
    %dma_wait3A_1568 = tpu.memref_slice %arg4[%dma_wait3A_1554, %mul3A_2, %dma_wait3A_1567] : memref<20x4096x128xf32, #tpu.memory_space<hbm>> -> memref<1x128x128xf32, #tpu.memory_space<hbm>>
    %dma_wait3A_1569 = tpu.memref_squeeze %dma_wait3A_1568 : memref<1x128x128xf32, #tpu.memory_space<hbm>> -> memref<128x128xf32, #tpu.memory_space<hbm>>
    tpu.wait_dma2 semaphore(%arg8 : memref<!tpu.dma_semaphore, #tpu.memory_space<semaphore_mem>>) src(%dma_wait3A_1569 : memref<128x128xf32, #tpu.memory_space<hbm>>) dst(%dma_wait3A_1566 : memref<128x128xf32, #tpu.memory_space<vmem>>)
    %dma_start3A_1570 = arith.constant 4 : i32
    %dma_start3A_1571 = arith.constant 10 : i32
    %dma_start3A_1572 = arith.constant 0 : i32
    %dma_start3A_1573 = arith.constant 0 : i32
    %dma_start3A_1574 = tpu.memref_slice %arg7[%dma_start3A_1570, %dma_start3A_1572, %dma_start3A_1573] : memref<6x128x128xf32, #tpu.memory_space<vmem>> -> memref<1x128x128xf32, #tpu.memory_space<vmem>>
    %dma_start3A_1575 = tpu.memref_squeeze %dma_start3A_1574 : memref<1x128x128xf32, #tpu.memory_space<vmem>> -> memref<128x128xf32, #tpu.memory_space<vmem>>
    %dma_start3A_1576 = arith.constant 0 : i32
    %dma_start3A_1577 = tpu.memref_slice %arg4[%dma_start3A_1571, %mul3A_2, %dma_start3A_1576] : memref<20x4096x128xf32, #tpu.memory_space<hbm>> -> memref<1x128x128xf32, #tpu.memory_space<hbm>>
    %dma_start3A_1578 = tpu.memref_squeeze %dma_start3A_1577 : memref<1x128x128xf32, #tpu.memory_space<hbm>> -> memref<128x128xf32, #tpu.memory_space<hbm>>
    %dma_start3A_1579 = arith.constant 0 : i32
    %dma_start3A_1580 = tpu.memref_slice %arg4[%dma_start3A_1571, %mul3A_2, %dma_start3A_1579] : memref<20x4096x128xf32, #tpu.memory_space<hbm>> -> memref<1x128x128xf32, #tpu.memory_space<hbm>>
    %dma_start3A_1581 = tpu.memref_squeeze %dma_start3A_1580 : memref<1x128x128xf32, #tpu.memory_space<hbm>> -> memref<128x128xf32, #tpu.memory_space<hbm>>
    %dma_start3A_1582 = arith.constant 0 : i32
    %dma_start3A_1583 = arith.constant 0 : i32
    %dma_start3A_1584 = tpu.memref_slice %arg7[%dma_start3A_1570, %dma_start3A_1582, %dma_start3A_1583] : memref<6x128x128xf32, #tpu.memory_space<vmem>> -> memref<1x128x128xf32, #tpu.memory_space<vmem>>
    %dma_start3A_1585 = tpu.memref_squeeze %dma_start3A_1584 : memref<1x128x128xf32, #tpu.memory_space<vmem>> -> memref<128x128xf32, #tpu.memory_space<vmem>>
    tpu.enqueue_dma source(%dma_start3A_1585 : memref<128x128xf32, #tpu.memory_space<vmem>>) target(%dma_start3A_1581 : memref<128x128xf32, #tpu.memory_space<hbm>>) target_semaphore(%arg9 : memref<!tpu.dma_semaphore, #tpu.memory_space<semaphore_mem>>)
    %dma_wait3A_1586 = arith.constant 0 : i32
    %dma_wait3A_1587 = arith.constant 0 : i32
    %dma_wait3A_1588 = arith.constant 0 : i32
    %dma_wait3A_1589 = arith.constant 0 : i32
    %dma_wait3A_1590 = tpu.memref_slice %arg7[%dma_wait3A_1586, %dma_wait3A_1588, %dma_wait3A_1589] : memref<6x128x128xf32, #tpu.memory_space<vmem>> -> memref<1x128x128xf32, #tpu.memory_space<vmem>>
    %dma_wait3A_1591 = tpu.memref_squeeze %dma_wait3A_1590 : memref<1x128x128xf32, #tpu.memory_space<vmem>> -> memref<128x128xf32, #tpu.memory_space<vmem>>
    %dma_wait3A_1592 = arith.constant 0 : i32
    %dma_wait3A_1593 = tpu.memref_slice %arg4[%dma_wait3A_1587, %mul3A_2, %dma_wait3A_1592] : memref<20x4096x128xf32, #tpu.memory_space<hbm>> -> memref<1x128x128xf32, #tpu.memory_space<hbm>>
    %dma_wait3A_1594 = tpu.memref_squeeze %dma_wait3A_1593 : memref<1x128x128xf32, #tpu.memory_space<hbm>> -> memref<128x128xf32, #tpu.memory_space<hbm>>
    %dma_wait3A_1595 = arith.constant 0 : i32
    %dma_wait3A_1596 = tpu.memref_slice %arg4[%dma_wait3A_1587, %mul3A_2, %dma_wait3A_1595] : memref<20x4096x128xf32, #tpu.memory_space<hbm>> -> memref<1x128x128xf32, #tpu.memory_space<hbm>>
    %dma_wait3A_1597 = tpu.memref_squeeze %dma_wait3A_1596 : memref<1x128x128xf32, #tpu.memory_space<hbm>> -> memref<128x128xf32, #tpu.memory_space<hbm>>
    %dma_wait3A_1598 = arith.constant 0 : i32
    %dma_wait3A_1599 = arith.constant 0 : i32
    %dma_wait3A_1600 = tpu.memref_slice %arg7[%dma_wait3A_1586, %dma_wait3A_1598, %dma_wait3A_1599] : memref<6x128x128xf32, #tpu.memory_space<vmem>> -> memref<1x128x128xf32, #tpu.memory_space<vmem>>
    %dma_wait3A_1601 = tpu.memref_squeeze %dma_wait3A_1600 : memref<1x128x128xf32, #tpu.memory_space<vmem>> -> memref<128x128xf32, #tpu.memory_space<vmem>>
    tpu.wait_dma2 semaphore(%arg9 : memref<!tpu.dma_semaphore, #tpu.memory_space<semaphore_mem>>) src(%dma_wait3A_1601 : memref<128x128xf32, #tpu.memory_space<vmem>>) dst(%dma_wait3A_1597 : memref<128x128xf32, #tpu.memory_space<hbm>>)
    %broadcast_in_dim3A_1602 = arith.constant 14 : i32
    %broadcast_in_dim3A_1603 = vector.broadcast %broadcast_in_dim3A_1602 : i32 to vector<16xi32>
    %add3A_1604 = arith.constant 0 : i32
    %add3A_1605 = vector.broadcast %add3A_1604 : i32 to vector<16xi32>
    %add3A_1606 = arith.addi %iota3A, %add3A_1605 : vector<16xi32>
    %gather3A_1607 = tpu.vector_load_idx %arg5[%add3A_1606, %broadcast_in_dim3A_1603] : memref<128x20xi32, #tpu.memory_space<vmem>>[vector<16xi32>, vector<16xi32>], vector<16xi32>,
    %swap3A_1608 = arith.constant 14 : i32
    %swap3A_1609 = arith.index_cast %swap3A_1608 : i32 to index
    %swap3A_1610 = arith.constant 0 : index
    %swap3A_1611 = tpu.vector_load %arg6[%swap3A_1609, %swap3A_1610] {strides = array<i32>} : memref<20x128xi32, #tpu.memory_space<vmem>>, vector<16xi32>,
    tpu.vector_store %arg6[%swap3A_1609, %swap3A_1610], %gather3A_1607 {strides = array<i32>} : memref<20x128xi32, #tpu.memory_space<vmem>>, vector<16xi32>,
    %add3A_1612 = arith.constant 16 : i32
    %add3A_1613 = vector.broadcast %add3A_1612 : i32 to vector<16xi32>
    %add3A_1614 = arith.addi %iota3A, %add3A_1613 : vector<16xi32>
    %gather3A_1615 = tpu.vector_load_idx %arg5[%add3A_1614, %broadcast_in_dim3A_1603] : memref<128x20xi32, #tpu.memory_space<vmem>>[vector<16xi32>, vector<16xi32>], vector<16xi32>,
    %swap3A_1616 = arith.constant 14 : i32
    %swap3A_1617 = arith.index_cast %swap3A_1616 : i32 to index
    %swap3A_1618 = arith.constant 16 : index
    %swap3A_1619 = tpu.vector_load %arg6[%swap3A_1617, %swap3A_1618] {strides = array<i32>} : memref<20x128xi32, #tpu.memory_space<vmem>>, vector<16xi32>,
    tpu.vector_store %arg6[%swap3A_1617, %swap3A_1618], %gather3A_1615 {strides = array<i32>} : memref<20x128xi32, #tpu.memory_space<vmem>>, vector<16xi32>,
    %add3A_1620 = arith.constant 32 : i32
    %add3A_1621 = vector.broadcast %add3A_1620 : i32 to vector<16xi32>
    %add3A_1622 = arith.addi %iota3A, %add3A_1621 : vector<16xi32>
    %gather3A_1623 = tpu.vector_load_idx %arg5[%add3A_1622, %broadcast_in_dim3A_1603] : memref<128x20xi32, #tpu.memory_space<vmem>>[vector<16xi32>, vector<16xi32>], vector<16xi32>,
    %swap3A_1624 = arith.constant 14 : i32
    %swap3A_1625 = arith.index_cast %swap3A_1624 : i32 to index
    %swap3A_1626 = arith.constant 32 : index
    %swap3A_1627 = tpu.vector_load %arg6[%swap3A_1625, %swap3A_1626] {strides = array<i32>} : memref<20x128xi32, #tpu.memory_space<vmem>>, vector<16xi32>,
    tpu.vector_store %arg6[%swap3A_1625, %swap3A_1626], %gather3A_1623 {strides = array<i32>} : memref<20x128xi32, #tpu.memory_space<vmem>>, vector<16xi32>,
    %add3A_1628 = arith.constant 48 : i32
    %add3A_1629 = vector.broadcast %add3A_1628 : i32 to vector<16xi32>
    %add3A_1630 = arith.addi %iota3A, %add3A_1629 : vector<16xi32>
    %gather3A_1631 = tpu.vector_load_idx %arg5[%add3A_1630, %broadcast_in_dim3A_1603] : memref<128x20xi32, #tpu.memory_space<vmem>>[vector<16xi32>, vector<16xi32>], vector<16xi32>,
    %swap3A_1632 = arith.constant 14 : i32
    %swap3A_1633 = arith.index_cast %swap3A_1632 : i32 to index
    %swap3A_1634 = arith.constant 48 : index
    %swap3A_1635 = tpu.vector_load %arg6[%swap3A_1633, %swap3A_1634] {strides = array<i32>} : memref<20x128xi32, #tpu.memory_space<vmem>>, vector<16xi32>,
    tpu.vector_store %arg6[%swap3A_1633, %swap3A_1634], %gather3A_1631 {strides = array<i32>} : memref<20x128xi32, #tpu.memory_space<vmem>>, vector<16xi32>,
    %add3A_1636 = arith.constant 64 : i32
    %add3A_1637 = vector.broadcast %add3A_1636 : i32 to vector<16xi32>
    %add3A_1638 = arith.addi %iota3A, %add3A_1637 : vector<16xi32>
    %gather3A_1639 = tpu.vector_load_idx %arg5[%add3A_1638, %broadcast_in_dim3A_1603] : memref<128x20xi32, #tpu.memory_space<vmem>>[vector<16xi32>, vector<16xi32>], vector<16xi32>,
    %swap3A_1640 = arith.constant 14 : i32
    %swap3A_1641 = arith.index_cast %swap3A_1640 : i32 to index
    %swap3A_1642 = arith.constant 64 : index
    %swap3A_1643 = tpu.vector_load %arg6[%swap3A_1641, %swap3A_1642] {strides = array<i32>} : memref<20x128xi32, #tpu.memory_space<vmem>>, vector<16xi32>,
    tpu.vector_store %arg6[%swap3A_1641, %swap3A_1642], %gather3A_1639 {strides = array<i32>} : memref<20x128xi32, #tpu.memory_space<vmem>>, vector<16xi32>,
    %add3A_1644 = arith.constant 80 : i32
    %add3A_1645 = vector.broadcast %add3A_1644 : i32 to vector<16xi32>
    %add3A_1646 = arith.addi %iota3A, %add3A_1645 : vector<16xi32>
    %gather3A_1647 = tpu.vector_load_idx %arg5[%add3A_1646, %broadcast_in_dim3A_1603] : memref<128x20xi32, #tpu.memory_space<vmem>>[vector<16xi32>, vector<16xi32>], vector<16xi32>,
    %swap3A_1648 = arith.constant 14 : i32
    %swap3A_1649 = arith.index_cast %swap3A_1648 : i32 to index
    %swap3A_1650 = arith.constant 80 : index
    %swap3A_1651 = tpu.vector_load %arg6[%swap3A_1649, %swap3A_1650] {strides = array<i32>} : memref<20x128xi32, #tpu.memory_space<vmem>>, vector<16xi32>,
    tpu.vector_store %arg6[%swap3A_1649, %swap3A_1650], %gather3A_1647 {strides = array<i32>} : memref<20x128xi32, #tpu.memory_space<vmem>>, vector<16xi32>,
    %add3A_1652 = arith.constant 96 : i32
    %add3A_1653 = vector.broadcast %add3A_1652 : i32 to vector<16xi32>
    %add3A_1654 = arith.addi %iota3A, %add3A_1653 : vector<16xi32>
    %gather3A_1655 = tpu.vector_load_idx %arg5[%add3A_1654, %broadcast_in_dim3A_1603] : memref<128x20xi32, #tpu.memory_space<vmem>>[vector<16xi32>, vector<16xi32>], vector<16xi32>,
    %swap3A_1656 = arith.constant 14 : i32
    %swap3A_1657 = arith.index_cast %swap3A_1656 : i32 to index
    %swap3A_1658 = arith.constant 96 : index
    %swap3A_1659 = tpu.vector_load %arg6[%swap3A_1657, %swap3A_1658] {strides = array<i32>} : memref<20x128xi32, #tpu.memory_space<vmem>>, vector<16xi32>,
    tpu.vector_store %arg6[%swap3A_1657, %swap3A_1658], %gather3A_1655 {strides = array<i32>} : memref<20x128xi32, #tpu.memory_space<vmem>>, vector<16xi32>,
    %add3A_1660 = arith.constant 112 : i32
    %add3A_1661 = vector.broadcast %add3A_1660 : i32 to vector<16xi32>
    %add3A_1662 = arith.addi %iota3A, %add3A_1661 : vector<16xi32>
    %gather3A_1663 = tpu.vector_load_idx %arg5[%add3A_1662, %broadcast_in_dim3A_1603] : memref<128x20xi32, #tpu.memory_space<vmem>>[vector<16xi32>, vector<16xi32>], vector<16xi32>,
    %swap3A_1664 = arith.constant 14 : i32
    %swap3A_1665 = arith.index_cast %swap3A_1664 : i32 to index
    %swap3A_1666 = arith.constant 112 : index
    %swap3A_1667 = tpu.vector_load %arg6[%swap3A_1665, %swap3A_1666] {strides = array<i32>} : memref<20x128xi32, #tpu.memory_space<vmem>>, vector<16xi32>,
    tpu.vector_store %arg6[%swap3A_1665, %swap3A_1666], %gather3A_1663 {strides = array<i32>} : memref<20x128xi32, #tpu.memory_space<vmem>>, vector<16xi32>,
    %dma_start3A_1668 = arith.constant 14 : i32
    %dma_start3A_1669 = arith.constant 2 : i32
    %dma_start3A_1670 = arith.constant 0 : i32
    %dma_start3A_1671 = arith.constant 0 : i32
    %dma_start3A_1672 = tpu.memref_slice %arg7[%dma_start3A_1669, %dma_start3A_1670, %dma_start3A_1671] : memref<6x128x128xf32, #tpu.memory_space<vmem>> -> memref<1x128x128xf32, #tpu.memory_space<vmem>>
    %dma_start3A_1673 = tpu.memref_squeeze %dma_start3A_1672 : memref<1x128x128xf32, #tpu.memory_space<vmem>> -> memref<128x128xf32, #tpu.memory_space<vmem>>
    %dma_start3A_1674 = arith.constant 0 : i32
    %dma_start3A_1675 = tpu.memref_slice %arg6[%dma_start3A_1668, %dma_start3A_1674] : memref<20x128xi32, #tpu.memory_space<vmem>> -> memref<1x128xi32, #tpu.memory_space<vmem>>
    %dma_start3A_1676 = tpu.memref_squeeze %dma_start3A_1675 : memref<1x128xi32, #tpu.memory_space<vmem>> -> memref<128xi32, #tpu.memory_space<vmem>>
    %dma_start3A_1677 = arith.constant 0 : i32
    %dma_start3A_1678 = arith.constant 0 : i32
    %dma_start3A_1679 = tpu.memref_slice %arg3[%dma_start3A_1677, %dma_start3A_1678] : memref<100000x128xf32, #tpu.memory_space<hbm>> -> memref<100000x128xf32, #tpu.memory_space<hbm>>
    tpu.enqueue_indirect_dma source(%dma_start3A_1679 : memref<100000x128xf32, #tpu.memory_space<hbm>>) target(%dma_start3A_1673 : memref<128x128xf32, #tpu.memory_space<vmem>>) offsets(%dma_start3A_1676 : memref<128xi32, #tpu.memory_space<vmem>>) semaphore(%arg8 : memref<!tpu.dma_semaphore, #tpu.memory_space<semaphore_mem>>)
    %dma_wait3A_1680 = arith.constant 0 : i32
    %dma_wait3A_1681 = arith.constant 0 : i32
    %dma_wait3A_1682 = arith.constant 0 : i32
    %dma_wait3A_1683 = arith.constant 0 : i32
    %dma_wait3A_1684 = tpu.memref_slice %arg7[%dma_wait3A_1681, %dma_wait3A_1682, %dma_wait3A_1683] : memref<6x128x128xf32, #tpu.memory_space<vmem>> -> memref<1x128x128xf32, #tpu.memory_space<vmem>>
    %dma_wait3A_1685 = tpu.memref_squeeze %dma_wait3A_1684 : memref<1x128x128xf32, #tpu.memory_space<vmem>> -> memref<128x128xf32, #tpu.memory_space<vmem>>
    %dma_wait3A_1686 = arith.constant 0 : i32
    %dma_wait3A_1687 = tpu.memref_slice %arg4[%dma_wait3A_1680, %mul3A_2, %dma_wait3A_1686] : memref<20x4096x128xf32, #tpu.memory_space<hbm>> -> memref<1x128x128xf32, #tpu.memory_space<hbm>>
    %dma_wait3A_1688 = tpu.memref_squeeze %dma_wait3A_1687 : memref<1x128x128xf32, #tpu.memory_space<hbm>> -> memref<128x128xf32, #tpu.memory_space<hbm>>
    %dma_wait3A_1689 = arith.constant 0 : i32
    %dma_wait3A_1690 = arith.constant 0 : i32
    %dma_wait3A_1691 = tpu.memref_slice %arg7[%dma_wait3A_1681, %dma_wait3A_1689, %dma_wait3A_1690] : memref<6x128x128xf32, #tpu.memory_space<vmem>> -> memref<1x128x128xf32, #tpu.memory_space<vmem>>
    %dma_wait3A_1692 = tpu.memref_squeeze %dma_wait3A_1691 : memref<1x128x128xf32, #tpu.memory_space<vmem>> -> memref<128x128xf32, #tpu.memory_space<vmem>>
    %dma_wait3A_1693 = arith.constant 0 : i32
    %dma_wait3A_1694 = tpu.memref_slice %arg4[%dma_wait3A_1680, %mul3A_2, %dma_wait3A_1693] : memref<20x4096x128xf32, #tpu.memory_space<hbm>> -> memref<1x128x128xf32, #tpu.memory_space<hbm>>
    %dma_wait3A_1695 = tpu.memref_squeeze %dma_wait3A_1694 : memref<1x128x128xf32, #tpu.memory_space<hbm>> -> memref<128x128xf32, #tpu.memory_space<hbm>>
    tpu.wait_dma2 semaphore(%arg8 : memref<!tpu.dma_semaphore, #tpu.memory_space<semaphore_mem>>) src(%dma_wait3A_1695 : memref<128x128xf32, #tpu.memory_space<hbm>>) dst(%dma_wait3A_1692 : memref<128x128xf32, #tpu.memory_space<vmem>>)
    %dma_start3A_1696 = arith.constant 5 : i32
    %dma_start3A_1697 = arith.constant 11 : i32
    %dma_start3A_1698 = arith.constant 0 : i32
    %dma_start3A_1699 = arith.constant 0 : i32
    %dma_start3A_1700 = tpu.memref_slice %arg7[%dma_start3A_1696, %dma_start3A_1698, %dma_start3A_1699] : memref<6x128x128xf32, #tpu.memory_space<vmem>> -> memref<1x128x128xf32, #tpu.memory_space<vmem>>
    %dma_start3A_1701 = tpu.memref_squeeze %dma_start3A_1700 : memref<1x128x128xf32, #tpu.memory_space<vmem>> -> memref<128x128xf32, #tpu.memory_space<vmem>>
    %dma_start3A_1702 = arith.constant 0 : i32
    %dma_start3A_1703 = tpu.memref_slice %arg4[%dma_start3A_1697, %mul3A_2, %dma_start3A_1702] : memref<20x4096x128xf32, #tpu.memory_space<hbm>> -> memref<1x128x128xf32, #tpu.memory_space<hbm>>
    %dma_start3A_1704 = tpu.memref_squeeze %dma_start3A_1703 : memref<1x128x128xf32, #tpu.memory_space<hbm>> -> memref<128x128xf32, #tpu.memory_space<hbm>>
    %dma_start3A_1705 = arith.constant 0 : i32
    %dma_start3A_1706 = tpu.memref_slice %arg4[%dma_start3A_1697, %mul3A_2, %dma_start3A_1705] : memref<20x4096x128xf32, #tpu.memory_space<hbm>> -> memref<1x128x128xf32, #tpu.memory_space<hbm>>
    %dma_start3A_1707 = tpu.memref_squeeze %dma_start3A_1706 : memref<1x128x128xf32, #tpu.memory_space<hbm>> -> memref<128x128xf32, #tpu.memory_space<hbm>>
    %dma_start3A_1708 = arith.constant 0 : i32
    %dma_start3A_1709 = arith.constant 0 : i32
    %dma_start3A_1710 = tpu.memref_slice %arg7[%dma_start3A_1696, %dma_start3A_1708, %dma_start3A_1709] : memref<6x128x128xf32, #tpu.memory_space<vmem>> -> memref<1x128x128xf32, #tpu.memory_space<vmem>>
    %dma_start3A_1711 = tpu.memref_squeeze %dma_start3A_1710 : memref<1x128x128xf32, #tpu.memory_space<vmem>> -> memref<128x128xf32, #tpu.memory_space<vmem>>
    tpu.enqueue_dma source(%dma_start3A_1711 : memref<128x128xf32, #tpu.memory_space<vmem>>) target(%dma_start3A_1707 : memref<128x128xf32, #tpu.memory_space<hbm>>) target_semaphore(%arg9 : memref<!tpu.dma_semaphore, #tpu.memory_space<semaphore_mem>>)
    %dma_wait3A_1712 = arith.constant 0 : i32
    %dma_wait3A_1713 = arith.constant 0 : i32
    %dma_wait3A_1714 = arith.constant 0 : i32
    %dma_wait3A_1715 = arith.constant 0 : i32
    %dma_wait3A_1716 = tpu.memref_slice %arg7[%dma_wait3A_1712, %dma_wait3A_1714, %dma_wait3A_1715] : memref<6x128x128xf32, #tpu.memory_space<vmem>> -> memref<1x128x128xf32, #tpu.memory_space<vmem>>
    %dma_wait3A_1717 = tpu.memref_squeeze %dma_wait3A_1716 : memref<1x128x128xf32, #tpu.memory_space<vmem>> -> memref<128x128xf32, #tpu.memory_space<vmem>>
    %dma_wait3A_1718 = arith.constant 0 : i32
    %dma_wait3A_1719 = tpu.memref_slice %arg4[%dma_wait3A_1713, %mul3A_2, %dma_wait3A_1718] : memref<20x4096x128xf32, #tpu.memory_space<hbm>> -> memref<1x128x128xf32, #tpu.memory_space<hbm>>
    %dma_wait3A_1720 = tpu.memref_squeeze %dma_wait3A_1719 : memref<1x128x128xf32, #tpu.memory_space<hbm>> -> memref<128x128xf32, #tpu.memory_space<hbm>>
    %dma_wait3A_1721 = arith.constant 0 : i32
    %dma_wait3A_1722 = tpu.memref_slice %arg4[%dma_wait3A_1713, %mul3A_2, %dma_wait3A_1721] : memref<20x4096x128xf32, #tpu.memory_space<hbm>> -> memref<1x128x128xf32, #tpu.memory_space<hbm>>
    %dma_wait3A_1723 = tpu.memref_squeeze %dma_wait3A_1722 : memref<1x128x128xf32, #tpu.memory_space<hbm>> -> memref<128x128xf32, #tpu.memory_space<hbm>>
    %dma_wait3A_1724 = arith.constant 0 : i32
    %dma_wait3A_1725 = arith.constant 0 : i32
    %dma_wait3A_1726 = tpu.memref_slice %arg7[%dma_wait3A_1712, %dma_wait3A_1724, %dma_wait3A_1725] : memref<6x128x128xf32, #tpu.memory_space<vmem>> -> memref<1x128x128xf32, #tpu.memory_space<vmem>>
    %dma_wait3A_1727 = tpu.memref_squeeze %dma_wait3A_1726 : memref<1x128x128xf32, #tpu.memory_space<vmem>> -> memref<128x128xf32, #tpu.memory_space<vmem>>
    tpu.wait_dma2 semaphore(%arg9 : memref<!tpu.dma_semaphore, #tpu.memory_space<semaphore_mem>>) src(%dma_wait3A_1727 : memref<128x128xf32, #tpu.memory_space<vmem>>) dst(%dma_wait3A_1723 : memref<128x128xf32, #tpu.memory_space<hbm>>)
    %broadcast_in_dim3A_1728 = arith.constant 15 : i32
    %broadcast_in_dim3A_1729 = vector.broadcast %broadcast_in_dim3A_1728 : i32 to vector<16xi32>
    %add3A_1730 = arith.constant 0 : i32
    %add3A_1731 = vector.broadcast %add3A_1730 : i32 to vector<16xi32>
    %add3A_1732 = arith.addi %iota3A, %add3A_1731 : vector<16xi32>
    %gather3A_1733 = tpu.vector_load_idx %arg5[%add3A_1732, %broadcast_in_dim3A_1729] : memref<128x20xi32, #tpu.memory_space<vmem>>[vector<16xi32>, vector<16xi32>], vector<16xi32>,
    %swap3A_1734 = arith.constant 15 : i32
    %swap3A_1735 = arith.index_cast %swap3A_1734 : i32 to index
    %swap3A_1736 = arith.constant 0 : index
    %swap3A_1737 = tpu.vector_load %arg6[%swap3A_1735, %swap3A_1736] {strides = array<i32>} : memref<20x128xi32, #tpu.memory_space<vmem>>, vector<16xi32>,
    tpu.vector_store %arg6[%swap3A_1735, %swap3A_1736], %gather3A_1733 {strides = array<i32>} : memref<20x128xi32, #tpu.memory_space<vmem>>, vector<16xi32>,
    %add3A_1738 = arith.constant 16 : i32
    %add3A_1739 = vector.broadcast %add3A_1738 : i32 to vector<16xi32>
    %add3A_1740 = arith.addi %iota3A, %add3A_1739 : vector<16xi32>
    %gather3A_1741 = tpu.vector_load_idx %arg5[%add3A_1740, %broadcast_in_dim3A_1729] : memref<128x20xi32, #tpu.memory_space<vmem>>[vector<16xi32>, vector<16xi32>], vector<16xi32>,
    %swap3A_1742 = arith.constant 15 : i32
    %swap3A_1743 = arith.index_cast %swap3A_1742 : i32 to index
    %swap3A_1744 = arith.constant 16 : index
    %swap3A_1745 = tpu.vector_load %arg6[%swap3A_1743, %swap3A_1744] {strides = array<i32>} : memref<20x128xi32, #tpu.memory_space<vmem>>, vector<16xi32>,
    tpu.vector_store %arg6[%swap3A_1743, %swap3A_1744], %gather3A_1741 {strides = array<i32>} : memref<20x128xi32, #tpu.memory_space<vmem>>, vector<16xi32>,
    %add3A_1746 = arith.constant 32 : i32
    %add3A_1747 = vector.broadcast %add3A_1746 : i32 to vector<16xi32>
    %add3A_1748 = arith.addi %iota3A, %add3A_1747 : vector<16xi32>
    %gather3A_1749 = tpu.vector_load_idx %arg5[%add3A_1748, %broadcast_in_dim3A_1729] : memref<128x20xi32, #tpu.memory_space<vmem>>[vector<16xi32>, vector<16xi32>], vector<16xi32>,
    %swap3A_1750 = arith.constant 15 : i32
    %swap3A_1751 = arith.index_cast %swap3A_1750 : i32 to index
    %swap3A_1752 = arith.constant 32 : index
    %swap3A_1753 = tpu.vector_load %arg6[%swap3A_1751, %swap3A_1752] {strides = array<i32>} : memref<20x128xi32, #tpu.memory_space<vmem>>, vector<16xi32>,
    tpu.vector_store %arg6[%swap3A_1751, %swap3A_1752], %gather3A_1749 {strides = array<i32>} : memref<20x128xi32, #tpu.memory_space<vmem>>, vector<16xi32>,
    %add3A_1754 = arith.constant 48 : i32
    %add3A_1755 = vector.broadcast %add3A_1754 : i32 to vector<16xi32>
    %add3A_1756 = arith.addi %iota3A, %add3A_1755 : vector<16xi32>
    %gather3A_1757 = tpu.vector_load_idx %arg5[%add3A_1756, %broadcast_in_dim3A_1729] : memref<128x20xi32, #tpu.memory_space<vmem>>[vector<16xi32>, vector<16xi32>], vector<16xi32>,
    %swap3A_1758 = arith.constant 15 : i32
    %swap3A_1759 = arith.index_cast %swap3A_1758 : i32 to index
    %swap3A_1760 = arith.constant 48 : index
    %swap3A_1761 = tpu.vector_load %arg6[%swap3A_1759, %swap3A_1760] {strides = array<i32>} : memref<20x128xi32, #tpu.memory_space<vmem>>, vector<16xi32>,
    tpu.vector_store %arg6[%swap3A_1759, %swap3A_1760], %gather3A_1757 {strides = array<i32>} : memref<20x128xi32, #tpu.memory_space<vmem>>, vector<16xi32>,
    %add3A_1762 = arith.constant 64 : i32
    %add3A_1763 = vector.broadcast %add3A_1762 : i32 to vector<16xi32>
    %add3A_1764 = arith.addi %iota3A, %add3A_1763 : vector<16xi32>
    %gather3A_1765 = tpu.vector_load_idx %arg5[%add3A_1764, %broadcast_in_dim3A_1729] : memref<128x20xi32, #tpu.memory_space<vmem>>[vector<16xi32>, vector<16xi32>], vector<16xi32>,
    %swap3A_1766 = arith.constant 15 : i32
    %swap3A_1767 = arith.index_cast %swap3A_1766 : i32 to index
    %swap3A_1768 = arith.constant 64 : index
    %swap3A_1769 = tpu.vector_load %arg6[%swap3A_1767, %swap3A_1768] {strides = array<i32>} : memref<20x128xi32, #tpu.memory_space<vmem>>, vector<16xi32>,
    tpu.vector_store %arg6[%swap3A_1767, %swap3A_1768], %gather3A_1765 {strides = array<i32>} : memref<20x128xi32, #tpu.memory_space<vmem>>, vector<16xi32>,
    %add3A_1770 = arith.constant 80 : i32
    %add3A_1771 = vector.broadcast %add3A_1770 : i32 to vector<16xi32>
    %add3A_1772 = arith.addi %iota3A, %add3A_1771 : vector<16xi32>
    %gather3A_1773 = tpu.vector_load_idx %arg5[%add3A_1772, %broadcast_in_dim3A_1729] : memref<128x20xi32, #tpu.memory_space<vmem>>[vector<16xi32>, vector<16xi32>], vector<16xi32>,
    %swap3A_1774 = arith.constant 15 : i32
    %swap3A_1775 = arith.index_cast %swap3A_1774 : i32 to index
    %swap3A_1776 = arith.constant 80 : index
    %swap3A_1777 = tpu.vector_load %arg6[%swap3A_1775, %swap3A_1776] {strides = array<i32>} : memref<20x128xi32, #tpu.memory_space<vmem>>, vector<16xi32>,
    tpu.vector_store %arg6[%swap3A_1775, %swap3A_1776], %gather3A_1773 {strides = array<i32>} : memref<20x128xi32, #tpu.memory_space<vmem>>, vector<16xi32>,
    %add3A_1778 = arith.constant 96 : i32
    %add3A_1779 = vector.broadcast %add3A_1778 : i32 to vector<16xi32>
    %add3A_1780 = arith.addi %iota3A, %add3A_1779 : vector<16xi32>
    %gather3A_1781 = tpu.vector_load_idx %arg5[%add3A_1780, %broadcast_in_dim3A_1729] : memref<128x20xi32, #tpu.memory_space<vmem>>[vector<16xi32>, vector<16xi32>], vector<16xi32>,
    %swap3A_1782 = arith.constant 15 : i32
    %swap3A_1783 = arith.index_cast %swap3A_1782 : i32 to index
    %swap3A_1784 = arith.constant 96 : index
    %swap3A_1785 = tpu.vector_load %arg6[%swap3A_1783, %swap3A_1784] {strides = array<i32>} : memref<20x128xi32, #tpu.memory_space<vmem>>, vector<16xi32>,
    tpu.vector_store %arg6[%swap3A_1783, %swap3A_1784], %gather3A_1781 {strides = array<i32>} : memref<20x128xi32, #tpu.memory_space<vmem>>, vector<16xi32>,
    %add3A_1786 = arith.constant 112 : i32
    %add3A_1787 = vector.broadcast %add3A_1786 : i32 to vector<16xi32>
    %add3A_1788 = arith.addi %iota3A, %add3A_1787 : vector<16xi32>
    %gather3A_1789 = tpu.vector_load_idx %arg5[%add3A_1788, %broadcast_in_dim3A_1729] : memref<128x20xi32, #tpu.memory_space<vmem>>[vector<16xi32>, vector<16xi32>], vector<16xi32>,
    %swap3A_1790 = arith.constant 15 : i32
    %swap3A_1791 = arith.index_cast %swap3A_1790 : i32 to index
    %swap3A_1792 = arith.constant 112 : index
    %swap3A_1793 = tpu.vector_load %arg6[%swap3A_1791, %swap3A_1792] {strides = array<i32>} : memref<20x128xi32, #tpu.memory_space<vmem>>, vector<16xi32>,
    tpu.vector_store %arg6[%swap3A_1791, %swap3A_1792], %gather3A_1789 {strides = array<i32>} : memref<20x128xi32, #tpu.memory_space<vmem>>, vector<16xi32>,
    %dma_start3A_1794 = arith.constant 15 : i32
    %dma_start3A_1795 = arith.constant 3 : i32
    %dma_start3A_1796 = arith.constant 0 : i32
    %dma_start3A_1797 = arith.constant 0 : i32
    %dma_start3A_1798 = tpu.memref_slice %arg7[%dma_start3A_1795, %dma_start3A_1796, %dma_start3A_1797] : memref<6x128x128xf32, #tpu.memory_space<vmem>> -> memref<1x128x128xf32, #tpu.memory_space<vmem>>
    %dma_start3A_1799 = tpu.memref_squeeze %dma_start3A_1798 : memref<1x128x128xf32, #tpu.memory_space<vmem>> -> memref<128x128xf32, #tpu.memory_space<vmem>>
    %dma_start3A_1800 = arith.constant 0 : i32
    %dma_start3A_1801 = tpu.memref_slice %arg6[%dma_start3A_1794, %dma_start3A_1800] : memref<20x128xi32, #tpu.memory_space<vmem>> -> memref<1x128xi32, #tpu.memory_space<vmem>>
    %dma_start3A_1802 = tpu.memref_squeeze %dma_start3A_1801 : memref<1x128xi32, #tpu.memory_space<vmem>> -> memref<128xi32, #tpu.memory_space<vmem>>
    %dma_start3A_1803 = arith.constant 0 : i32
    %dma_start3A_1804 = arith.constant 0 : i32
    %dma_start3A_1805 = tpu.memref_slice %arg3[%dma_start3A_1803, %dma_start3A_1804] : memref<100000x128xf32, #tpu.memory_space<hbm>> -> memref<100000x128xf32, #tpu.memory_space<hbm>>
    tpu.enqueue_indirect_dma source(%dma_start3A_1805 : memref<100000x128xf32, #tpu.memory_space<hbm>>) target(%dma_start3A_1799 : memref<128x128xf32, #tpu.memory_space<vmem>>) offsets(%dma_start3A_1802 : memref<128xi32, #tpu.memory_space<vmem>>) semaphore(%arg8 : memref<!tpu.dma_semaphore, #tpu.memory_space<semaphore_mem>>)
    %dma_wait3A_1806 = arith.constant 0 : i32
    %dma_wait3A_1807 = arith.constant 0 : i32
    %dma_wait3A_1808 = arith.constant 0 : i32
    %dma_wait3A_1809 = arith.constant 0 : i32
    %dma_wait3A_1810 = tpu.memref_slice %arg7[%dma_wait3A_1807, %dma_wait3A_1808, %dma_wait3A_1809] : memref<6x128x128xf32, #tpu.memory_space<vmem>> -> memref<1x128x128xf32, #tpu.memory_space<vmem>>
    %dma_wait3A_1811 = tpu.memref_squeeze %dma_wait3A_1810 : memref<1x128x128xf32, #tpu.memory_space<vmem>> -> memref<128x128xf32, #tpu.memory_space<vmem>>
    %dma_wait3A_1812 = arith.constant 0 : i32
    %dma_wait3A_1813 = tpu.memref_slice %arg4[%dma_wait3A_1806, %mul3A_2, %dma_wait3A_1812] : memref<20x4096x128xf32, #tpu.memory_space<hbm>> -> memref<1x128x128xf32, #tpu.memory_space<hbm>>
    %dma_wait3A_1814 = tpu.memref_squeeze %dma_wait3A_1813 : memref<1x128x128xf32, #tpu.memory_space<hbm>> -> memref<128x128xf32, #tpu.memory_space<hbm>>
    %dma_wait3A_1815 = arith.constant 0 : i32
    %dma_wait3A_1816 = arith.constant 0 : i32
    %dma_wait3A_1817 = tpu.memref_slice %arg7[%dma_wait3A_1807, %dma_wait3A_1815, %dma_wait3A_1816] : memref<6x128x128xf32, #tpu.memory_space<vmem>> -> memref<1x128x128xf32, #tpu.memory_space<vmem>>
    %dma_wait3A_1818 = tpu.memref_squeeze %dma_wait3A_1817 : memref<1x128x128xf32, #tpu.memory_space<vmem>> -> memref<128x128xf32, #tpu.memory_space<vmem>>
    %dma_wait3A_1819 = arith.constant 0 : i32
    %dma_wait3A_1820 = tpu.memref_slice %arg4[%dma_wait3A_1806, %mul3A_2, %dma_wait3A_1819] : memref<20x4096x128xf32, #tpu.memory_space<hbm>> -> memref<1x128x128xf32, #tpu.memory_space<hbm>>
    %dma_wait3A_1821 = tpu.memref_squeeze %dma_wait3A_1820 : memref<1x128x128xf32, #tpu.memory_space<hbm>> -> memref<128x128xf32, #tpu.memory_space<hbm>>
    tpu.wait_dma2 semaphore(%arg8 : memref<!tpu.dma_semaphore, #tpu.memory_space<semaphore_mem>>) src(%dma_wait3A_1821 : memref<128x128xf32, #tpu.memory_space<hbm>>) dst(%dma_wait3A_1818 : memref<128x128xf32, #tpu.memory_space<vmem>>)
    %dma_start3A_1822 = arith.constant 0 : i32
    %dma_start3A_1823 = arith.constant 12 : i32
    %dma_start3A_1824 = arith.constant 0 : i32
    %dma_start3A_1825 = arith.constant 0 : i32
    %dma_start3A_1826 = tpu.memref_slice %arg7[%dma_start3A_1822, %dma_start3A_1824, %dma_start3A_1825] : memref<6x128x128xf32, #tpu.memory_space<vmem>> -> memref<1x128x128xf32, #tpu.memory_space<vmem>>
    %dma_start3A_1827 = tpu.memref_squeeze %dma_start3A_1826 : memref<1x128x128xf32, #tpu.memory_space<vmem>> -> memref<128x128xf32, #tpu.memory_space<vmem>>
    %dma_start3A_1828 = arith.constant 0 : i32
    %dma_start3A_1829 = tpu.memref_slice %arg4[%dma_start3A_1823, %mul3A_2, %dma_start3A_1828] : memref<20x4096x128xf32, #tpu.memory_space<hbm>> -> memref<1x128x128xf32, #tpu.memory_space<hbm>>
    %dma_start3A_1830 = tpu.memref_squeeze %dma_start3A_1829 : memref<1x128x128xf32, #tpu.memory_space<hbm>> -> memref<128x128xf32, #tpu.memory_space<hbm>>
    %dma_start3A_1831 = arith.constant 0 : i32
    %dma_start3A_1832 = tpu.memref_slice %arg4[%dma_start3A_1823, %mul3A_2, %dma_start3A_1831] : memref<20x4096x128xf32, #tpu.memory_space<hbm>> -> memref<1x128x128xf32, #tpu.memory_space<hbm>>
    %dma_start3A_1833 = tpu.memref_squeeze %dma_start3A_1832 : memref<1x128x128xf32, #tpu.memory_space<hbm>> -> memref<128x128xf32, #tpu.memory_space<hbm>>
    %dma_start3A_1834 = arith.constant 0 : i32
    %dma_start3A_1835 = arith.constant 0 : i32
    %dma_start3A_1836 = tpu.memref_slice %arg7[%dma_start3A_1822, %dma_start3A_1834, %dma_start3A_1835] : memref<6x128x128xf32, #tpu.memory_space<vmem>> -> memref<1x128x128xf32, #tpu.memory_space<vmem>>
    %dma_start3A_1837 = tpu.memref_squeeze %dma_start3A_1836 : memref<1x128x128xf32, #tpu.memory_space<vmem>> -> memref<128x128xf32, #tpu.memory_space<vmem>>
    tpu.enqueue_dma source(%dma_start3A_1837 : memref<128x128xf32, #tpu.memory_space<vmem>>) target(%dma_start3A_1833 : memref<128x128xf32, #tpu.memory_space<hbm>>) target_semaphore(%arg9 : memref<!tpu.dma_semaphore, #tpu.memory_space<semaphore_mem>>)
    %dma_wait3A_1838 = arith.constant 0 : i32
    %dma_wait3A_1839 = arith.constant 0 : i32
    %dma_wait3A_1840 = arith.constant 0 : i32
    %dma_wait3A_1841 = arith.constant 0 : i32
    %dma_wait3A_1842 = tpu.memref_slice %arg7[%dma_wait3A_1838, %dma_wait3A_1840, %dma_wait3A_1841] : memref<6x128x128xf32, #tpu.memory_space<vmem>> -> memref<1x128x128xf32, #tpu.memory_space<vmem>>
    %dma_wait3A_1843 = tpu.memref_squeeze %dma_wait3A_1842 : memref<1x128x128xf32, #tpu.memory_space<vmem>> -> memref<128x128xf32, #tpu.memory_space<vmem>>
    %dma_wait3A_1844 = arith.constant 0 : i32
    %dma_wait3A_1845 = tpu.memref_slice %arg4[%dma_wait3A_1839, %mul3A_2, %dma_wait3A_1844] : memref<20x4096x128xf32, #tpu.memory_space<hbm>> -> memref<1x128x128xf32, #tpu.memory_space<hbm>>
    %dma_wait3A_1846 = tpu.memref_squeeze %dma_wait3A_1845 : memref<1x128x128xf32, #tpu.memory_space<hbm>> -> memref<128x128xf32, #tpu.memory_space<hbm>>
    %dma_wait3A_1847 = arith.constant 0 : i32
    %dma_wait3A_1848 = tpu.memref_slice %arg4[%dma_wait3A_1839, %mul3A_2, %dma_wait3A_1847] : memref<20x4096x128xf32, #tpu.memory_space<hbm>> -> memref<1x128x128xf32, #tpu.memory_space<hbm>>
    %dma_wait3A_1849 = tpu.memref_squeeze %dma_wait3A_1848 : memref<1x128x128xf32, #tpu.memory_space<hbm>> -> memref<128x128xf32, #tpu.memory_space<hbm>>
    %dma_wait3A_1850 = arith.constant 0 : i32
    %dma_wait3A_1851 = arith.constant 0 : i32
    %dma_wait3A_1852 = tpu.memref_slice %arg7[%dma_wait3A_1838, %dma_wait3A_1850, %dma_wait3A_1851] : memref<6x128x128xf32, #tpu.memory_space<vmem>> -> memref<1x128x128xf32, #tpu.memory_space<vmem>>
    %dma_wait3A_1853 = tpu.memref_squeeze %dma_wait3A_1852 : memref<1x128x128xf32, #tpu.memory_space<vmem>> -> memref<128x128xf32, #tpu.memory_space<vmem>>
    tpu.wait_dma2 semaphore(%arg9 : memref<!tpu.dma_semaphore, #tpu.memory_space<semaphore_mem>>) src(%dma_wait3A_1853 : memref<128x128xf32, #tpu.memory_space<vmem>>) dst(%dma_wait3A_1849 : memref<128x128xf32, #tpu.memory_space<hbm>>)
    %broadcast_in_dim3A_1854 = arith.constant 16 : i32
    %broadcast_in_dim3A_1855 = vector.broadcast %broadcast_in_dim3A_1854 : i32 to vector<16xi32>
    %add3A_1856 = arith.constant 0 : i32
    %add3A_1857 = vector.broadcast %add3A_1856 : i32 to vector<16xi32>
    %add3A_1858 = arith.addi %iota3A, %add3A_1857 : vector<16xi32>
    %gather3A_1859 = tpu.vector_load_idx %arg5[%add3A_1858, %broadcast_in_dim3A_1855] : memref<128x20xi32, #tpu.memory_space<vmem>>[vector<16xi32>, vector<16xi32>], vector<16xi32>,
    %swap3A_1860 = arith.constant 16 : i32
    %swap3A_1861 = arith.index_cast %swap3A_1860 : i32 to index
    %swap3A_1862 = arith.constant 0 : index
    %swap3A_1863 = tpu.vector_load %arg6[%swap3A_1861, %swap3A_1862] {strides = array<i32>} : memref<20x128xi32, #tpu.memory_space<vmem>>, vector<16xi32>,
    tpu.vector_store %arg6[%swap3A_1861, %swap3A_1862], %gather3A_1859 {strides = array<i32>} : memref<20x128xi32, #tpu.memory_space<vmem>>, vector<16xi32>,
    %add3A_1864 = arith.constant 16 : i32
    %add3A_1865 = vector.broadcast %add3A_1864 : i32 to vector<16xi32>
    %add3A_1866 = arith.addi %iota3A, %add3A_1865 : vector<16xi32>
    %gather3A_1867 = tpu.vector_load_idx %arg5[%add3A_1866, %broadcast_in_dim3A_1855] : memref<128x20xi32, #tpu.memory_space<vmem>>[vector<16xi32>, vector<16xi32>], vector<16xi32>,
    %swap3A_1868 = arith.constant 16 : i32
    %swap3A_1869 = arith.index_cast %swap3A_1868 : i32 to index
    %swap3A_1870 = arith.constant 16 : index
    %swap3A_1871 = tpu.vector_load %arg6[%swap3A_1869, %swap3A_1870] {strides = array<i32>} : memref<20x128xi32, #tpu.memory_space<vmem>>, vector<16xi32>,
    tpu.vector_store %arg6[%swap3A_1869, %swap3A_1870], %gather3A_1867 {strides = array<i32>} : memref<20x128xi32, #tpu.memory_space<vmem>>, vector<16xi32>,
    %add3A_1872 = arith.constant 32 : i32
    %add3A_1873 = vector.broadcast %add3A_1872 : i32 to vector<16xi32>
    %add3A_1874 = arith.addi %iota3A, %add3A_1873 : vector<16xi32>
    %gather3A_1875 = tpu.vector_load_idx %arg5[%add3A_1874, %broadcast_in_dim3A_1855] : memref<128x20xi32, #tpu.memory_space<vmem>>[vector<16xi32>, vector<16xi32>], vector<16xi32>,
    %swap3A_1876 = arith.constant 16 : i32
    %swap3A_1877 = arith.index_cast %swap3A_1876 : i32 to index
    %swap3A_1878 = arith.constant 32 : index
    %swap3A_1879 = tpu.vector_load %arg6[%swap3A_1877, %swap3A_1878] {strides = array<i32>} : memref<20x128xi32, #tpu.memory_space<vmem>>, vector<16xi32>,
    tpu.vector_store %arg6[%swap3A_1877, %swap3A_1878], %gather3A_1875 {strides = array<i32>} : memref<20x128xi32, #tpu.memory_space<vmem>>, vector<16xi32>,
    %add3A_1880 = arith.constant 48 : i32
    %add3A_1881 = vector.broadcast %add3A_1880 : i32 to vector<16xi32>
    %add3A_1882 = arith.addi %iota3A, %add3A_1881 : vector<16xi32>
    %gather3A_1883 = tpu.vector_load_idx %arg5[%add3A_1882, %broadcast_in_dim3A_1855] : memref<128x20xi32, #tpu.memory_space<vmem>>[vector<16xi32>, vector<16xi32>], vector<16xi32>,
    %swap3A_1884 = arith.constant 16 : i32
    %swap3A_1885 = arith.index_cast %swap3A_1884 : i32 to index
    %swap3A_1886 = arith.constant 48 : index
    %swap3A_1887 = tpu.vector_load %arg6[%swap3A_1885, %swap3A_1886] {strides = array<i32>} : memref<20x128xi32, #tpu.memory_space<vmem>>, vector<16xi32>,
    tpu.vector_store %arg6[%swap3A_1885, %swap3A_1886], %gather3A_1883 {strides = array<i32>} : memref<20x128xi32, #tpu.memory_space<vmem>>, vector<16xi32>,
    %add3A_1888 = arith.constant 64 : i32
    %add3A_1889 = vector.broadcast %add3A_1888 : i32 to vector<16xi32>
    %add3A_1890 = arith.addi %iota3A, %add3A_1889 : vector<16xi32>
    %gather3A_1891 = tpu.vector_load_idx %arg5[%add3A_1890, %broadcast_in_dim3A_1855] : memref<128x20xi32, #tpu.memory_space<vmem>>[vector<16xi32>, vector<16xi32>], vector<16xi32>,
    %swap3A_1892 = arith.constant 16 : i32
    %swap3A_1893 = arith.index_cast %swap3A_1892 : i32 to index
    %swap3A_1894 = arith.constant 64 : index
    %swap3A_1895 = tpu.vector_load %arg6[%swap3A_1893, %swap3A_1894] {strides = array<i32>} : memref<20x128xi32, #tpu.memory_space<vmem>>, vector<16xi32>,
    tpu.vector_store %arg6[%swap3A_1893, %swap3A_1894], %gather3A_1891 {strides = array<i32>} : memref<20x128xi32, #tpu.memory_space<vmem>>, vector<16xi32>,
    %add3A_1896 = arith.constant 80 : i32
    %add3A_1897 = vector.broadcast %add3A_1896 : i32 to vector<16xi32>
    %add3A_1898 = arith.addi %iota3A, %add3A_1897 : vector<16xi32>
    %gather3A_1899 = tpu.vector_load_idx %arg5[%add3A_1898, %broadcast_in_dim3A_1855] : memref<128x20xi32, #tpu.memory_space<vmem>>[vector<16xi32>, vector<16xi32>], vector<16xi32>,
    %swap3A_1900 = arith.constant 16 : i32
    %swap3A_1901 = arith.index_cast %swap3A_1900 : i32 to index
    %swap3A_1902 = arith.constant 80 : index
    %swap3A_1903 = tpu.vector_load %arg6[%swap3A_1901, %swap3A_1902] {strides = array<i32>} : memref<20x128xi32, #tpu.memory_space<vmem>>, vector<16xi32>,
    tpu.vector_store %arg6[%swap3A_1901, %swap3A_1902], %gather3A_1899 {strides = array<i32>} : memref<20x128xi32, #tpu.memory_space<vmem>>, vector<16xi32>,
    %add3A_1904 = arith.constant 96 : i32
    %add3A_1905 = vector.broadcast %add3A_1904 : i32 to vector<16xi32>
    %add3A_1906 = arith.addi %iota3A, %add3A_1905 : vector<16xi32>
    %gather3A_1907 = tpu.vector_load_idx %arg5[%add3A_1906, %broadcast_in_dim3A_1855] : memref<128x20xi32, #tpu.memory_space<vmem>>[vector<16xi32>, vector<16xi32>], vector<16xi32>,
    %swap3A_1908 = arith.constant 16 : i32
    %swap3A_1909 = arith.index_cast %swap3A_1908 : i32 to index
    %swap3A_1910 = arith.constant 96 : index
    %swap3A_1911 = tpu.vector_load %arg6[%swap3A_1909, %swap3A_1910] {strides = array<i32>} : memref<20x128xi32, #tpu.memory_space<vmem>>, vector<16xi32>,
    tpu.vector_store %arg6[%swap3A_1909, %swap3A_1910], %gather3A_1907 {strides = array<i32>} : memref<20x128xi32, #tpu.memory_space<vmem>>, vector<16xi32>,
    %add3A_1912 = arith.constant 112 : i32
    %add3A_1913 = vector.broadcast %add3A_1912 : i32 to vector<16xi32>
    %add3A_1914 = arith.addi %iota3A, %add3A_1913 : vector<16xi32>
    %gather3A_1915 = tpu.vector_load_idx %arg5[%add3A_1914, %broadcast_in_dim3A_1855] : memref<128x20xi32, #tpu.memory_space<vmem>>[vector<16xi32>, vector<16xi32>], vector<16xi32>,
    %swap3A_1916 = arith.constant 16 : i32
    %swap3A_1917 = arith.index_cast %swap3A_1916 : i32 to index
    %swap3A_1918 = arith.constant 112 : index
    %swap3A_1919 = tpu.vector_load %arg6[%swap3A_1917, %swap3A_1918] {strides = array<i32>} : memref<20x128xi32, #tpu.memory_space<vmem>>, vector<16xi32>,
    tpu.vector_store %arg6[%swap3A_1917, %swap3A_1918], %gather3A_1915 {strides = array<i32>} : memref<20x128xi32, #tpu.memory_space<vmem>>, vector<16xi32>,
    %dma_start3A_1920 = arith.constant 16 : i32
    %dma_start3A_1921 = arith.constant 4 : i32
    %dma_start3A_1922 = arith.constant 0 : i32
    %dma_start3A_1923 = arith.constant 0 : i32
    %dma_start3A_1924 = tpu.memref_slice %arg7[%dma_start3A_1921, %dma_start3A_1922, %dma_start3A_1923] : memref<6x128x128xf32, #tpu.memory_space<vmem>> -> memref<1x128x128xf32, #tpu.memory_space<vmem>>
    %dma_start3A_1925 = tpu.memref_squeeze %dma_start3A_1924 : memref<1x128x128xf32, #tpu.memory_space<vmem>> -> memref<128x128xf32, #tpu.memory_space<vmem>>
    %dma_start3A_1926 = arith.constant 0 : i32
    %dma_start3A_1927 = tpu.memref_slice %arg6[%dma_start3A_1920, %dma_start3A_1926] : memref<20x128xi32, #tpu.memory_space<vmem>> -> memref<1x128xi32, #tpu.memory_space<vmem>>
    %dma_start3A_1928 = tpu.memref_squeeze %dma_start3A_1927 : memref<1x128xi32, #tpu.memory_space<vmem>> -> memref<128xi32, #tpu.memory_space<vmem>>
    %dma_start3A_1929 = arith.constant 0 : i32
    %dma_start3A_1930 = arith.constant 0 : i32
    %dma_start3A_1931 = tpu.memref_slice %arg3[%dma_start3A_1929, %dma_start3A_1930] : memref<100000x128xf32, #tpu.memory_space<hbm>> -> memref<100000x128xf32, #tpu.memory_space<hbm>>
    tpu.enqueue_indirect_dma source(%dma_start3A_1931 : memref<100000x128xf32, #tpu.memory_space<hbm>>) target(%dma_start3A_1925 : memref<128x128xf32, #tpu.memory_space<vmem>>) offsets(%dma_start3A_1928 : memref<128xi32, #tpu.memory_space<vmem>>) semaphore(%arg8 : memref<!tpu.dma_semaphore, #tpu.memory_space<semaphore_mem>>)
    %dma_wait3A_1932 = arith.constant 0 : i32
    %dma_wait3A_1933 = arith.constant 0 : i32
    %dma_wait3A_1934 = arith.constant 0 : i32
    %dma_wait3A_1935 = arith.constant 0 : i32
    %dma_wait3A_1936 = tpu.memref_slice %arg7[%dma_wait3A_1933, %dma_wait3A_1934, %dma_wait3A_1935] : memref<6x128x128xf32, #tpu.memory_space<vmem>> -> memref<1x128x128xf32, #tpu.memory_space<vmem>>
    %dma_wait3A_1937 = tpu.memref_squeeze %dma_wait3A_1936 : memref<1x128x128xf32, #tpu.memory_space<vmem>> -> memref<128x128xf32, #tpu.memory_space<vmem>>
    %dma_wait3A_1938 = arith.constant 0 : i32
    %dma_wait3A_1939 = tpu.memref_slice %arg4[%dma_wait3A_1932, %mul3A_2, %dma_wait3A_1938] : memref<20x4096x128xf32, #tpu.memory_space<hbm>> -> memref<1x128x128xf32, #tpu.memory_space<hbm>>
    %dma_wait3A_1940 = tpu.memref_squeeze %dma_wait3A_1939 : memref<1x128x128xf32, #tpu.memory_space<hbm>> -> memref<128x128xf32, #tpu.memory_space<hbm>>
    %dma_wait3A_1941 = arith.constant 0 : i32
    %dma_wait3A_1942 = arith.constant 0 : i32
    %dma_wait3A_1943 = tpu.memref_slice %arg7[%dma_wait3A_1933, %dma_wait3A_1941, %dma_wait3A_1942] : memref<6x128x128xf32, #tpu.memory_space<vmem>> -> memref<1x128x128xf32, #tpu.memory_space<vmem>>
    %dma_wait3A_1944 = tpu.memref_squeeze %dma_wait3A_1943 : memref<1x128x128xf32, #tpu.memory_space<vmem>> -> memref<128x128xf32, #tpu.memory_space<vmem>>
    %dma_wait3A_1945 = arith.constant 0 : i32
    %dma_wait3A_1946 = tpu.memref_slice %arg4[%dma_wait3A_1932, %mul3A_2, %dma_wait3A_1945] : memref<20x4096x128xf32, #tpu.memory_space<hbm>> -> memref<1x128x128xf32, #tpu.memory_space<hbm>>
    %dma_wait3A_1947 = tpu.memref_squeeze %dma_wait3A_1946 : memref<1x128x128xf32, #tpu.memory_space<hbm>> -> memref<128x128xf32, #tpu.memory_space<hbm>>
    tpu.wait_dma2 semaphore(%arg8 : memref<!tpu.dma_semaphore, #tpu.memory_space<semaphore_mem>>) src(%dma_wait3A_1947 : memref<128x128xf32, #tpu.memory_space<hbm>>) dst(%dma_wait3A_1944 : memref<128x128xf32, #tpu.memory_space<vmem>>)
    %dma_start3A_1948 = arith.constant 1 : i32
    %dma_start3A_1949 = arith.constant 13 : i32
    %dma_start3A_1950 = arith.constant 0 : i32
    %dma_start3A_1951 = arith.constant 0 : i32
    %dma_start3A_1952 = tpu.memref_slice %arg7[%dma_start3A_1948, %dma_start3A_1950, %dma_start3A_1951] : memref<6x128x128xf32, #tpu.memory_space<vmem>> -> memref<1x128x128xf32, #tpu.memory_space<vmem>>
    %dma_start3A_1953 = tpu.memref_squeeze %dma_start3A_1952 : memref<1x128x128xf32, #tpu.memory_space<vmem>> -> memref<128x128xf32, #tpu.memory_space<vmem>>
    %dma_start3A_1954 = arith.constant 0 : i32
    %dma_start3A_1955 = tpu.memref_slice %arg4[%dma_start3A_1949, %mul3A_2, %dma_start3A_1954] : memref<20x4096x128xf32, #tpu.memory_space<hbm>> -> memref<1x128x128xf32, #tpu.memory_space<hbm>>
    %dma_start3A_1956 = tpu.memref_squeeze %dma_start3A_1955 : memref<1x128x128xf32, #tpu.memory_space<hbm>> -> memref<128x128xf32, #tpu.memory_space<hbm>>
    %dma_start3A_1957 = arith.constant 0 : i32
    %dma_start3A_1958 = tpu.memref_slice %arg4[%dma_start3A_1949, %mul3A_2, %dma_start3A_1957] : memref<20x4096x128xf32, #tpu.memory_space<hbm>> -> memref<1x128x128xf32, #tpu.memory_space<hbm>>
    %dma_start3A_1959 = tpu.memref_squeeze %dma_start3A_1958 : memref<1x128x128xf32, #tpu.memory_space<hbm>> -> memref<128x128xf32, #tpu.memory_space<hbm>>
    %dma_start3A_1960 = arith.constant 0 : i32
    %dma_start3A_1961 = arith.constant 0 : i32
    %dma_start3A_1962 = tpu.memref_slice %arg7[%dma_start3A_1948, %dma_start3A_1960, %dma_start3A_1961] : memref<6x128x128xf32, #tpu.memory_space<vmem>> -> memref<1x128x128xf32, #tpu.memory_space<vmem>>
    %dma_start3A_1963 = tpu.memref_squeeze %dma_start3A_1962 : memref<1x128x128xf32, #tpu.memory_space<vmem>> -> memref<128x128xf32, #tpu.memory_space<vmem>>
    tpu.enqueue_dma source(%dma_start3A_1963 : memref<128x128xf32, #tpu.memory_space<vmem>>) target(%dma_start3A_1959 : memref<128x128xf32, #tpu.memory_space<hbm>>) target_semaphore(%arg9 : memref<!tpu.dma_semaphore, #tpu.memory_space<semaphore_mem>>)
    %dma_wait3A_1964 = arith.constant 0 : i32
    %dma_wait3A_1965 = arith.constant 0 : i32
    %dma_wait3A_1966 = arith.constant 0 : i32
    %dma_wait3A_1967 = arith.constant 0 : i32
    %dma_wait3A_1968 = tpu.memref_slice %arg7[%dma_wait3A_1964, %dma_wait3A_1966, %dma_wait3A_1967] : memref<6x128x128xf32, #tpu.memory_space<vmem>> -> memref<1x128x128xf32, #tpu.memory_space<vmem>>
    %dma_wait3A_1969 = tpu.memref_squeeze %dma_wait3A_1968 : memref<1x128x128xf32, #tpu.memory_space<vmem>> -> memref<128x128xf32, #tpu.memory_space<vmem>>
    %dma_wait3A_1970 = arith.constant 0 : i32
    %dma_wait3A_1971 = tpu.memref_slice %arg4[%dma_wait3A_1965, %mul3A_2, %dma_wait3A_1970] : memref<20x4096x128xf32, #tpu.memory_space<hbm>> -> memref<1x128x128xf32, #tpu.memory_space<hbm>>
    %dma_wait3A_1972 = tpu.memref_squeeze %dma_wait3A_1971 : memref<1x128x128xf32, #tpu.memory_space<hbm>> -> memref<128x128xf32, #tpu.memory_space<hbm>>
    %dma_wait3A_1973 = arith.constant 0 : i32
    %dma_wait3A_1974 = tpu.memref_slice %arg4[%dma_wait3A_1965, %mul3A_2, %dma_wait3A_1973] : memref<20x4096x128xf32, #tpu.memory_space<hbm>> -> memref<1x128x128xf32, #tpu.memory_space<hbm>>
    %dma_wait3A_1975 = tpu.memref_squeeze %dma_wait3A_1974 : memref<1x128x128xf32, #tpu.memory_space<hbm>> -> memref<128x128xf32, #tpu.memory_space<hbm>>
    %dma_wait3A_1976 = arith.constant 0 : i32
    %dma_wait3A_1977 = arith.constant 0 : i32
    %dma_wait3A_1978 = tpu.memref_slice %arg7[%dma_wait3A_1964, %dma_wait3A_1976, %dma_wait3A_1977] : memref<6x128x128xf32, #tpu.memory_space<vmem>> -> memref<1x128x128xf32, #tpu.memory_space<vmem>>
    %dma_wait3A_1979 = tpu.memref_squeeze %dma_wait3A_1978 : memref<1x128x128xf32, #tpu.memory_space<vmem>> -> memref<128x128xf32, #tpu.memory_space<vmem>>
    tpu.wait_dma2 semaphore(%arg9 : memref<!tpu.dma_semaphore, #tpu.memory_space<semaphore_mem>>) src(%dma_wait3A_1979 : memref<128x128xf32, #tpu.memory_space<vmem>>) dst(%dma_wait3A_1975 : memref<128x128xf32, #tpu.memory_space<hbm>>)
    %broadcast_in_dim3A_1980 = arith.constant 17 : i32
    %broadcast_in_dim3A_1981 = vector.broadcast %broadcast_in_dim3A_1980 : i32 to vector<16xi32>
    %add3A_1982 = arith.constant 0 : i32
    %add3A_1983 = vector.broadcast %add3A_1982 : i32 to vector<16xi32>
    %add3A_1984 = arith.addi %iota3A, %add3A_1983 : vector<16xi32>
    %gather3A_1985 = tpu.vector_load_idx %arg5[%add3A_1984, %broadcast_in_dim3A_1981] : memref<128x20xi32, #tpu.memory_space<vmem>>[vector<16xi32>, vector<16xi32>], vector<16xi32>,
    %swap3A_1986 = arith.constant 17 : i32
    %swap3A_1987 = arith.index_cast %swap3A_1986 : i32 to index
    %swap3A_1988 = arith.constant 0 : index
    %swap3A_1989 = tpu.vector_load %arg6[%swap3A_1987, %swap3A_1988] {strides = array<i32>} : memref<20x128xi32, #tpu.memory_space<vmem>>, vector<16xi32>,
    tpu.vector_store %arg6[%swap3A_1987, %swap3A_1988], %gather3A_1985 {strides = array<i32>} : memref<20x128xi32, #tpu.memory_space<vmem>>, vector<16xi32>,
    %add3A_1990 = arith.constant 16 : i32
    %add3A_1991 = vector.broadcast %add3A_1990 : i32 to vector<16xi32>
    %add3A_1992 = arith.addi %iota3A, %add3A_1991 : vector<16xi32>
    %gather3A_1993 = tpu.vector_load_idx %arg5[%add3A_1992, %broadcast_in_dim3A_1981] : memref<128x20xi32, #tpu.memory_space<vmem>>[vector<16xi32>, vector<16xi32>], vector<16xi32>,
    %swap3A_1994 = arith.constant 17 : i32
    %swap3A_1995 = arith.index_cast %swap3A_1994 : i32 to index
    %swap3A_1996 = arith.constant 16 : index
    %swap3A_1997 = tpu.vector_load %arg6[%swap3A_1995, %swap3A_1996] {strides = array<i32>} : memref<20x128xi32, #tpu.memory_space<vmem>>, vector<16xi32>,
    tpu.vector_store %arg6[%swap3A_1995, %swap3A_1996], %gather3A_1993 {strides = array<i32>} : memref<20x128xi32, #tpu.memory_space<vmem>>, vector<16xi32>,
    %add3A_1998 = arith.constant 32 : i32
    %add3A_1999 = vector.broadcast %add3A_1998 : i32 to vector<16xi32>
    %add3A_2000 = arith.addi %iota3A, %add3A_1999 : vector<16xi32>
    %gather3A_2001 = tpu.vector_load_idx %arg5[%add3A_2000, %broadcast_in_dim3A_1981] : memref<128x20xi32, #tpu.memory_space<vmem>>[vector<16xi32>, vector<16xi32>], vector<16xi32>,
    %swap3A_2002 = arith.constant 17 : i32
    %swap3A_2003 = arith.index_cast %swap3A_2002 : i32 to index
    %swap3A_2004 = arith.constant 32 : index
    %swap3A_2005 = tpu.vector_load %arg6[%swap3A_2003, %swap3A_2004] {strides = array<i32>} : memref<20x128xi32, #tpu.memory_space<vmem>>, vector<16xi32>,
    tpu.vector_store %arg6[%swap3A_2003, %swap3A_2004], %gather3A_2001 {strides = array<i32>} : memref<20x128xi32, #tpu.memory_space<vmem>>, vector<16xi32>,
    %add3A_2006 = arith.constant 48 : i32
    %add3A_2007 = vector.broadcast %add3A_2006 : i32 to vector<16xi32>
    %add3A_2008 = arith.addi %iota3A, %add3A_2007 : vector<16xi32>
    %gather3A_2009 = tpu.vector_load_idx %arg5[%add3A_2008, %broadcast_in_dim3A_1981] : memref<128x20xi32, #tpu.memory_space<vmem>>[vector<16xi32>, vector<16xi32>], vector<16xi32>,
    %swap3A_2010 = arith.constant 17 : i32
    %swap3A_2011 = arith.index_cast %swap3A_2010 : i32 to index
    %swap3A_2012 = arith.constant 48 : index
    %swap3A_2013 = tpu.vector_load %arg6[%swap3A_2011, %swap3A_2012] {strides = array<i32>} : memref<20x128xi32, #tpu.memory_space<vmem>>, vector<16xi32>,
    tpu.vector_store %arg6[%swap3A_2011, %swap3A_2012], %gather3A_2009 {strides = array<i32>} : memref<20x128xi32, #tpu.memory_space<vmem>>, vector<16xi32>,
    %add3A_2014 = arith.constant 64 : i32
    %add3A_2015 = vector.broadcast %add3A_2014 : i32 to vector<16xi32>
    %add3A_2016 = arith.addi %iota3A, %add3A_2015 : vector<16xi32>
    %gather3A_2017 = tpu.vector_load_idx %arg5[%add3A_2016, %broadcast_in_dim3A_1981] : memref<128x20xi32, #tpu.memory_space<vmem>>[vector<16xi32>, vector<16xi32>], vector<16xi32>,
    %swap3A_2018 = arith.constant 17 : i32
    %swap3A_2019 = arith.index_cast %swap3A_2018 : i32 to index
    %swap3A_2020 = arith.constant 64 : index
    %swap3A_2021 = tpu.vector_load %arg6[%swap3A_2019, %swap3A_2020] {strides = array<i32>} : memref<20x128xi32, #tpu.memory_space<vmem>>, vector<16xi32>,
    tpu.vector_store %arg6[%swap3A_2019, %swap3A_2020], %gather3A_2017 {strides = array<i32>} : memref<20x128xi32, #tpu.memory_space<vmem>>, vector<16xi32>,
    %add3A_2022 = arith.constant 80 : i32
    %add3A_2023 = vector.broadcast %add3A_2022 : i32 to vector<16xi32>
    %add3A_2024 = arith.addi %iota3A, %add3A_2023 : vector<16xi32>
    %gather3A_2025 = tpu.vector_load_idx %arg5[%add3A_2024, %broadcast_in_dim3A_1981] : memref<128x20xi32, #tpu.memory_space<vmem>>[vector<16xi32>, vector<16xi32>], vector<16xi32>,
    %swap3A_2026 = arith.constant 17 : i32
    %swap3A_2027 = arith.index_cast %swap3A_2026 : i32 to index
    %swap3A_2028 = arith.constant 80 : index
    %swap3A_2029 = tpu.vector_load %arg6[%swap3A_2027, %swap3A_2028] {strides = array<i32>} : memref<20x128xi32, #tpu.memory_space<vmem>>, vector<16xi32>,
    tpu.vector_store %arg6[%swap3A_2027, %swap3A_2028], %gather3A_2025 {strides = array<i32>} : memref<20x128xi32, #tpu.memory_space<vmem>>, vector<16xi32>,
    %add3A_2030 = arith.constant 96 : i32
    %add3A_2031 = vector.broadcast %add3A_2030 : i32 to vector<16xi32>
    %add3A_2032 = arith.addi %iota3A, %add3A_2031 : vector<16xi32>
    %gather3A_2033 = tpu.vector_load_idx %arg5[%add3A_2032, %broadcast_in_dim3A_1981] : memref<128x20xi32, #tpu.memory_space<vmem>>[vector<16xi32>, vector<16xi32>], vector<16xi32>,
    %swap3A_2034 = arith.constant 17 : i32
    %swap3A_2035 = arith.index_cast %swap3A_2034 : i32 to index
    %swap3A_2036 = arith.constant 96 : index
    %swap3A_2037 = tpu.vector_load %arg6[%swap3A_2035, %swap3A_2036] {strides = array<i32>} : memref<20x128xi32, #tpu.memory_space<vmem>>, vector<16xi32>,
    tpu.vector_store %arg6[%swap3A_2035, %swap3A_2036], %gather3A_2033 {strides = array<i32>} : memref<20x128xi32, #tpu.memory_space<vmem>>, vector<16xi32>,
    %add3A_2038 = arith.constant 112 : i32
    %add3A_2039 = vector.broadcast %add3A_2038 : i32 to vector<16xi32>
    %add3A_2040 = arith.addi %iota3A, %add3A_2039 : vector<16xi32>
    %gather3A_2041 = tpu.vector_load_idx %arg5[%add3A_2040, %broadcast_in_dim3A_1981] : memref<128x20xi32, #tpu.memory_space<vmem>>[vector<16xi32>, vector<16xi32>], vector<16xi32>,
    %swap3A_2042 = arith.constant 17 : i32
    %swap3A_2043 = arith.index_cast %swap3A_2042 : i32 to index
    %swap3A_2044 = arith.constant 112 : index
    %swap3A_2045 = tpu.vector_load %arg6[%swap3A_2043, %swap3A_2044] {strides = array<i32>} : memref<20x128xi32, #tpu.memory_space<vmem>>, vector<16xi32>,
    tpu.vector_store %arg6[%swap3A_2043, %swap3A_2044], %gather3A_2041 {strides = array<i32>} : memref<20x128xi32, #tpu.memory_space<vmem>>, vector<16xi32>,
    %dma_start3A_2046 = arith.constant 17 : i32
    %dma_start3A_2047 = arith.constant 5 : i32
    %dma_start3A_2048 = arith.constant 0 : i32
    %dma_start3A_2049 = arith.constant 0 : i32
    %dma_start3A_2050 = tpu.memref_slice %arg7[%dma_start3A_2047, %dma_start3A_2048, %dma_start3A_2049] : memref<6x128x128xf32, #tpu.memory_space<vmem>> -> memref<1x128x128xf32, #tpu.memory_space<vmem>>
    %dma_start3A_2051 = tpu.memref_squeeze %dma_start3A_2050 : memref<1x128x128xf32, #tpu.memory_space<vmem>> -> memref<128x128xf32, #tpu.memory_space<vmem>>
    %dma_start3A_2052 = arith.constant 0 : i32
    %dma_start3A_2053 = tpu.memref_slice %arg6[%dma_start3A_2046, %dma_start3A_2052] : memref<20x128xi32, #tpu.memory_space<vmem>> -> memref<1x128xi32, #tpu.memory_space<vmem>>
    %dma_start3A_2054 = tpu.memref_squeeze %dma_start3A_2053 : memref<1x128xi32, #tpu.memory_space<vmem>> -> memref<128xi32, #tpu.memory_space<vmem>>
    %dma_start3A_2055 = arith.constant 0 : i32
    %dma_start3A_2056 = arith.constant 0 : i32
    %dma_start3A_2057 = tpu.memref_slice %arg3[%dma_start3A_2055, %dma_start3A_2056] : memref<100000x128xf32, #tpu.memory_space<hbm>> -> memref<100000x128xf32, #tpu.memory_space<hbm>>
    tpu.enqueue_indirect_dma source(%dma_start3A_2057 : memref<100000x128xf32, #tpu.memory_space<hbm>>) target(%dma_start3A_2051 : memref<128x128xf32, #tpu.memory_space<vmem>>) offsets(%dma_start3A_2054 : memref<128xi32, #tpu.memory_space<vmem>>) semaphore(%arg8 : memref<!tpu.dma_semaphore, #tpu.memory_space<semaphore_mem>>)
    %dma_wait3A_2058 = arith.constant 0 : i32
    %dma_wait3A_2059 = arith.constant 0 : i32
    %dma_wait3A_2060 = arith.constant 0 : i32
    %dma_wait3A_2061 = arith.constant 0 : i32
    %dma_wait3A_2062 = tpu.memref_slice %arg7[%dma_wait3A_2059, %dma_wait3A_2060, %dma_wait3A_2061] : memref<6x128x128xf32, #tpu.memory_space<vmem>> -> memref<1x128x128xf32, #tpu.memory_space<vmem>>
    %dma_wait3A_2063 = tpu.memref_squeeze %dma_wait3A_2062 : memref<1x128x128xf32, #tpu.memory_space<vmem>> -> memref<128x128xf32, #tpu.memory_space<vmem>>
    %dma_wait3A_2064 = arith.constant 0 : i32
    %dma_wait3A_2065 = tpu.memref_slice %arg4[%dma_wait3A_2058, %mul3A_2, %dma_wait3A_2064] : memref<20x4096x128xf32, #tpu.memory_space<hbm>> -> memref<1x128x128xf32, #tpu.memory_space<hbm>>
    %dma_wait3A_2066 = tpu.memref_squeeze %dma_wait3A_2065 : memref<1x128x128xf32, #tpu.memory_space<hbm>> -> memref<128x128xf32, #tpu.memory_space<hbm>>
    %dma_wait3A_2067 = arith.constant 0 : i32
    %dma_wait3A_2068 = arith.constant 0 : i32
    %dma_wait3A_2069 = tpu.memref_slice %arg7[%dma_wait3A_2059, %dma_wait3A_2067, %dma_wait3A_2068] : memref<6x128x128xf32, #tpu.memory_space<vmem>> -> memref<1x128x128xf32, #tpu.memory_space<vmem>>
    %dma_wait3A_2070 = tpu.memref_squeeze %dma_wait3A_2069 : memref<1x128x128xf32, #tpu.memory_space<vmem>> -> memref<128x128xf32, #tpu.memory_space<vmem>>
    %dma_wait3A_2071 = arith.constant 0 : i32
    %dma_wait3A_2072 = tpu.memref_slice %arg4[%dma_wait3A_2058, %mul3A_2, %dma_wait3A_2071] : memref<20x4096x128xf32, #tpu.memory_space<hbm>> -> memref<1x128x128xf32, #tpu.memory_space<hbm>>
    %dma_wait3A_2073 = tpu.memref_squeeze %dma_wait3A_2072 : memref<1x128x128xf32, #tpu.memory_space<hbm>> -> memref<128x128xf32, #tpu.memory_space<hbm>>
    tpu.wait_dma2 semaphore(%arg8 : memref<!tpu.dma_semaphore, #tpu.memory_space<semaphore_mem>>) src(%dma_wait3A_2073 : memref<128x128xf32, #tpu.memory_space<hbm>>) dst(%dma_wait3A_2070 : memref<128x128xf32, #tpu.memory_space<vmem>>)
    %dma_start3A_2074 = arith.constant 2 : i32
    %dma_start3A_2075 = arith.constant 14 : i32
    %dma_start3A_2076 = arith.constant 0 : i32
    %dma_start3A_2077 = arith.constant 0 : i32
    %dma_start3A_2078 = tpu.memref_slice %arg7[%dma_start3A_2074, %dma_start3A_2076, %dma_start3A_2077] : memref<6x128x128xf32, #tpu.memory_space<vmem>> -> memref<1x128x128xf32, #tpu.memory_space<vmem>>
    %dma_start3A_2079 = tpu.memref_squeeze %dma_start3A_2078 : memref<1x128x128xf32, #tpu.memory_space<vmem>> -> memref<128x128xf32, #tpu.memory_space<vmem>>
    %dma_start3A_2080 = arith.constant 0 : i32
    %dma_start3A_2081 = tpu.memref_slice %arg4[%dma_start3A_2075, %mul3A_2, %dma_start3A_2080] : memref<20x4096x128xf32, #tpu.memory_space<hbm>> -> memref<1x128x128xf32, #tpu.memory_space<hbm>>
    %dma_start3A_2082 = tpu.memref_squeeze %dma_start3A_2081 : memref<1x128x128xf32, #tpu.memory_space<hbm>> -> memref<128x128xf32, #tpu.memory_space<hbm>>
    %dma_start3A_2083 = arith.constant 0 : i32
    %dma_start3A_2084 = tpu.memref_slice %arg4[%dma_start3A_2075, %mul3A_2, %dma_start3A_2083] : memref<20x4096x128xf32, #tpu.memory_space<hbm>> -> memref<1x128x128xf32, #tpu.memory_space<hbm>>
    %dma_start3A_2085 = tpu.memref_squeeze %dma_start3A_2084 : memref<1x128x128xf32, #tpu.memory_space<hbm>> -> memref<128x128xf32, #tpu.memory_space<hbm>>
    %dma_start3A_2086 = arith.constant 0 : i32
    %dma_start3A_2087 = arith.constant 0 : i32
    %dma_start3A_2088 = tpu.memref_slice %arg7[%dma_start3A_2074, %dma_start3A_2086, %dma_start3A_2087] : memref<6x128x128xf32, #tpu.memory_space<vmem>> -> memref<1x128x128xf32, #tpu.memory_space<vmem>>
    %dma_start3A_2089 = tpu.memref_squeeze %dma_start3A_2088 : memref<1x128x128xf32, #tpu.memory_space<vmem>> -> memref<128x128xf32, #tpu.memory_space<vmem>>
    tpu.enqueue_dma source(%dma_start3A_2089 : memref<128x128xf32, #tpu.memory_space<vmem>>) target(%dma_start3A_2085 : memref<128x128xf32, #tpu.memory_space<hbm>>) target_semaphore(%arg9 : memref<!tpu.dma_semaphore, #tpu.memory_space<semaphore_mem>>)
    %dma_wait3A_2090 = arith.constant 0 : i32
    %dma_wait3A_2091 = arith.constant 0 : i32
    %dma_wait3A_2092 = arith.constant 0 : i32
    %dma_wait3A_2093 = arith.constant 0 : i32
    %dma_wait3A_2094 = tpu.memref_slice %arg7[%dma_wait3A_2090, %dma_wait3A_2092, %dma_wait3A_2093] : memref<6x128x128xf32, #tpu.memory_space<vmem>> -> memref<1x128x128xf32, #tpu.memory_space<vmem>>
    %dma_wait3A_2095 = tpu.memref_squeeze %dma_wait3A_2094 : memref<1x128x128xf32, #tpu.memory_space<vmem>> -> memref<128x128xf32, #tpu.memory_space<vmem>>
    %dma_wait3A_2096 = arith.constant 0 : i32
    %dma_wait3A_2097 = tpu.memref_slice %arg4[%dma_wait3A_2091, %mul3A_2, %dma_wait3A_2096] : memref<20x4096x128xf32, #tpu.memory_space<hbm>> -> memref<1x128x128xf32, #tpu.memory_space<hbm>>
    %dma_wait3A_2098 = tpu.memref_squeeze %dma_wait3A_2097 : memref<1x128x128xf32, #tpu.memory_space<hbm>> -> memref<128x128xf32, #tpu.memory_space<hbm>>
    %dma_wait3A_2099 = arith.constant 0 : i32
    %dma_wait3A_2100 = tpu.memref_slice %arg4[%dma_wait3A_2091, %mul3A_2, %dma_wait3A_2099] : memref<20x4096x128xf32, #tpu.memory_space<hbm>> -> memref<1x128x128xf32, #tpu.memory_space<hbm>>
    %dma_wait3A_2101 = tpu.memref_squeeze %dma_wait3A_2100 : memref<1x128x128xf32, #tpu.memory_space<hbm>> -> memref<128x128xf32, #tpu.memory_space<hbm>>
    %dma_wait3A_2102 = arith.constant 0 : i32
    %dma_wait3A_2103 = arith.constant 0 : i32
    %dma_wait3A_2104 = tpu.memref_slice %arg7[%dma_wait3A_2090, %dma_wait3A_2102, %dma_wait3A_2103] : memref<6x128x128xf32, #tpu.memory_space<vmem>> -> memref<1x128x128xf32, #tpu.memory_space<vmem>>
    %dma_wait3A_2105 = tpu.memref_squeeze %dma_wait3A_2104 : memref<1x128x128xf32, #tpu.memory_space<vmem>> -> memref<128x128xf32, #tpu.memory_space<vmem>>
    tpu.wait_dma2 semaphore(%arg9 : memref<!tpu.dma_semaphore, #tpu.memory_space<semaphore_mem>>) src(%dma_wait3A_2105 : memref<128x128xf32, #tpu.memory_space<vmem>>) dst(%dma_wait3A_2101 : memref<128x128xf32, #tpu.memory_space<hbm>>)
    %broadcast_in_dim3A_2106 = arith.constant 18 : i32
    %broadcast_in_dim3A_2107 = vector.broadcast %broadcast_in_dim3A_2106 : i32 to vector<16xi32>
    %add3A_2108 = arith.constant 0 : i32
    %add3A_2109 = vector.broadcast %add3A_2108 : i32 to vector<16xi32>
    %add3A_2110 = arith.addi %iota3A, %add3A_2109 : vector<16xi32>
    %gather3A_2111 = tpu.vector_load_idx %arg5[%add3A_2110, %broadcast_in_dim3A_2107] : memref<128x20xi32, #tpu.memory_space<vmem>>[vector<16xi32>, vector<16xi32>], vector<16xi32>,
    %swap3A_2112 = arith.constant 18 : i32
    %swap3A_2113 = arith.index_cast %swap3A_2112 : i32 to index
    %swap3A_2114 = arith.constant 0 : index
    %swap3A_2115 = tpu.vector_load %arg6[%swap3A_2113, %swap3A_2114] {strides = array<i32>} : memref<20x128xi32, #tpu.memory_space<vmem>>, vector<16xi32>,
    tpu.vector_store %arg6[%swap3A_2113, %swap3A_2114], %gather3A_2111 {strides = array<i32>} : memref<20x128xi32, #tpu.memory_space<vmem>>, vector<16xi32>,
    %add3A_2116 = arith.constant 16 : i32
    %add3A_2117 = vector.broadcast %add3A_2116 : i32 to vector<16xi32>
    %add3A_2118 = arith.addi %iota3A, %add3A_2117 : vector<16xi32>
    %gather3A_2119 = tpu.vector_load_idx %arg5[%add3A_2118, %broadcast_in_dim3A_2107] : memref<128x20xi32, #tpu.memory_space<vmem>>[vector<16xi32>, vector<16xi32>], vector<16xi32>,
    %swap3A_2120 = arith.constant 18 : i32
    %swap3A_2121 = arith.index_cast %swap3A_2120 : i32 to index
    %swap3A_2122 = arith.constant 16 : index
    %swap3A_2123 = tpu.vector_load %arg6[%swap3A_2121, %swap3A_2122] {strides = array<i32>} : memref<20x128xi32, #tpu.memory_space<vmem>>, vector<16xi32>,
    tpu.vector_store %arg6[%swap3A_2121, %swap3A_2122], %gather3A_2119 {strides = array<i32>} : memref<20x128xi32, #tpu.memory_space<vmem>>, vector<16xi32>,
    %add3A_2124 = arith.constant 32 : i32
    %add3A_2125 = vector.broadcast %add3A_2124 : i32 to vector<16xi32>
    %add3A_2126 = arith.addi %iota3A, %add3A_2125 : vector<16xi32>
    %gather3A_2127 = tpu.vector_load_idx %arg5[%add3A_2126, %broadcast_in_dim3A_2107] : memref<128x20xi32, #tpu.memory_space<vmem>>[vector<16xi32>, vector<16xi32>], vector<16xi32>,
    %swap3A_2128 = arith.constant 18 : i32
    %swap3A_2129 = arith.index_cast %swap3A_2128 : i32 to index
    %swap3A_2130 = arith.constant 32 : index
    %swap3A_2131 = tpu.vector_load %arg6[%swap3A_2129, %swap3A_2130] {strides = array<i32>} : memref<20x128xi32, #tpu.memory_space<vmem>>, vector<16xi32>,
    tpu.vector_store %arg6[%swap3A_2129, %swap3A_2130], %gather3A_2127 {strides = array<i32>} : memref<20x128xi32, #tpu.memory_space<vmem>>, vector<16xi32>,
    %add3A_2132 = arith.constant 48 : i32
    %add3A_2133 = vector.broadcast %add3A_2132 : i32 to vector<16xi32>
    %add3A_2134 = arith.addi %iota3A, %add3A_2133 : vector<16xi32>
    %gather3A_2135 = tpu.vector_load_idx %arg5[%add3A_2134, %broadcast_in_dim3A_2107] : memref<128x20xi32, #tpu.memory_space<vmem>>[vector<16xi32>, vector<16xi32>], vector<16xi32>,
    %swap3A_2136 = arith.constant 18 : i32
    %swap3A_2137 = arith.index_cast %swap3A_2136 : i32 to index
    %swap3A_2138 = arith.constant 48 : index
    %swap3A_2139 = tpu.vector_load %arg6[%swap3A_2137, %swap3A_2138] {strides = array<i32>} : memref<20x128xi32, #tpu.memory_space<vmem>>, vector<16xi32>,
    tpu.vector_store %arg6[%swap3A_2137, %swap3A_2138], %gather3A_2135 {strides = array<i32>} : memref<20x128xi32, #tpu.memory_space<vmem>>, vector<16xi32>,
    %add3A_2140 = arith.constant 64 : i32
    %add3A_2141 = vector.broadcast %add3A_2140 : i32 to vector<16xi32>
    %add3A_2142 = arith.addi %iota3A, %add3A_2141 : vector<16xi32>
    %gather3A_2143 = tpu.vector_load_idx %arg5[%add3A_2142, %broadcast_in_dim3A_2107] : memref<128x20xi32, #tpu.memory_space<vmem>>[vector<16xi32>, vector<16xi32>], vector<16xi32>,
    %swap3A_2144 = arith.constant 18 : i32
    %swap3A_2145 = arith.index_cast %swap3A_2144 : i32 to index
    %swap3A_2146 = arith.constant 64 : index
    %swap3A_2147 = tpu.vector_load %arg6[%swap3A_2145, %swap3A_2146] {strides = array<i32>} : memref<20x128xi32, #tpu.memory_space<vmem>>, vector<16xi32>,
    tpu.vector_store %arg6[%swap3A_2145, %swap3A_2146], %gather3A_2143 {strides = array<i32>} : memref<20x128xi32, #tpu.memory_space<vmem>>, vector<16xi32>,
    %add3A_2148 = arith.constant 80 : i32
    %add3A_2149 = vector.broadcast %add3A_2148 : i32 to vector<16xi32>
    %add3A_2150 = arith.addi %iota3A, %add3A_2149 : vector<16xi32>
    %gather3A_2151 = tpu.vector_load_idx %arg5[%add3A_2150, %broadcast_in_dim3A_2107] : memref<128x20xi32, #tpu.memory_space<vmem>>[vector<16xi32>, vector<16xi32>], vector<16xi32>,
    %swap3A_2152 = arith.constant 18 : i32
    %swap3A_2153 = arith.index_cast %swap3A_2152 : i32 to index
    %swap3A_2154 = arith.constant 80 : index
    %swap3A_2155 = tpu.vector_load %arg6[%swap3A_2153, %swap3A_2154] {strides = array<i32>} : memref<20x128xi32, #tpu.memory_space<vmem>>, vector<16xi32>,
    tpu.vector_store %arg6[%swap3A_2153, %swap3A_2154], %gather3A_2151 {strides = array<i32>} : memref<20x128xi32, #tpu.memory_space<vmem>>, vector<16xi32>,
    %add3A_2156 = arith.constant 96 : i32
    %add3A_2157 = vector.broadcast %add3A_2156 : i32 to vector<16xi32>
    %add3A_2158 = arith.addi %iota3A, %add3A_2157 : vector<16xi32>
    %gather3A_2159 = tpu.vector_load_idx %arg5[%add3A_2158, %broadcast_in_dim3A_2107] : memref<128x20xi32, #tpu.memory_space<vmem>>[vector<16xi32>, vector<16xi32>], vector<16xi32>,
    %swap3A_2160 = arith.constant 18 : i32
    %swap3A_2161 = arith.index_cast %swap3A_2160 : i32 to index
    %swap3A_2162 = arith.constant 96 : index
    %swap3A_2163 = tpu.vector_load %arg6[%swap3A_2161, %swap3A_2162] {strides = array<i32>} : memref<20x128xi32, #tpu.memory_space<vmem>>, vector<16xi32>,
    tpu.vector_store %arg6[%swap3A_2161, %swap3A_2162], %gather3A_2159 {strides = array<i32>} : memref<20x128xi32, #tpu.memory_space<vmem>>, vector<16xi32>,
    %add3A_2164 = arith.constant 112 : i32
    %add3A_2165 = vector.broadcast %add3A_2164 : i32 to vector<16xi32>
    %add3A_2166 = arith.addi %iota3A, %add3A_2165 : vector<16xi32>
    %gather3A_2167 = tpu.vector_load_idx %arg5[%add3A_2166, %broadcast_in_dim3A_2107] : memref<128x20xi32, #tpu.memory_space<vmem>>[vector<16xi32>, vector<16xi32>], vector<16xi32>,
    %swap3A_2168 = arith.constant 18 : i32
    %swap3A_2169 = arith.index_cast %swap3A_2168 : i32 to index
    %swap3A_2170 = arith.constant 112 : index
    %swap3A_2171 = tpu.vector_load %arg6[%swap3A_2169, %swap3A_2170] {strides = array<i32>} : memref<20x128xi32, #tpu.memory_space<vmem>>, vector<16xi32>,
    tpu.vector_store %arg6[%swap3A_2169, %swap3A_2170], %gather3A_2167 {strides = array<i32>} : memref<20x128xi32, #tpu.memory_space<vmem>>, vector<16xi32>,
    %dma_start3A_2172 = arith.constant 18 : i32
    %dma_start3A_2173 = arith.constant 0 : i32
    %dma_start3A_2174 = arith.constant 0 : i32
    %dma_start3A_2175 = arith.constant 0 : i32
    %dma_start3A_2176 = tpu.memref_slice %arg7[%dma_start3A_2173, %dma_start3A_2174, %dma_start3A_2175] : memref<6x128x128xf32, #tpu.memory_space<vmem>> -> memref<1x128x128xf32, #tpu.memory_space<vmem>>
    %dma_start3A_2177 = tpu.memref_squeeze %dma_start3A_2176 : memref<1x128x128xf32, #tpu.memory_space<vmem>> -> memref<128x128xf32, #tpu.memory_space<vmem>>
    %dma_start3A_2178 = arith.constant 0 : i32
    %dma_start3A_2179 = tpu.memref_slice %arg6[%dma_start3A_2172, %dma_start3A_2178] : memref<20x128xi32, #tpu.memory_space<vmem>> -> memref<1x128xi32, #tpu.memory_space<vmem>>
    %dma_start3A_2180 = tpu.memref_squeeze %dma_start3A_2179 : memref<1x128xi32, #tpu.memory_space<vmem>> -> memref<128xi32, #tpu.memory_space<vmem>>
    %dma_start3A_2181 = arith.constant 0 : i32
    %dma_start3A_2182 = arith.constant 0 : i32
    %dma_start3A_2183 = tpu.memref_slice %arg3[%dma_start3A_2181, %dma_start3A_2182] : memref<100000x128xf32, #tpu.memory_space<hbm>> -> memref<100000x128xf32, #tpu.memory_space<hbm>>
    tpu.enqueue_indirect_dma source(%dma_start3A_2183 : memref<100000x128xf32, #tpu.memory_space<hbm>>) target(%dma_start3A_2177 : memref<128x128xf32, #tpu.memory_space<vmem>>) offsets(%dma_start3A_2180 : memref<128xi32, #tpu.memory_space<vmem>>) semaphore(%arg8 : memref<!tpu.dma_semaphore, #tpu.memory_space<semaphore_mem>>)
    %dma_wait3A_2184 = arith.constant 0 : i32
    %dma_wait3A_2185 = arith.constant 0 : i32
    %dma_wait3A_2186 = arith.constant 0 : i32
    %dma_wait3A_2187 = arith.constant 0 : i32
    %dma_wait3A_2188 = tpu.memref_slice %arg7[%dma_wait3A_2185, %dma_wait3A_2186, %dma_wait3A_2187] : memref<6x128x128xf32, #tpu.memory_space<vmem>> -> memref<1x128x128xf32, #tpu.memory_space<vmem>>
    %dma_wait3A_2189 = tpu.memref_squeeze %dma_wait3A_2188 : memref<1x128x128xf32, #tpu.memory_space<vmem>> -> memref<128x128xf32, #tpu.memory_space<vmem>>
    %dma_wait3A_2190 = arith.constant 0 : i32
    %dma_wait3A_2191 = tpu.memref_slice %arg4[%dma_wait3A_2184, %mul3A_2, %dma_wait3A_2190] : memref<20x4096x128xf32, #tpu.memory_space<hbm>> -> memref<1x128x128xf32, #tpu.memory_space<hbm>>
    %dma_wait3A_2192 = tpu.memref_squeeze %dma_wait3A_2191 : memref<1x128x128xf32, #tpu.memory_space<hbm>> -> memref<128x128xf32, #tpu.memory_space<hbm>>
    %dma_wait3A_2193 = arith.constant 0 : i32
    %dma_wait3A_2194 = arith.constant 0 : i32
    %dma_wait3A_2195 = tpu.memref_slice %arg7[%dma_wait3A_2185, %dma_wait3A_2193, %dma_wait3A_2194] : memref<6x128x128xf32, #tpu.memory_space<vmem>> -> memref<1x128x128xf32, #tpu.memory_space<vmem>>
    %dma_wait3A_2196 = tpu.memref_squeeze %dma_wait3A_2195 : memref<1x128x128xf32, #tpu.memory_space<vmem>> -> memref<128x128xf32, #tpu.memory_space<vmem>>
    %dma_wait3A_2197 = arith.constant 0 : i32
    %dma_wait3A_2198 = tpu.memref_slice %arg4[%dma_wait3A_2184, %mul3A_2, %dma_wait3A_2197] : memref<20x4096x128xf32, #tpu.memory_space<hbm>> -> memref<1x128x128xf32, #tpu.memory_space<hbm>>
    %dma_wait3A_2199 = tpu.memref_squeeze %dma_wait3A_2198 : memref<1x128x128xf32, #tpu.memory_space<hbm>> -> memref<128x128xf32, #tpu.memory_space<hbm>>
    tpu.wait_dma2 semaphore(%arg8 : memref<!tpu.dma_semaphore, #tpu.memory_space<semaphore_mem>>) src(%dma_wait3A_2199 : memref<128x128xf32, #tpu.memory_space<hbm>>) dst(%dma_wait3A_2196 : memref<128x128xf32, #tpu.memory_space<vmem>>)
    %dma_start3A_2200 = arith.constant 3 : i32
    %dma_start3A_2201 = arith.constant 15 : i32
    %dma_start3A_2202 = arith.constant 0 : i32
    %dma_start3A_2203 = arith.constant 0 : i32
    %dma_start3A_2204 = tpu.memref_slice %arg7[%dma_start3A_2200, %dma_start3A_2202, %dma_start3A_2203] : memref<6x128x128xf32, #tpu.memory_space<vmem>> -> memref<1x128x128xf32, #tpu.memory_space<vmem>>
    %dma_start3A_2205 = tpu.memref_squeeze %dma_start3A_2204 : memref<1x128x128xf32, #tpu.memory_space<vmem>> -> memref<128x128xf32, #tpu.memory_space<vmem>>
    %dma_start3A_2206 = arith.constant 0 : i32
    %dma_start3A_2207 = tpu.memref_slice %arg4[%dma_start3A_2201, %mul3A_2, %dma_start3A_2206] : memref<20x4096x128xf32, #tpu.memory_space<hbm>> -> memref<1x128x128xf32, #tpu.memory_space<hbm>>
    %dma_start3A_2208 = tpu.memref_squeeze %dma_start3A_2207 : memref<1x128x128xf32, #tpu.memory_space<hbm>> -> memref<128x128xf32, #tpu.memory_space<hbm>>
    %dma_start3A_2209 = arith.constant 0 : i32
    %dma_start3A_2210 = tpu.memref_slice %arg4[%dma_start3A_2201, %mul3A_2, %dma_start3A_2209] : memref<20x4096x128xf32, #tpu.memory_space<hbm>> -> memref<1x128x128xf32, #tpu.memory_space<hbm>>
    %dma_start3A_2211 = tpu.memref_squeeze %dma_start3A_2210 : memref<1x128x128xf32, #tpu.memory_space<hbm>> -> memref<128x128xf32, #tpu.memory_space<hbm>>
    %dma_start3A_2212 = arith.constant 0 : i32
    %dma_start3A_2213 = arith.constant 0 : i32
    %dma_start3A_2214 = tpu.memref_slice %arg7[%dma_start3A_2200, %dma_start3A_2212, %dma_start3A_2213] : memref<6x128x128xf32, #tpu.memory_space<vmem>> -> memref<1x128x128xf32, #tpu.memory_space<vmem>>
    %dma_start3A_2215 = tpu.memref_squeeze %dma_start3A_2214 : memref<1x128x128xf32, #tpu.memory_space<vmem>> -> memref<128x128xf32, #tpu.memory_space<vmem>>
    tpu.enqueue_dma source(%dma_start3A_2215 : memref<128x128xf32, #tpu.memory_space<vmem>>) target(%dma_start3A_2211 : memref<128x128xf32, #tpu.memory_space<hbm>>) target_semaphore(%arg9 : memref<!tpu.dma_semaphore, #tpu.memory_space<semaphore_mem>>)
    %dma_wait3A_2216 = arith.constant 0 : i32
    %dma_wait3A_2217 = arith.constant 0 : i32
    %dma_wait3A_2218 = arith.constant 0 : i32
    %dma_wait3A_2219 = arith.constant 0 : i32
    %dma_wait3A_2220 = tpu.memref_slice %arg7[%dma_wait3A_2216, %dma_wait3A_2218, %dma_wait3A_2219] : memref<6x128x128xf32, #tpu.memory_space<vmem>> -> memref<1x128x128xf32, #tpu.memory_space<vmem>>
    %dma_wait3A_2221 = tpu.memref_squeeze %dma_wait3A_2220 : memref<1x128x128xf32, #tpu.memory_space<vmem>> -> memref<128x128xf32, #tpu.memory_space<vmem>>
    %dma_wait3A_2222 = arith.constant 0 : i32
    %dma_wait3A_2223 = tpu.memref_slice %arg4[%dma_wait3A_2217, %mul3A_2, %dma_wait3A_2222] : memref<20x4096x128xf32, #tpu.memory_space<hbm>> -> memref<1x128x128xf32, #tpu.memory_space<hbm>>
    %dma_wait3A_2224 = tpu.memref_squeeze %dma_wait3A_2223 : memref<1x128x128xf32, #tpu.memory_space<hbm>> -> memref<128x128xf32, #tpu.memory_space<hbm>>
    %dma_wait3A_2225 = arith.constant 0 : i32
    %dma_wait3A_2226 = tpu.memref_slice %arg4[%dma_wait3A_2217, %mul3A_2, %dma_wait3A_2225] : memref<20x4096x128xf32, #tpu.memory_space<hbm>> -> memref<1x128x128xf32, #tpu.memory_space<hbm>>
    %dma_wait3A_2227 = tpu.memref_squeeze %dma_wait3A_2226 : memref<1x128x128xf32, #tpu.memory_space<hbm>> -> memref<128x128xf32, #tpu.memory_space<hbm>>
    %dma_wait3A_2228 = arith.constant 0 : i32
    %dma_wait3A_2229 = arith.constant 0 : i32
    %dma_wait3A_2230 = tpu.memref_slice %arg7[%dma_wait3A_2216, %dma_wait3A_2228, %dma_wait3A_2229] : memref<6x128x128xf32, #tpu.memory_space<vmem>> -> memref<1x128x128xf32, #tpu.memory_space<vmem>>
    %dma_wait3A_2231 = tpu.memref_squeeze %dma_wait3A_2230 : memref<1x128x128xf32, #tpu.memory_space<vmem>> -> memref<128x128xf32, #tpu.memory_space<vmem>>
    tpu.wait_dma2 semaphore(%arg9 : memref<!tpu.dma_semaphore, #tpu.memory_space<semaphore_mem>>) src(%dma_wait3A_2231 : memref<128x128xf32, #tpu.memory_space<vmem>>) dst(%dma_wait3A_2227 : memref<128x128xf32, #tpu.memory_space<hbm>>)
    %broadcast_in_dim3A_2232 = arith.constant 19 : i32
    %broadcast_in_dim3A_2233 = vector.broadcast %broadcast_in_dim3A_2232 : i32 to vector<16xi32>
    %add3A_2234 = arith.constant 0 : i32
    %add3A_2235 = vector.broadcast %add3A_2234 : i32 to vector<16xi32>
    %add3A_2236 = arith.addi %iota3A, %add3A_2235 : vector<16xi32>
    %gather3A_2237 = tpu.vector_load_idx %arg5[%add3A_2236, %broadcast_in_dim3A_2233] : memref<128x20xi32, #tpu.memory_space<vmem>>[vector<16xi32>, vector<16xi32>], vector<16xi32>,
    %swap3A_2238 = arith.constant 19 : i32
    %swap3A_2239 = arith.index_cast %swap3A_2238 : i32 to index
    %swap3A_2240 = arith.constant 0 : index
    %swap3A_2241 = tpu.vector_load %arg6[%swap3A_2239, %swap3A_2240] {strides = array<i32>} : memref<20x128xi32, #tpu.memory_space<vmem>>, vector<16xi32>,
    tpu.vector_store %arg6[%swap3A_2239, %swap3A_2240], %gather3A_2237 {strides = array<i32>} : memref<20x128xi32, #tpu.memory_space<vmem>>, vector<16xi32>,
    %add3A_2242 = arith.constant 16 : i32
    %add3A_2243 = vector.broadcast %add3A_2242 : i32 to vector<16xi32>
    %add3A_2244 = arith.addi %iota3A, %add3A_2243 : vector<16xi32>
    %gather3A_2245 = tpu.vector_load_idx %arg5[%add3A_2244, %broadcast_in_dim3A_2233] : memref<128x20xi32, #tpu.memory_space<vmem>>[vector<16xi32>, vector<16xi32>], vector<16xi32>,
    %swap3A_2246 = arith.constant 19 : i32
    %swap3A_2247 = arith.index_cast %swap3A_2246 : i32 to index
    %swap3A_2248 = arith.constant 16 : index
    %swap3A_2249 = tpu.vector_load %arg6[%swap3A_2247, %swap3A_2248] {strides = array<i32>} : memref<20x128xi32, #tpu.memory_space<vmem>>, vector<16xi32>,
    tpu.vector_store %arg6[%swap3A_2247, %swap3A_2248], %gather3A_2245 {strides = array<i32>} : memref<20x128xi32, #tpu.memory_space<vmem>>, vector<16xi32>,
    %add3A_2250 = arith.constant 32 : i32
    %add3A_2251 = vector.broadcast %add3A_2250 : i32 to vector<16xi32>
    %add3A_2252 = arith.addi %iota3A, %add3A_2251 : vector<16xi32>
    %gather3A_2253 = tpu.vector_load_idx %arg5[%add3A_2252, %broadcast_in_dim3A_2233] : memref<128x20xi32, #tpu.memory_space<vmem>>[vector<16xi32>, vector<16xi32>], vector<16xi32>,
    %swap3A_2254 = arith.constant 19 : i32
    %swap3A_2255 = arith.index_cast %swap3A_2254 : i32 to index
    %swap3A_2256 = arith.constant 32 : index
    %swap3A_2257 = tpu.vector_load %arg6[%swap3A_2255, %swap3A_2256] {strides = array<i32>} : memref<20x128xi32, #tpu.memory_space<vmem>>, vector<16xi32>,
    tpu.vector_store %arg6[%swap3A_2255, %swap3A_2256], %gather3A_2253 {strides = array<i32>} : memref<20x128xi32, #tpu.memory_space<vmem>>, vector<16xi32>,
    %add3A_2258 = arith.constant 48 : i32
    %add3A_2259 = vector.broadcast %add3A_2258 : i32 to vector<16xi32>
    %add3A_2260 = arith.addi %iota3A, %add3A_2259 : vector<16xi32>
    %gather3A_2261 = tpu.vector_load_idx %arg5[%add3A_2260, %broadcast_in_dim3A_2233] : memref<128x20xi32, #tpu.memory_space<vmem>>[vector<16xi32>, vector<16xi32>], vector<16xi32>,
    %swap3A_2262 = arith.constant 19 : i32
    %swap3A_2263 = arith.index_cast %swap3A_2262 : i32 to index
    %swap3A_2264 = arith.constant 48 : index
    %swap3A_2265 = tpu.vector_load %arg6[%swap3A_2263, %swap3A_2264] {strides = array<i32>} : memref<20x128xi32, #tpu.memory_space<vmem>>, vector<16xi32>,
    tpu.vector_store %arg6[%swap3A_2263, %swap3A_2264], %gather3A_2261 {strides = array<i32>} : memref<20x128xi32, #tpu.memory_space<vmem>>, vector<16xi32>,
    %add3A_2266 = arith.constant 64 : i32
    %add3A_2267 = vector.broadcast %add3A_2266 : i32 to vector<16xi32>
    %add3A_2268 = arith.addi %iota3A, %add3A_2267 : vector<16xi32>
    %gather3A_2269 = tpu.vector_load_idx %arg5[%add3A_2268, %broadcast_in_dim3A_2233] : memref<128x20xi32, #tpu.memory_space<vmem>>[vector<16xi32>, vector<16xi32>], vector<16xi32>,
    %swap3A_2270 = arith.constant 19 : i32
    %swap3A_2271 = arith.index_cast %swap3A_2270 : i32 to index
    %swap3A_2272 = arith.constant 64 : index
    %swap3A_2273 = tpu.vector_load %arg6[%swap3A_2271, %swap3A_2272] {strides = array<i32>} : memref<20x128xi32, #tpu.memory_space<vmem>>, vector<16xi32>,
    tpu.vector_store %arg6[%swap3A_2271, %swap3A_2272], %gather3A_2269 {strides = array<i32>} : memref<20x128xi32, #tpu.memory_space<vmem>>, vector<16xi32>,
    %add3A_2274 = arith.constant 80 : i32
    %add3A_2275 = vector.broadcast %add3A_2274 : i32 to vector<16xi32>
    %add3A_2276 = arith.addi %iota3A, %add3A_2275 : vector<16xi32>
    %gather3A_2277 = tpu.vector_load_idx %arg5[%add3A_2276, %broadcast_in_dim3A_2233] : memref<128x20xi32, #tpu.memory_space<vmem>>[vector<16xi32>, vector<16xi32>], vector<16xi32>,
    %swap3A_2278 = arith.constant 19 : i32
    %swap3A_2279 = arith.index_cast %swap3A_2278 : i32 to index
    %swap3A_2280 = arith.constant 80 : index
    %swap3A_2281 = tpu.vector_load %arg6[%swap3A_2279, %swap3A_2280] {strides = array<i32>} : memref<20x128xi32, #tpu.memory_space<vmem>>, vector<16xi32>,
    tpu.vector_store %arg6[%swap3A_2279, %swap3A_2280], %gather3A_2277 {strides = array<i32>} : memref<20x128xi32, #tpu.memory_space<vmem>>, vector<16xi32>,
    %add3A_2282 = arith.constant 96 : i32
    %add3A_2283 = vector.broadcast %add3A_2282 : i32 to vector<16xi32>
    %add3A_2284 = arith.addi %iota3A, %add3A_2283 : vector<16xi32>
    %gather3A_2285 = tpu.vector_load_idx %arg5[%add3A_2284, %broadcast_in_dim3A_2233] : memref<128x20xi32, #tpu.memory_space<vmem>>[vector<16xi32>, vector<16xi32>], vector<16xi32>,
    %swap3A_2286 = arith.constant 19 : i32
    %swap3A_2287 = arith.index_cast %swap3A_2286 : i32 to index
    %swap3A_2288 = arith.constant 96 : index
    %swap3A_2289 = tpu.vector_load %arg6[%swap3A_2287, %swap3A_2288] {strides = array<i32>} : memref<20x128xi32, #tpu.memory_space<vmem>>, vector<16xi32>,
    tpu.vector_store %arg6[%swap3A_2287, %swap3A_2288], %gather3A_2285 {strides = array<i32>} : memref<20x128xi32, #tpu.memory_space<vmem>>, vector<16xi32>,
    %add3A_2290 = arith.constant 112 : i32
    %add3A_2291 = vector.broadcast %add3A_2290 : i32 to vector<16xi32>
    %add3A_2292 = arith.addi %iota3A, %add3A_2291 : vector<16xi32>
    %gather3A_2293 = tpu.vector_load_idx %arg5[%add3A_2292, %broadcast_in_dim3A_2233] : memref<128x20xi32, #tpu.memory_space<vmem>>[vector<16xi32>, vector<16xi32>], vector<16xi32>,
    %swap3A_2294 = arith.constant 19 : i32
    %swap3A_2295 = arith.index_cast %swap3A_2294 : i32 to index
    %swap3A_2296 = arith.constant 112 : index
    %swap3A_2297 = tpu.vector_load %arg6[%swap3A_2295, %swap3A_2296] {strides = array<i32>} : memref<20x128xi32, #tpu.memory_space<vmem>>, vector<16xi32>,
    tpu.vector_store %arg6[%swap3A_2295, %swap3A_2296], %gather3A_2293 {strides = array<i32>} : memref<20x128xi32, #tpu.memory_space<vmem>>, vector<16xi32>,
    %dma_start3A_2298 = arith.constant 19 : i32
    %dma_start3A_2299 = arith.constant 1 : i32
    %dma_start3A_2300 = arith.constant 0 : i32
    %dma_start3A_2301 = arith.constant 0 : i32
    %dma_start3A_2302 = tpu.memref_slice %arg7[%dma_start3A_2299, %dma_start3A_2300, %dma_start3A_2301] : memref<6x128x128xf32, #tpu.memory_space<vmem>> -> memref<1x128x128xf32, #tpu.memory_space<vmem>>
    %dma_start3A_2303 = tpu.memref_squeeze %dma_start3A_2302 : memref<1x128x128xf32, #tpu.memory_space<vmem>> -> memref<128x128xf32, #tpu.memory_space<vmem>>
    %dma_start3A_2304 = arith.constant 0 : i32
    %dma_start3A_2305 = tpu.memref_slice %arg6[%dma_start3A_2298, %dma_start3A_2304] : memref<20x128xi32, #tpu.memory_space<vmem>> -> memref<1x128xi32, #tpu.memory_space<vmem>>
    %dma_start3A_2306 = tpu.memref_squeeze %dma_start3A_2305 : memref<1x128xi32, #tpu.memory_space<vmem>> -> memref<128xi32, #tpu.memory_space<vmem>>
    %dma_start3A_2307 = arith.constant 0 : i32
    %dma_start3A_2308 = arith.constant 0 : i32
    %dma_start3A_2309 = tpu.memref_slice %arg3[%dma_start3A_2307, %dma_start3A_2308] : memref<100000x128xf32, #tpu.memory_space<hbm>> -> memref<100000x128xf32, #tpu.memory_space<hbm>>
    tpu.enqueue_indirect_dma source(%dma_start3A_2309 : memref<100000x128xf32, #tpu.memory_space<hbm>>) target(%dma_start3A_2303 : memref<128x128xf32, #tpu.memory_space<vmem>>) offsets(%dma_start3A_2306 : memref<128xi32, #tpu.memory_space<vmem>>) semaphore(%arg8 : memref<!tpu.dma_semaphore, #tpu.memory_space<semaphore_mem>>)
    %dma_wait3A_2310 = arith.constant 0 : i32
    %dma_wait3A_2311 = arith.constant 0 : i32
    %dma_wait3A_2312 = arith.constant 0 : i32
    %dma_wait3A_2313 = arith.constant 0 : i32
    %dma_wait3A_2314 = tpu.memref_slice %arg7[%dma_wait3A_2311, %dma_wait3A_2312, %dma_wait3A_2313] : memref<6x128x128xf32, #tpu.memory_space<vmem>> -> memref<1x128x128xf32, #tpu.memory_space<vmem>>
    %dma_wait3A_2315 = tpu.memref_squeeze %dma_wait3A_2314 : memref<1x128x128xf32, #tpu.memory_space<vmem>> -> memref<128x128xf32, #tpu.memory_space<vmem>>
    %dma_wait3A_2316 = arith.constant 0 : i32
    %dma_wait3A_2317 = tpu.memref_slice %arg4[%dma_wait3A_2310, %mul3A_2, %dma_wait3A_2316] : memref<20x4096x128xf32, #tpu.memory_space<hbm>> -> memref<1x128x128xf32, #tpu.memory_space<hbm>>
    %dma_wait3A_2318 = tpu.memref_squeeze %dma_wait3A_2317 : memref<1x128x128xf32, #tpu.memory_space<hbm>> -> memref<128x128xf32, #tpu.memory_space<hbm>>
    %dma_wait3A_2319 = arith.constant 0 : i32
    %dma_wait3A_2320 = arith.constant 0 : i32
    %dma_wait3A_2321 = tpu.memref_slice %arg7[%dma_wait3A_2311, %dma_wait3A_2319, %dma_wait3A_2320] : memref<6x128x128xf32, #tpu.memory_space<vmem>> -> memref<1x128x128xf32, #tpu.memory_space<vmem>>
    %dma_wait3A_2322 = tpu.memref_squeeze %dma_wait3A_2321 : memref<1x128x128xf32, #tpu.memory_space<vmem>> -> memref<128x128xf32, #tpu.memory_space<vmem>>
    %dma_wait3A_2323 = arith.constant 0 : i32
    %dma_wait3A_2324 = tpu.memref_slice %arg4[%dma_wait3A_2310, %mul3A_2, %dma_wait3A_2323] : memref<20x4096x128xf32, #tpu.memory_space<hbm>> -> memref<1x128x128xf32, #tpu.memory_space<hbm>>
    %dma_wait3A_2325 = tpu.memref_squeeze %dma_wait3A_2324 : memref<1x128x128xf32, #tpu.memory_space<hbm>> -> memref<128x128xf32, #tpu.memory_space<hbm>>
    tpu.wait_dma2 semaphore(%arg8 : memref<!tpu.dma_semaphore, #tpu.memory_space<semaphore_mem>>) src(%dma_wait3A_2325 : memref<128x128xf32, #tpu.memory_space<hbm>>) dst(%dma_wait3A_2322 : memref<128x128xf32, #tpu.memory_space<vmem>>)
    %dma_start3A_2326 = arith.constant 4 : i32
    %dma_start3A_2327 = arith.constant 16 : i32
    %dma_start3A_2328 = arith.constant 0 : i32
    %dma_start3A_2329 = arith.constant 0 : i32
    %dma_start3A_2330 = tpu.memref_slice %arg7[%dma_start3A_2326, %dma_start3A_2328, %dma_start3A_2329] : memref<6x128x128xf32, #tpu.memory_space<vmem>> -> memref<1x128x128xf32, #tpu.memory_space<vmem>>
    %dma_start3A_2331 = tpu.memref_squeeze %dma_start3A_2330 : memref<1x128x128xf32, #tpu.memory_space<vmem>> -> memref<128x128xf32, #tpu.memory_space<vmem>>
    %dma_start3A_2332 = arith.constant 0 : i32
    %dma_start3A_2333 = tpu.memref_slice %arg4[%dma_start3A_2327, %mul3A_2, %dma_start3A_2332] : memref<20x4096x128xf32, #tpu.memory_space<hbm>> -> memref<1x128x128xf32, #tpu.memory_space<hbm>>
    %dma_start3A_2334 = tpu.memref_squeeze %dma_start3A_2333 : memref<1x128x128xf32, #tpu.memory_space<hbm>> -> memref<128x128xf32, #tpu.memory_space<hbm>>
    %dma_start3A_2335 = arith.constant 0 : i32
    %dma_start3A_2336 = tpu.memref_slice %arg4[%dma_start3A_2327, %mul3A_2, %dma_start3A_2335] : memref<20x4096x128xf32, #tpu.memory_space<hbm>> -> memref<1x128x128xf32, #tpu.memory_space<hbm>>
    %dma_start3A_2337 = tpu.memref_squeeze %dma_start3A_2336 : memref<1x128x128xf32, #tpu.memory_space<hbm>> -> memref<128x128xf32, #tpu.memory_space<hbm>>
    %dma_start3A_2338 = arith.constant 0 : i32
    %dma_start3A_2339 = arith.constant 0 : i32
    %dma_start3A_2340 = tpu.memref_slice %arg7[%dma_start3A_2326, %dma_start3A_2338, %dma_start3A_2339] : memref<6x128x128xf32, #tpu.memory_space<vmem>> -> memref<1x128x128xf32, #tpu.memory_space<vmem>>
    %dma_start3A_2341 = tpu.memref_squeeze %dma_start3A_2340 : memref<1x128x128xf32, #tpu.memory_space<vmem>> -> memref<128x128xf32, #tpu.memory_space<vmem>>
    tpu.enqueue_dma source(%dma_start3A_2341 : memref<128x128xf32, #tpu.memory_space<vmem>>) target(%dma_start3A_2337 : memref<128x128xf32, #tpu.memory_space<hbm>>) target_semaphore(%arg9 : memref<!tpu.dma_semaphore, #tpu.memory_space<semaphore_mem>>)
    %dma_wait3A_2342 = arith.constant 0 : i32
    %dma_wait3A_2343 = arith.constant 0 : i32
    %dma_wait3A_2344 = arith.constant 0 : i32
    %dma_wait3A_2345 = arith.constant 0 : i32
    %dma_wait3A_2346 = tpu.memref_slice %arg7[%dma_wait3A_2342, %dma_wait3A_2344, %dma_wait3A_2345] : memref<6x128x128xf32, #tpu.memory_space<vmem>> -> memref<1x128x128xf32, #tpu.memory_space<vmem>>
    %dma_wait3A_2347 = tpu.memref_squeeze %dma_wait3A_2346 : memref<1x128x128xf32, #tpu.memory_space<vmem>> -> memref<128x128xf32, #tpu.memory_space<vmem>>
    %dma_wait3A_2348 = arith.constant 0 : i32
    %dma_wait3A_2349 = tpu.memref_slice %arg4[%dma_wait3A_2343, %mul3A_2, %dma_wait3A_2348] : memref<20x4096x128xf32, #tpu.memory_space<hbm>> -> memref<1x128x128xf32, #tpu.memory_space<hbm>>
    %dma_wait3A_2350 = tpu.memref_squeeze %dma_wait3A_2349 : memref<1x128x128xf32, #tpu.memory_space<hbm>> -> memref<128x128xf32, #tpu.memory_space<hbm>>
    %dma_wait3A_2351 = arith.constant 0 : i32
    %dma_wait3A_2352 = tpu.memref_slice %arg4[%dma_wait3A_2343, %mul3A_2, %dma_wait3A_2351] : memref<20x4096x128xf32, #tpu.memory_space<hbm>> -> memref<1x128x128xf32, #tpu.memory_space<hbm>>
    %dma_wait3A_2353 = tpu.memref_squeeze %dma_wait3A_2352 : memref<1x128x128xf32, #tpu.memory_space<hbm>> -> memref<128x128xf32, #tpu.memory_space<hbm>>
    %dma_wait3A_2354 = arith.constant 0 : i32
    %dma_wait3A_2355 = arith.constant 0 : i32
    %dma_wait3A_2356 = tpu.memref_slice %arg7[%dma_wait3A_2342, %dma_wait3A_2354, %dma_wait3A_2355] : memref<6x128x128xf32, #tpu.memory_space<vmem>> -> memref<1x128x128xf32, #tpu.memory_space<vmem>>
    %dma_wait3A_2357 = tpu.memref_squeeze %dma_wait3A_2356 : memref<1x128x128xf32, #tpu.memory_space<vmem>> -> memref<128x128xf32, #tpu.memory_space<vmem>>
    tpu.wait_dma2 semaphore(%arg9 : memref<!tpu.dma_semaphore, #tpu.memory_space<semaphore_mem>>) src(%dma_wait3A_2357 : memref<128x128xf32, #tpu.memory_space<vmem>>) dst(%dma_wait3A_2353 : memref<128x128xf32, #tpu.memory_space<hbm>>)
    %dma_wait3A_2358 = arith.constant 0 : i32
    %dma_wait3A_2359 = arith.constant 0 : i32
    %dma_wait3A_2360 = arith.constant 0 : i32
    %dma_wait3A_2361 = arith.constant 0 : i32
    %dma_wait3A_2362 = tpu.memref_slice %arg7[%dma_wait3A_2359, %dma_wait3A_2360, %dma_wait3A_2361] : memref<6x128x128xf32, #tpu.memory_space<vmem>> -> memref<1x128x128xf32, #tpu.memory_space<vmem>>
    %dma_wait3A_2363 = tpu.memref_squeeze %dma_wait3A_2362 : memref<1x128x128xf32, #tpu.memory_space<vmem>> -> memref<128x128xf32, #tpu.memory_space<vmem>>
    %dma_wait3A_2364 = arith.constant 0 : i32
    %dma_wait3A_2365 = tpu.memref_slice %arg4[%dma_wait3A_2358, %mul3A_2, %dma_wait3A_2364] : memref<20x4096x128xf32, #tpu.memory_space<hbm>> -> memref<1x128x128xf32, #tpu.memory_space<hbm>>
    %dma_wait3A_2366 = tpu.memref_squeeze %dma_wait3A_2365 : memref<1x128x128xf32, #tpu.memory_space<hbm>> -> memref<128x128xf32, #tpu.memory_space<hbm>>
    %dma_wait3A_2367 = arith.constant 0 : i32
    %dma_wait3A_2368 = arith.constant 0 : i32
    %dma_wait3A_2369 = tpu.memref_slice %arg7[%dma_wait3A_2359, %dma_wait3A_2367, %dma_wait3A_2368] : memref<6x128x128xf32, #tpu.memory_space<vmem>> -> memref<1x128x128xf32, #tpu.memory_space<vmem>>
    %dma_wait3A_2370 = tpu.memref_squeeze %dma_wait3A_2369 : memref<1x128x128xf32, #tpu.memory_space<vmem>> -> memref<128x128xf32, #tpu.memory_space<vmem>>
    %dma_wait3A_2371 = arith.constant 0 : i32
    %dma_wait3A_2372 = tpu.memref_slice %arg4[%dma_wait3A_2358, %mul3A_2, %dma_wait3A_2371] : memref<20x4096x128xf32, #tpu.memory_space<hbm>> -> memref<1x128x128xf32, #tpu.memory_space<hbm>>
    %dma_wait3A_2373 = tpu.memref_squeeze %dma_wait3A_2372 : memref<1x128x128xf32, #tpu.memory_space<hbm>> -> memref<128x128xf32, #tpu.memory_space<hbm>>
    tpu.wait_dma2 semaphore(%arg8 : memref<!tpu.dma_semaphore, #tpu.memory_space<semaphore_mem>>) src(%dma_wait3A_2373 : memref<128x128xf32, #tpu.memory_space<hbm>>) dst(%dma_wait3A_2370 : memref<128x128xf32, #tpu.memory_space<vmem>>)
    %dma_start3A_2374 = arith.constant 5 : i32
    %dma_start3A_2375 = arith.constant 17 : i32
    %dma_start3A_2376 = arith.constant 0 : i32
    %dma_start3A_2377 = arith.constant 0 : i32
    %dma_start3A_2378 = tpu.memref_slice %arg7[%dma_start3A_2374, %dma_start3A_2376, %dma_start3A_2377] : memref<6x128x128xf32, #tpu.memory_space<vmem>> -> memref<1x128x128xf32, #tpu.memory_space<vmem>>
    %dma_start3A_2379 = tpu.memref_squeeze %dma_start3A_2378 : memref<1x128x128xf32, #tpu.memory_space<vmem>> -> memref<128x128xf32, #tpu.memory_space<vmem>>
    %dma_start3A_2380 = arith.constant 0 : i32
    %dma_start3A_2381 = tpu.memref_slice %arg4[%dma_start3A_2375, %mul3A_2, %dma_start3A_2380] : memref<20x4096x128xf32, #tpu.memory_space<hbm>> -> memref<1x128x128xf32, #tpu.memory_space<hbm>>
    %dma_start3A_2382 = tpu.memref_squeeze %dma_start3A_2381 : memref<1x128x128xf32, #tpu.memory_space<hbm>> -> memref<128x128xf32, #tpu.memory_space<hbm>>
    %dma_start3A_2383 = arith.constant 0 : i32
    %dma_start3A_2384 = tpu.memref_slice %arg4[%dma_start3A_2375, %mul3A_2, %dma_start3A_2383] : memref<20x4096x128xf32, #tpu.memory_space<hbm>> -> memref<1x128x128xf32, #tpu.memory_space<hbm>>
    %dma_start3A_2385 = tpu.memref_squeeze %dma_start3A_2384 : memref<1x128x128xf32, #tpu.memory_space<hbm>> -> memref<128x128xf32, #tpu.memory_space<hbm>>
    %dma_start3A_2386 = arith.constant 0 : i32
    %dma_start3A_2387 = arith.constant 0 : i32
    %dma_start3A_2388 = tpu.memref_slice %arg7[%dma_start3A_2374, %dma_start3A_2386, %dma_start3A_2387] : memref<6x128x128xf32, #tpu.memory_space<vmem>> -> memref<1x128x128xf32, #tpu.memory_space<vmem>>
    %dma_start3A_2389 = tpu.memref_squeeze %dma_start3A_2388 : memref<1x128x128xf32, #tpu.memory_space<vmem>> -> memref<128x128xf32, #tpu.memory_space<vmem>>
    tpu.enqueue_dma source(%dma_start3A_2389 : memref<128x128xf32, #tpu.memory_space<vmem>>) target(%dma_start3A_2385 : memref<128x128xf32, #tpu.memory_space<hbm>>) target_semaphore(%arg9 : memref<!tpu.dma_semaphore, #tpu.memory_space<semaphore_mem>>)
    %dma_wait3A_2390 = arith.constant 0 : i32
    %dma_wait3A_2391 = arith.constant 0 : i32
    %dma_wait3A_2392 = arith.constant 0 : i32
    %dma_wait3A_2393 = arith.constant 0 : i32
    %dma_wait3A_2394 = tpu.memref_slice %arg7[%dma_wait3A_2390, %dma_wait3A_2392, %dma_wait3A_2393] : memref<6x128x128xf32, #tpu.memory_space<vmem>> -> memref<1x128x128xf32, #tpu.memory_space<vmem>>
    %dma_wait3A_2395 = tpu.memref_squeeze %dma_wait3A_2394 : memref<1x128x128xf32, #tpu.memory_space<vmem>> -> memref<128x128xf32, #tpu.memory_space<vmem>>
    %dma_wait3A_2396 = arith.constant 0 : i32
    %dma_wait3A_2397 = tpu.memref_slice %arg4[%dma_wait3A_2391, %mul3A_2, %dma_wait3A_2396] : memref<20x4096x128xf32, #tpu.memory_space<hbm>> -> memref<1x128x128xf32, #tpu.memory_space<hbm>>
    %dma_wait3A_2398 = tpu.memref_squeeze %dma_wait3A_2397 : memref<1x128x128xf32, #tpu.memory_space<hbm>> -> memref<128x128xf32, #tpu.memory_space<hbm>>
    %dma_wait3A_2399 = arith.constant 0 : i32
    %dma_wait3A_2400 = tpu.memref_slice %arg4[%dma_wait3A_2391, %mul3A_2, %dma_wait3A_2399] : memref<20x4096x128xf32, #tpu.memory_space<hbm>> -> memref<1x128x128xf32, #tpu.memory_space<hbm>>
    %dma_wait3A_2401 = tpu.memref_squeeze %dma_wait3A_2400 : memref<1x128x128xf32, #tpu.memory_space<hbm>> -> memref<128x128xf32, #tpu.memory_space<hbm>>
    %dma_wait3A_2402 = arith.constant 0 : i32
    %dma_wait3A_2403 = arith.constant 0 : i32
    %dma_wait3A_2404 = tpu.memref_slice %arg7[%dma_wait3A_2390, %dma_wait3A_2402, %dma_wait3A_2403] : memref<6x128x128xf32, #tpu.memory_space<vmem>> -> memref<1x128x128xf32, #tpu.memory_space<vmem>>
    %dma_wait3A_2405 = tpu.memref_squeeze %dma_wait3A_2404 : memref<1x128x128xf32, #tpu.memory_space<vmem>> -> memref<128x128xf32, #tpu.memory_space<vmem>>
    tpu.wait_dma2 semaphore(%arg9 : memref<!tpu.dma_semaphore, #tpu.memory_space<semaphore_mem>>) src(%dma_wait3A_2405 : memref<128x128xf32, #tpu.memory_space<vmem>>) dst(%dma_wait3A_2401 : memref<128x128xf32, #tpu.memory_space<hbm>>)
    %dma_wait3A_2406 = arith.constant 0 : i32
    %dma_wait3A_2407 = arith.constant 0 : i32
    %dma_wait3A_2408 = arith.constant 0 : i32
    %dma_wait3A_2409 = arith.constant 0 : i32
    %dma_wait3A_2410 = tpu.memref_slice %arg7[%dma_wait3A_2407, %dma_wait3A_2408, %dma_wait3A_2409] : memref<6x128x128xf32, #tpu.memory_space<vmem>> -> memref<1x128x128xf32, #tpu.memory_space<vmem>>
    %dma_wait3A_2411 = tpu.memref_squeeze %dma_wait3A_2410 : memref<1x128x128xf32, #tpu.memory_space<vmem>> -> memref<128x128xf32, #tpu.memory_space<vmem>>
    %dma_wait3A_2412 = arith.constant 0 : i32
    %dma_wait3A_2413 = tpu.memref_slice %arg4[%dma_wait3A_2406, %mul3A_2, %dma_wait3A_2412] : memref<20x4096x128xf32, #tpu.memory_space<hbm>> -> memref<1x128x128xf32, #tpu.memory_space<hbm>>
    %dma_wait3A_2414 = tpu.memref_squeeze %dma_wait3A_2413 : memref<1x128x128xf32, #tpu.memory_space<hbm>> -> memref<128x128xf32, #tpu.memory_space<hbm>>
    %dma_wait3A_2415 = arith.constant 0 : i32
    %dma_wait3A_2416 = arith.constant 0 : i32
    %dma_wait3A_2417 = tpu.memref_slice %arg7[%dma_wait3A_2407, %dma_wait3A_2415, %dma_wait3A_2416] : memref<6x128x128xf32, #tpu.memory_space<vmem>> -> memref<1x128x128xf32, #tpu.memory_space<vmem>>
    %dma_wait3A_2418 = tpu.memref_squeeze %dma_wait3A_2417 : memref<1x128x128xf32, #tpu.memory_space<vmem>> -> memref<128x128xf32, #tpu.memory_space<vmem>>
    %dma_wait3A_2419 = arith.constant 0 : i32
    %dma_wait3A_2420 = tpu.memref_slice %arg4[%dma_wait3A_2406, %mul3A_2, %dma_wait3A_2419] : memref<20x4096x128xf32, #tpu.memory_space<hbm>> -> memref<1x128x128xf32, #tpu.memory_space<hbm>>
    %dma_wait3A_2421 = tpu.memref_squeeze %dma_wait3A_2420 : memref<1x128x128xf32, #tpu.memory_space<hbm>> -> memref<128x128xf32, #tpu.memory_space<hbm>>
    tpu.wait_dma2 semaphore(%arg8 : memref<!tpu.dma_semaphore, #tpu.memory_space<semaphore_mem>>) src(%dma_wait3A_2421 : memref<128x128xf32, #tpu.memory_space<hbm>>) dst(%dma_wait3A_2418 : memref<128x128xf32, #tpu.memory_space<vmem>>)
    %dma_start3A_2422 = arith.constant 0 : i32
    %dma_start3A_2423 = arith.constant 18 : i32
    %dma_start3A_2424 = arith.constant 0 : i32
    %dma_start3A_2425 = arith.constant 0 : i32
    %dma_start3A_2426 = tpu.memref_slice %arg7[%dma_start3A_2422, %dma_start3A_2424, %dma_start3A_2425] : memref<6x128x128xf32, #tpu.memory_space<vmem>> -> memref<1x128x128xf32, #tpu.memory_space<vmem>>
    %dma_start3A_2427 = tpu.memref_squeeze %dma_start3A_2426 : memref<1x128x128xf32, #tpu.memory_space<vmem>> -> memref<128x128xf32, #tpu.memory_space<vmem>>
    %dma_start3A_2428 = arith.constant 0 : i32
    %dma_start3A_2429 = tpu.memref_slice %arg4[%dma_start3A_2423, %mul3A_2, %dma_start3A_2428] : memref<20x4096x128xf32, #tpu.memory_space<hbm>> -> memref<1x128x128xf32, #tpu.memory_space<hbm>>
    %dma_start3A_2430 = tpu.memref_squeeze %dma_start3A_2429 : memref<1x128x128xf32, #tpu.memory_space<hbm>> -> memref<128x128xf32, #tpu.memory_space<hbm>>
    %dma_start3A_2431 = arith.constant 0 : i32
    %dma_start3A_2432 = tpu.memref_slice %arg4[%dma_start3A_2423, %mul3A_2, %dma_start3A_2431] : memref<20x4096x128xf32, #tpu.memory_space<hbm>> -> memref<1x128x128xf32, #tpu.memory_space<hbm>>
    %dma_start3A_2433 = tpu.memref_squeeze %dma_start3A_2432 : memref<1x128x128xf32, #tpu.memory_space<hbm>> -> memref<128x128xf32, #tpu.memory_space<hbm>>
    %dma_start3A_2434 = arith.constant 0 : i32
    %dma_start3A_2435 = arith.constant 0 : i32
    %dma_start3A_2436 = tpu.memref_slice %arg7[%dma_start3A_2422, %dma_start3A_2434, %dma_start3A_2435] : memref<6x128x128xf32, #tpu.memory_space<vmem>> -> memref<1x128x128xf32, #tpu.memory_space<vmem>>
    %dma_start3A_2437 = tpu.memref_squeeze %dma_start3A_2436 : memref<1x128x128xf32, #tpu.memory_space<vmem>> -> memref<128x128xf32, #tpu.memory_space<vmem>>
    tpu.enqueue_dma source(%dma_start3A_2437 : memref<128x128xf32, #tpu.memory_space<vmem>>) target(%dma_start3A_2433 : memref<128x128xf32, #tpu.memory_space<hbm>>) target_semaphore(%arg9 : memref<!tpu.dma_semaphore, #tpu.memory_space<semaphore_mem>>)
    %dma_wait3A_2438 = arith.constant 0 : i32
    %dma_wait3A_2439 = arith.constant 0 : i32
    %dma_wait3A_2440 = arith.constant 0 : i32
    %dma_wait3A_2441 = arith.constant 0 : i32
    %dma_wait3A_2442 = tpu.memref_slice %arg7[%dma_wait3A_2438, %dma_wait3A_2440, %dma_wait3A_2441] : memref<6x128x128xf32, #tpu.memory_space<vmem>> -> memref<1x128x128xf32, #tpu.memory_space<vmem>>
    %dma_wait3A_2443 = tpu.memref_squeeze %dma_wait3A_2442 : memref<1x128x128xf32, #tpu.memory_space<vmem>> -> memref<128x128xf32, #tpu.memory_space<vmem>>
    %dma_wait3A_2444 = arith.constant 0 : i32
    %dma_wait3A_2445 = tpu.memref_slice %arg4[%dma_wait3A_2439, %mul3A_2, %dma_wait3A_2444] : memref<20x4096x128xf32, #tpu.memory_space<hbm>> -> memref<1x128x128xf32, #tpu.memory_space<hbm>>
    %dma_wait3A_2446 = tpu.memref_squeeze %dma_wait3A_2445 : memref<1x128x128xf32, #tpu.memory_space<hbm>> -> memref<128x128xf32, #tpu.memory_space<hbm>>
    %dma_wait3A_2447 = arith.constant 0 : i32
    %dma_wait3A_2448 = tpu.memref_slice %arg4[%dma_wait3A_2439, %mul3A_2, %dma_wait3A_2447] : memref<20x4096x128xf32, #tpu.memory_space<hbm>> -> memref<1x128x128xf32, #tpu.memory_space<hbm>>
    %dma_wait3A_2449 = tpu.memref_squeeze %dma_wait3A_2448 : memref<1x128x128xf32, #tpu.memory_space<hbm>> -> memref<128x128xf32, #tpu.memory_space<hbm>>
    %dma_wait3A_2450 = arith.constant 0 : i32
    %dma_wait3A_2451 = arith.constant 0 : i32
    %dma_wait3A_2452 = tpu.memref_slice %arg7[%dma_wait3A_2438, %dma_wait3A_2450, %dma_wait3A_2451] : memref<6x128x128xf32, #tpu.memory_space<vmem>> -> memref<1x128x128xf32, #tpu.memory_space<vmem>>
    %dma_wait3A_2453 = tpu.memref_squeeze %dma_wait3A_2452 : memref<1x128x128xf32, #tpu.memory_space<vmem>> -> memref<128x128xf32, #tpu.memory_space<vmem>>
    tpu.wait_dma2 semaphore(%arg9 : memref<!tpu.dma_semaphore, #tpu.memory_space<semaphore_mem>>) src(%dma_wait3A_2453 : memref<128x128xf32, #tpu.memory_space<vmem>>) dst(%dma_wait3A_2449 : memref<128x128xf32, #tpu.memory_space<hbm>>)
    %dma_wait3A_2454 = arith.constant 0 : i32
    %dma_wait3A_2455 = arith.constant 0 : i32
    %dma_wait3A_2456 = arith.constant 0 : i32
    %dma_wait3A_2457 = arith.constant 0 : i32
    %dma_wait3A_2458 = tpu.memref_slice %arg7[%dma_wait3A_2455, %dma_wait3A_2456, %dma_wait3A_2457] : memref<6x128x128xf32, #tpu.memory_space<vmem>> -> memref<1x128x128xf32, #tpu.memory_space<vmem>>
    %dma_wait3A_2459 = tpu.memref_squeeze %dma_wait3A_2458 : memref<1x128x128xf32, #tpu.memory_space<vmem>> -> memref<128x128xf32, #tpu.memory_space<vmem>>
    %dma_wait3A_2460 = arith.constant 0 : i32
    %dma_wait3A_2461 = tpu.memref_slice %arg4[%dma_wait3A_2454, %mul3A_2, %dma_wait3A_2460] : memref<20x4096x128xf32, #tpu.memory_space<hbm>> -> memref<1x128x128xf32, #tpu.memory_space<hbm>>
    %dma_wait3A_2462 = tpu.memref_squeeze %dma_wait3A_2461 : memref<1x128x128xf32, #tpu.memory_space<hbm>> -> memref<128x128xf32, #tpu.memory_space<hbm>>
    %dma_wait3A_2463 = arith.constant 0 : i32
    %dma_wait3A_2464 = arith.constant 0 : i32
    %dma_wait3A_2465 = tpu.memref_slice %arg7[%dma_wait3A_2455, %dma_wait3A_2463, %dma_wait3A_2464] : memref<6x128x128xf32, #tpu.memory_space<vmem>> -> memref<1x128x128xf32, #tpu.memory_space<vmem>>
    %dma_wait3A_2466 = tpu.memref_squeeze %dma_wait3A_2465 : memref<1x128x128xf32, #tpu.memory_space<vmem>> -> memref<128x128xf32, #tpu.memory_space<vmem>>
    %dma_wait3A_2467 = arith.constant 0 : i32
    %dma_wait3A_2468 = tpu.memref_slice %arg4[%dma_wait3A_2454, %mul3A_2, %dma_wait3A_2467] : memref<20x4096x128xf32, #tpu.memory_space<hbm>> -> memref<1x128x128xf32, #tpu.memory_space<hbm>>
    %dma_wait3A_2469 = tpu.memref_squeeze %dma_wait3A_2468 : memref<1x128x128xf32, #tpu.memory_space<hbm>> -> memref<128x128xf32, #tpu.memory_space<hbm>>
    tpu.wait_dma2 semaphore(%arg8 : memref<!tpu.dma_semaphore, #tpu.memory_space<semaphore_mem>>) src(%dma_wait3A_2469 : memref<128x128xf32, #tpu.memory_space<hbm>>) dst(%dma_wait3A_2466 : memref<128x128xf32, #tpu.memory_space<vmem>>)
    %dma_start3A_2470 = arith.constant 1 : i32
    %dma_start3A_2471 = arith.constant 19 : i32
    %dma_start3A_2472 = arith.constant 0 : i32
    %dma_start3A_2473 = arith.constant 0 : i32
    %dma_start3A_2474 = tpu.memref_slice %arg7[%dma_start3A_2470, %dma_start3A_2472, %dma_start3A_2473] : memref<6x128x128xf32, #tpu.memory_space<vmem>> -> memref<1x128x128xf32, #tpu.memory_space<vmem>>
    %dma_start3A_2475 = tpu.memref_squeeze %dma_start3A_2474 : memref<1x128x128xf32, #tpu.memory_space<vmem>> -> memref<128x128xf32, #tpu.memory_space<vmem>>
    %dma_start3A_2476 = arith.constant 0 : i32
    %dma_start3A_2477 = tpu.memref_slice %arg4[%dma_start3A_2471, %mul3A_2, %dma_start3A_2476] : memref<20x4096x128xf32, #tpu.memory_space<hbm>> -> memref<1x128x128xf32, #tpu.memory_space<hbm>>
    %dma_start3A_2478 = tpu.memref_squeeze %dma_start3A_2477 : memref<1x128x128xf32, #tpu.memory_space<hbm>> -> memref<128x128xf32, #tpu.memory_space<hbm>>
    %dma_start3A_2479 = arith.constant 0 : i32
    %dma_start3A_2480 = tpu.memref_slice %arg4[%dma_start3A_2471, %mul3A_2, %dma_start3A_2479] : memref<20x4096x128xf32, #tpu.memory_space<hbm>> -> memref<1x128x128xf32, #tpu.memory_space<hbm>>
    %dma_start3A_2481 = tpu.memref_squeeze %dma_start3A_2480 : memref<1x128x128xf32, #tpu.memory_space<hbm>> -> memref<128x128xf32, #tpu.memory_space<hbm>>
    %dma_start3A_2482 = arith.constant 0 : i32
    %dma_start3A_2483 = arith.constant 0 : i32
    %dma_start3A_2484 = tpu.memref_slice %arg7[%dma_start3A_2470, %dma_start3A_2482, %dma_start3A_2483] : memref<6x128x128xf32, #tpu.memory_space<vmem>> -> memref<1x128x128xf32, #tpu.memory_space<vmem>>
    %dma_start3A_2485 = tpu.memref_squeeze %dma_start3A_2484 : memref<1x128x128xf32, #tpu.memory_space<vmem>> -> memref<128x128xf32, #tpu.memory_space<vmem>>
    tpu.enqueue_dma source(%dma_start3A_2485 : memref<128x128xf32, #tpu.memory_space<vmem>>) target(%dma_start3A_2481 : memref<128x128xf32, #tpu.memory_space<hbm>>) target_semaphore(%arg9 : memref<!tpu.dma_semaphore, #tpu.memory_space<semaphore_mem>>)
    %dma_wait3A_2486 = arith.constant 0 : i32
    %dma_wait3A_2487 = arith.constant 0 : i32
    %dma_wait3A_2488 = arith.constant 0 : i32
    %dma_wait3A_2489 = arith.constant 0 : i32
    %dma_wait3A_2490 = tpu.memref_slice %arg7[%dma_wait3A_2486, %dma_wait3A_2488, %dma_wait3A_2489] : memref<6x128x128xf32, #tpu.memory_space<vmem>> -> memref<1x128x128xf32, #tpu.memory_space<vmem>>
    %dma_wait3A_2491 = tpu.memref_squeeze %dma_wait3A_2490 : memref<1x128x128xf32, #tpu.memory_space<vmem>> -> memref<128x128xf32, #tpu.memory_space<vmem>>
    %dma_wait3A_2492 = arith.constant 0 : i32
    %dma_wait3A_2493 = tpu.memref_slice %arg4[%dma_wait3A_2487, %mul3A_2, %dma_wait3A_2492] : memref<20x4096x128xf32, #tpu.memory_space<hbm>> -> memref<1x128x128xf32, #tpu.memory_space<hbm>>
    %dma_wait3A_2494 = tpu.memref_squeeze %dma_wait3A_2493 : memref<1x128x128xf32, #tpu.memory_space<hbm>> -> memref<128x128xf32, #tpu.memory_space<hbm>>
    %dma_wait3A_2495 = arith.constant 0 : i32
    %dma_wait3A_2496 = tpu.memref_slice %arg4[%dma_wait3A_2487, %mul3A_2, %dma_wait3A_2495] : memref<20x4096x128xf32, #tpu.memory_space<hbm>> -> memref<1x128x128xf32, #tpu.memory_space<hbm>>
    %dma_wait3A_2497 = tpu.memref_squeeze %dma_wait3A_2496 : memref<1x128x128xf32, #tpu.memory_space<hbm>> -> memref<128x128xf32, #tpu.memory_space<hbm>>
    %dma_wait3A_2498 = arith.constant 0 : i32
    %dma_wait3A_2499 = arith.constant 0 : i32
    %dma_wait3A_2500 = tpu.memref_slice %arg7[%dma_wait3A_2486, %dma_wait3A_2498, %dma_wait3A_2499] : memref<6x128x128xf32, #tpu.memory_space<vmem>> -> memref<1x128x128xf32, #tpu.memory_space<vmem>>
    %dma_wait3A_2501 = tpu.memref_squeeze %dma_wait3A_2500 : memref<1x128x128xf32, #tpu.memory_space<vmem>> -> memref<128x128xf32, #tpu.memory_space<vmem>>
    tpu.wait_dma2 semaphore(%arg9 : memref<!tpu.dma_semaphore, #tpu.memory_space<semaphore_mem>>) src(%dma_wait3A_2501 : memref<128x128xf32, #tpu.memory_space<vmem>>) dst(%dma_wait3A_2497 : memref<128x128xf32, #tpu.memory_space<hbm>>)
    %dma_wait3A_2502 = arith.constant 0 : i32
    %dma_wait3A_2503 = arith.constant 0 : i32
    %dma_wait3A_2504 = arith.constant 0 : i32
    %dma_wait3A_2505 = arith.constant 0 : i32
    %dma_wait3A_2506 = tpu.memref_slice %arg7[%dma_wait3A_2502, %dma_wait3A_2504, %dma_wait3A_2505] : memref<6x128x128xf32, #tpu.memory_space<vmem>> -> memref<1x128x128xf32, #tpu.memory_space<vmem>>
    %dma_wait3A_2507 = tpu.memref_squeeze %dma_wait3A_2506 : memref<1x128x128xf32, #tpu.memory_space<vmem>> -> memref<128x128xf32, #tpu.memory_space<vmem>>
    %dma_wait3A_2508 = arith.constant 0 : i32
    %dma_wait3A_2509 = tpu.memref_slice %arg4[%dma_wait3A_2503, %mul3A_2, %dma_wait3A_2508] : memref<20x4096x128xf32, #tpu.memory_space<hbm>> -> memref<1x128x128xf32, #tpu.memory_space<hbm>>
    %dma_wait3A_2510 = tpu.memref_squeeze %dma_wait3A_2509 : memref<1x128x128xf32, #tpu.memory_space<hbm>> -> memref<128x128xf32, #tpu.memory_space<hbm>>
    %dma_wait3A_2511 = arith.constant 0 : i32
    %dma_wait3A_2512 = tpu.memref_slice %arg4[%dma_wait3A_2503, %mul3A_2, %dma_wait3A_2511] : memref<20x4096x128xf32, #tpu.memory_space<hbm>> -> memref<1x128x128xf32, #tpu.memory_space<hbm>>
    %dma_wait3A_2513 = tpu.memref_squeeze %dma_wait3A_2512 : memref<1x128x128xf32, #tpu.memory_space<hbm>> -> memref<128x128xf32, #tpu.memory_space<hbm>>
    %dma_wait3A_2514 = arith.constant 0 : i32
    %dma_wait3A_2515 = arith.constant 0 : i32
    %dma_wait3A_2516 = tpu.memref_slice %arg7[%dma_wait3A_2502, %dma_wait3A_2514, %dma_wait3A_2515] : memref<6x128x128xf32, #tpu.memory_space<vmem>> -> memref<1x128x128xf32, #tpu.memory_space<vmem>>
    %dma_wait3A_2517 = tpu.memref_squeeze %dma_wait3A_2516 : memref<1x128x128xf32, #tpu.memory_space<vmem>> -> memref<128x128xf32, #tpu.memory_space<vmem>>
    tpu.wait_dma2 semaphore(%arg9 : memref<!tpu.dma_semaphore, #tpu.memory_space<semaphore_mem>>) src(%dma_wait3A_2517 : memref<128x128xf32, #tpu.memory_space<vmem>>) dst(%dma_wait3A_2513 : memref<128x128xf32, #tpu.memory_space<hbm>>)
    return
  }
}

</mosaic_0001>

<sc_bundles>
// kernel: kernel.3.cloned.1.call-start
scs
__scs_entry_jumppad:
0x0: {  	(pc) =	sbr.rel $0x88, $3  }
0x1: {  	(tag) =	ssettag $0x0;
	lr =	simm.s32 $0x1  }
0x2: {  	[smem:$0x3F9F] =	sst lr;
	_ =	strace $0xD0000000  }
0x3: {  	_ = 	snop  }
0x4: {  	_ = 	snop  }
0x5: {  	_ = 	snop  }
0x6: {  	_ = 	snop  }
0x7: {  	_ = 	snop  }
__scs_overlays_trampoline_lowered:
0x8: {  	[smem:$0x3FAE] =	sst s0  }
0x9: {  	[smem:$0x3FAF] =	sst s1  }
0xa: {  	[smem:$0x3FB0] =	sst s2  }
0xb: {  	[smem:$0x3FB1] =	sst s3  }
0xc: {  	[smem:$0x3FB2] =	sst s4  }
0xd: {  	[smem:$0x3FB3] =	sst s5  }
0xe: {  	[smem:$0x3FB4] =	sst s6  }
0xf: {  	[smem:$0x3FB5] =	sst s7  }
0x10: {  	[smem:$0x3FB6] =	sst s8  }
0x11: {  	[smem:$0x3FB7] =	sst s9;
	s0 =	simm.s32 @!p0 $0x0  }
0x12: {  	s1 =	sld [smem:$0x3F9D];
	s0 =	simm.s32 @p0 $0x1  }
0x13: {  	[smem:$0x3FB8] =	sst s0;
	s0 =	simm.s32 @!p1 $0x0  }
0x14: {  	s2 =	sld [smem:$0x3F9C];
	s0 =	simm.s32 @p1 $0x1  }
0x15: {  	[smem:$0x3FB9] =	sst s0;
	s0 =	simm.s32 @!p2 $0x0  }
0x16: {  	s3 =	sld [smem:$0x3FDB];
	s0 =	simm.s32 @p2 $0x1  }
0x17: {  	s4 =	simm.s32 $0x1BF5;
	[smem:$0x3FBB] =	sst s0  }
0x18: {  	s0 =	sld [smem:$0x3F9E];
	_ =	swait.ge [sflag:s4], $0x0  }
0x19: {  	s7 =	sld [smem:$0x3F9F]  }
0x1a: {  	s8 =	sadd.s32 $0xFFFFE003, lr  }
0x1b: {  	s9 =	sadd.s32 $0xFFFFFEF7, lr;
	s5 =	simm.s32 $0xFFFFFFFF;
	p2 =	slt.u32 s8, $0xFFFFF086  }
0x1c: {  	p1 =	slt.u32 s9, $0xF7A;
	s5 =	simm.s32 @!p2 $0x0  }
0x1d: {  	s5 =	simm.s32 @p1 $0x1;
	p0 =	seq.s32 s7, s2  }
0x1e: {  	s7 =	smul.u32 @!p0 $0xF7A, s2;
	p2 =	seq.s32 @!p0 s5, $0x0  }
0x1f: {  	s9 =	smul.u32 $0xF7A, s1;
	s8 =	simm.s32 @!p0 $0x1BF5;
	p2 =	por !p2, p0  }
0x20: {  	[sflag:s8] =	ssyncset.s32 @!p0 $0xFFFFF086;
	s6 =	sadd.s32 @!p0 s3, s7;
	s7 =	simm.s32 @!p0 $0x108  }
0x21: {  	s3 =	sadd.s32 s3, s9;
	s6 =	sadd.s32 @!p0 $0x88, s6;
	s7 =	simm.s32 @p2 $0x1082  }
0x22: {  	[simem:s7], [sflag:s8] =	dma.local @!p0 [hbm:s6], $0xF7A  }
0x23: {  	s9 =	sor.u32 $0xD0000000, s2;
	s6 =	simm.s32 $0x108;
	_ =	swait.ge @!p0 [sflag:s8], $0x0  }
0x24: {  	s3 =	sadd.s32 $0x88, s3;
	s6 =	simm.s32 @!p1 $0x1082;
	[sflag:s4] =	ssyncset.s32 $0xFFFFF086  }
0x25: {  	[simem:s6], [sflag:s4] =	dma.local [hbm:s3], $0xF7A  }
0x26: {  	[smem:$0x3F9F] =	sst s1;
	(tag) =	ssettag s2;
	_ =	strace s9  }
0x27: {  	s1 =	sld [smem:$0x3FAF]  }
0x28: {  	s2 =	sld [smem:$0x3FB0]  }
0x29: {  	s4 =	sld [smem:$0x3FB2]  }
0x2a: {  	p0 =	seq.s32 s5, $0x0;
	s5 =	sld [smem:$0x3FB3]  }
0x2b: {  	s6 =	sld [smem:$0x3FB4]  }
0x2c: {  	s7 =	sld [smem:$0x3FB5]  }
0x2d: {  	s3 =	simm.s32 $0x108;
	s8 =	sld [smem:$0x3FB6]  }
0x2e: {  	s3 =	simm.s32 @!p0 $0x1082;
	s9 =	sld [smem:$0x3FB7]  }
0x2f: {  	lr =	sadd.s32 s0, s3;
	s0 =	sld [smem:$0x3FAE]  }
0x30: {  	s3 =	sld [smem:$0x3FB1]  }
0x31: {  	[smem:$0x3FBA] =	sst s10  }
0x32: {  	s10 =	sld [smem:$0x3FB8];
	_ =	sdelay $0x3  }
0x33: {  	p0 =	seq.s32 s10, $0x1;
	s10 =	sld [smem:$0x3FBA];
	_ =	sdelay $0x3  }
0x34: {  	[smem:$0x3FBA] =	sst s10  }
0x35: {  	s10 =	sld [smem:$0x3FB9];
	_ =	sdelay $0x3  }
0x36: {  	p1 =	seq.s32 s10, $0x1;
	s10 =	sld [smem:$0x3FBA];
	_ =	sdelay $0x3  }
0x37: {  	[smem:$0x3FBA] =	sst s10  }
0x38: {  	s10 =	sld [smem:$0x3FBB]  }
0x39: {  	_ = 	snop;
	(pc) =	sbr.ind lr, $3  }
0x3a: {  	_ = 	snop  }
0x3b: {  	_ = 	snop  }
0x3c: {  	p2 =	seq.s32 s10, $0x1;
	s10 =	sld [smem:$0x3FBA]  }
0x3d: {  	_ =	shalt  }
0x3e: {  	_ =	shalt  }
0x3f: {  	_ =	shalt  }
0x40: {  	_ =	shalt  }
0x41: {  	_ =	shalt  }
0x42: {  	_ =	shalt  }
0x43: {  	_ =	shalt  }
0x44: {  	_ =	shalt  }
0x45: {  	_ =	shalt  }
0x46: {  	_ =	shalt  }
0x47: {  	_ =	shalt  }
0x48: {  	_ =	shalt  }
0x49: {  	_ =	shalt  }
0x4a: {  	_ =	shalt  }
0x4b: {  	_ =	shalt  }
0x4c: {  	_ =	shalt  }
0x4d: {  	_ =	shalt  }
0x4e: {  	_ =	shalt  }
0x4f: {  	_ =	shalt  }
0x50: {  	_ =	shalt  }
0x51: {  	_ =	shalt  }
0x52: {  	_ =	shalt  }
0x53: {  	_ =	shalt  }
0x54: {  	_ =	shalt  }
0x55: {  	_ =	shalt  }
0x56: {  	_ =	shalt  }
0x57: {  	_ =	shalt  }
0x58: {  	_ =	shalt  }
0x59: {  	_ =	shalt  }
0x5a: {  	_ =	shalt  }
0x5b: {  	_ =	shalt  }
0x5c: {  	_ =	shalt  }
0x5d: {  	_ =	shalt  }
0x5e: {  	_ =	shalt  }
0x5f: {  	_ =	shalt  }
0x60: {  	_ =	shalt  }
0x61: {  	_ =	shalt  }
0x62: {  	_ =	shalt  }
0x63: {  	_ =	shalt  }
0x64: {  	_ =	shalt  }
0x65: {  	_ =	shalt  }
0x66: {  	_ =	shalt  }
0x67: {  	_ =	shalt  }
0x68: {  	_ =	shalt  }
0x69: {  	_ =	shalt  }
0x6a: {  	_ =	shalt  }
0x6b: {  	_ =	shalt  }
0x6c: {  	_ =	shalt  }
0x6d: {  	_ =	shalt  }
0x6e: {  	_ =	shalt  }
0x6f: {  	_ =	shalt  }
0x70: {  	_ =	shalt  }
0x71: {  	_ =	shalt  }
0x72: {  	_ =	shalt  }
0x73: {  	_ =	shalt  }
0x74: {  	_ =	shalt  }
0x75: {  	_ =	shalt  }
0x76: {  	_ =	shalt  }
0x77: {  	_ =	shalt  }
0x78: {  	_ =	shalt  }
0x79: {  	_ =	shalt  }
0x7a: {  	_ =	shalt  }
0x7b: {  	_ =	shalt  }
0x7c: {  	_ =	shalt  }
0x7d: {  	_ =	shalt  }
0x7e: {  	_ =	shalt  }
0x7f: {  	_ =	shalt  }
0x80: {  	_ =	shalt  }
0x81: {  	_ =	shalt  }
0x82: {  	_ =	shalt  }
0x83: {  	_ =	shalt  }
0x84: {  	_ =	shalt  }
0x85: {  	_ =	shalt  }
0x86: {  	_ =	shalt  }
0x87: {  	_ =	shalt  }
.Lfunc_end0:
.L_simem_size_0:
called_computation_lowered:
.L_overlay_start_0:
0x88: {  	s2 =	sld [smem:$0x3FD9]  }
0x89: {  	s3 =	sld [smem:$0x3FFE];
	_ =	sdelay $0x1  }
0x8a: {  	s1 =	srdreg.scid  }
0x8b: {  	s0 =	sand.u32 $0x1, s1  }
0x8c: {  	s17 =	sshll.u32 s0, $0xA;
	s2 =	sadd.s32 s3, s2  }
0x8d: {  	s2 =	sadd.s32 s2, s17  }
0x8e: {  	[smem:$0x3FC6] =	sst s2  }
0x8f: {  	_ = 	snop  }
0x90: {  	s2 =	sld [smem:$0x3FC8]  }
0x91: {  	s18 =	sld [smem:$0x3FD0];
	(tm) =	ssettm $0x1  }
0x92: {  	s4 =	sld [smem:$0x3FFB];
	_ =	sdelay $0x3  }
0x93: {  	_ =	strace s4  }
0x94: {  	s4 =	sld [smem:$0x3FFC];
	_ =	sdelay $0x3  }
0x95: {  	_ =	strace s4  }
0x96: {  	s4 =	sld [smem:$0x3FFD];
	_ =	sdelay $0x3  }
0x97: {  	_ =	strace s4  }
0x98: {  	_ =	strace $0x8FFFFFFF  }
0x99: {  	s19 =	sld [smem:$0x3FDB];
	_ =	sdelay $0x1  }
0x9a: {  	s5 =	simm.s32 $_scs_section_size  }
0x9b: {  	s6 =	simm.s32 $_size__tile_overlayer_lowered;
	s7 =	simm.s32 $_tile_overlayer_lowered  }
0x9c: {  	s22 =	simm.s32 $0x1BFF;
	s21 =	sshll.u32 s7, $0x1;
	s4 =	sadd.s32 s5, s19  }
0x9d: {  	s8 =	simm.s32 $0x0;
	s20 =	sshll.u32 s6, $0x1;
	s6 =	sadd.s32 s21, s4  }
0x9e: {  	[timem:s8], [sflag:s22] =	dma.local [hbm:s6], s20  }
0x9f: {  	_ =	swait.ge [sflag:s22], s20  }
0xa0: {  	s5 =	ssub.s32 $0x0, s20;
	[sflag:s22] =	ssyncset.done $0x0  }
0xa1: {  	[sflag:s22] =	ssyncadd.s32 s5;
	_ =	sdelay $0x1  }
0xa2: {  	s23 =	simm.s32 $0x1B8B  }
0xa3: {  	_ =	swait.ge [sflag:s23], $0x1  }
0xa4: {  	[sflag:s23] =	ssyncset.done $0x0  }
0xa5: {  	s25 =	simm.s32 $0x1B8E;
	s24 =	sld [smem:$0x3FFE];
	[sflag:s23] =	ssyncadd.s32 $0xFFFFFFFF  }
0xa6: {  	s26 =	simm.s32 $execute0_lowered;
	[smem:$0x3FD2] =	sst s25  }
0xa7: {  	s6 =	sshll.u32 s26, $0x1;
	_ =	strace $0x80000046;
	[dreg:$0x1] =	wrdreg $0xFFFFFFFF  }
0xa8: {  	s28 =	simm.s32 $_size_execute0_lowered;
	s4 =	sadd.s32 s4, s6;
	[dreg:$0x0] =	wrdreg $0x0  }
0xa9: {  	s6 =	sshll.u32 s28, $0x1;
	[dreg:$0x2] =	wrdreg s4  }
0xaa: {  	[dreg:$0x3] =	wrdreg s6  }
0xab: {  	[dreg:$0x4] =	wrdreg $0xC0  }
0xac: {  	_ =	task [dreg:s8], $0x5FFFF  }
0xad: {  	[dreg:$0x1] =	wrdreg $0xFFFFFFFF  }
0xae: {  	[dreg:$0x0] =	wrdreg $0x60  }
0xaf: {  	[dreg:$0x2] =	wrdreg s24  }
0xb0: {  	[dreg:$0x3] =	wrdreg s2  }
0xb1: {  	[dreg:$0x4] =	wrdreg s18  }
0xb2: {  	[dreg:$0x5] =	wrdreg $0x9  }
0xb3: {  	_ =	task.clear_ibuf [dreg:s8], $0x6FFFF;
	_ =	strace $0x90000046  }
0xb4: {  	s29 =	simm.s32 $0x9;
	_ =	strace $0x80000048  }
0xb5: {  	_ =	swait.ge [sflag:s29], $0x1  }
0xb6: {  	[sflag:s29] =	ssyncadd.s32 $0xFFFFFFFF  }
0xb7: {  	_ =	strace $0x90000048  }
0xb8: {  	_ =	sfence  }
0xb9: {  	s30 =	sld [smem:$0x0];
	_ =	sdelay $0x2  }
0xba: {  	s31 =	sshll.u32 s1, $0xD;
	s1 =	sshrl.u32 s1, $0x2  }
0xbb: {  	s3 =	sand.u32 $0x4000, s31;
	s1 =	sadd.s32 s1, s30  }
0xbc: {  	s0 =	sor.u32 s3, s0;
	s1 =	sshll.u32 s1, $0x11  }
0xbd: {  	s0 =	sor.u32 s1, s0  }
0xbe: {  	s0 =	sadd.s32 $0x8F2B, s0  }
0xbf: {  	[sflag:s0] =	ssyncadd.remote.s32 $0x1  }
0xc0: {  	_ =	sfence.sel $0xFFFF  }
0xc1: {  	[dreg:$0x0] =	wrdreg $0xFFFFFFFF;
	(pc) =	sbr.abs _section_cstart, $3  }
0xc2: {  	[dreg:$0x1] =	wrdreg $0xFFFFFFFF  }
0xc3: {  	_ =	task.clear_ibuf [dreg:s8], $0x2FFFF;
	_ =	strace $0x9FFFFFFF  }
0xc4: {  	(tm) =	ssettm $0x7FFFFFFF  }
0xc5: {  	_ =	shalt  }
tec
execute0_lowered:
.L_overlay_start_1:
0x0: {  	(tag) =	ssettag $0x1  }
0x1: {  	s4 =	rddreg [dreg:$0x0];
	s1 =	srdreg.scid  }
0x2: {  	s2 =	rddreg [dreg:$0x1];
	s0 =	stileid.u32  }
0x3: {  	s5 =	rddreg [dreg:$0x2];
	s3 =	simm.s32 $0x0;
	s1 =	sand.u32 $0x1, s1  }
0x4: {  	s23 =	simm.s32 $0x4000;
	s6 =	sshll.u32 s0, $0xC;
	s7 =	sshll.u32 s1, $0xB  }
0x5: {  	s24 =	simm.s32 $0x4080;
	[smem:$0x7FF] =	sst s3;
	s6 =	sor.u32 s7, s6  }
0x6: {  	_ =	strace $0x80000047;
	[dreg:$0x18] =	wrdreg s23;
	s4 =	sadd.s32 s6, s4  }
0x7: {  	[dreg:$0x19] =	wrdreg s24;
	s25 =	sadd.s32 $0x400, s4;
	s4 =	sadd.s32 s5, s6  }
0x8: {  	[dreg:$0x4] =	wrdreg s25;
	s5 =	sadd.s32 $0x10000, s4  }
0x9: {  	s26 =	sadd.s32 $0x20000, s4;
	[dreg:$0x5] =	wrdreg s5  }
0xa: {  	s0 =	sadd.s32 $0x30000, s4;
	[dreg:$0x6] =	wrdreg s26  }
0xb: {  	v0 =	vlaneseq.u32;
	s6 =	sadd.s32 $0x40000, s4;
	[dreg:$0x7] =	wrdreg s0  }
0xc: {  	v0 =	vmul.u32 $0x80, v0;
	s7 =	sadd.s32 $0x50000, s4;
	[dreg:$0x8] =	wrdreg s6  }
0xd: {  	s8 =	sadd.s32 $0x60000, s4;
	[dreg:$0x9] =	wrdreg s7  }
0xe: {  	v1 =	vor.u32 $0x800, v0;
	v3 =	vor.u32 $0x1800, v0;
	v4 =	vor.u32 $0x2000, v0;
	s9 =	sadd.s32 $0x70000, s4;
	[dreg:$0xa] =	wrdreg s8  }
0xf: {  	v5 =	vor.u32 $0x2800, v0;
	v6 =	vor.u32 $0x3000, v0;
	v7 =	vor.u32 $0x3800, v0;
	s10 =	sadd.s32 $0x80000, s4;
	[dreg:$0xb] =	wrdreg s9  }
0x10: {  	s28 =	simm.s32 $0x4780;
	v8 =	vor.u32 $0x1, v0;
	v9 =	vor.u32 $0x801, v0;
	v10 =	vor.u32 $0x1001, v0;
	s11 =	sadd.s32 $0x90000, s4;
	[dreg:$0xc] =	wrdreg s10  }
0x11: {  	s29 =	simm.s32 $0x4800;
	v11 =	vor.u32 $0x1801, v0;
	v12 =	vor.u32 $0x2001, v0;
	v13 =	vor.u32 $0x2801, v0;
	s12 =	sadd.s32 $0xA0000, s4;
	[dreg:$0xd] =	wrdreg s11  }
0x12: {  	s30 =	simm.s32 $0x4880;
	v14 =	vor.u32 $0x3001, v0;
	v15 =	vor.u32 $0x3801, v0;
	v16 =	vor.u32 $0x2, v0;
	s13 =	sadd.s32 $0xB0000, s4;
	[dreg:$0xe] =	wrdreg s12  }
0x13: {  	s31 =	simm.s32 $0x4900;
	v17 =	vor.u32 $0x802, v0;
	v18 =	vor.u32 $0x1002, v0;
	v19 =	vor.u32 $0x1802, v0;
	s14 =	sadd.s32 $0xC0000, s4;
	[dreg:$0xf] =	wrdreg s13  }
0x14: {  	s1 =	ssub.s32 $0x2, s1;
	v20 =	vor.u32 $0x2002, v0;
	v21 =	vor.u32 $0x2802, v0;
	v22 =	vor.u32 $0x3002, v0;
	s15 =	sadd.s32 $0xD0000, s4;
	[dreg:$0x10] =	wrdreg s14  }
0x15: {  	s23 =	simm.s32 $0x4580;
	v23 =	vor.u32 $0x3802, v0;
	v24 =	vor.u32 $0x3, v0;
	v25 =	vor.u32 $0x803, v0;
	s16 =	sadd.s32 $0xE0000, s4;
	[dreg:$0x11] =	wrdreg s15  }
0x16: {  	s24 =	simm.s32 $0x4600;
	v26 =	vor.u32 $0x1003, v0;
	v27 =	vor.u32 $0x1803, v0;
	v28 =	vor.u32 $0x2003, v0;
	s17 =	sadd.s32 $0xF0000, s4;
	[dreg:$0x12] =	wrdreg s16  }
0x17: {  	s20 =	sshrl.u32 s1, $0x1;
	v29 =	vor.u32 $0x2803, v0;
	v30 =	vor.u32 $0x3003, v0;
	v31 =	vor.u32 $0x3803, v0;
	s18 =	sadd.s32 $0x100000, s4;
	[dreg:$0x13] =	wrdreg s17  }
0x18: {  	v32 =	vor.u32 $0x4, v0;
	v33 =	vor.u32 $0x804, v0;
	v34 =	vor.u32 $0x1004, v0;
	s1 =	ssub.s32 s1, s20;
	s19 =	sadd.s32 $0x110000, s4;
	[dreg:$0x14] =	wrdreg s18  }
0x19: {  	v35 =	vor.u32 $0x1804, v0;
	v36 =	vor.u32 $0x2004, v0;
	v37 =	vor.u32 $0x2804, v0;
	s20 =	simm.s32 $0x4400;
	s21 =	sadd.s32 $0x120000, s4;
	[dreg:$0x15] =	wrdreg s19  }
0x1a: {  	v38 =	vor.u32 $0x3004, v0;
	v39 =	vor.u32 $0x3804, v0;
	v40 =	vor.u32 $0x5, v0;
	s22 =	sadd.s32 $0x130000, s4;
	s25 =	simm.s32 $0x4100;
	[dreg:$0x16] =	wrdreg s21  }
0x1b: {  	v41 =	vor.u32 $0x805, v0;
	v42 =	vor.u32 $0x1005, v0;
	v43 =	vor.u32 $0x1805, v0;
	[dreg:$0x17] =	wrdreg s22;
	s5 =	smax.u32 s1, $0x1;
	s6 =	simm.s32 $0x3  }
0x1c: {  	v44 =	vor.u32 $0x2005, v0;
	v45 =	vor.u32 $0x2805, v0;
	v46 =	vor.u32 $0x3005, v0;
	s7 =	simm.s32 $0x80;
	s8 =	simm.s32 $0x4C00;
	[dreg:$0x1a] =	wrdreg s25  }
0x1d: {  	v47 =	vor.u32 $0x3805, v0;
	v48 =	vor.u32 $0x6, v0;
	v49 =	vor.u32 $0x806, v0;
	s26 =	simm.s32 $0x4180;
	s9 =	simm.s32 $0x8C00;
	s10 =	simm.s32 $0xCC00  }
0x1e: {  	v50 =	vor.u32 $0x1006, v0;
	v51 =	vor.u32 $0x1806, v0;
	v52 =	vor.u32 $0x2006, v0;
	s11 =	simm.s32 $0x10C00;
	s12 =	simm.s32 $0x1;
	s13 =	simm.s32 $0x4200  }
0x1f: {  	v53 =	vor.u32 $0x2806, v0;
	v54 =	vor.u32 $0x3006, v0;
	v55 =	vor.u32 $0x3806, v0;
	s14 =	simm.s32 $0x14C00;
	s15 =	simm.s32 $0x2;
	s16 =	simm.s32 $0x4280  }
0x20: {  	v57 =	vor.u32 $0x807, v0;
	v58 =	vor.u32 $0x1007, v0;
	v59 =	vor.u32 $0x1807, v0;
	s17 =	simm.s32 $0x18C00;
	s18 =	simm.s32 $0x4300;
	s19 =	simm.s32 $0x4380  }
0x21: {  	v56 =	vor.u32 $0x7, v0;
	v60 =	vor.u32 $0x2007, v0;
	[tilespmem:$0x1FFE0] =	vst v1;
	v1 =	vor.u32 $0x1000, v0;
	s21 =	simm.s32 $0x4480;
	s22 =	simm.s32 $0x4500;
	s25 =	simm.s32 $0x4680  }
0x22: {  	v61 =	vor.u32 $0x2807, v0;
	v62 =	vor.u32 $0x3007, v0;
	v63 =	vor.u32 $0x3807, v0;
	[tilespmem:$0x1FFF0] =	vst v1;
	s1 =	simm.s32 $0x4980;
	[dreg:$0x1b] =	wrdreg s26;
	s26 =	simm.s32 $0x4700  }
.LBB2_1:
0x23: {  	s0 =	rddreg [dreg:$0x4]  }
0x24: {  	[tilespmem:s3], [sflag:$0x3] =	stream.linear.gather [hbm4b:s0+s3], $0x4000, $0x38;
	[tilespmem:$0x1CC00] =	vst v63  }
0x25: {  	_ =	swait.ge [sflag:s6], $0x4000  }
0x26: {  	[sflag:s6] =	ssyncset.done $0x0  }
0x27: {  	[sflag:s6] =	ssyncadd.s32 $0xFFFFC000  }
0x28: {  	v1 =	vld.idx.msk [tilespmem:v0+s3+$0x0], $0xffff;
	_ =	sdelay $0x4  }
0x29: {  	[tilespmem:$0x4000] =	vst v1;
	v1 =	vld [tilespmem:$0x1FFE0];
	_ =	sdelay $0x7  }
0x2a: {  	v1 =	vld.idx.msk [tilespmem:v1+s3+$0x0], $0xffff;
	_ =	sdelay $0x4  }
0x2b: {  	[tilespmem:$0x4010] =	vst v1;
	v1 =	vld [tilespmem:$0x1FFF0];
	_ =	sdelay $0x7  }
0x2c: {  	v1 =	vld.idx.msk [tilespmem:v1+s3+$0x0], $0xffff;
	_ =	sdelay $0x4  }
0x2d: {  	[tilespmem:$0x4020] =	vst v1  }
0x2e: {  	v1 =	vld.idx.msk [tilespmem:v3+s3+$0x0], $0xffff;
	_ =	sdelay $0x4  }
0x2f: {  	[tilespmem:$0x4030] =	vst v1  }
0x30: {  	v1 =	vld.idx.msk [tilespmem:v4+s3+$0x0], $0xffff;
	_ =	sdelay $0x4  }
0x31: {  	[tilespmem:$0x4040] =	vst v1  }
0x32: {  	v1 =	vld.idx.msk [tilespmem:v5+s3+$0x0], $0xffff;
	_ =	sdelay $0x4  }
0x33: {  	[tilespmem:$0x4050] =	vst v1  }
0x34: {  	v1 =	vld.idx.msk [tilespmem:v6+s3+$0x0], $0xffff;
	_ =	sdelay $0x4  }
0x35: {  	[tilespmem:$0x4060] =	vst v1  }
0x36: {  	v1 =	vld.idx.msk [tilespmem:v7+s3+$0x0], $0xffff;
	_ =	sdelay $0x4  }
0x37: {  	s0 =	rddreg [dreg:$0x18];
	[tilespmem:$0x4070] =	vst v1  }
0x38: {  	[tilespmem:s8], [sflag:$0x1] =	stream.indirect.gather [hbm4b:s2+s7], $0x80, s0, s7, $0xb8;
	[tilespmem:$0x1CC00] =	vst v63  }
0x39: {  	v1 =	vld.idx.msk [tilespmem:v8+s3+$0x0], $0xffff;
	_ =	sdelay $0x4  }
0x3a: {  	[tilespmem:$0x4080] =	vst v1  }
0x3b: {  	v1 =	vld.idx.msk [tilespmem:v9+s3+$0x0], $0xffff;
	_ =	sdelay $0x4  }
0x3c: {  	[tilespmem:$0x4090] =	vst v1  }
0x3d: {  	v1 =	vld.idx.msk [tilespmem:v10+s3+$0x0], $0xffff;
	_ =	sdelay $0x4  }
0x3e: {  	[tilespmem:$0x40A0] =	vst v1  }
0x3f: {  	v1 =	vld.idx.msk [tilespmem:v11+s3+$0x0], $0xffff;
	_ =	sdelay $0x4  }
0x40: {  	[tilespmem:$0x40B0] =	vst v1  }
0x41: {  	v1 =	vld.idx.msk [tilespmem:v12+s3+$0x0], $0xffff;
	_ =	sdelay $0x4  }
0x42: {  	[tilespmem:$0x40C0] =	vst v1  }
0x43: {  	v1 =	vld.idx.msk [tilespmem:v13+s3+$0x0], $0xffff;
	_ =	sdelay $0x4  }
0x44: {  	[tilespmem:$0x40D0] =	vst v1  }
0x45: {  	v1 =	vld.idx.msk [tilespmem:v14+s3+$0x0], $0xffff;
	_ =	sdelay $0x4  }
0x46: {  	[tilespmem:$0x40E0] =	vst v1  }
0x47: {  	v1 =	vld.idx.msk [tilespmem:v15+s3+$0x0], $0xffff;
	_ =	sdelay $0x4  }
0x48: {  	s0 =	rddreg [dreg:$0x19];
	[tilespmem:$0x40F0] =	vst v1  }
0x49: {  	[tilespmem:s9], [sflag:$0x1] =	stream.indirect.gather [hbm4b:s2+s7], $0x80, s0, s7, $0xb8;
	[tilespmem:$0x1CC00] =	vst v63  }
0x4a: {  	v1 =	vld.idx.msk [tilespmem:v16+s3+$0x0], $0xffff;
	_ =	sdelay $0x4  }
0x4b: {  	[tilespmem:$0x4100] =	vst v1  }
0x4c: {  	v1 =	vld.idx.msk [tilespmem:v17+s3+$0x0], $0xffff;
	_ =	sdelay $0x4  }
0x4d: {  	[tilespmem:$0x4110] =	vst v1  }
0x4e: {  	v1 =	vld.idx.msk [tilespmem:v18+s3+$0x0], $0xffff;
	_ =	sdelay $0x4  }
0x4f: {  	[tilespmem:$0x4120] =	vst v1  }
0x50: {  	v1 =	vld.idx.msk [tilespmem:v19+s3+$0x0], $0xffff;
	_ =	sdelay $0x4  }
0x51: {  	[tilespmem:$0x4130] =	vst v1  }
0x52: {  	v1 =	vld.idx.msk [tilespmem:v20+s3+$0x0], $0xffff;
	_ =	sdelay $0x4  }
0x53: {  	[tilespmem:$0x4140] =	vst v1  }
0x54: {  	v1 =	vld.idx.msk [tilespmem:v21+s3+$0x0], $0xffff;
	_ =	sdelay $0x4  }
0x55: {  	[tilespmem:$0x4150] =	vst v1  }
0x56: {  	v1 =	vld.idx.msk [tilespmem:v22+s3+$0x0], $0xffff;
	_ =	sdelay $0x4  }
0x57: {  	[tilespmem:$0x4160] =	vst v1  }
0x58: {  	v1 =	vld.idx.msk [tilespmem:v23+s3+$0x0], $0xffff;
	_ =	sdelay $0x4  }
0x59: {  	s0 =	rddreg [dreg:$0x1a];
	[tilespmem:$0x4170] =	vst v1  }
0x5a: {  	[tilespmem:s10], [sflag:$0x1] =	stream.indirect.gather [hbm4b:s2+s7], $0x80, s0, s7, $0xb8;
	[tilespmem:$0x1CC00] =	vst v63  }
0x5b: {  	v1 =	vld.idx.msk [tilespmem:v24+s3+$0x0], $0xffff;
	_ =	sdelay $0x4  }
0x5c: {  	[tilespmem:$0x4180] =	vst v1  }
0x5d: {  	v1 =	vld.idx.msk [tilespmem:v25+s3+$0x0], $0xffff;
	_ =	sdelay $0x4  }
0x5e: {  	[tilespmem:$0x4190] =	vst v1  }
0x5f: {  	v1 =	vld.idx.msk [tilespmem:v26+s3+$0x0], $0xffff;
	_ =	sdelay $0x4  }
0x60: {  	[tilespmem:$0x41A0] =	vst v1  }
0x61: {  	v1 =	vld.idx.msk [tilespmem:v27+s3+$0x0], $0xffff;
	_ =	sdelay $0x4  }
0x62: {  	[tilespmem:$0x41B0] =	vst v1  }
0x63: {  	v1 =	vld.idx.msk [tilespmem:v28+s3+$0x0], $0xffff;
	_ =	sdelay $0x4  }
0x64: {  	[tilespmem:$0x41C0] =	vst v1  }
0x65: {  	v1 =	vld.idx.msk [tilespmem:v29+s3+$0x0], $0xffff;
	_ =	sdelay $0x4  }
0x66: {  	[tilespmem:$0x41D0] =	vst v1  }
0x67: {  	v1 =	vld.idx.msk [tilespmem:v30+s3+$0x0], $0xffff;
	_ =	sdelay $0x4  }
0x68: {  	[tilespmem:$0x41E0] =	vst v1  }
0x69: {  	v1 =	vld.idx.msk [tilespmem:v31+s3+$0x0], $0xffff;
	_ =	sdelay $0x4  }
0x6a: {  	s0 =	rddreg [dreg:$0x1b];
	[tilespmem:$0x41F0] =	vst v1  }
0x6b: {  	[tilespmem:s11], [sflag:$0x1] =	stream.indirect.gather [hbm4b:s2+s7], $0x80, s0, s7, $0xb8;
	[tilespmem:$0x1CC00] =	vst v63  }
0x6c: {  	_ =	swait.ge [sflag:s12], $0x4000  }
0x6d: {  	[sflag:s12] =	ssyncset.done $0x0  }
0x6e: {  	[sflag:s12] =	ssyncadd.s32 $0xFFFFC000  }
0x6f: {  	[hbm4b:s4+s3] =	stream.linear.scatter [tilespmem:s8], [sflag:$0x2], $0x4000, $0x38;
	[tilespmem:$0x1CC00] =	vst v63  }
0x70: {  	v1 =	vld.idx.msk [tilespmem:v32+s3+$0x0], $0xffff;
	_ =	sdelay $0x4  }
0x71: {  	[tilespmem:$0x4200] =	vst v1  }
0x72: {  	v1 =	vld.idx.msk [tilespmem:v33+s3+$0x0], $0xffff;
	_ =	sdelay $0x4  }
0x73: {  	[tilespmem:$0x4210] =	vst v1  }
0x74: {  	v1 =	vld.idx.msk [tilespmem:v34+s3+$0x0], $0xffff;
	_ =	sdelay $0x4  }
0x75: {  	[tilespmem:$0x4220] =	vst v1  }
0x76: {  	v1 =	vld.idx.msk [tilespmem:v35+s3+$0x0], $0xffff;
	_ =	sdelay $0x4  }
0x77: {  	[tilespmem:$0x4230] =	vst v1  }
0x78: {  	v1 =	vld.idx.msk [tilespmem:v36+s3+$0x0], $0xffff;
	_ =	sdelay $0x4  }
0x79: {  	[tilespmem:$0x4240] =	vst v1  }
0x7a: {  	v1 =	vld.idx.msk [tilespmem:v37+s3+$0x0], $0xffff;
	_ =	sdelay $0x4  }
0x7b: {  	[tilespmem:$0x4250] =	vst v1  }
0x7c: {  	v1 =	vld.idx.msk [tilespmem:v38+s3+$0x0], $0xffff;
	_ =	sdelay $0x4  }
0x7d: {  	[tilespmem:$0x4260] =	vst v1  }
0x7e: {  	v1 =	vld.idx.msk [tilespmem:v39+s3+$0x0], $0xffff;
	_ =	sdelay $0x4  }
0x7f: {  	[tilespmem:$0x4270] =	vst v1  }
0x80: {  	[tilespmem:s14], [sflag:$0x1] =	stream.indirect.gather [hbm4b:s2+s7], $0x80, s13, s7, $0xb8;
	[tilespmem:$0x1CC00] =	vst v63  }
0x81: {  	_ =	swait.ge [sflag:s12], $0x4000  }
0x82: {  	[sflag:s12] =	ssyncset.done $0x0  }
0x83: {  	s0 =	rddreg [dreg:$0x5];
	[sflag:s12] =	ssyncadd.s32 $0xFFFFC000  }
0x84: {  	[hbm4b:s0+s3] =	stream.linear.scatter [tilespmem:s9], [sflag:$0x2], $0x4000, $0x38;
	[tilespmem:$0x1CC00] =	vst v63  }
0x85: {  	_ =	swait.ge [sflag:s15], $0x4000  }
0x86: {  	[sflag:s15] =	ssyncset.done $0x0  }
0x87: {  	[sflag:s15] =	ssyncadd.s32 $0xFFFFC000  }
0x88: {  	v1 =	vld.idx.msk [tilespmem:v40+s3+$0x0], $0xffff;
	_ =	sdelay $0x4  }
0x89: {  	[tilespmem:$0x4280] =	vst v1  }
0x8a: {  	v1 =	vld.idx.msk [tilespmem:v41+s3+$0x0], $0xffff;
	_ =	sdelay $0x4  }
0x8b: {  	[tilespmem:$0x4290] =	vst v1  }
0x8c: {  	v1 =	vld.idx.msk [tilespmem:v42+s3+$0x0], $0xffff;
	_ =	sdelay $0x4  }
0x8d: {  	[tilespmem:$0x42A0] =	vst v1  }
0x8e: {  	v1 =	vld.idx.msk [tilespmem:v43+s3+$0x0], $0xffff;
	_ =	sdelay $0x4  }
0x8f: {  	[tilespmem:$0x42B0] =	vst v1  }
0x90: {  	v1 =	vld.idx.msk [tilespmem:v44+s3+$0x0], $0xffff;
	_ =	sdelay $0x4  }
0x91: {  	[tilespmem:$0x42C0] =	vst v1  }
0x92: {  	v1 =	vld.idx.msk [tilespmem:v45+s3+$0x0], $0xffff;
	_ =	sdelay $0x4  }
0x93: {  	[tilespmem:$0x42D0] =	vst v1  }
0x94: {  	v1 =	vld.idx.msk [tilespmem:v46+s3+$0x0], $0xffff;
	_ =	sdelay $0x4  }
0x95: {  	[tilespmem:$0x42E0] =	vst v1  }
0x96: {  	v1 =	vld.idx.msk [tilespmem:v47+s3+$0x0], $0xffff;
	_ =	sdelay $0x4  }
0x97: {  	[tilespmem:$0x42F0] =	vst v1  }
0x98: {  	[tilespmem:s17], [sflag:$0x1] =	stream.indirect.gather [hbm4b:s2+s7], $0x80, s16, s7, $0xb8;
	[tilespmem:$0x1CC00] =	vst v63  }
0x99: {  	_ =	swait.ge [sflag:s12], $0x4000  }
0x9a: {  	[sflag:s12] =	ssyncset.done $0x0  }
0x9b: {  	s0 =	rddreg [dreg:$0x6];
	[sflag:s12] =	ssyncadd.s32 $0xFFFFC000  }
0x9c: {  	[hbm4b:s0+s3] =	stream.linear.scatter [tilespmem:s10], [sflag:$0x2], $0x4000, $0x38;
	[tilespmem:$0x1CC00] =	vst v63  }
0x9d: {  	_ =	swait.ge [sflag:s15], $0x4000  }
0x9e: {  	[sflag:s15] =	ssyncset.done $0x0  }
0x9f: {  	[sflag:s15] =	ssyncadd.s32 $0xFFFFC000  }
0xa0: {  	v1 =	vld.idx.msk [tilespmem:v48+s3+$0x0], $0xffff;
	_ =	sdelay $0x4  }
0xa1: {  	[tilespmem:$0x4300] =	vst v1  }
0xa2: {  	v1 =	vld.idx.msk [tilespmem:v49+s3+$0x0], $0xffff;
	_ =	sdelay $0x4  }
0xa3: {  	[tilespmem:$0x4310] =	vst v1  }
0xa4: {  	v1 =	vld.idx.msk [tilespmem:v50+s3+$0x0], $0xffff;
	_ =	sdelay $0x4  }
0xa5: {  	[tilespmem:$0x4320] =	vst v1  }
0xa6: {  	v1 =	vld.idx.msk [tilespmem:v51+s3+$0x0], $0xffff;
	_ =	sdelay $0x4  }
0xa7: {  	[tilespmem:$0x4330] =	vst v1  }
0xa8: {  	v1 =	vld.idx.msk [tilespmem:v52+s3+$0x0], $0xffff;
	_ =	sdelay $0x4  }
0xa9: {  	[tilespmem:$0x4340] =	vst v1  }
0xaa: {  	v1 =	vld.idx.msk [tilespmem:v53+s3+$0x0], $0xffff;
	_ =	sdelay $0x4  }
0xab: {  	[tilespmem:$0x4350] =	vst v1  }
0xac: {  	v1 =	vld.idx.msk [tilespmem:v54+s3+$0x0], $0xffff;
	_ =	sdelay $0x4  }
0xad: {  	[tilespmem:$0x4360] =	vst v1  }
0xae: {  	v1 =	vld.idx.msk [tilespmem:v55+s3+$0x0], $0xffff;
	_ =	sdelay $0x4  }
0xaf: {  	[tilespmem:$0x4370] =	vst v1  }
0xb0: {  	[tilespmem:s8], [sflag:$0x1] =	stream.indirect.gather [hbm4b:s2+s7], $0x80, s18, s7, $0xb8;
	[tilespmem:$0x1CC00] =	vst v63  }
0xb1: {  	_ =	swait.ge [sflag:s12], $0x4000  }
0xb2: {  	[sflag:s12] =	ssyncset.done $0x0  }
0xb3: {  	s0 =	rddreg [dreg:$0x7];
	[sflag:s12] =	ssyncadd.s32 $0xFFFFC000  }
0xb4: {  	[hbm4b:s0+s3] =	stream.linear.scatter [tilespmem:s11], [sflag:$0x2], $0x4000, $0x38;
	[tilespmem:$0x1CC00] =	vst v63  }
0xb5: {  	_ =	swait.ge [sflag:s15], $0x4000  }
0xb6: {  	[sflag:s15] =	ssyncset.done $0x0  }
0xb7: {  	[sflag:s15] =	ssyncadd.s32 $0xFFFFC000  }
0xb8: {  	v1 =	vld.idx.msk [tilespmem:v56+s3+$0x0], $0xffff;
	_ =	sdelay $0x4  }
0xb9: {  	[tilespmem:$0x4380] =	vst v1  }
0xba: {  	v1 =	vld.idx.msk [tilespmem:v57+s3+$0x0], $0xffff;
	_ =	sdelay $0x4  }
0xbb: {  	[tilespmem:$0x4390] =	vst v1  }
0xbc: {  	v1 =	vld.idx.msk [tilespmem:v58+s3+$0x0], $0xffff;
	_ =	sdelay $0x4  }
0xbd: {  	[tilespmem:$0x43A0] =	vst v1  }
0xbe: {  	v1 =	vld.idx.msk [tilespmem:v59+s3+$0x0], $0xffff;
	_ =	sdelay $0x4  }
0xbf: {  	[tilespmem:$0x43B0] =	vst v1  }
0xc0: {  	v1 =	vld.idx.msk [tilespmem:v60+s3+$0x0], $0xffff;
	_ =	sdelay $0x4  }
0xc1: {  	[tilespmem:$0x43C0] =	vst v1  }
0xc2: {  	v1 =	vld.idx.msk [tilespmem:v61+s3+$0x0], $0xffff;
	_ =	sdelay $0x4  }
0xc3: {  	[tilespmem:$0x43D0] =	vst v1  }
0xc4: {  	v1 =	vld.idx.msk [tilespmem:v62+s3+$0x0], $0xffff;
	_ =	sdelay $0x4  }
0xc5: {  	[tilespmem:$0x43E0] =	vst v1  }
0xc6: {  	v1 =	vld.idx.msk [tilespmem:v63+s3+$0x0], $0xffff;
	_ =	sdelay $0x4  }
0xc7: {  	[tilespmem:$0x43F0] =	vst v1  }
0xc8: {  	[tilespmem:s9], [sflag:$0x1] =	stream.indirect.gather [hbm4b:s2+s7], $0x80, s19, s7, $0xb8;
	[tilespmem:$0x1CC00] =	vst v63  }
0xc9: {  	_ =	swait.ge [sflag:s12], $0x4000  }
0xca: {  	[sflag:s12] =	ssyncset.done $0x0  }
0xcb: {  	v1 =	vor.u32 $0x8, v0;
	s0 =	rddreg [dreg:$0x8];
	[sflag:s12] =	ssyncadd.s32 $0xFFFFC000  }
0xcc: {  	[hbm4b:s0+s3] =	stream.linear.scatter [tilespmem:s14], [sflag:$0x2], $0x4000, $0x38;
	[tilespmem:$0x1CC00] =	vst v63  }
0xcd: {  	_ =	swait.ge [sflag:s15], $0x4000  }
0xce: {  	[sflag:s15] =	ssyncset.done $0x0  }
0xcf: {  	[sflag:s15] =	ssyncadd.s32 $0xFFFFC000  }
0xd0: {  	v1 =	vld.idx.msk [tilespmem:v1+s3+$0x0], $0xffff  }
0xd1: {  	v2 =	vor.u32 $0x808, v0;
	_ =	sdelay $0x3  }
0xd2: {  	[tilespmem:$0x4400] =	vst v1  }
0xd3: {  	v1 =	vld.idx.msk [tilespmem:v2+s3+$0x0], $0xffff  }
0xd4: {  	v2 =	vor.u32 $0x1008, v0;
	_ =	sdelay $0x3  }
0xd5: {  	[tilespmem:$0x4410] =	vst v1  }
0xd6: {  	v1 =	vld.idx.msk [tilespmem:v2+s3+$0x0], $0xffff  }
0xd7: {  	v2 =	vor.u32 $0x1808, v0;
	_ =	sdelay $0x3  }
0xd8: {  	[tilespmem:$0x4420] =	vst v1  }
0xd9: {  	v1 =	vld.idx.msk [tilespmem:v2+s3+$0x0], $0xffff  }
0xda: {  	v2 =	vor.u32 $0x2008, v0;
	_ =	sdelay $0x3  }
0xdb: {  	[tilespmem:$0x4430] =	vst v1  }
0xdc: {  	v1 =	vld.idx.msk [tilespmem:v2+s3+$0x0], $0xffff  }
0xdd: {  	v2 =	vor.u32 $0x2808, v0;
	_ =	sdelay $0x3  }
0xde: {  	[tilespmem:$0x4440] =	vst v1  }
0xdf: {  	v1 =	vld.idx.msk [tilespmem:v2+s3+$0x0], $0xffff  }
0xe0: {  	v2 =	vor.u32 $0x3008, v0;
	_ =	sdelay $0x3  }
0xe1: {  	[tilespmem:$0x4450] =	vst v1  }
0xe2: {  	v1 =	vld.idx.msk [tilespmem:v2+s3+$0x0], $0xffff  }
0xe3: {  	v2 =	vor.u32 $0x3808, v0;
	_ =	sdelay $0x3  }
0xe4: {  	[tilespmem:$0x4460] =	vst v1  }
0xe5: {  	v1 =	vld.idx.msk [tilespmem:v2+s3+$0x0], $0xffff;
	_ =	sdelay $0x4  }
0xe6: {  	[tilespmem:$0x4470] =	vst v1  }
0xe7: {  	[tilespmem:s10], [sflag:$0x1] =	stream.indirect.gather [hbm4b:s2+s7], $0x80, s20, s7, $0xb8;
	[tilespmem:$0x1CC00] =	vst v63  }
0xe8: {  	_ =	swait.ge [sflag:s12], $0x4000  }
0xe9: {  	[sflag:s12] =	ssyncset.done $0x0  }
0xea: {  	v1 =	vor.u32 $0x9, v0;
	s0 =	rddreg [dreg:$0x9];
	[sflag:s12] =	ssyncadd.s32 $0xFFFFC000  }
0xeb: {  	[hbm4b:s0+s3] =	stream.linear.scatter [tilespmem:s17], [sflag:$0x2], $0x4000, $0x38;
	[tilespmem:$0x1CC00] =	vst v63  }
0xec: {  	_ =	swait.ge [sflag:s15], $0x4000  }
0xed: {  	[sflag:s15] =	ssyncset.done $0x0  }
0xee: {  	[sflag:s15] =	ssyncadd.s32 $0xFFFFC000  }
0xef: {  	v1 =	vld.idx.msk [tilespmem:v1+s3+$0x0], $0xffff  }
0xf0: {  	v2 =	vor.u32 $0x809, v0;
	_ =	sdelay $0x3  }
0xf1: {  	[tilespmem:$0x4480] =	vst v1  }
0xf2: {  	v1 =	vld.idx.msk [tilespmem:v2+s3+$0x0], $0xffff  }
0xf3: {  	v2 =	vor.u32 $0x1009, v0;
	_ =	sdelay $0x3  }
0xf4: {  	[tilespmem:$0x4490] =	vst v1  }
0xf5: {  	v1 =	vld.idx.msk [tilespmem:v2+s3+$0x0], $0xffff  }
0xf6: {  	v2 =	vor.u32 $0x1809, v0;
	_ =	sdelay $0x3  }
0xf7: {  	[tilespmem:$0x44A0] =	vst v1  }
0xf8: {  	v1 =	vld.idx.msk [tilespmem:v2+s3+$0x0], $0xffff  }
0xf9: {  	v2 =	vor.u32 $0x2009, v0;
	_ =	sdelay $0x3  }
0xfa: {  	[tilespmem:$0x44B0] =	vst v1  }
0xfb: {  	v1 =	vld.idx.msk [tilespmem:v2+s3+$0x0], $0xffff  }
0xfc: {  	v2 =	vor.u32 $0x2809, v0;
	_ =	sdelay $0x3  }
0xfd: {  	[tilespmem:$0x44C0] =	vst v1  }
0xfe: {  	v1 =	vld.idx.msk [tilespmem:v2+s3+$0x0], $0xffff  }
0xff: {  	v2 =	vor.u32 $0x3009, v0;
	_ =	sdelay $0x3  }
0x100: {  	[tilespmem:$0x44D0] =	vst v1  }
0x101: {  	v1 =	vld.idx.msk [tilespmem:v2+s3+$0x0], $0xffff  }
0x102: {  	v2 =	vor.u32 $0x3809, v0;
	_ =	sdelay $0x3  }
0x103: {  	[tilespmem:$0x44E0] =	vst v1  }
0x104: {  	v1 =	vld.idx.msk [tilespmem:v2+s3+$0x0], $0xffff;
	_ =	sdelay $0x4  }
0x105: {  	[tilespmem:$0x44F0] =	vst v1  }
0x106: {  	[tilespmem:s11], [sflag:$0x1] =	stream.indirect.gather [hbm4b:s2+s7], $0x80, s21, s7, $0xb8;
	[tilespmem:$0x1CC00] =	vst v63  }
0x107: {  	_ =	swait.ge [sflag:s12], $0x4000  }
0x108: {  	[sflag:s12] =	ssyncset.done $0x0  }
0x109: {  	v1 =	vor.u32 $0xA, v0;
	s0 =	rddreg [dreg:$0xa];
	[sflag:s12] =	ssyncadd.s32 $0xFFFFC000  }
0x10a: {  	[hbm4b:s0+s3] =	stream.linear.scatter [tilespmem:s8], [sflag:$0x2], $0x4000, $0x38;
	[tilespmem:$0x1CC00] =	vst v63  }
0x10b: {  	_ =	swait.ge [sflag:s15], $0x4000  }
0x10c: {  	[sflag:s15] =	ssyncset.done $0x0  }
0x10d: {  	[sflag:s15] =	ssyncadd.s32 $0xFFFFC000  }
0x10e: {  	v1 =	vld.idx.msk [tilespmem:v1+s3+$0x0], $0xffff  }
0x10f: {  	v2 =	vor.u32 $0x80A, v0;
	_ =	sdelay $0x3  }
0x110: {  	[tilespmem:$0x4500] =	vst v1  }
0x111: {  	v1 =	vld.idx.msk [tilespmem:v2+s3+$0x0], $0xffff  }
0x112: {  	v2 =	vor.u32 $0x100A, v0;
	_ =	sdelay $0x3  }
0x113: {  	[tilespmem:$0x4510] =	vst v1  }
0x114: {  	v1 =	vld.idx.msk [tilespmem:v2+s3+$0x0], $0xffff  }
0x115: {  	v2 =	vor.u32 $0x180A, v0;
	_ =	sdelay $0x3  }
0x116: {  	[tilespmem:$0x4520] =	vst v1  }
0x117: {  	v1 =	vld.idx.msk [tilespmem:v2+s3+$0x0], $0xffff  }
0x118: {  	v2 =	vor.u32 $0x200A, v0;
	_ =	sdelay $0x3  }
0x119: {  	[tilespmem:$0x4530] =	vst v1  }
0x11a: {  	v1 =	vld.idx.msk [tilespmem:v2+s3+$0x0], $0xffff  }
0x11b: {  	v2 =	vor.u32 $0x280A, v0;
	_ =	sdelay $0x3  }
0x11c: {  	[tilespmem:$0x4540] =	vst v1  }
0x11d: {  	v1 =	vld.idx.msk [tilespmem:v2+s3+$0x0], $0xffff  }
0x11e: {  	v2 =	vor.u32 $0x300A, v0;
	_ =	sdelay $0x3  }
0x11f: {  	[tilespmem:$0x4550] =	vst v1  }
0x120: {  	v1 =	vld.idx.msk [tilespmem:v2+s3+$0x0], $0xffff  }
0x121: {  	v2 =	vor.u32 $0x380A, v0;
	_ =	sdelay $0x3  }
0x122: {  	[tilespmem:$0x4560] =	vst v1  }
0x123: {  	v1 =	vld.idx.msk [tilespmem:v2+s3+$0x0], $0xffff;
	_ =	sdelay $0x4  }
0x124: {  	[tilespmem:$0x4570] =	vst v1  }
0x125: {  	[tilespmem:s14], [sflag:$0x1] =	stream.indirect.gather [hbm4b:s2+s7], $0x80, s22, s7, $0xb8;
	[tilespmem:$0x1CC00] =	vst v63  }
0x126: {  	_ =	swait.ge [sflag:s12], $0x4000  }
0x127: {  	[sflag:s12] =	ssyncset.done $0x0  }
0x128: {  	v1 =	vor.u32 $0xB, v0;
	s0 =	rddreg [dreg:$0xb];
	[sflag:s12] =	ssyncadd.s32 $0xFFFFC000  }
0x129: {  	[hbm4b:s0+s3] =	stream.linear.scatter [tilespmem:s9], [sflag:$0x2], $0x4000, $0x38;
	[tilespmem:$0x1CC00] =	vst v63  }
0x12a: {  	_ =	swait.ge [sflag:s15], $0x4000  }
0x12b: {  	[sflag:s15] =	ssyncset.done $0x0  }
0x12c: {  	[sflag:s15] =	ssyncadd.s32 $0xFFFFC000  }
0x12d: {  	v1 =	vld.idx.msk [tilespmem:v1+s3+$0x0], $0xffff  }
0x12e: {  	v2 =	vor.u32 $0x80B, v0;
	_ =	sdelay $0x3  }
0x12f: {  	[tilespmem:$0x4580] =	vst v1  }
0x130: {  	v1 =	vld.idx.msk [tilespmem:v2+s3+$0x0], $0xffff  }
0x131: {  	v2 =	vor.u32 $0x100B, v0;
	_ =	sdelay $0x3  }
0x132: {  	[tilespmem:$0x4590] =	vst v1  }
0x133: {  	v1 =	vld.idx.msk [tilespmem:v2+s3+$0x0], $0xffff  }
0x134: {  	v2 =	vor.u32 $0x180B, v0;
	_ =	sdelay $0x3  }
0x135: {  	[tilespmem:$0x45A0] =	vst v1  }
0x136: {  	v1 =	vld.idx.msk [tilespmem:v2+s3+$0x0], $0xffff  }
0x137: {  	v2 =	vor.u32 $0x200B, v0;
	_ =	sdelay $0x3  }
0x138: {  	[tilespmem:$0x45B0] =	vst v1  }
0x139: {  	v1 =	vld.idx.msk [tilespmem:v2+s3+$0x0], $0xffff  }
0x13a: {  	v2 =	vor.u32 $0x280B, v0;
	_ =	sdelay $0x3  }
0x13b: {  	[tilespmem:$0x45C0] =	vst v1  }
0x13c: {  	v1 =	vld.idx.msk [tilespmem:v2+s3+$0x0], $0xffff  }
0x13d: {  	v2 =	vor.u32 $0x300B, v0;
	_ =	sdelay $0x3  }
0x13e: {  	[tilespmem:$0x45D0] =	vst v1  }
0x13f: {  	v1 =	vld.idx.msk [tilespmem:v2+s3+$0x0], $0xffff  }
0x140: {  	v2 =	vor.u32 $0x380B, v0;
	_ =	sdelay $0x3  }
0x141: {  	[tilespmem:$0x45E0] =	vst v1  }
0x142: {  	v1 =	vld.idx.msk [tilespmem:v2+s3+$0x0], $0xffff;
	_ =	sdelay $0x4  }
0x143: {  	[tilespmem:$0x45F0] =	vst v1  }
0x144: {  	[tilespmem:s17], [sflag:$0x1] =	stream.indirect.gather [hbm4b:s2+s7], $0x80, s23, s7, $0xb8;
	[tilespmem:$0x1CC00] =	vst v63  }
0x145: {  	_ =	swait.ge [sflag:s12], $0x4000  }
0x146: {  	[sflag:s12] =	ssyncset.done $0x0  }
0x147: {  	v1 =	vor.u32 $0xC, v0;
	s0 =	rddreg [dreg:$0xc];
	[sflag:s12] =	ssyncadd.s32 $0xFFFFC000  }
0x148: {  	[hbm4b:s0+s3] =	stream.linear.scatter [tilespmem:s10], [sflag:$0x2], $0x4000, $0x38;
	[tilespmem:$0x1CC00] =	vst v63  }
0x149: {  	_ =	swait.ge [sflag:s15], $0x4000  }
0x14a: {  	[sflag:s15] =	ssyncset.done $0x0  }
0x14b: {  	[sflag:s15] =	ssyncadd.s32 $0xFFFFC000  }
0x14c: {  	v1 =	vld.idx.msk [tilespmem:v1+s3+$0x0], $0xffff  }
0x14d: {  	v2 =	vor.u32 $0x80C, v0;
	_ =	sdelay $0x3  }
0x14e: {  	[tilespmem:$0x4600] =	vst v1  }
0x14f: {  	v1 =	vld.idx.msk [tilespmem:v2+s3+$0x0], $0xffff  }
0x150: {  	v2 =	vor.u32 $0x100C, v0;
	_ =	sdelay $0x3  }
0x151: {  	[tilespmem:$0x4610] =	vst v1  }
0x152: {  	v1 =	vld.idx.msk [tilespmem:v2+s3+$0x0], $0xffff  }
0x153: {  	v2 =	vor.u32 $0x180C, v0;
	_ =	sdelay $0x3  }
0x154: {  	[tilespmem:$0x4620] =	vst v1  }
0x155: {  	v1 =	vld.idx.msk [tilespmem:v2+s3+$0x0], $0xffff  }
0x156: {  	v2 =	vor.u32 $0x200C, v0;
	_ =	sdelay $0x3  }
0x157: {  	[tilespmem:$0x4630] =	vst v1  }
0x158: {  	v1 =	vld.idx.msk [tilespmem:v2+s3+$0x0], $0xffff  }
0x159: {  	v2 =	vor.u32 $0x280C, v0;
	_ =	sdelay $0x3  }
0x15a: {  	[tilespmem:$0x4640] =	vst v1  }
0x15b: {  	v1 =	vld.idx.msk [tilespmem:v2+s3+$0x0], $0xffff  }
0x15c: {  	v2 =	vor.u32 $0x300C, v0;
	_ =	sdelay $0x3  }
0x15d: {  	[tilespmem:$0x4650] =	vst v1  }
0x15e: {  	v1 =	vld.idx.msk [tilespmem:v2+s3+$0x0], $0xffff  }
0x15f: {  	v2 =	vor.u32 $0x380C, v0;
	_ =	sdelay $0x3  }
0x160: {  	[tilespmem:$0x4660] =	vst v1  }
0x161: {  	v1 =	vld.idx.msk [tilespmem:v2+s3+$0x0], $0xffff;
	_ =	sdelay $0x4  }
0x162: {  	[tilespmem:$0x4670] =	vst v1  }
0x163: {  	[tilespmem:s8], [sflag:$0x1] =	stream.indirect.gather [hbm4b:s2+s7], $0x80, s24, s7, $0xb8;
	[tilespmem:$0x1CC00] =	vst v63  }
0x164: {  	_ =	swait.ge [sflag:s12], $0x4000  }
0x165: {  	[sflag:s12] =	ssyncset.done $0x0  }
0x166: {  	v1 =	vor.u32 $0xD, v0;
	s0 =	rddreg [dreg:$0xd];
	[sflag:s12] =	ssyncadd.s32 $0xFFFFC000  }
0x167: {  	[hbm4b:s0+s3] =	stream.linear.scatter [tilespmem:s11], [sflag:$0x2], $0x4000, $0x38;
	[tilespmem:$0x1CC00] =	vst v63  }
0x168: {  	_ =	swait.ge [sflag:s15], $0x4000  }
0x169: {  	[sflag:s15] =	ssyncset.done $0x0  }
0x16a: {  	[sflag:s15] =	ssyncadd.s32 $0xFFFFC000  }
0x16b: {  	v1 =	vld.idx.msk [tilespmem:v1+s3+$0x0], $0xffff  }
0x16c: {  	v2 =	vor.u32 $0x80D, v0;
	_ =	sdelay $0x3  }
0x16d: {  	[tilespmem:$0x4680] =	vst v1  }
0x16e: {  	v1 =	vld.idx.msk [tilespmem:v2+s3+$0x0], $0xffff  }
0x16f: {  	v2 =	vor.u32 $0x100D, v0;
	_ =	sdelay $0x3  }
0x170: {  	[tilespmem:$0x4690] =	vst v1  }
0x171: {  	v1 =	vld.idx.msk [tilespmem:v2+s3+$0x0], $0xffff  }
0x172: {  	v2 =	vor.u32 $0x180D, v0;
	_ =	sdelay $0x3  }
0x173: {  	[tilespmem:$0x46A0] =	vst v1  }
0x174: {  	v1 =	vld.idx.msk [tilespmem:v2+s3+$0x0], $0xffff  }
0x175: {  	v2 =	vor.u32 $0x200D, v0;
	_ =	sdelay $0x3  }
0x176: {  	[tilespmem:$0x46B0] =	vst v1  }
0x177: {  	v1 =	vld.idx.msk [tilespmem:v2+s3+$0x0], $0xffff  }
0x178: {  	v2 =	vor.u32 $0x280D, v0;
	_ =	sdelay $0x3  }
0x179: {  	[tilespmem:$0x46C0] =	vst v1  }
0x17a: {  	v1 =	vld.idx.msk [tilespmem:v2+s3+$0x0], $0xffff  }
0x17b: {  	v2 =	vor.u32 $0x300D, v0;
	_ =	sdelay $0x3  }
0x17c: {  	[tilespmem:$0x46D0] =	vst v1  }
0x17d: {  	v1 =	vld.idx.msk [tilespmem:v2+s3+$0x0], $0xffff  }
0x17e: {  	v2 =	vor.u32 $0x380D, v0;
	_ =	sdelay $0x3  }
0x17f: {  	[tilespmem:$0x46E0] =	vst v1  }
0x180: {  	v1 =	vld.idx.msk [tilespmem:v2+s3+$0x0], $0xffff;
	_ =	sdelay $0x4  }
0x181: {  	[tilespmem:$0x46F0] =	vst v1  }
0x182: {  	[tilespmem:s9], [sflag:$0x1] =	stream.indirect.gather [hbm4b:s2+s7], $0x80, s25, s7, $0xb8;
	[tilespmem:$0x1CC00] =	vst v63  }
0x183: {  	_ =	swait.ge [sflag:s12], $0x4000  }
0x184: {  	[sflag:s12] =	ssyncset.done $0x0  }
0x185: {  	v1 =	vor.u32 $0xE, v0;
	s0 =	rddreg [dreg:$0xe];
	[sflag:s12] =	ssyncadd.s32 $0xFFFFC000  }
0x186: {  	[hbm4b:s0+s3] =	stream.linear.scatter [tilespmem:s14], [sflag:$0x2], $0x4000, $0x38;
	[tilespmem:$0x1CC00] =	vst v63  }
0x187: {  	_ =	swait.ge [sflag:s15], $0x4000  }
0x188: {  	[sflag:s15] =	ssyncset.done $0x0  }
0x189: {  	[sflag:s15] =	ssyncadd.s32 $0xFFFFC000  }
0x18a: {  	v1 =	vld.idx.msk [tilespmem:v1+s3+$0x0], $0xffff  }
0x18b: {  	v2 =	vor.u32 $0x80E, v0;
	_ =	sdelay $0x3  }
0x18c: {  	[tilespmem:$0x4700] =	vst v1  }
0x18d: {  	v1 =	vld.idx.msk [tilespmem:v2+s3+$0x0], $0xffff  }
0x18e: {  	v2 =	vor.u32 $0x100E, v0;
	_ =	sdelay $0x3  }
0x18f: {  	[tilespmem:$0x4710] =	vst v1  }
0x190: {  	v1 =	vld.idx.msk [tilespmem:v2+s3+$0x0], $0xffff  }
0x191: {  	v2 =	vor.u32 $0x180E, v0;
	_ =	sdelay $0x3  }
0x192: {  	[tilespmem:$0x4720] =	vst v1  }
0x193: {  	v1 =	vld.idx.msk [tilespmem:v2+s3+$0x0], $0xffff  }
0x194: {  	v2 =	vor.u32 $0x200E, v0;
	_ =	sdelay $0x3  }
0x195: {  	[tilespmem:$0x4730] =	vst v1  }
0x196: {  	v1 =	vld.idx.msk [tilespmem:v2+s3+$0x0], $0xffff  }
0x197: {  	v2 =	vor.u32 $0x280E, v0;
	_ =	sdelay $0x3  }
0x198: {  	[tilespmem:$0x4740] =	vst v1  }
0x199: {  	v1 =	vld.idx.msk [tilespmem:v2+s3+$0x0], $0xffff  }
0x19a: {  	v2 =	vor.u32 $0x300E, v0;
	_ =	sdelay $0x3  }
0x19b: {  	[tilespmem:$0x4750] =	vst v1  }
0x19c: {  	v1 =	vld.idx.msk [tilespmem:v2+s3+$0x0], $0xffff  }
0x19d: {  	v2 =	vor.u32 $0x380E, v0;
	_ =	sdelay $0x3  }
0x19e: {  	[tilespmem:$0x4760] =	vst v1  }
0x19f: {  	v1 =	vld.idx.msk [tilespmem:v2+s3+$0x0], $0xffff;
	_ =	sdelay $0x4  }
0x1a0: {  	[tilespmem:$0x4770] =	vst v1  }
0x1a1: {  	[tilespmem:s10], [sflag:$0x1] =	stream.indirect.gather [hbm4b:s2+s7], $0x80, s26, s7, $0xb8;
	[tilespmem:$0x1CC00] =	vst v63  }
0x1a2: {  	_ =	swait.ge [sflag:s12], $0x4000  }
0x1a3: {  	[sflag:s12] =	ssyncset.done $0x0  }
0x1a4: {  	v1 =	vor.u32 $0xF, v0;
	s0 =	rddreg [dreg:$0xf];
	[sflag:s12] =	ssyncadd.s32 $0xFFFFC000  }
0x1a5: {  	[hbm4b:s0+s3] =	stream.linear.scatter [tilespmem:s17], [sflag:$0x2], $0x4000, $0x38;
	[tilespmem:$0x1CC00] =	vst v63  }
0x1a6: {  	_ =	swait.ge [sflag:s15], $0x4000  }
0x1a7: {  	[sflag:s15] =	ssyncset.done $0x0  }
0x1a8: {  	[sflag:s15] =	ssyncadd.s32 $0xFFFFC000  }
0x1a9: {  	v1 =	vld.idx.msk [tilespmem:v1+s3+$0x0], $0xffff  }
0x1aa: {  	v2 =	vor.u32 $0x80F, v0;
	_ =	sdelay $0x3  }
0x1ab: {  	[tilespmem:$0x4780] =	vst v1  }
0x1ac: {  	v1 =	vld.idx.msk [tilespmem:v2+s3+$0x0], $0xffff  }
0x1ad: {  	v2 =	vor.u32 $0x100F, v0;
	_ =	sdelay $0x3  }
0x1ae: {  	[tilespmem:$0x4790] =	vst v1  }
0x1af: {  	v1 =	vld.idx.msk [tilespmem:v2+s3+$0x0], $0xffff  }
0x1b0: {  	v2 =	vor.u32 $0x180F, v0;
	_ =	sdelay $0x3  }
0x1b1: {  	[tilespmem:$0x47A0] =	vst v1  }
0x1b2: {  	v1 =	vld.idx.msk [tilespmem:v2+s3+$0x0], $0xffff  }
0x1b3: {  	v2 =	vor.u32 $0x200F, v0;
	_ =	sdelay $0x3  }
0x1b4: {  	[tilespmem:$0x47B0] =	vst v1  }
0x1b5: {  	v1 =	vld.idx.msk [tilespmem:v2+s3+$0x0], $0xffff  }
0x1b6: {  	v2 =	vor.u32 $0x280F, v0;
	_ =	sdelay $0x3  }
0x1b7: {  	[tilespmem:$0x47C0] =	vst v1  }
0x1b8: {  	v1 =	vld.idx.msk [tilespmem:v2+s3+$0x0], $0xffff  }
0x1b9: {  	v2 =	vor.u32 $0x300F, v0;
	_ =	sdelay $0x3  }
0x1ba: {  	[tilespmem:$0x47D0] =	vst v1  }
0x1bb: {  	v1 =	vld.idx.msk [tilespmem:v2+s3+$0x0], $0xffff  }
0x1bc: {  	v2 =	vor.u32 $0x380F, v0;
	_ =	sdelay $0x3  }
0x1bd: {  	[tilespmem:$0x47E0] =	vst v1  }
0x1be: {  	v1 =	vld.idx.msk [tilespmem:v2+s3+$0x0], $0xffff;
	_ =	sdelay $0x4  }
0x1bf: {  	[tilespmem:$0x47F0] =	vst v1  }
0x1c0: {  	[tilespmem:s11], [sflag:$0x1] =	stream.indirect.gather [hbm4b:s2+s7], $0x80, s28, s7, $0xb8;
	[tilespmem:$0x1CC00] =	vst v63  }
0x1c1: {  	_ =	swait.ge [sflag:s12], $0x4000  }
0x1c2: {  	[sflag:s12] =	ssyncset.done $0x0  }
0x1c3: {  	v1 =	vor.u32 $0x10, v0;
	s0 =	rddreg [dreg:$0x10];
	[sflag:s12] =	ssyncadd.s32 $0xFFFFC000  }
0x1c4: {  	[hbm4b:s0+s3] =	stream.linear.scatter [tilespmem:s8], [sflag:$0x2], $0x4000, $0x38;
	[tilespmem:$0x1CC00] =	vst v63  }
0x1c5: {  	_ =	swait.ge [sflag:s15], $0x4000  }
0x1c6: {  	[sflag:s15] =	ssyncset.done $0x0  }
0x1c7: {  	[sflag:s15] =	ssyncadd.s32 $0xFFFFC000  }
0x1c8: {  	v1 =	vld.idx.msk [tilespmem:v1+s3+$0x0], $0xffff  }
0x1c9: {  	v2 =	vor.u32 $0x810, v0;
	_ =	sdelay $0x3  }
0x1ca: {  	[tilespmem:$0x4800] =	vst v1  }
0x1cb: {  	v1 =	vld.idx.msk [tilespmem:v2+s3+$0x0], $0xffff  }
0x1cc: {  	v2 =	vor.u32 $0x1010, v0;
	_ =	sdelay $0x3  }
0x1cd: {  	[tilespmem:$0x4810] =	vst v1  }
0x1ce: {  	v1 =	vld.idx.msk [tilespmem:v2+s3+$0x0], $0xffff  }
0x1cf: {  	v2 =	vor.u32 $0x1810, v0;
	_ =	sdelay $0x3  }
0x1d0: {  	[tilespmem:$0x4820] =	vst v1  }
0x1d1: {  	v1 =	vld.idx.msk [tilespmem:v2+s3+$0x0], $0xffff  }
0x1d2: {  	v2 =	vor.u32 $0x2010, v0;
	_ =	sdelay $0x3  }
0x1d3: {  	[tilespmem:$0x4830] =	vst v1  }
0x1d4: {  	v1 =	vld.idx.msk [tilespmem:v2+s3+$0x0], $0xffff  }
0x1d5: {  	v2 =	vor.u32 $0x2810, v0;
	_ =	sdelay $0x3  }
0x1d6: {  	[tilespmem:$0x4840] =	vst v1  }
0x1d7: {  	v1 =	vld.idx.msk [tilespmem:v2+s3+$0x0], $0xffff  }
0x1d8: {  	v2 =	vor.u32 $0x3010, v0;
	_ =	sdelay $0x3  }
0x1d9: {  	[tilespmem:$0x4850] =	vst v1  }
0x1da: {  	v1 =	vld.idx.msk [tilespmem:v2+s3+$0x0], $0xffff  }
0x1db: {  	v2 =	vor.u32 $0x3810, v0;
	_ =	sdelay $0x3  }
0x1dc: {  	[tilespmem:$0x4860] =	vst v1  }
0x1dd: {  	v1 =	vld.idx.msk [tilespmem:v2+s3+$0x0], $0xffff;
	_ =	sdelay $0x4  }
0x1de: {  	[tilespmem:$0x4870] =	vst v1  }
0x1df: {  	[tilespmem:s14], [sflag:$0x1] =	stream.indirect.gather [hbm4b:s2+s7], $0x80, s29, s7, $0xb8;
	[tilespmem:$0x1CC00] =	vst v63  }
0x1e0: {  	_ =	swait.ge [sflag:s12], $0x4000  }
0x1e1: {  	[sflag:s12] =	ssyncset.done $0x0  }
0x1e2: {  	v1 =	vor.u32 $0x11, v0;
	s0 =	rddreg [dreg:$0x11];
	[sflag:s12] =	ssyncadd.s32 $0xFFFFC000  }
0x1e3: {  	[hbm4b:s0+s3] =	stream.linear.scatter [tilespmem:s9], [sflag:$0x2], $0x4000, $0x38;
	[tilespmem:$0x1CC00] =	vst v63  }
0x1e4: {  	_ =	swait.ge [sflag:s15], $0x4000  }
0x1e5: {  	[sflag:s15] =	ssyncset.done $0x0  }
0x1e6: {  	[sflag:s15] =	ssyncadd.s32 $0xFFFFC000  }
0x1e7: {  	v1 =	vld.idx.msk [tilespmem:v1+s3+$0x0], $0xffff  }
0x1e8: {  	v2 =	vor.u32 $0x811, v0;
	_ =	sdelay $0x3  }
0x1e9: {  	[tilespmem:$0x4880] =	vst v1  }
0x1ea: {  	v1 =	vld.idx.msk [tilespmem:v2+s3+$0x0], $0xffff  }
0x1eb: {  	v2 =	vor.u32 $0x1011, v0;
	_ =	sdelay $0x3  }
0x1ec: {  	[tilespmem:$0x4890] =	vst v1  }
0x1ed: {  	v1 =	vld.idx.msk [tilespmem:v2+s3+$0x0], $0xffff  }
0x1ee: {  	v2 =	vor.u32 $0x1811, v0;
	_ =	sdelay $0x3  }
0x1ef: {  	[tilespmem:$0x48A0] =	vst v1  }
0x1f0: {  	v1 =	vld.idx.msk [tilespmem:v2+s3+$0x0], $0xffff  }
0x1f1: {  	v2 =	vor.u32 $0x2011, v0;
	_ =	sdelay $0x3  }
0x1f2: {  	[tilespmem:$0x48B0] =	vst v1  }
0x1f3: {  	v1 =	vld.idx.msk [tilespmem:v2+s3+$0x0], $0xffff  }
0x1f4: {  	v2 =	vor.u32 $0x2811, v0;
	_ =	sdelay $0x3  }
0x1f5: {  	[tilespmem:$0x48C0] =	vst v1  }
0x1f6: {  	v1 =	vld.idx.msk [tilespmem:v2+s3+$0x0], $0xffff  }
0x1f7: {  	v2 =	vor.u32 $0x3011, v0;
	_ =	sdelay $0x3  }
0x1f8: {  	[tilespmem:$0x48D0] =	vst v1  }
0x1f9: {  	v1 =	vld.idx.msk [tilespmem:v2+s3+$0x0], $0xffff  }
0x1fa: {  	v2 =	vor.u32 $0x3811, v0;
	_ =	sdelay $0x3  }
0x1fb: {  	[tilespmem:$0x48E0] =	vst v1  }
0x1fc: {  	v1 =	vld.idx.msk [tilespmem:v2+s3+$0x0], $0xffff;
	_ =	sdelay $0x4  }
0x1fd: {  	[tilespmem:$0x48F0] =	vst v1  }
0x1fe: {  	[tilespmem:s17], [sflag:$0x1] =	stream.indirect.gather [hbm4b:s2+s7], $0x80, s30, s7, $0xb8;
	[tilespmem:$0x1CC00] =	vst v63  }
0x1ff: {  	_ =	swait.ge [sflag:s12], $0x4000  }
0x200: {  	[sflag:s12] =	ssyncset.done $0x0  }
0x201: {  	v1 =	vor.u32 $0x12, v0;
	s0 =	rddreg [dreg:$0x12];
	[sflag:s12] =	ssyncadd.s32 $0xFFFFC000  }
0x202: {  	[hbm4b:s0+s3] =	stream.linear.scatter [tilespmem:s10], [sflag:$0x2], $0x4000, $0x38;
	[tilespmem:$0x1CC00] =	vst v63  }
0x203: {  	_ =	swait.ge [sflag:s15], $0x4000  }
0x204: {  	[sflag:s15] =	ssyncset.done $0x0  }
0x205: {  	[sflag:s15] =	ssyncadd.s32 $0xFFFFC000  }
0x206: {  	v1 =	vld.idx.msk [tilespmem:v1+s3+$0x0], $0xffff  }
0x207: {  	v2 =	vor.u32 $0x812, v0;
	_ =	sdelay $0x3  }
0x208: {  	[tilespmem:$0x4900] =	vst v1  }
0x209: {  	v1 =	vld.idx.msk [tilespmem:v2+s3+$0x0], $0xffff  }
0x20a: {  	v2 =	vor.u32 $0x1012, v0;
	_ =	sdelay $0x3  }
0x20b: {  	[tilespmem:$0x4910] =	vst v1  }
0x20c: {  	v1 =	vld.idx.msk [tilespmem:v2+s3+$0x0], $0xffff  }
0x20d: {  	v2 =	vor.u32 $0x1812, v0;
	_ =	sdelay $0x3  }
0x20e: {  	[tilespmem:$0x4920] =	vst v1  }
0x20f: {  	v1 =	vld.idx.msk [tilespmem:v2+s3+$0x0], $0xffff  }
0x210: {  	v2 =	vor.u32 $0x2012, v0;
	_ =	sdelay $0x3  }
0x211: {  	[tilespmem:$0x4930] =	vst v1  }
0x212: {  	v1 =	vld.idx.msk [tilespmem:v2+s3+$0x0], $0xffff  }
0x213: {  	v2 =	vor.u32 $0x2812, v0;
	_ =	sdelay $0x3  }
0x214: {  	[tilespmem:$0x4940] =	vst v1  }
0x215: {  	v1 =	vld.idx.msk [tilespmem:v2+s3+$0x0], $0xffff  }
0x216: {  	v2 =	vor.u32 $0x3012, v0;
	_ =	sdelay $0x3  }
0x217: {  	[tilespmem:$0x4950] =	vst v1  }
0x218: {  	v1 =	vld.idx.msk [tilespmem:v2+s3+$0x0], $0xffff  }
0x219: {  	v2 =	vor.u32 $0x3812, v0;
	_ =	sdelay $0x3  }
0x21a: {  	[tilespmem:$0x4960] =	vst v1  }
0x21b: {  	v1 =	vld.idx.msk [tilespmem:v2+s3+$0x0], $0xffff;
	_ =	sdelay $0x4  }
0x21c: {  	[tilespmem:$0x4970] =	vst v1  }
0x21d: {  	[tilespmem:s8], [sflag:$0x1] =	stream.indirect.gather [hbm4b:s2+s7], $0x80, s31, s7, $0xb8;
	[tilespmem:$0x1CC00] =	vst v63  }
0x21e: {  	_ =	swait.ge [sflag:s12], $0x4000  }
0x21f: {  	[sflag:s12] =	ssyncset.done $0x0  }
0x220: {  	v1 =	vor.u32 $0x13, v0;
	s0 =	rddreg [dreg:$0x13];
	[sflag:s12] =	ssyncadd.s32 $0xFFFFC000  }
0x221: {  	[hbm4b:s0+s3] =	stream.linear.scatter [tilespmem:s11], [sflag:$0x2], $0x4000, $0x38;
	[tilespmem:$0x1CC00] =	vst v63  }
0x222: {  	_ =	swait.ge [sflag:s15], $0x4000  }
0x223: {  	[sflag:s15] =	ssyncset.done $0x0  }
0x224: {  	[sflag:s15] =	ssyncadd.s32 $0xFFFFC000  }
0x225: {  	v1 =	vld.idx.msk [tilespmem:v1+s3+$0x0], $0xffff  }
0x226: {  	v2 =	vor.u32 $0x813, v0;
	_ =	sdelay $0x3  }
0x227: {  	[tilespmem:$0x4980] =	vst v1  }
0x228: {  	v1 =	vld.idx.msk [tilespmem:v2+s3+$0x0], $0xffff  }
0x229: {  	v2 =	vor.u32 $0x1013, v0;
	_ =	sdelay $0x3  }
0x22a: {  	[tilespmem:$0x4990] =	vst v1  }
0x22b: {  	v1 =	vld.idx.msk [tilespmem:v2+s3+$0x0], $0xffff  }
0x22c: {  	v2 =	vor.u32 $0x1813, v0;
	_ =	sdelay $0x3  }
0x22d: {  	[tilespmem:$0x49A0] =	vst v1  }
0x22e: {  	v1 =	vld.idx.msk [tilespmem:v2+s3+$0x0], $0xffff  }
0x22f: {  	v2 =	vor.u32 $0x2013, v0;
	_ =	sdelay $0x3  }
0x230: {  	[tilespmem:$0x49B0] =	vst v1  }
0x231: {  	v1 =	vld.idx.msk [tilespmem:v2+s3+$0x0], $0xffff  }
0x232: {  	v2 =	vor.u32 $0x2813, v0;
	_ =	sdelay $0x3  }
0x233: {  	[tilespmem:$0x49C0] =	vst v1  }
0x234: {  	v1 =	vld.idx.msk [tilespmem:v2+s3+$0x0], $0xffff  }
0x235: {  	v2 =	vor.u32 $0x3013, v0;
	_ =	sdelay $0x3  }
0x236: {  	[tilespmem:$0x49D0] =	vst v1  }
0x237: {  	v1 =	vld.idx.msk [tilespmem:v2+s3+$0x0], $0xffff  }
0x238: {  	v2 =	vor.u32 $0x3813, v0;
	_ =	sdelay $0x3  }
0x239: {  	[tilespmem:$0x49E0] =	vst v1  }
0x23a: {  	v1 =	vld.idx.msk [tilespmem:v2+s3+$0x0], $0xffff;
	_ =	sdelay $0x4  }
0x23b: {  	[tilespmem:$0x49F0] =	vst v1  }
0x23c: {  	[tilespmem:s9], [sflag:$0x1] =	stream.indirect.gather [hbm4b:s2+s7], $0x80, s1, s7, $0xb8;
	[tilespmem:$0x1CC00] =	vst v63  }
0x23d: {  	_ =	swait.ge [sflag:s12], $0x4000  }
0x23e: {  	[sflag:s12] =	ssyncset.done $0x0  }
0x23f: {  	s0 =	rddreg [dreg:$0x14];
	[sflag:s12] =	ssyncadd.s32 $0xFFFFC000  }
0x240: {  	[hbm4b:s0+s3] =	stream.linear.scatter [tilespmem:s14], [sflag:$0x2], $0x4000, $0x38;
	[tilespmem:$0x1CC00] =	vst v63  }
0x241: {  	_ =	swait.ge [sflag:s15], $0x4000  }
0x242: {  	[sflag:s15] =	ssyncset.done $0x0  }
0x243: {  	[sflag:s15] =	ssyncadd.s32 $0xFFFFC000  }
0x244: {  	_ =	swait.ge [sflag:s12], $0x4000  }
0x245: {  	[sflag:s12] =	ssyncset.done $0x0  }
0x246: {  	s0 =	rddreg [dreg:$0x15];
	[sflag:s12] =	ssyncadd.s32 $0xFFFFC000  }
0x247: {  	[hbm4b:s0+s3] =	stream.linear.scatter [tilespmem:s17], [sflag:$0x2], $0x4000, $0x38;
	[tilespmem:$0x1CC00] =	vst v63  }
0x248: {  	_ =	swait.ge [sflag:s15], $0x4000  }
0x249: {  	[sflag:s15] =	ssyncset.done $0x0  }
0x24a: {  	[sflag:s15] =	ssyncadd.s32 $0xFFFFC000  }
0x24b: {  	_ =	swait.ge [sflag:s12], $0x4000  }
0x24c: {  	[sflag:s12] =	ssyncset.done $0x0  }
0x24d: {  	s0 =	rddreg [dreg:$0x16];
	[sflag:s12] =	ssyncadd.s32 $0xFFFFC000  }
0x24e: {  	[hbm4b:s0+s3] =	stream.linear.scatter [tilespmem:s8], [sflag:$0x2], $0x4000, $0x38;
	[tilespmem:$0x1CC00] =	vst v63  }
0x24f: {  	_ =	swait.ge [sflag:s15], $0x4000  }
0x250: {  	[sflag:s15] =	ssyncset.done $0x0  }
0x251: {  	[sflag:s15] =	ssyncadd.s32 $0xFFFFC000  }
0x252: {  	_ =	swait.ge [sflag:s12], $0x4000  }
0x253: {  	[sflag:s12] =	ssyncset.done $0x0  }
0x254: {  	s0 =	rddreg [dreg:$0x17];
	[sflag:s12] =	ssyncadd.s32 $0xFFFFC000  }
0x255: {  	[hbm4b:s0+s3] =	stream.linear.scatter [tilespmem:s9], [sflag:$0x2], $0x4000, $0x38;
	[tilespmem:$0x1CC00] =	vst v63  }
0x256: {  	p0 =	sne.s32 s5, $0x1;
	_ =	swait.ge [sflag:s15], $0x4000  }
.Ltmp0:
0x257: {  	[sflag:s15] =	ssyncset.done $0x0;
	(pc) =	sbr.rel @p0 .LBB2_1-.Ltmp0, $4  }
0x258: {  	[sflag:s15] =	ssyncadd.s32 $0xFFFFC000  }
0x259: {  	_ =	swait.ge [sflag:s15], $0x4000  }
0x25a: {  	[sflag:s15] =	ssyncset.done $0x0  }
0x25b: {  	s5 =	sadd.s32 $0xFFFFFFFF, s5;
	[sflag:s15] =	ssyncadd.s32 $0xFFFFC000  }
0x25c: {  	_ =	sfence.sel $0x180000  }
0x25d: {  	[bflag:$0x0] =	sbarrier.arrive $0xFFFF  }
0x25e: {  	_ =	strace $0x90000047  }
0x25f: {  	s0 =	stileid.u32;
	[bflag:$0x2] =	sbarrier.arrive $0xFFFF  }
0x260: {  	p0 =	sne.s32 s0, $0x0;
	s0 =	rddreg [dreg:$0x3]  }
0x261: {  	s0 =	sadd.s32 @!p0 $0x100000, s0  }
0x262: {  	[sflag:s0] =	ssyncadd.tile.s32 @!p0 $0x1;
	_ =	shalt  }
.Lfunc_end2:
_tile_overlayer_lowered:
.L_overlay_start_2:
0x263: {  	(tag) =	ssettag $0x2  }
0x264: {  	s0 =	rddreg [dreg:$0x0];
	s2 =	stileid.u32  }
0x265: {  	s1 =	rddreg [dreg:$0x1];
	p0 =	sne.s32 s2, $0x0  }
0x266: {  	s3 =	rddreg [dreg:$0x2];
	[bflag:$0x3] =	sbarrier.arrive $0xFFFF;
	s2 =	simm.s32 @!p0 $0x1C03  }
0x267: {  	[timem:s3], [sflag:s2] =	dma.local @!p0 [hbm:s0], s1  }
0x268: {  	s0 =	simm.s32 @!p0 $0x3  }
0x269: {  	_ =	swait.ge @!p0 [sflag:s0], s1  }
0x26a: {  	s1 =	ssub.s32 @!p0 $0x0, s1;
	[sflag:s0] =	ssyncset.done @!p0 $0x0  }
0x26b: {  	[sflag:s0] =	ssyncadd.s32 @!p0 s1  }
0x26c: {  	[bflag:$0x3] =	sbarrier.arrive $0xFFFF  }
0x26d: {  	_ =	shalt  }

</sc_bundles>
